<compile_context>
chip_gen: v7x
topology: tpu7x:2x2x1
jax: 0.10.2.dev20260603
libtpu: 0.0.44.dev20260713+nightly
codegen_flags: <defaults>
</compile_context>

<pallas_src>
import functools

import jax
import jax.numpy as jnp
from jax import lax
from jax.experimental import pallas as pl
from jax.experimental.pallas import tpu as pltpu
from jax.experimental.pallas import tpu_sc as plsc

N_NODES = 10000
N_EDGES = 320000
D_FEAT = 128
LO, HI = 0.6, 0.8

NC, NS, L = 2, 16, 16
NW = NC * NS
E_W = N_EDGES // NW
G = 80
NG = E_W // G

_LN2 = 0.6931471805599453
_LN_COEFFS = (
    -0.0023178547278233695, 0.0037526242174348444, -0.004702811759193969,
    0.00813297750899996, -0.014655236243441047, 0.02636311409790927,
    -0.0493813242144068, 0.09876426659733828, -0.22222225241828053,
    0.6666666814031865, 0.4054651082139449,
)


def _ln(x):
    bits = plsc.bitcast(x, jnp.int32)
    e = lax.shift_right_logical(bits, 23) - 127
    m = plsc.bitcast((bits & 0x007FFFFF) | 0x3F800000, jnp.float32)
    w = m - 1.5
    r = jnp.full((L,), _LN_COEFFS[0], jnp.float32)
    for c in _LN_COEFFS[1:]:
        r = r * w + c
    return e.astype(jnp.float32) * _LN2 + r


def _rsqrt(s):
    r = plsc.bitcast(0x5F3759DF - lax.shift_right_logical(plsc.bitcast(s, jnp.int32), 1),
                     jnp.float32)
    for _ in range(3):
        r = r * (1.5 - 0.5 * s * r * r)
    return r


_mesh = plsc.VectorSubcoreMesh(core_axis_name="c", subcore_axis_name="s",
                               num_cores=NC, num_subcores=NS)


@functools.partial(
    pl.kernel,
    out_type=jax.ShapeDtypeStruct((NW, 4 * L), jnp.float32),
    mesh=_mesh,
    compiler_params=pltpu.CompilerParams(needs_layout_passes=False,
                                         use_tc_tiling_on_sc=False),
    scratch_types=[
        pltpu.VMEM((E_W,), jnp.int32),
        pltpu.VMEM((E_W,), jnp.int32),
        pltpu.VMEM((N_NODES,), jnp.float32),
        pltpu.VMEM((G, D_FEAT), jnp.bfloat16),
        pltpu.VMEM((G, D_FEAT), jnp.bfloat16),
        pltpu.VMEM((G, D_FEAT), jnp.bfloat16),
        pltpu.VMEM((G, D_FEAT), jnp.bfloat16),
        pltpu.VMEM((144,), jnp.float32),
        pltpu.VMEM((4 * L,), jnp.float32),
        pltpu.SemaphoreType.DMA,
        pltpu.SemaphoreType.DMA,
        pltpu.SemaphoreType.DMA,
        pltpu.SemaphoreType.DMA,
    ],
)
def _partials(e0_hbm, e1_hbm, probas_hbm, feats_hbm, out_hbm,
              e0_v, e1_v, probas_v, r0a, r1a, r0b, r1b, ssqbuf_v, out_v,
              s0a, s1a, s0b, s1b):
    lanes = lax.iota(jnp.int32, L)
    wid = lax.axis_index("s") * NC + lax.axis_index("c")
    base = wid * E_W
    pltpu.sync_copy(probas_hbm, probas_v)
    pltpu.sync_copy(e0_hbm.at[pl.ds(base, E_W)], e0_v)
    pltpu.sync_copy(e1_hbm.at[pl.ds(base, E_W)], e1_v)

    def issue(g, r0, r1, s0, s1):
        off = g * G
        pltpu.async_copy(feats_hbm.at[e0_v.at[pl.ds(off, G)]], r0, s0)
        pltpu.async_copy(feats_hbm.at[e1_v.at[pl.ds(off, G)]], r1, s1)

    def wait(r0, r1, s0, s1):
        pltpu.make_async_copy(feats_hbm.at[e0_v.at[pl.ds(0, G)]], r0, s0).wait()
        pltpu.make_async_copy(feats_hbm.at[e1_v.at[pl.ds(0, G)]], r1, s1).wait()

    def compute(g, r0, r1, carry):
        off = g * G

        def sub_body(sub, carry):
            sp, sn, cp, cn = carry
            base_row = sub * L
            zero = jnp.zeros((L,), jnp.float32)
            for p in range(9):
                ssqbuf_v[pl.ds(p * L, L)] = zero
            pidx = (lanes & 7) * 17
            for eb in range(0, L, 4):
                accs = [None] * 4
                for j in range(D_FEAT // (2 * L)):
                    for k in range(4):
                        row = base_row + eb + k
                        dv = (r0[row, pl.ds(j * 2 * L, 2 * L)]
                              - r1[row, pl.ds(j * 2 * L, 2 * L)])
                        sq = dv * dv
                        sq_a, sq_b = plsc.unpack(
                            sq, format=plsc.PackFormat.INTERLEAVED)
                        part = sq_a + sq_b
                        accs[k] = part if accs[k] is None else accs[k] + part
                for k in range(4):
                    plsc.addupdate_scatter(ssqbuf_v, [pidx + (eb + k)], accs[k])
            ssq = ((ssqbuf_v[pl.ds(0, L)] + ssqbuf_v[pl.ds(17, L)])
                   + (ssqbuf_v[pl.ds(34, L)] + ssqbuf_v[pl.ds(51, L)])
                   + ((ssqbuf_v[pl.ds(68, L)] + ssqbuf_v[pl.ds(85, L)])
                      + (ssqbuf_v[pl.ds(102, L)] + ssqbuf_v[pl.ds(119, L)])))
            i0 = e0_v[pl.ds(off + sub * L, L)]
            i1 = e1_v[pl.ds(off + sub * L, L)]
            p0 = plsc.load_gather(probas_v, [i0])
            p1 = plsc.load_gather(probas_v, [i1])
            hi0, hi1 = p0 >= HI, p1 >= HI
            lo0, lo1 = p0 < LO, p1 < LO
            sim = (hi0 & hi1) | (lo0 & lo1)
            dis = (hi0 & lo1) | (hi1 & lo0)
            norm = jnp.where(ssq > 1e-37, ssq * _rsqrt(ssq), 0.0)
            u = jnp.exp(-norm)
            t = 1.0 - u
            lnt = _ln(jnp.maximum(t, 1e-30))
            neg_t = jnp.where(t > 0.0, jnp.minimum(-lnt, 100.0), 100.0)
            sp = sp + jnp.where(sim, jnp.minimum(norm, 100.0), 0.0)
            sn = sn + jnp.where(dis, neg_t, 0.0)
            cp = cp + jnp.where(sim, 1.0, 0.0)
            cn = cn + jnp.where(dis, 1.0, 0.0)
            return sp, sn, cp, cn

        return lax.fori_loop(0, G // L, sub_body, carry)

    issue(0, r0a, r1a, s0a, s1a)
    z = jnp.zeros((L,), jnp.float32)

    def block2(k, carry):
        g0 = 2 * k
        issue(g0 + 1, r0b, r1b, s0b, s1b)
        wait(r0a, r1a, s0a, s1a)
        carry = compute(g0, r0a, r1a, carry)
        issue(g0 + 2, r0a, r1a, s0a, s1a)
        wait(r0b, r1b, s0b, s1b)
        return compute(g0 + 1, r0b, r1b, carry)

    carry = lax.fori_loop(0, NG // 2, block2, (z, z, z, z))
    wait(r0a, r1a, s0a, s1a)
    sp, sn, cp, cn = compute(NG - 1, r0a, r1a, carry)
    out_v[pl.ds(0, L)] = sp
    out_v[pl.ds(L, L)] = sn
    out_v[pl.ds(2 * L, L)] = cp
    out_v[pl.ds(3 * L, L)] = cn
    pltpu.sync_copy(out_v, out_hbm.at[wid])


def kernel(edges_nn, probas, feats):
    e0 = edges_nn[:, 0].astype(jnp.int32)
    e1 = edges_nn[:, 1].astype(jnp.int32)
    parts = _partials(e0, e1, probas, feats.astype(jnp.bfloat16))
    q = parts.reshape(NW, 4, L).sum(axis=(0, 2))
    s_pos, s_neg, n_pos, n_neg = q[0], q[1], q[2], q[3]
    n_max = jnp.maximum(n_pos, n_neg)
    pos_w = jnp.where(n_pos > 0, n_max / n_pos, 0.0)
    neg_w = jnp.where(n_neg > 0, n_max / n_neg, 0.0)
    return (pos_w * s_pos + neg_w * s_neg) / (n_pos + n_neg)

# --- scband reference (transcript-rebuilt; emitter-appended) ---
"""Pipeline reference for scband-label-pairwise-loss-17540646437117 (READ-ONLY COPY).

The authoritative reference and input builder live on the scoring server;
editing this copy changes nothing except your own understanding.
"""

import jax, jax.numpy as jnp
import numpy as np

N_NODES = 10000
N_EDGES = 320000
D_FEAT = 128
THRS = (0.6, 0.8)


def setup_inputs(seed: int = 0) -> dict:
    key = jax.random.key(seed)
    k1, k2, k3 = jax.random.split(key, 3)
    edges_nn = jax.random.randint(k1, (N_EDGES, 2), 0, N_NODES).astype(jnp.int64)
    probas = jax.random.uniform(k2, (N_NODES,), dtype=jnp.float32)
    feats = jax.random.normal(k3, (N_NODES, D_FEAT), dtype=jnp.float32)
    return {"edges_nn": edges_nn, "probas": probas, "feats": feats}


def reference(edges_nn, probas, feats):
    lo, hi = THRS
    p0 = probas[edges_nn[:, 0]]
    p1 = probas[edges_nn[:, 1]]
    mask_sim = ((p0 >= hi) & (p1 >= hi)) | ((p0 < lo) & (p1 < lo))
    mask_disim = ((p0 >= hi) & (p1 < lo)) | ((p1 >= hi) & (p0 < lo))

    diff = feats[edges_nn[:, 0]] - feats[edges_nn[:, 1]]
    p_edge = jnp.exp(-jnp.linalg.norm(diff, axis=1))

    n_pos = jnp.sum(mask_sim)
    n_neg = jnp.sum(mask_disim)
    n_max = jnp.maximum(n_pos, n_neg).astype(jnp.float32)
    pos_weight = n_max / n_pos.astype(jnp.float32)
    neg_weight = n_max / n_neg.astype(jnp.float32)

    # BCELoss(reduction='none') with torch's log clamping at -100
    log_p = jnp.clip(jnp.log(p_edge), -100.0, None)
    log_1mp = jnp.clip(jnp.log1p(-p_edge), -100.0, None)
    loss_pos = jnp.where(mask_sim, -log_p * pos_weight, 0.0)
    loss_neg = jnp.where(mask_disim, -log_1mp * neg_weight, 0.0)
    total = jnp.sum(loss_pos) + jnp.sum(loss_neg)
    count = (n_pos + n_neg).astype(jnp.float32)
    return total / count

if __name__ == "__main__":
    import jax
    _d = setup_inputs()
    print(jax.jit(kernel)(*tuple(_d.values())))

</pallas_src>

<mosaic_0001>
#map = affine_map<(d0, d1) -> (0)>
#map1 = affine_map<(d0, d1) -> (0, 0)>
module attributes {stable_mosaic.version = 14 : i64} {
  func.func @_partials(%arg0: i32, %arg1: i32, %arg2: memref<320000xi32, #tpu.memory_space<hbm>>, %arg3: memref<320000xi32, #tpu.memory_space<hbm>>, %arg4: memref<10000xf32, #tpu.memory_space<hbm>>, %arg5: memref<10000x128xbf16, #tpu.memory_space<hbm>>, %arg6: memref<32x64xf32, #tpu.memory_space<hbm>>, %arg7: memref<10000xi32, #tpu.memory_space<vmem>>, %arg8: memref<10000xi32, #tpu.memory_space<vmem>>, %arg9: memref<10000xf32, #tpu.memory_space<vmem>>, %arg10: memref<80x128xbf16, #tpu.memory_space<vmem>>, %arg11: memref<80x128xbf16, #tpu.memory_space<vmem>>, %arg12: memref<80x128xbf16, #tpu.memory_space<vmem>>, %arg13: memref<80x128xbf16, #tpu.memory_space<vmem>>, %arg14: memref<144xf32, #tpu.memory_space<vmem>>, %arg15: memref<64xf32, #tpu.memory_space<vmem>>, %arg16: memref<!tpu.dma_semaphore, #tpu.memory_space<semaphore_mem>>, %arg17: memref<!tpu.dma_semaphore, #tpu.memory_space<semaphore_mem>>, %arg18: memref<!tpu.dma_semaphore, #tpu.memory_space<semaphore_mem>>, %arg19: memref<!tpu.dma_semaphore, #tpu.memory_space<semaphore_mem>>) attributes {dimension_semantics = [#tpu.dimension_semantics<core_parallel>, #tpu.dimension_semantics<subcore_parallel>], iteration_bounds = array<i64: 2, 16>, scalar_prefetch = 0 : i64, scratch_operands = 13 : i64, tpu.core_type = #tpu.core_type<sc_vector_subcore>, window_params = [{transform_indices = #map}, {transform_indices = #map}, {transform_indices = #map}, {transform_indices = #map1}, {transform_indices = #map1}]} {
    %iota3A = tpu.iota {dimensions = array<i32: 0>} : vector<16xi32>
    %mul3A = arith.constant 2 : i32
    %mul3A_0 = arith.muli %arg1, %mul3A : i32
    %add3A = arith.addi %mul3A_0, %arg0 : i32
    %mul3A_1 = arith.constant 10000 : i32
    %mul3A_2 = arith.muli %add3A, %mul3A_1 : i32
    "tpu.region"() ({
      %run_scoped3A = tpu.sem_alloc : memref<!tpu.dma_semaphore, #tpu.memory_space<semaphore_mem>>
      tpu.enqueue_dma source(%arg4 : memref<10000xf32, #tpu.memory_space<hbm>>) target(%arg9 : memref<10000xf32, #tpu.memory_space<vmem>>) target_semaphore(%run_scoped3A : memref<!tpu.dma_semaphore, #tpu.memory_space<semaphore_mem>>)
      tpu.wait_dma2 semaphore(%run_scoped3A : memref<!tpu.dma_semaphore, #tpu.memory_space<semaphore_mem>>) src(%arg4 : memref<10000xf32, #tpu.memory_space<hbm>>) dst(%arg9 : memref<10000xf32, #tpu.memory_space<vmem>>)
      tpu.yield
    }) : () -> ()
    "tpu.region"() ({
      %run_scoped3A = tpu.sem_alloc : memref<!tpu.dma_semaphore, #tpu.memory_space<semaphore_mem>>
      %dma_start3A_40 = tpu.memref_slice %arg2[%mul3A_2] : memref<320000xi32, #tpu.memory_space<hbm>> -> memref<10000xi32, #tpu.memory_space<hbm>>
      %dma_start3A_41 = tpu.memref_slice %arg2[%mul3A_2] : memref<320000xi32, #tpu.memory_space<hbm>> -> memref<10000xi32, #tpu.memory_space<hbm>>
      tpu.enqueue_dma source(%dma_start3A_41 : memref<10000xi32, #tpu.memory_space<hbm>>) target(%arg7 : memref<10000xi32, #tpu.memory_space<vmem>>) target_semaphore(%run_scoped3A : memref<!tpu.dma_semaphore, #tpu.memory_space<semaphore_mem>>)
      %dma_wait3A_42 = tpu.memref_slice %arg2[%mul3A_2] : memref<320000xi32, #tpu.memory_space<hbm>> -> memref<10000xi32, #tpu.memory_space<hbm>>
      %dma_wait3A_43 = tpu.memref_slice %arg2[%mul3A_2] : memref<320000xi32, #tpu.memory_space<hbm>> -> memref<10000xi32, #tpu.memory_space<hbm>>
      tpu.wait_dma2 semaphore(%run_scoped3A : memref<!tpu.dma_semaphore, #tpu.memory_space<semaphore_mem>>) src(%dma_wait3A_43 : memref<10000xi32, #tpu.memory_space<hbm>>) dst(%arg7 : memref<10000xi32, #tpu.memory_space<vmem>>)
      tpu.yield
    }) : () -> ()
    "tpu.region"() ({
      %run_scoped3A = tpu.sem_alloc : memref<!tpu.dma_semaphore, #tpu.memory_space<semaphore_mem>>
      %dma_start3A_40 = tpu.memref_slice %arg3[%mul3A_2] : memref<320000xi32, #tpu.memory_space<hbm>> -> memref<10000xi32, #tpu.memory_space<hbm>>
      %dma_start3A_41 = tpu.memref_slice %arg3[%mul3A_2] : memref<320000xi32, #tpu.memory_space<hbm>> -> memref<10000xi32, #tpu.memory_space<hbm>>
      tpu.enqueue_dma source(%dma_start3A_41 : memref<10000xi32, #tpu.memory_space<hbm>>) target(%arg8 : memref<10000xi32, #tpu.memory_space<vmem>>) target_semaphore(%run_scoped3A : memref<!tpu.dma_semaphore, #tpu.memory_space<semaphore_mem>>)
      %dma_wait3A_42 = tpu.memref_slice %arg3[%mul3A_2] : memref<320000xi32, #tpu.memory_space<hbm>> -> memref<10000xi32, #tpu.memory_space<hbm>>
      %dma_wait3A_43 = tpu.memref_slice %arg3[%mul3A_2] : memref<320000xi32, #tpu.memory_space<hbm>> -> memref<10000xi32, #tpu.memory_space<hbm>>
      tpu.wait_dma2 semaphore(%run_scoped3A : memref<!tpu.dma_semaphore, #tpu.memory_space<semaphore_mem>>) src(%dma_wait3A_43 : memref<10000xi32, #tpu.memory_space<hbm>>) dst(%arg8 : memref<10000xi32, #tpu.memory_space<vmem>>)
      tpu.yield
    }) : () -> ()
    %dma_start3A = arith.constant 0 : i32
    %dma_start3A_3 = tpu.memref_slice %arg7[%dma_start3A] : memref<10000xi32, #tpu.memory_space<vmem>> -> memref<80xi32, #tpu.memory_space<vmem>>
    %dma_start3A_4 = arith.constant 0 : i32
    %dma_start3A_5 = arith.constant 0 : i32
    %dma_start3A_6 = tpu.memref_slice %arg5[%dma_start3A_4, %dma_start3A_5] : memref<10000x128xbf16, #tpu.memory_space<hbm>> -> memref<10000x128xbf16, #tpu.memory_space<hbm>>
    tpu.enqueue_indirect_dma source(%dma_start3A_6 : memref<10000x128xbf16, #tpu.memory_space<hbm>>) target(%arg10 : memref<80x128xbf16, #tpu.memory_space<vmem>>) offsets(%dma_start3A_3 : memref<80xi32, #tpu.memory_space<vmem>>) semaphore(%arg16 : memref<!tpu.dma_semaphore, #tpu.memory_space<semaphore_mem>>)
    %dma_start3A_7 = arith.constant 0 : i32
    %dma_start3A_8 = tpu.memref_slice %arg8[%dma_start3A_7] : memref<10000xi32, #tpu.memory_space<vmem>> -> memref<80xi32, #tpu.memory_space<vmem>>
    %dma_start3A_9 = arith.constant 0 : i32
    %dma_start3A_10 = arith.constant 0 : i32
    %dma_start3A_11 = tpu.memref_slice %arg5[%dma_start3A_9, %dma_start3A_10] : memref<10000x128xbf16, #tpu.memory_space<hbm>> -> memref<10000x128xbf16, #tpu.memory_space<hbm>>
    tpu.enqueue_indirect_dma source(%dma_start3A_11 : memref<10000x128xbf16, #tpu.memory_space<hbm>>) target(%arg11 : memref<80x128xbf16, #tpu.memory_space<vmem>>) offsets(%dma_start3A_8 : memref<80xi32, #tpu.memory_space<vmem>>) semaphore(%arg17 : memref<!tpu.dma_semaphore, #tpu.memory_space<semaphore_mem>>)
    %broadcast_in_dim3A = arith.constant 0.000000e+00 : f32
    %broadcast_in_dim3A_12 = vector.broadcast %broadcast_in_dim3A : f32 to vector<16xf32>
    %scan3A = arith.constant 0 : i32
    %scan3A_13 = arith.constant 62 : i32
    %scan3A_14 = arith.addi %scan3A, %scan3A_13 : i32
    %scan3A_15 = arith.constant 1 : i32
    %scan3A_16:4 = scf.for %scan3A_40 = %scan3A to %scan3A_14 step %scan3A_15 iter_args(%scan3A_41 = %broadcast_in_dim3A_12, %scan3A_42 = %broadcast_in_dim3A_12, %scan3A_43 = %broadcast_in_dim3A_12, %scan3A_44 = %broadcast_in_dim3A_12) -> (vector<16xf32>, vector<16xf32>, vector<16xf32>, vector<16xf32>)  : i32 {
      %mul3A_45 = arith.constant 2 : i32
      %mul3A_46 = arith.muli %mul3A_45, %scan3A_40 : i32
      %add3A_47 = arith.constant 1 : i32
      %add3A_48 = arith.addi %mul3A_46, %add3A_47 : i32
      %mul3A_49 = arith.constant 80 : i32
      %mul3A_50 = arith.muli %add3A_48, %mul3A_49 : i32
      %dma_start3A_51 = tpu.memref_slice %arg7[%mul3A_50] : memref<10000xi32, #tpu.memory_space<vmem>> -> memref<80xi32, #tpu.memory_space<vmem>>
      %dma_start3A_52 = arith.constant 0 : i32
      %dma_start3A_53 = arith.constant 0 : i32
      %dma_start3A_54 = tpu.memref_slice %arg5[%dma_start3A_52, %dma_start3A_53] : memref<10000x128xbf16, #tpu.memory_space<hbm>> -> memref<10000x128xbf16, #tpu.memory_space<hbm>>
      tpu.enqueue_indirect_dma source(%dma_start3A_54 : memref<10000x128xbf16, #tpu.memory_space<hbm>>) target(%arg12 : memref<80x128xbf16, #tpu.memory_space<vmem>>) offsets(%dma_start3A_51 : memref<80xi32, #tpu.memory_space<vmem>>) semaphore(%arg18 : memref<!tpu.dma_semaphore, #tpu.memory_space<semaphore_mem>>)
      %dma_start3A_55 = tpu.memref_slice %arg8[%mul3A_50] : memref<10000xi32, #tpu.memory_space<vmem>> -> memref<80xi32, #tpu.memory_space<vmem>>
      %dma_start3A_56 = arith.constant 0 : i32
      %dma_start3A_57 = arith.constant 0 : i32
      %dma_start3A_58 = tpu.memref_slice %arg5[%dma_start3A_56, %dma_start3A_57] : memref<10000x128xbf16, #tpu.memory_space<hbm>> -> memref<10000x128xbf16, #tpu.memory_space<hbm>>
      tpu.enqueue_indirect_dma source(%dma_start3A_58 : memref<10000x128xbf16, #tpu.memory_space<hbm>>) target(%arg13 : memref<80x128xbf16, #tpu.memory_space<vmem>>) offsets(%dma_start3A_55 : memref<80xi32, #tpu.memory_space<vmem>>) semaphore(%arg19 : memref<!tpu.dma_semaphore, #tpu.memory_space<semaphore_mem>>)
      %dma_wait3A_59 = arith.constant 0 : i32
      %dma_wait3A_60 = tpu.memref_slice %arg7[%dma_wait3A_59] : memref<10000xi32, #tpu.memory_space<vmem>> -> memref<80xi32, #tpu.memory_space<vmem>>
      %dma_wait3A_61 = arith.constant 0 : i32
      %dma_wait3A_62 = arith.constant 0 : i32
      %dma_wait3A_63 = tpu.memref_slice %arg5[%dma_wait3A_61, %dma_wait3A_62] : memref<10000x128xbf16, #tpu.memory_space<hbm>> -> memref<10000x128xbf16, #tpu.memory_space<hbm>>
      tpu.wait_indirect_dma semaphore(%arg16 : memref<!tpu.dma_semaphore, #tpu.memory_space<semaphore_mem>>) src(%dma_wait3A_63 : memref<10000x128xbf16, #tpu.memory_space<hbm>>) dst(%arg10 : memref<80x128xbf16, #tpu.memory_space<vmem>>)
      %dma_wait3A_64 = arith.constant 0 : i32
      %dma_wait3A_65 = tpu.memref_slice %arg8[%dma_wait3A_64] : memref<10000xi32, #tpu.memory_space<vmem>> -> memref<80xi32, #tpu.memory_space<vmem>>
      %dma_wait3A_66 = arith.constant 0 : i32
      %dma_wait3A_67 = arith.constant 0 : i32
      %dma_wait3A_68 = tpu.memref_slice %arg5[%dma_wait3A_66, %dma_wait3A_67] : memref<10000x128xbf16, #tpu.memory_space<hbm>> -> memref<10000x128xbf16, #tpu.memory_space<hbm>>
      tpu.wait_indirect_dma semaphore(%arg17 : memref<!tpu.dma_semaphore, #tpu.memory_space<semaphore_mem>>) src(%dma_wait3A_68 : memref<10000x128xbf16, #tpu.memory_space<hbm>>) dst(%arg11 : memref<80x128xbf16, #tpu.memory_space<vmem>>)
      %mul3A_69 = arith.constant 80 : i32
      %mul3A_70 = arith.muli %mul3A_46, %mul3A_69 : i32
      %scan3A_71 = arith.constant 0 : i32
      %scan3A_72 = arith.constant 5 : i32
      %scan3A_73 = arith.addi %scan3A_71, %scan3A_72 : i32
      %scan3A_74 = arith.constant 1 : i32
      %scan3A_75:4 = scf.for %scan3A_109 = %scan3A_71 to %scan3A_73 step %scan3A_74 iter_args(%scan3A_110 = %scan3A_41, %scan3A_111 = %scan3A_42, %scan3A_112 = %scan3A_43, %scan3A_113 = %scan3A_44) -> (vector<16xf32>, vector<16xf32>, vector<16xf32>, vector<16xf32>)  : i32 {
        %mul3A_114 = arith.constant 16 : i32
        %mul3A_115 = arith.muli %scan3A_109, %mul3A_114 : i32
        %broadcast_in_dim3A_116 = arith.constant 0.000000e+00 : f32
        %broadcast_in_dim3A_117 = vector.broadcast %broadcast_in_dim3A_116 : f32 to vector<16xf32>
        %swap3A_118 = arith.constant 0 : index
        %swap3A_119 = tpu.vector_load %arg14[%swap3A_118] {strides = array<i32>} : memref<144xf32, #tpu.memory_space<vmem>>, vector<16xf32>,
        tpu.vector_store %arg14[%swap3A_118], %broadcast_in_dim3A_117 {strides = array<i32>} : memref<144xf32, #tpu.memory_space<vmem>>, vector<16xf32>,
        %swap3A_120 = arith.constant 16 : index
        %swap3A_121 = tpu.vector_load %arg14[%swap3A_120] {strides = array<i32>} : memref<144xf32, #tpu.memory_space<vmem>>, vector<16xf32>,
        tpu.vector_store %arg14[%swap3A_120], %broadcast_in_dim3A_117 {strides = array<i32>} : memref<144xf32, #tpu.memory_space<vmem>>, vector<16xf32>,
        %swap3A_122 = arith.constant 32 : index
        %swap3A_123 = tpu.vector_load %arg14[%swap3A_122] {strides = array<i32>} : memref<144xf32, #tpu.memory_space<vmem>>, vector<16xf32>,
        tpu.vector_store %arg14[%swap3A_122], %broadcast_in_dim3A_117 {strides = array<i32>} : memref<144xf32, #tpu.memory_space<vmem>>, vector<16xf32>,
        %swap3A_124 = arith.constant 48 : index
        %swap3A_125 = tpu.vector_load %arg14[%swap3A_124] {strides = array<i32>} : memref<144xf32, #tpu.memory_space<vmem>>, vector<16xf32>,
        tpu.vector_store %arg14[%swap3A_124], %broadcast_in_dim3A_117 {strides = array<i32>} : memref<144xf32, #tpu.memory_space<vmem>>, vector<16xf32>,
        %swap3A_126 = arith.constant 64 : index
        %swap3A_127 = tpu.vector_load %arg14[%swap3A_126] {strides = array<i32>} : memref<144xf32, #tpu.memory_space<vmem>>, vector<16xf32>,
        tpu.vector_store %arg14[%swap3A_126], %broadcast_in_dim3A_117 {strides = array<i32>} : memref<144xf32, #tpu.memory_space<vmem>>, vector<16xf32>,
        %swap3A_128 = arith.constant 80 : index
        %swap3A_129 = tpu.vector_load %arg14[%swap3A_128] {strides = array<i32>} : memref<144xf32, #tpu.memory_space<vmem>>, vector<16xf32>,
        tpu.vector_store %arg14[%swap3A_128], %broadcast_in_dim3A_117 {strides = array<i32>} : memref<144xf32, #tpu.memory_space<vmem>>, vector<16xf32>,
        %swap3A_130 = arith.constant 96 : index
        %swap3A_131 = tpu.vector_load %arg14[%swap3A_130] {strides = array<i32>} : memref<144xf32, #tpu.memory_space<vmem>>, vector<16xf32>,
        tpu.vector_store %arg14[%swap3A_130], %broadcast_in_dim3A_117 {strides = array<i32>} : memref<144xf32, #tpu.memory_space<vmem>>, vector<16xf32>,
        %swap3A_132 = arith.constant 112 : index
        %swap3A_133 = tpu.vector_load %arg14[%swap3A_132] {strides = array<i32>} : memref<144xf32, #tpu.memory_space<vmem>>, vector<16xf32>,
        tpu.vector_store %arg14[%swap3A_132], %broadcast_in_dim3A_117 {strides = array<i32>} : memref<144xf32, #tpu.memory_space<vmem>>, vector<16xf32>,
        %swap3A_134 = arith.constant 128 : index
        %swap3A_135 = tpu.vector_load %arg14[%swap3A_134] {strides = array<i32>} : memref<144xf32, #tpu.memory_space<vmem>>, vector<16xf32>,
        tpu.vector_store %arg14[%swap3A_134], %broadcast_in_dim3A_117 {strides = array<i32>} : memref<144xf32, #tpu.memory_space<vmem>>, vector<16xf32>,
        %and3A = arith.constant 7 : i32
        %and3A_136 = vector.broadcast %and3A : i32 to vector<16xi32>
        %and3A_137 = arith.andi %iota3A, %and3A_136 : vector<16xi32>
        %mul3A_138 = arith.constant 17 : i32
        %mul3A_139 = vector.broadcast %mul3A_138 : i32 to vector<16xi32>
        %mul3A_140 = arith.muli %and3A_137, %mul3A_139 : vector<16xi32>
        %add3A_141 = arith.constant 0 : i32
        %add3A_142 = arith.addi %mul3A_115, %add3A_141 : i32
        %add3A_143 = arith.constant 0 : i32
        %add3A_144 = arith.addi %add3A_142, %add3A_143 : i32
        %get3A = arith.index_cast %add3A_144 : i32 to index
        %get3A_145 = arith.constant 0 : index
        %get3A_146 = tpu.vector_load %arg10[%get3A, %get3A_145] {strides = array<i32>} : memref<80x128xbf16, #tpu.memory_space<vmem>>, vector<32xbf16>,
        %get3A_147 = arith.index_cast %add3A_144 : i32 to index
        %get3A_148 = arith.constant 0 : index
        %get3A_149 = tpu.vector_load %arg11[%get3A_147, %get3A_148] {strides = array<i32>} : memref<80x128xbf16, #tpu.memory_space<vmem>>, vector<32xbf16>,
        %sub3A = arith.subf %get3A_146, %get3A_149 : vector<32xbf16>
        %mul3A_150 = arith.mulf %sub3A, %sub3A : vector<32xbf16>
        %unpack3A = tpu.unpack_subelements %mul3A_150, 0 {pack_format = #tpu.pack_format<interleaved>} : vector<32xbf16> -> vector<16xf32>
        %unpack3A_151 = tpu.unpack_subelements %mul3A_150, 1 {pack_format = #tpu.pack_format<interleaved>} : vector<32xbf16> -> vector<16xf32>
        %add3A_152 = arith.addf %unpack3A, %unpack3A_151 : vector<16xf32>
        %add3A_153 = arith.constant 0 : i32
        %add3A_154 = arith.addi %mul3A_115, %add3A_153 : i32
        %add3A_155 = arith.constant 1 : i32
        %add3A_156 = arith.addi %add3A_154, %add3A_155 : i32
        %get3A_157 = arith.index_cast %add3A_156 : i32 to index
        %get3A_158 = arith.constant 0 : index
        %get3A_159 = tpu.vector_load %arg10[%get3A_157, %get3A_158] {strides = array<i32>} : memref<80x128xbf16, #tpu.memory_space<vmem>>, vector<32xbf16>,
        %get3A_160 = arith.index_cast %add3A_156 : i32 to index
        %get3A_161 = arith.constant 0 : index
        %get3A_162 = tpu.vector_load %arg11[%get3A_160, %get3A_161] {strides = array<i32>} : memref<80x128xbf16, #tpu.memory_space<vmem>>, vector<32xbf16>,
        %sub3A_163 = arith.subf %get3A_159, %get3A_162 : vector<32xbf16>
        %mul3A_164 = arith.mulf %sub3A_163, %sub3A_163 : vector<32xbf16>
        %unpack3A_165 = tpu.unpack_subelements %mul3A_164, 0 {pack_format = #tpu.pack_format<interleaved>} : vector<32xbf16> -> vector<16xf32>
        %unpack3A_166 = tpu.unpack_subelements %mul3A_164, 1 {pack_format = #tpu.pack_format<interleaved>} : vector<32xbf16> -> vector<16xf32>
        %add3A_167 = arith.addf %unpack3A_165, %unpack3A_166 : vector<16xf32>
        %add3A_168 = arith.constant 0 : i32
        %add3A_169 = arith.addi %mul3A_115, %add3A_168 : i32
        %add3A_170 = arith.constant 2 : i32
        %add3A_171 = arith.addi %add3A_169, %add3A_170 : i32
        %get3A_172 = arith.index_cast %add3A_171 : i32 to index
        %get3A_173 = arith.constant 0 : index
        %get3A_174 = tpu.vector_load %arg10[%get3A_172, %get3A_173] {strides = array<i32>} : memref<80x128xbf16, #tpu.memory_space<vmem>>, vector<32xbf16>,
        %get3A_175 = arith.index_cast %add3A_171 : i32 to index
        %get3A_176 = arith.constant 0 : index
        %get3A_177 = tpu.vector_load %arg11[%get3A_175, %get3A_176] {strides = array<i32>} : memref<80x128xbf16, #tpu.memory_space<vmem>>, vector<32xbf16>,
        %sub3A_178 = arith.subf %get3A_174, %get3A_177 : vector<32xbf16>
        %mul3A_179 = arith.mulf %sub3A_178, %sub3A_178 : vector<32xbf16>
        %unpack3A_180 = tpu.unpack_subelements %mul3A_179, 0 {pack_format = #tpu.pack_format<interleaved>} : vector<32xbf16> -> vector<16xf32>
        %unpack3A_181 = tpu.unpack_subelements %mul3A_179, 1 {pack_format = #tpu.pack_format<interleaved>} : vector<32xbf16> -> vector<16xf32>
        %add3A_182 = arith.addf %unpack3A_180, %unpack3A_181 : vector<16xf32>
        %add3A_183 = arith.constant 0 : i32
        %add3A_184 = arith.addi %mul3A_115, %add3A_183 : i32
        %add3A_185 = arith.constant 3 : i32
        %add3A_186 = arith.addi %add3A_184, %add3A_185 : i32
        %get3A_187 = arith.index_cast %add3A_186 : i32 to index
        %get3A_188 = arith.constant 0 : index
        %get3A_189 = tpu.vector_load %arg10[%get3A_187, %get3A_188] {strides = array<i32>} : memref<80x128xbf16, #tpu.memory_space<vmem>>, vector<32xbf16>,
        %get3A_190 = arith.index_cast %add3A_186 : i32 to index
        %get3A_191 = arith.constant 0 : index
        %get3A_192 = tpu.vector_load %arg11[%get3A_190, %get3A_191] {strides = array<i32>} : memref<80x128xbf16, #tpu.memory_space<vmem>>, vector<32xbf16>,
        %sub3A_193 = arith.subf %get3A_189, %get3A_192 : vector<32xbf16>
        %mul3A_194 = arith.mulf %sub3A_193, %sub3A_193 : vector<32xbf16>
        %unpack3A_195 = tpu.unpack_subelements %mul3A_194, 0 {pack_format = #tpu.pack_format<interleaved>} : vector<32xbf16> -> vector<16xf32>
        %unpack3A_196 = tpu.unpack_subelements %mul3A_194, 1 {pack_format = #tpu.pack_format<interleaved>} : vector<32xbf16> -> vector<16xf32>
        %add3A_197 = arith.addf %unpack3A_195, %unpack3A_196 : vector<16xf32>
        %add3A_198 = arith.constant 0 : i32
        %add3A_199 = arith.addi %mul3A_115, %add3A_198 : i32
        %add3A_200 = arith.constant 0 : i32
        %add3A_201 = arith.addi %add3A_199, %add3A_200 : i32
        %get3A_202 = arith.index_cast %add3A_201 : i32 to index
        %get3A_203 = arith.constant 32 : index
        %get3A_204 = tpu.vector_load %arg10[%get3A_202, %get3A_203] {strides = array<i32>} : memref<80x128xbf16, #tpu.memory_space<vmem>>, vector<32xbf16>,
        %get3A_205 = arith.index_cast %add3A_201 : i32 to index
        %get3A_206 = arith.constant 32 : index
        %get3A_207 = tpu.vector_load %arg11[%get3A_205, %get3A_206] {strides = array<i32>} : memref<80x128xbf16, #tpu.memory_space<vmem>>, vector<32xbf16>,
        %sub3A_208 = arith.subf %get3A_204, %get3A_207 : vector<32xbf16>
        %mul3A_209 = arith.mulf %sub3A_208, %sub3A_208 : vector<32xbf16>
        %unpack3A_210 = tpu.unpack_subelements %mul3A_209, 0 {pack_format = #tpu.pack_format<interleaved>} : vector<32xbf16> -> vector<16xf32>
        %unpack3A_211 = tpu.unpack_subelements %mul3A_209, 1 {pack_format = #tpu.pack_format<interleaved>} : vector<32xbf16> -> vector<16xf32>
        %add3A_212 = arith.addf %unpack3A_210, %unpack3A_211 : vector<16xf32>
        %add3A_213 = arith.addf %add3A_152, %add3A_212 : vector<16xf32>
        %add3A_214 = arith.constant 0 : i32
        %add3A_215 = arith.addi %mul3A_115, %add3A_214 : i32
        %add3A_216 = arith.constant 1 : i32
        %add3A_217 = arith.addi %add3A_215, %add3A_216 : i32
        %get3A_218 = arith.index_cast %add3A_217 : i32 to index
        %get3A_219 = arith.constant 32 : index
        %get3A_220 = tpu.vector_load %arg10[%get3A_218, %get3A_219] {strides = array<i32>} : memref<80x128xbf16, #tpu.memory_space<vmem>>, vector<32xbf16>,
        %get3A_221 = arith.index_cast %add3A_217 : i32 to index
        %get3A_222 = arith.constant 32 : index
        %get3A_223 = tpu.vector_load %arg11[%get3A_221, %get3A_222] {strides = array<i32>} : memref<80x128xbf16, #tpu.memory_space<vmem>>, vector<32xbf16>,
        %sub3A_224 = arith.subf %get3A_220, %get3A_223 : vector<32xbf16>
        %mul3A_225 = arith.mulf %sub3A_224, %sub3A_224 : vector<32xbf16>
        %unpack3A_226 = tpu.unpack_subelements %mul3A_225, 0 {pack_format = #tpu.pack_format<interleaved>} : vector<32xbf16> -> vector<16xf32>
        %unpack3A_227 = tpu.unpack_subelements %mul3A_225, 1 {pack_format = #tpu.pack_format<interleaved>} : vector<32xbf16> -> vector<16xf32>
        %add3A_228 = arith.addf %unpack3A_226, %unpack3A_227 : vector<16xf32>
        %add3A_229 = arith.addf %add3A_167, %add3A_228 : vector<16xf32>
        %add3A_230 = arith.constant 0 : i32
        %add3A_231 = arith.addi %mul3A_115, %add3A_230 : i32
        %add3A_232 = arith.constant 2 : i32
        %add3A_233 = arith.addi %add3A_231, %add3A_232 : i32
        %get3A_234 = arith.index_cast %add3A_233 : i32 to index
        %get3A_235 = arith.constant 32 : index
        %get3A_236 = tpu.vector_load %arg10[%get3A_234, %get3A_235] {strides = array<i32>} : memref<80x128xbf16, #tpu.memory_space<vmem>>, vector<32xbf16>,
        %get3A_237 = arith.index_cast %add3A_233 : i32 to index
        %get3A_238 = arith.constant 32 : index
        %get3A_239 = tpu.vector_load %arg11[%get3A_237, %get3A_238] {strides = array<i32>} : memref<80x128xbf16, #tpu.memory_space<vmem>>, vector<32xbf16>,
        %sub3A_240 = arith.subf %get3A_236, %get3A_239 : vector<32xbf16>
        %mul3A_241 = arith.mulf %sub3A_240, %sub3A_240 : vector<32xbf16>
        %unpack3A_242 = tpu.unpack_subelements %mul3A_241, 0 {pack_format = #tpu.pack_format<interleaved>} : vector<32xbf16> -> vector<16xf32>
        %unpack3A_243 = tpu.unpack_subelements %mul3A_241, 1 {pack_format = #tpu.pack_format<interleaved>} : vector<32xbf16> -> vector<16xf32>
        %add3A_244 = arith.addf %unpack3A_242, %unpack3A_243 : vector<16xf32>
        %add3A_245 = arith.addf %add3A_182, %add3A_244 : vector<16xf32>
        %add3A_246 = arith.constant 0 : i32
        %add3A_247 = arith.addi %mul3A_115, %add3A_246 : i32
        %add3A_248 = arith.constant 3 : i32
        %add3A_249 = arith.addi %add3A_247, %add3A_248 : i32
        %get3A_250 = arith.index_cast %add3A_249 : i32 to index
        %get3A_251 = arith.constant 32 : index
        %get3A_252 = tpu.vector_load %arg10[%get3A_250, %get3A_251] {strides = array<i32>} : memref<80x128xbf16, #tpu.memory_space<vmem>>, vector<32xbf16>,
        %get3A_253 = arith.index_cast %add3A_249 : i32 to index
        %get3A_254 = arith.constant 32 : index
        %get3A_255 = tpu.vector_load %arg11[%get3A_253, %get3A_254] {strides = array<i32>} : memref<80x128xbf16, #tpu.memory_space<vmem>>, vector<32xbf16>,
        %sub3A_256 = arith.subf %get3A_252, %get3A_255 : vector<32xbf16>
        %mul3A_257 = arith.mulf %sub3A_256, %sub3A_256 : vector<32xbf16>
        %unpack3A_258 = tpu.unpack_subelements %mul3A_257, 0 {pack_format = #tpu.pack_format<interleaved>} : vector<32xbf16> -> vector<16xf32>
        %unpack3A_259 = tpu.unpack_subelements %mul3A_257, 1 {pack_format = #tpu.pack_format<interleaved>} : vector<32xbf16> -> vector<16xf32>
        %add3A_260 = arith.addf %unpack3A_258, %unpack3A_259 : vector<16xf32>
        %add3A_261 = arith.addf %add3A_197, %add3A_260 : vector<16xf32>
        %add3A_262 = arith.constant 0 : i32
        %add3A_263 = arith.addi %mul3A_115, %add3A_262 : i32
        %add3A_264 = arith.constant 0 : i32
        %add3A_265 = arith.addi %add3A_263, %add3A_264 : i32
        %get3A_266 = arith.index_cast %add3A_265 : i32 to index
        %get3A_267 = arith.constant 64 : index
        %get3A_268 = tpu.vector_load %arg10[%get3A_266, %get3A_267] {strides = array<i32>} : memref<80x128xbf16, #tpu.memory_space<vmem>>, vector<32xbf16>,
        %get3A_269 = arith.index_cast %add3A_265 : i32 to index
        %get3A_270 = arith.constant 64 : index
        %get3A_271 = tpu.vector_load %arg11[%get3A_269, %get3A_270] {strides = array<i32>} : memref<80x128xbf16, #tpu.memory_space<vmem>>, vector<32xbf16>,
        %sub3A_272 = arith.subf %get3A_268, %get3A_271 : vector<32xbf16>
        %mul3A_273 = arith.mulf %sub3A_272, %sub3A_272 : vector<32xbf16>
        %unpack3A_274 = tpu.unpack_subelements %mul3A_273, 0 {pack_format = #tpu.pack_format<interleaved>} : vector<32xbf16> -> vector<16xf32>
        %unpack3A_275 = tpu.unpack_subelements %mul3A_273, 1 {pack_format = #tpu.pack_format<interleaved>} : vector<32xbf16> -> vector<16xf32>
        %add3A_276 = arith.addf %unpack3A_274, %unpack3A_275 : vector<16xf32>
        %add3A_277 = arith.addf %add3A_213, %add3A_276 : vector<16xf32>
        %add3A_278 = arith.constant 0 : i32
        %add3A_279 = arith.addi %mul3A_115, %add3A_278 : i32
        %add3A_280 = arith.constant 1 : i32
        %add3A_281 = arith.addi %add3A_279, %add3A_280 : i32
        %get3A_282 = arith.index_cast %add3A_281 : i32 to index
        %get3A_283 = arith.constant 64 : index
        %get3A_284 = tpu.vector_load %arg10[%get3A_282, %get3A_283] {strides = array<i32>} : memref<80x128xbf16, #tpu.memory_space<vmem>>, vector<32xbf16>,
        %get3A_285 = arith.index_cast %add3A_281 : i32 to index
        %get3A_286 = arith.constant 64 : index
        %get3A_287 = tpu.vector_load %arg11[%get3A_285, %get3A_286] {strides = array<i32>} : memref<80x128xbf16, #tpu.memory_space<vmem>>, vector<32xbf16>,
        %sub3A_288 = arith.subf %get3A_284, %get3A_287 : vector<32xbf16>
        %mul3A_289 = arith.mulf %sub3A_288, %sub3A_288 : vector<32xbf16>
        %unpack3A_290 = tpu.unpack_subelements %mul3A_289, 0 {pack_format = #tpu.pack_format<interleaved>} : vector<32xbf16> -> vector<16xf32>
        %unpack3A_291 = tpu.unpack_subelements %mul3A_289, 1 {pack_format = #tpu.pack_format<interleaved>} : vector<32xbf16> -> vector<16xf32>
        %add3A_292 = arith.addf %unpack3A_290, %unpack3A_291 : vector<16xf32>
        %add3A_293 = arith.addf %add3A_229, %add3A_292 : vector<16xf32>
        %add3A_294 = arith.constant 0 : i32
        %add3A_295 = arith.addi %mul3A_115, %add3A_294 : i32
        %add3A_296 = arith.constant 2 : i32
        %add3A_297 = arith.addi %add3A_295, %add3A_296 : i32
        %get3A_298 = arith.index_cast %add3A_297 : i32 to index
        %get3A_299 = arith.constant 64 : index
        %get3A_300 = tpu.vector_load %arg10[%get3A_298, %get3A_299] {strides = array<i32>} : memref<80x128xbf16, #tpu.memory_space<vmem>>, vector<32xbf16>,
        %get3A_301 = arith.index_cast %add3A_297 : i32 to index
        %get3A_302 = arith.constant 64 : index
        %get3A_303 = tpu.vector_load %arg11[%get3A_301, %get3A_302] {strides = array<i32>} : memref<80x128xbf16, #tpu.memory_space<vmem>>, vector<32xbf16>,
        %sub3A_304 = arith.subf %get3A_300, %get3A_303 : vector<32xbf16>
        %mul3A_305 = arith.mulf %sub3A_304, %sub3A_304 : vector<32xbf16>
        %unpack3A_306 = tpu.unpack_subelements %mul3A_305, 0 {pack_format = #tpu.pack_format<interleaved>} : vector<32xbf16> -> vector<16xf32>
        %unpack3A_307 = tpu.unpack_subelements %mul3A_305, 1 {pack_format = #tpu.pack_format<interleaved>} : vector<32xbf16> -> vector<16xf32>
        %add3A_308 = arith.addf %unpack3A_306, %unpack3A_307 : vector<16xf32>
        %add3A_309 = arith.addf %add3A_245, %add3A_308 : vector<16xf32>
        %add3A_310 = arith.constant 0 : i32
        %add3A_311 = arith.addi %mul3A_115, %add3A_310 : i32
        %add3A_312 = arith.constant 3 : i32
        %add3A_313 = arith.addi %add3A_311, %add3A_312 : i32
        %get3A_314 = arith.index_cast %add3A_313 : i32 to index
        %get3A_315 = arith.constant 64 : index
        %get3A_316 = tpu.vector_load %arg10[%get3A_314, %get3A_315] {strides = array<i32>} : memref<80x128xbf16, #tpu.memory_space<vmem>>, vector<32xbf16>,
        %get3A_317 = arith.index_cast %add3A_313 : i32 to index
        %get3A_318 = arith.constant 64 : index
        %get3A_319 = tpu.vector_load %arg11[%get3A_317, %get3A_318] {strides = array<i32>} : memref<80x128xbf16, #tpu.memory_space<vmem>>, vector<32xbf16>,
        %sub3A_320 = arith.subf %get3A_316, %get3A_319 : vector<32xbf16>
        %mul3A_321 = arith.mulf %sub3A_320, %sub3A_320 : vector<32xbf16>
        %unpack3A_322 = tpu.unpack_subelements %mul3A_321, 0 {pack_format = #tpu.pack_format<interleaved>} : vector<32xbf16> -> vector<16xf32>
        %unpack3A_323 = tpu.unpack_subelements %mul3A_321, 1 {pack_format = #tpu.pack_format<interleaved>} : vector<32xbf16> -> vector<16xf32>
        %add3A_324 = arith.addf %unpack3A_322, %unpack3A_323 : vector<16xf32>
        %add3A_325 = arith.addf %add3A_261, %add3A_324 : vector<16xf32>
        %add3A_326 = arith.constant 0 : i32
        %add3A_327 = arith.addi %mul3A_115, %add3A_326 : i32
        %add3A_328 = arith.constant 0 : i32
        %add3A_329 = arith.addi %add3A_327, %add3A_328 : i32
        %get3A_330 = arith.index_cast %add3A_329 : i32 to index
        %get3A_331 = arith.constant 96 : index
        %get3A_332 = tpu.vector_load %arg10[%get3A_330, %get3A_331] {strides = array<i32>} : memref<80x128xbf16, #tpu.memory_space<vmem>>, vector<32xbf16>,
        %get3A_333 = arith.index_cast %add3A_329 : i32 to index
        %get3A_334 = arith.constant 96 : index
        %get3A_335 = tpu.vector_load %arg11[%get3A_333, %get3A_334] {strides = array<i32>} : memref<80x128xbf16, #tpu.memory_space<vmem>>, vector<32xbf16>,
        %sub3A_336 = arith.subf %get3A_332, %get3A_335 : vector<32xbf16>
        %mul3A_337 = arith.mulf %sub3A_336, %sub3A_336 : vector<32xbf16>
        %unpack3A_338 = tpu.unpack_subelements %mul3A_337, 0 {pack_format = #tpu.pack_format<interleaved>} : vector<32xbf16> -> vector<16xf32>
        %unpack3A_339 = tpu.unpack_subelements %mul3A_337, 1 {pack_format = #tpu.pack_format<interleaved>} : vector<32xbf16> -> vector<16xf32>
        %add3A_340 = arith.addf %unpack3A_338, %unpack3A_339 : vector<16xf32>
        %add3A_341 = arith.addf %add3A_277, %add3A_340 : vector<16xf32>
        %add3A_342 = arith.constant 0 : i32
        %add3A_343 = arith.addi %mul3A_115, %add3A_342 : i32
        %add3A_344 = arith.constant 1 : i32
        %add3A_345 = arith.addi %add3A_343, %add3A_344 : i32
        %get3A_346 = arith.index_cast %add3A_345 : i32 to index
        %get3A_347 = arith.constant 96 : index
        %get3A_348 = tpu.vector_load %arg10[%get3A_346, %get3A_347] {strides = array<i32>} : memref<80x128xbf16, #tpu.memory_space<vmem>>, vector<32xbf16>,
        %get3A_349 = arith.index_cast %add3A_345 : i32 to index
        %get3A_350 = arith.constant 96 : index
        %get3A_351 = tpu.vector_load %arg11[%get3A_349, %get3A_350] {strides = array<i32>} : memref<80x128xbf16, #tpu.memory_space<vmem>>, vector<32xbf16>,
        %sub3A_352 = arith.subf %get3A_348, %get3A_351 : vector<32xbf16>
        %mul3A_353 = arith.mulf %sub3A_352, %sub3A_352 : vector<32xbf16>
        %unpack3A_354 = tpu.unpack_subelements %mul3A_353, 0 {pack_format = #tpu.pack_format<interleaved>} : vector<32xbf16> -> vector<16xf32>
        %unpack3A_355 = tpu.unpack_subelements %mul3A_353, 1 {pack_format = #tpu.pack_format<interleaved>} : vector<32xbf16> -> vector<16xf32>
        %add3A_356 = arith.addf %unpack3A_354, %unpack3A_355 : vector<16xf32>
        %add3A_357 = arith.addf %add3A_293, %add3A_356 : vector<16xf32>
        %add3A_358 = arith.constant 0 : i32
        %add3A_359 = arith.addi %mul3A_115, %add3A_358 : i32
        %add3A_360 = arith.constant 2 : i32
        %add3A_361 = arith.addi %add3A_359, %add3A_360 : i32
        %get3A_362 = arith.index_cast %add3A_361 : i32 to index
        %get3A_363 = arith.constant 96 : index
        %get3A_364 = tpu.vector_load %arg10[%get3A_362, %get3A_363] {strides = array<i32>} : memref<80x128xbf16, #tpu.memory_space<vmem>>, vector<32xbf16>,
        %get3A_365 = arith.index_cast %add3A_361 : i32 to index
        %get3A_366 = arith.constant 96 : index
        %get3A_367 = tpu.vector_load %arg11[%get3A_365, %get3A_366] {strides = array<i32>} : memref<80x128xbf16, #tpu.memory_space<vmem>>, vector<32xbf16>,
        %sub3A_368 = arith.subf %get3A_364, %get3A_367 : vector<32xbf16>
        %mul3A_369 = arith.mulf %sub3A_368, %sub3A_368 : vector<32xbf16>
        %unpack3A_370 = tpu.unpack_subelements %mul3A_369, 0 {pack_format = #tpu.pack_format<interleaved>} : vector<32xbf16> -> vector<16xf32>
        %unpack3A_371 = tpu.unpack_subelements %mul3A_369, 1 {pack_format = #tpu.pack_format<interleaved>} : vector<32xbf16> -> vector<16xf32>
        %add3A_372 = arith.addf %unpack3A_370, %unpack3A_371 : vector<16xf32>
        %add3A_373 = arith.addf %add3A_309, %add3A_372 : vector<16xf32>
        %add3A_374 = arith.constant 0 : i32
        %add3A_375 = arith.addi %mul3A_115, %add3A_374 : i32
        %add3A_376 = arith.constant 3 : i32
        %add3A_377 = arith.addi %add3A_375, %add3A_376 : i32
        %get3A_378 = arith.index_cast %add3A_377 : i32 to index
        %get3A_379 = arith.constant 96 : index
        %get3A_380 = tpu.vector_load %arg10[%get3A_378, %get3A_379] {strides = array<i32>} : memref<80x128xbf16, #tpu.memory_space<vmem>>, vector<32xbf16>,
        %get3A_381 = arith.index_cast %add3A_377 : i32 to index
        %get3A_382 = arith.constant 96 : index
        %get3A_383 = tpu.vector_load %arg11[%get3A_381, %get3A_382] {strides = array<i32>} : memref<80x128xbf16, #tpu.memory_space<vmem>>, vector<32xbf16>,
        %sub3A_384 = arith.subf %get3A_380, %get3A_383 : vector<32xbf16>
        %mul3A_385 = arith.mulf %sub3A_384, %sub3A_384 : vector<32xbf16>
        %unpack3A_386 = tpu.unpack_subelements %mul3A_385, 0 {pack_format = #tpu.pack_format<interleaved>} : vector<32xbf16> -> vector<16xf32>
        %unpack3A_387 = tpu.unpack_subelements %mul3A_385, 1 {pack_format = #tpu.pack_format<interleaved>} : vector<32xbf16> -> vector<16xf32>
        %add3A_388 = arith.addf %unpack3A_386, %unpack3A_387 : vector<16xf32>
        %add3A_389 = arith.addf %add3A_325, %add3A_388 : vector<16xf32>
        %add3A_390 = arith.constant 0 : i32
        %add3A_391 = vector.broadcast %add3A_390 : i32 to vector<16xi32>
        %add3A_392 = arith.addi %mul3A_140, %add3A_391 : vector<16xi32>
        tpu.vector_store_idx %arg14[%add3A_392], %add3A_341 {add = true} : memref<144xf32, #tpu.memory_space<vmem>>[vector<16xi32>], vector<16xf32>,
        %add3A_393 = arith.constant 1 : i32
        %add3A_394 = vector.broadcast %add3A_393 : i32 to vector<16xi32>
        %add3A_395 = arith.addi %mul3A_140, %add3A_394 : vector<16xi32>
        tpu.vector_store_idx %arg14[%add3A_395], %add3A_357 {add = true} : memref<144xf32, #tpu.memory_space<vmem>>[vector<16xi32>], vector<16xf32>,
        %add3A_396 = arith.constant 2 : i32
        %add3A_397 = vector.broadcast %add3A_396 : i32 to vector<16xi32>
        %add3A_398 = arith.addi %mul3A_140, %add3A_397 : vector<16xi32>
        tpu.vector_store_idx %arg14[%add3A_398], %add3A_373 {add = true} : memref<144xf32, #tpu.memory_space<vmem>>[vector<16xi32>], vector<16xf32>,
        %add3A_399 = arith.constant 3 : i32
        %add3A_400 = vector.broadcast %add3A_399 : i32 to vector<16xi32>
        %add3A_401 = arith.addi %mul3A_140, %add3A_400 : vector<16xi32>
        tpu.vector_store_idx %arg14[%add3A_401], %add3A_389 {add = true} : memref<144xf32, #tpu.memory_space<vmem>>[vector<16xi32>], vector<16xf32>,
        %add3A_402 = arith.constant 4 : i32
        %add3A_403 = arith.addi %mul3A_115, %add3A_402 : i32
        %add3A_404 = arith.constant 0 : i32
        %add3A_405 = arith.addi %add3A_403, %add3A_404 : i32
        %get3A_406 = arith.index_cast %add3A_405 : i32 to index
        %get3A_407 = arith.constant 0 : index
        %get3A_408 = tpu.vector_load %arg10[%get3A_406, %get3A_407] {strides = array<i32>} : memref<80x128xbf16, #tpu.memory_space<vmem>>, vector<32xbf16>,
        %get3A_409 = arith.index_cast %add3A_405 : i32 to index
        %get3A_410 = arith.constant 0 : index
        %get3A_411 = tpu.vector_load %arg11[%get3A_409, %get3A_410] {strides = array<i32>} : memref<80x128xbf16, #tpu.memory_space<vmem>>, vector<32xbf16>,
        %sub3A_412 = arith.subf %get3A_408, %get3A_411 : vector<32xbf16>
        %mul3A_413 = arith.mulf %sub3A_412, %sub3A_412 : vector<32xbf16>
        %unpack3A_414 = tpu.unpack_subelements %mul3A_413, 0 {pack_format = #tpu.pack_format<interleaved>} : vector<32xbf16> -> vector<16xf32>
        %unpack3A_415 = tpu.unpack_subelements %mul3A_413, 1 {pack_format = #tpu.pack_format<interleaved>} : vector<32xbf16> -> vector<16xf32>
        %add3A_416 = arith.addf %unpack3A_414, %unpack3A_415 : vector<16xf32>
        %add3A_417 = arith.constant 4 : i32
        %add3A_418 = arith.addi %mul3A_115, %add3A_417 : i32
        %add3A_419 = arith.constant 1 : i32
        %add3A_420 = arith.addi %add3A_418, %add3A_419 : i32
        %get3A_421 = arith.index_cast %add3A_420 : i32 to index
        %get3A_422 = arith.constant 0 : index
        %get3A_423 = tpu.vector_load %arg10[%get3A_421, %get3A_422] {strides = array<i32>} : memref<80x128xbf16, #tpu.memory_space<vmem>>, vector<32xbf16>,
        %get3A_424 = arith.index_cast %add3A_420 : i32 to index
        %get3A_425 = arith.constant 0 : index
        %get3A_426 = tpu.vector_load %arg11[%get3A_424, %get3A_425] {strides = array<i32>} : memref<80x128xbf16, #tpu.memory_space<vmem>>, vector<32xbf16>,
        %sub3A_427 = arith.subf %get3A_423, %get3A_426 : vector<32xbf16>
        %mul3A_428 = arith.mulf %sub3A_427, %sub3A_427 : vector<32xbf16>
        %unpack3A_429 = tpu.unpack_subelements %mul3A_428, 0 {pack_format = #tpu.pack_format<interleaved>} : vector<32xbf16> -> vector<16xf32>
        %unpack3A_430 = tpu.unpack_subelements %mul3A_428, 1 {pack_format = #tpu.pack_format<interleaved>} : vector<32xbf16> -> vector<16xf32>
        %add3A_431 = arith.addf %unpack3A_429, %unpack3A_430 : vector<16xf32>
        %add3A_432 = arith.constant 4 : i32
        %add3A_433 = arith.addi %mul3A_115, %add3A_432 : i32
        %add3A_434 = arith.constant 2 : i32
        %add3A_435 = arith.addi %add3A_433, %add3A_434 : i32
        %get3A_436 = arith.index_cast %add3A_435 : i32 to index
        %get3A_437 = arith.constant 0 : index
        %get3A_438 = tpu.vector_load %arg10[%get3A_436, %get3A_437] {strides = array<i32>} : memref<80x128xbf16, #tpu.memory_space<vmem>>, vector<32xbf16>,
        %get3A_439 = arith.index_cast %add3A_435 : i32 to index
        %get3A_440 = arith.constant 0 : index
        %get3A_441 = tpu.vector_load %arg11[%get3A_439, %get3A_440] {strides = array<i32>} : memref<80x128xbf16, #tpu.memory_space<vmem>>, vector<32xbf16>,
        %sub3A_442 = arith.subf %get3A_438, %get3A_441 : vector<32xbf16>
        %mul3A_443 = arith.mulf %sub3A_442, %sub3A_442 : vector<32xbf16>
        %unpack3A_444 = tpu.unpack_subelements %mul3A_443, 0 {pack_format = #tpu.pack_format<interleaved>} : vector<32xbf16> -> vector<16xf32>
        %unpack3A_445 = tpu.unpack_subelements %mul3A_443, 1 {pack_format = #tpu.pack_format<interleaved>} : vector<32xbf16> -> vector<16xf32>
        %add3A_446 = arith.addf %unpack3A_444, %unpack3A_445 : vector<16xf32>
        %add3A_447 = arith.constant 4 : i32
        %add3A_448 = arith.addi %mul3A_115, %add3A_447 : i32
        %add3A_449 = arith.constant 3 : i32
        %add3A_450 = arith.addi %add3A_448, %add3A_449 : i32
        %get3A_451 = arith.index_cast %add3A_450 : i32 to index
        %get3A_452 = arith.constant 0 : index
        %get3A_453 = tpu.vector_load %arg10[%get3A_451, %get3A_452] {strides = array<i32>} : memref<80x128xbf16, #tpu.memory_space<vmem>>, vector<32xbf16>,
        %get3A_454 = arith.index_cast %add3A_450 : i32 to index
        %get3A_455 = arith.constant 0 : index
        %get3A_456 = tpu.vector_load %arg11[%get3A_454, %get3A_455] {strides = array<i32>} : memref<80x128xbf16, #tpu.memory_space<vmem>>, vector<32xbf16>,
        %sub3A_457 = arith.subf %get3A_453, %get3A_456 : vector<32xbf16>
        %mul3A_458 = arith.mulf %sub3A_457, %sub3A_457 : vector<32xbf16>
        %unpack3A_459 = tpu.unpack_subelements %mul3A_458, 0 {pack_format = #tpu.pack_format<interleaved>} : vector<32xbf16> -> vector<16xf32>
        %unpack3A_460 = tpu.unpack_subelements %mul3A_458, 1 {pack_format = #tpu.pack_format<interleaved>} : vector<32xbf16> -> vector<16xf32>
        %add3A_461 = arith.addf %unpack3A_459, %unpack3A_460 : vector<16xf32>
        %add3A_462 = arith.constant 4 : i32
        %add3A_463 = arith.addi %mul3A_115, %add3A_462 : i32
        %add3A_464 = arith.constant 0 : i32
        %add3A_465 = arith.addi %add3A_463, %add3A_464 : i32
        %get3A_466 = arith.index_cast %add3A_465 : i32 to index
        %get3A_467 = arith.constant 32 : index
        %get3A_468 = tpu.vector_load %arg10[%get3A_466, %get3A_467] {strides = array<i32>} : memref<80x128xbf16, #tpu.memory_space<vmem>>, vector<32xbf16>,
        %get3A_469 = arith.index_cast %add3A_465 : i32 to index
        %get3A_470 = arith.constant 32 : index
        %get3A_471 = tpu.vector_load %arg11[%get3A_469, %get3A_470] {strides = array<i32>} : memref<80x128xbf16, #tpu.memory_space<vmem>>, vector<32xbf16>,
        %sub3A_472 = arith.subf %get3A_468, %get3A_471 : vector<32xbf16>
        %mul3A_473 = arith.mulf %sub3A_472, %sub3A_472 : vector<32xbf16>
        %unpack3A_474 = tpu.unpack_subelements %mul3A_473, 0 {pack_format = #tpu.pack_format<interleaved>} : vector<32xbf16> -> vector<16xf32>
        %unpack3A_475 = tpu.unpack_subelements %mul3A_473, 1 {pack_format = #tpu.pack_format<interleaved>} : vector<32xbf16> -> vector<16xf32>
        %add3A_476 = arith.addf %unpack3A_474, %unpack3A_475 : vector<16xf32>
        %add3A_477 = arith.addf %add3A_416, %add3A_476 : vector<16xf32>
        %add3A_478 = arith.constant 4 : i32
        %add3A_479 = arith.addi %mul3A_115, %add3A_478 : i32
        %add3A_480 = arith.constant 1 : i32
        %add3A_481 = arith.addi %add3A_479, %add3A_480 : i32
        %get3A_482 = arith.index_cast %add3A_481 : i32 to index
        %get3A_483 = arith.constant 32 : index
        %get3A_484 = tpu.vector_load %arg10[%get3A_482, %get3A_483] {strides = array<i32>} : memref<80x128xbf16, #tpu.memory_space<vmem>>, vector<32xbf16>,
        %get3A_485 = arith.index_cast %add3A_481 : i32 to index
        %get3A_486 = arith.constant 32 : index
        %get3A_487 = tpu.vector_load %arg11[%get3A_485, %get3A_486] {strides = array<i32>} : memref<80x128xbf16, #tpu.memory_space<vmem>>, vector<32xbf16>,
        %sub3A_488 = arith.subf %get3A_484, %get3A_487 : vector<32xbf16>
        %mul3A_489 = arith.mulf %sub3A_488, %sub3A_488 : vector<32xbf16>
        %unpack3A_490 = tpu.unpack_subelements %mul3A_489, 0 {pack_format = #tpu.pack_format<interleaved>} : vector<32xbf16> -> vector<16xf32>
        %unpack3A_491 = tpu.unpack_subelements %mul3A_489, 1 {pack_format = #tpu.pack_format<interleaved>} : vector<32xbf16> -> vector<16xf32>
        %add3A_492 = arith.addf %unpack3A_490, %unpack3A_491 : vector<16xf32>
        %add3A_493 = arith.addf %add3A_431, %add3A_492 : vector<16xf32>
        %add3A_494 = arith.constant 4 : i32
        %add3A_495 = arith.addi %mul3A_115, %add3A_494 : i32
        %add3A_496 = arith.constant 2 : i32
        %add3A_497 = arith.addi %add3A_495, %add3A_496 : i32
        %get3A_498 = arith.index_cast %add3A_497 : i32 to index
        %get3A_499 = arith.constant 32 : index
        %get3A_500 = tpu.vector_load %arg10[%get3A_498, %get3A_499] {strides = array<i32>} : memref<80x128xbf16, #tpu.memory_space<vmem>>, vector<32xbf16>,
        %get3A_501 = arith.index_cast %add3A_497 : i32 to index
        %get3A_502 = arith.constant 32 : index
        %get3A_503 = tpu.vector_load %arg11[%get3A_501, %get3A_502] {strides = array<i32>} : memref<80x128xbf16, #tpu.memory_space<vmem>>, vector<32xbf16>,
        %sub3A_504 = arith.subf %get3A_500, %get3A_503 : vector<32xbf16>
        %mul3A_505 = arith.mulf %sub3A_504, %sub3A_504 : vector<32xbf16>
        %unpack3A_506 = tpu.unpack_subelements %mul3A_505, 0 {pack_format = #tpu.pack_format<interleaved>} : vector<32xbf16> -> vector<16xf32>
        %unpack3A_507 = tpu.unpack_subelements %mul3A_505, 1 {pack_format = #tpu.pack_format<interleaved>} : vector<32xbf16> -> vector<16xf32>
        %add3A_508 = arith.addf %unpack3A_506, %unpack3A_507 : vector<16xf32>
        %add3A_509 = arith.addf %add3A_446, %add3A_508 : vector<16xf32>
        %add3A_510 = arith.constant 4 : i32
        %add3A_511 = arith.addi %mul3A_115, %add3A_510 : i32
        %add3A_512 = arith.constant 3 : i32
        %add3A_513 = arith.addi %add3A_511, %add3A_512 : i32
        %get3A_514 = arith.index_cast %add3A_513 : i32 to index
        %get3A_515 = arith.constant 32 : index
        %get3A_516 = tpu.vector_load %arg10[%get3A_514, %get3A_515] {strides = array<i32>} : memref<80x128xbf16, #tpu.memory_space<vmem>>, vector<32xbf16>,
        %get3A_517 = arith.index_cast %add3A_513 : i32 to index
        %get3A_518 = arith.constant 32 : index
        %get3A_519 = tpu.vector_load %arg11[%get3A_517, %get3A_518] {strides = array<i32>} : memref<80x128xbf16, #tpu.memory_space<vmem>>, vector<32xbf16>,
        %sub3A_520 = arith.subf %get3A_516, %get3A_519 : vector<32xbf16>
        %mul3A_521 = arith.mulf %sub3A_520, %sub3A_520 : vector<32xbf16>
        %unpack3A_522 = tpu.unpack_subelements %mul3A_521, 0 {pack_format = #tpu.pack_format<interleaved>} : vector<32xbf16> -> vector<16xf32>
        %unpack3A_523 = tpu.unpack_subelements %mul3A_521, 1 {pack_format = #tpu.pack_format<interleaved>} : vector<32xbf16> -> vector<16xf32>
        %add3A_524 = arith.addf %unpack3A_522, %unpack3A_523 : vector<16xf32>
        %add3A_525 = arith.addf %add3A_461, %add3A_524 : vector<16xf32>
        %add3A_526 = arith.constant 4 : i32
        %add3A_527 = arith.addi %mul3A_115, %add3A_526 : i32
        %add3A_528 = arith.constant 0 : i32
        %add3A_529 = arith.addi %add3A_527, %add3A_528 : i32
        %get3A_530 = arith.index_cast %add3A_529 : i32 to index
        %get3A_531 = arith.constant 64 : index
        %get3A_532 = tpu.vector_load %arg10[%get3A_530, %get3A_531] {strides = array<i32>} : memref<80x128xbf16, #tpu.memory_space<vmem>>, vector<32xbf16>,
        %get3A_533 = arith.index_cast %add3A_529 : i32 to index
        %get3A_534 = arith.constant 64 : index
        %get3A_535 = tpu.vector_load %arg11[%get3A_533, %get3A_534] {strides = array<i32>} : memref<80x128xbf16, #tpu.memory_space<vmem>>, vector<32xbf16>,
        %sub3A_536 = arith.subf %get3A_532, %get3A_535 : vector<32xbf16>
        %mul3A_537 = arith.mulf %sub3A_536, %sub3A_536 : vector<32xbf16>
        %unpack3A_538 = tpu.unpack_subelements %mul3A_537, 0 {pack_format = #tpu.pack_format<interleaved>} : vector<32xbf16> -> vector<16xf32>
        %unpack3A_539 = tpu.unpack_subelements %mul3A_537, 1 {pack_format = #tpu.pack_format<interleaved>} : vector<32xbf16> -> vector<16xf32>
        %add3A_540 = arith.addf %unpack3A_538, %unpack3A_539 : vector<16xf32>
        %add3A_541 = arith.addf %add3A_477, %add3A_540 : vector<16xf32>
        %add3A_542 = arith.constant 4 : i32
        %add3A_543 = arith.addi %mul3A_115, %add3A_542 : i32
        %add3A_544 = arith.constant 1 : i32
        %add3A_545 = arith.addi %add3A_543, %add3A_544 : i32
        %get3A_546 = arith.index_cast %add3A_545 : i32 to index
        %get3A_547 = arith.constant 64 : index
        %get3A_548 = tpu.vector_load %arg10[%get3A_546, %get3A_547] {strides = array<i32>} : memref<80x128xbf16, #tpu.memory_space<vmem>>, vector<32xbf16>,
        %get3A_549 = arith.index_cast %add3A_545 : i32 to index
        %get3A_550 = arith.constant 64 : index
        %get3A_551 = tpu.vector_load %arg11[%get3A_549, %get3A_550] {strides = array<i32>} : memref<80x128xbf16, #tpu.memory_space<vmem>>, vector<32xbf16>,
        %sub3A_552 = arith.subf %get3A_548, %get3A_551 : vector<32xbf16>
        %mul3A_553 = arith.mulf %sub3A_552, %sub3A_552 : vector<32xbf16>
        %unpack3A_554 = tpu.unpack_subelements %mul3A_553, 0 {pack_format = #tpu.pack_format<interleaved>} : vector<32xbf16> -> vector<16xf32>
        %unpack3A_555 = tpu.unpack_subelements %mul3A_553, 1 {pack_format = #tpu.pack_format<interleaved>} : vector<32xbf16> -> vector<16xf32>
        %add3A_556 = arith.addf %unpack3A_554, %unpack3A_555 : vector<16xf32>
        %add3A_557 = arith.addf %add3A_493, %add3A_556 : vector<16xf32>
        %add3A_558 = arith.constant 4 : i32
        %add3A_559 = arith.addi %mul3A_115, %add3A_558 : i32
        %add3A_560 = arith.constant 2 : i32
        %add3A_561 = arith.addi %add3A_559, %add3A_560 : i32
        %get3A_562 = arith.index_cast %add3A_561 : i32 to index
        %get3A_563 = arith.constant 64 : index
        %get3A_564 = tpu.vector_load %arg10[%get3A_562, %get3A_563] {strides = array<i32>} : memref<80x128xbf16, #tpu.memory_space<vmem>>, vector<32xbf16>,
        %get3A_565 = arith.index_cast %add3A_561 : i32 to index
        %get3A_566 = arith.constant 64 : index
        %get3A_567 = tpu.vector_load %arg11[%get3A_565, %get3A_566] {strides = array<i32>} : memref<80x128xbf16, #tpu.memory_space<vmem>>, vector<32xbf16>,
        %sub3A_568 = arith.subf %get3A_564, %get3A_567 : vector<32xbf16>
        %mul3A_569 = arith.mulf %sub3A_568, %sub3A_568 : vector<32xbf16>
        %unpack3A_570 = tpu.unpack_subelements %mul3A_569, 0 {pack_format = #tpu.pack_format<interleaved>} : vector<32xbf16> -> vector<16xf32>
        %unpack3A_571 = tpu.unpack_subelements %mul3A_569, 1 {pack_format = #tpu.pack_format<interleaved>} : vector<32xbf16> -> vector<16xf32>
        %add3A_572 = arith.addf %unpack3A_570, %unpack3A_571 : vector<16xf32>
        %add3A_573 = arith.addf %add3A_509, %add3A_572 : vector<16xf32>
        %add3A_574 = arith.constant 4 : i32
        %add3A_575 = arith.addi %mul3A_115, %add3A_574 : i32
        %add3A_576 = arith.constant 3 : i32
        %add3A_577 = arith.addi %add3A_575, %add3A_576 : i32
        %get3A_578 = arith.index_cast %add3A_577 : i32 to index
        %get3A_579 = arith.constant 64 : index
        %get3A_580 = tpu.vector_load %arg10[%get3A_578, %get3A_579] {strides = array<i32>} : memref<80x128xbf16, #tpu.memory_space<vmem>>, vector<32xbf16>,
        %get3A_581 = arith.index_cast %add3A_577 : i32 to index
        %get3A_582 = arith.constant 64 : index
        %get3A_583 = tpu.vector_load %arg11[%get3A_581, %get3A_582] {strides = array<i32>} : memref<80x128xbf16, #tpu.memory_space<vmem>>, vector<32xbf16>,
        %sub3A_584 = arith.subf %get3A_580, %get3A_583 : vector<32xbf16>
        %mul3A_585 = arith.mulf %sub3A_584, %sub3A_584 : vector<32xbf16>
        %unpack3A_586 = tpu.unpack_subelements %mul3A_585, 0 {pack_format = #tpu.pack_format<interleaved>} : vector<32xbf16> -> vector<16xf32>
        %unpack3A_587 = tpu.unpack_subelements %mul3A_585, 1 {pack_format = #tpu.pack_format<interleaved>} : vector<32xbf16> -> vector<16xf32>
        %add3A_588 = arith.addf %unpack3A_586, %unpack3A_587 : vector<16xf32>
        %add3A_589 = arith.addf %add3A_525, %add3A_588 : vector<16xf32>
        %add3A_590 = arith.constant 4 : i32
        %add3A_591 = arith.addi %mul3A_115, %add3A_590 : i32
        %add3A_592 = arith.constant 0 : i32
        %add3A_593 = arith.addi %add3A_591, %add3A_592 : i32
        %get3A_594 = arith.index_cast %add3A_593 : i32 to index
        %get3A_595 = arith.constant 96 : index
        %get3A_596 = tpu.vector_load %arg10[%get3A_594, %get3A_595] {strides = array<i32>} : memref<80x128xbf16, #tpu.memory_space<vmem>>, vector<32xbf16>,
        %get3A_597 = arith.index_cast %add3A_593 : i32 to index
        %get3A_598 = arith.constant 96 : index
        %get3A_599 = tpu.vector_load %arg11[%get3A_597, %get3A_598] {strides = array<i32>} : memref<80x128xbf16, #tpu.memory_space<vmem>>, vector<32xbf16>,
        %sub3A_600 = arith.subf %get3A_596, %get3A_599 : vector<32xbf16>
        %mul3A_601 = arith.mulf %sub3A_600, %sub3A_600 : vector<32xbf16>
        %unpack3A_602 = tpu.unpack_subelements %mul3A_601, 0 {pack_format = #tpu.pack_format<interleaved>} : vector<32xbf16> -> vector<16xf32>
        %unpack3A_603 = tpu.unpack_subelements %mul3A_601, 1 {pack_format = #tpu.pack_format<interleaved>} : vector<32xbf16> -> vector<16xf32>
        %add3A_604 = arith.addf %unpack3A_602, %unpack3A_603 : vector<16xf32>
        %add3A_605 = arith.addf %add3A_541, %add3A_604 : vector<16xf32>
        %add3A_606 = arith.constant 4 : i32
        %add3A_607 = arith.addi %mul3A_115, %add3A_606 : i32
        %add3A_608 = arith.constant 1 : i32
        %add3A_609 = arith.addi %add3A_607, %add3A_608 : i32
        %get3A_610 = arith.index_cast %add3A_609 : i32 to index
        %get3A_611 = arith.constant 96 : index
        %get3A_612 = tpu.vector_load %arg10[%get3A_610, %get3A_611] {strides = array<i32>} : memref<80x128xbf16, #tpu.memory_space<vmem>>, vector<32xbf16>,
        %get3A_613 = arith.index_cast %add3A_609 : i32 to index
        %get3A_614 = arith.constant 96 : index
        %get3A_615 = tpu.vector_load %arg11[%get3A_613, %get3A_614] {strides = array<i32>} : memref<80x128xbf16, #tpu.memory_space<vmem>>, vector<32xbf16>,
        %sub3A_616 = arith.subf %get3A_612, %get3A_615 : vector<32xbf16>
        %mul3A_617 = arith.mulf %sub3A_616, %sub3A_616 : vector<32xbf16>
        %unpack3A_618 = tpu.unpack_subelements %mul3A_617, 0 {pack_format = #tpu.pack_format<interleaved>} : vector<32xbf16> -> vector<16xf32>
        %unpack3A_619 = tpu.unpack_subelements %mul3A_617, 1 {pack_format = #tpu.pack_format<interleaved>} : vector<32xbf16> -> vector<16xf32>
        %add3A_620 = arith.addf %unpack3A_618, %unpack3A_619 : vector<16xf32>
        %add3A_621 = arith.addf %add3A_557, %add3A_620 : vector<16xf32>
        %add3A_622 = arith.constant 4 : i32
        %add3A_623 = arith.addi %mul3A_115, %add3A_622 : i32
        %add3A_624 = arith.constant 2 : i32
        %add3A_625 = arith.addi %add3A_623, %add3A_624 : i32
        %get3A_626 = arith.index_cast %add3A_625 : i32 to index
        %get3A_627 = arith.constant 96 : index
        %get3A_628 = tpu.vector_load %arg10[%get3A_626, %get3A_627] {strides = array<i32>} : memref<80x128xbf16, #tpu.memory_space<vmem>>, vector<32xbf16>,
        %get3A_629 = arith.index_cast %add3A_625 : i32 to index
        %get3A_630 = arith.constant 96 : index
        %get3A_631 = tpu.vector_load %arg11[%get3A_629, %get3A_630] {strides = array<i32>} : memref<80x128xbf16, #tpu.memory_space<vmem>>, vector<32xbf16>,
        %sub3A_632 = arith.subf %get3A_628, %get3A_631 : vector<32xbf16>
        %mul3A_633 = arith.mulf %sub3A_632, %sub3A_632 : vector<32xbf16>
        %unpack3A_634 = tpu.unpack_subelements %mul3A_633, 0 {pack_format = #tpu.pack_format<interleaved>} : vector<32xbf16> -> vector<16xf32>
        %unpack3A_635 = tpu.unpack_subelements %mul3A_633, 1 {pack_format = #tpu.pack_format<interleaved>} : vector<32xbf16> -> vector<16xf32>
        %add3A_636 = arith.addf %unpack3A_634, %unpack3A_635 : vector<16xf32>
        %add3A_637 = arith.addf %add3A_573, %add3A_636 : vector<16xf32>
        %add3A_638 = arith.constant 4 : i32
        %add3A_639 = arith.addi %mul3A_115, %add3A_638 : i32
        %add3A_640 = arith.constant 3 : i32
        %add3A_641 = arith.addi %add3A_639, %add3A_640 : i32
        %get3A_642 = arith.index_cast %add3A_641 : i32 to index
        %get3A_643 = arith.constant 96 : index
        %get3A_644 = tpu.vector_load %arg10[%get3A_642, %get3A_643] {strides = array<i32>} : memref<80x128xbf16, #tpu.memory_space<vmem>>, vector<32xbf16>,
        %get3A_645 = arith.index_cast %add3A_641 : i32 to index
        %get3A_646 = arith.constant 96 : index
        %get3A_647 = tpu.vector_load %arg11[%get3A_645, %get3A_646] {strides = array<i32>} : memref<80x128xbf16, #tpu.memory_space<vmem>>, vector<32xbf16>,
        %sub3A_648 = arith.subf %get3A_644, %get3A_647 : vector<32xbf16>
        %mul3A_649 = arith.mulf %sub3A_648, %sub3A_648 : vector<32xbf16>
        %unpack3A_650 = tpu.unpack_subelements %mul3A_649, 0 {pack_format = #tpu.pack_format<interleaved>} : vector<32xbf16> -> vector<16xf32>
        %unpack3A_651 = tpu.unpack_subelements %mul3A_649, 1 {pack_format = #tpu.pack_format<interleaved>} : vector<32xbf16> -> vector<16xf32>
        %add3A_652 = arith.addf %unpack3A_650, %unpack3A_651 : vector<16xf32>
        %add3A_653 = arith.addf %add3A_589, %add3A_652 : vector<16xf32>
        %add3A_654 = arith.constant 4 : i32
        %add3A_655 = vector.broadcast %add3A_654 : i32 to vector<16xi32>
        %add3A_656 = arith.addi %mul3A_140, %add3A_655 : vector<16xi32>
        tpu.vector_store_idx %arg14[%add3A_656], %add3A_605 {add = true} : memref<144xf32, #tpu.memory_space<vmem>>[vector<16xi32>], vector<16xf32>,
        %add3A_657 = arith.constant 5 : i32
        %add3A_658 = vector.broadcast %add3A_657 : i32 to vector<16xi32>
        %add3A_659 = arith.addi %mul3A_140, %add3A_658 : vector<16xi32>
        tpu.vector_store_idx %arg14[%add3A_659], %add3A_621 {add = true} : memref<144xf32, #tpu.memory_space<vmem>>[vector<16xi32>], vector<16xf32>,
        %add3A_660 = arith.constant 6 : i32
        %add3A_661 = vector.broadcast %add3A_660 : i32 to vector<16xi32>
        %add3A_662 = arith.addi %mul3A_140, %add3A_661 : vector<16xi32>
        tpu.vector_store_idx %arg14[%add3A_662], %add3A_637 {add = true} : memref<144xf32, #tpu.memory_space<vmem>>[vector<16xi32>], vector<16xf32>,
        %add3A_663 = arith.constant 7 : i32
        %add3A_664 = vector.broadcast %add3A_663 : i32 to vector<16xi32>
        %add3A_665 = arith.addi %mul3A_140, %add3A_664 : vector<16xi32>
        tpu.vector_store_idx %arg14[%add3A_665], %add3A_653 {add = true} : memref<144xf32, #tpu.memory_space<vmem>>[vector<16xi32>], vector<16xf32>,
        %add3A_666 = arith.constant 8 : i32
        %add3A_667 = arith.addi %mul3A_115, %add3A_666 : i32
        %add3A_668 = arith.constant 0 : i32
        %add3A_669 = arith.addi %add3A_667, %add3A_668 : i32
        %get3A_670 = arith.index_cast %add3A_669 : i32 to index
        %get3A_671 = arith.constant 0 : index
        %get3A_672 = tpu.vector_load %arg10[%get3A_670, %get3A_671] {strides = array<i32>} : memref<80x128xbf16, #tpu.memory_space<vmem>>, vector<32xbf16>,
        %get3A_673 = arith.index_cast %add3A_669 : i32 to index
        %get3A_674 = arith.constant 0 : index
        %get3A_675 = tpu.vector_load %arg11[%get3A_673, %get3A_674] {strides = array<i32>} : memref<80x128xbf16, #tpu.memory_space<vmem>>, vector<32xbf16>,
        %sub3A_676 = arith.subf %get3A_672, %get3A_675 : vector<32xbf16>
        %mul3A_677 = arith.mulf %sub3A_676, %sub3A_676 : vector<32xbf16>
        %unpack3A_678 = tpu.unpack_subelements %mul3A_677, 0 {pack_format = #tpu.pack_format<interleaved>} : vector<32xbf16> -> vector<16xf32>
        %unpack3A_679 = tpu.unpack_subelements %mul3A_677, 1 {pack_format = #tpu.pack_format<interleaved>} : vector<32xbf16> -> vector<16xf32>
        %add3A_680 = arith.addf %unpack3A_678, %unpack3A_679 : vector<16xf32>
        %add3A_681 = arith.constant 8 : i32
        %add3A_682 = arith.addi %mul3A_115, %add3A_681 : i32
        %add3A_683 = arith.constant 1 : i32
        %add3A_684 = arith.addi %add3A_682, %add3A_683 : i32
        %get3A_685 = arith.index_cast %add3A_684 : i32 to index
        %get3A_686 = arith.constant 0 : index
        %get3A_687 = tpu.vector_load %arg10[%get3A_685, %get3A_686] {strides = array<i32>} : memref<80x128xbf16, #tpu.memory_space<vmem>>, vector<32xbf16>,
        %get3A_688 = arith.index_cast %add3A_684 : i32 to index
        %get3A_689 = arith.constant 0 : index
        %get3A_690 = tpu.vector_load %arg11[%get3A_688, %get3A_689] {strides = array<i32>} : memref<80x128xbf16, #tpu.memory_space<vmem>>, vector<32xbf16>,
        %sub3A_691 = arith.subf %get3A_687, %get3A_690 : vector<32xbf16>
        %mul3A_692 = arith.mulf %sub3A_691, %sub3A_691 : vector<32xbf16>
        %unpack3A_693 = tpu.unpack_subelements %mul3A_692, 0 {pack_format = #tpu.pack_format<interleaved>} : vector<32xbf16> -> vector<16xf32>
        %unpack3A_694 = tpu.unpack_subelements %mul3A_692, 1 {pack_format = #tpu.pack_format<interleaved>} : vector<32xbf16> -> vector<16xf32>
        %add3A_695 = arith.addf %unpack3A_693, %unpack3A_694 : vector<16xf32>
        %add3A_696 = arith.constant 8 : i32
        %add3A_697 = arith.addi %mul3A_115, %add3A_696 : i32
        %add3A_698 = arith.constant 2 : i32
        %add3A_699 = arith.addi %add3A_697, %add3A_698 : i32
        %get3A_700 = arith.index_cast %add3A_699 : i32 to index
        %get3A_701 = arith.constant 0 : index
        %get3A_702 = tpu.vector_load %arg10[%get3A_700, %get3A_701] {strides = array<i32>} : memref<80x128xbf16, #tpu.memory_space<vmem>>, vector<32xbf16>,
        %get3A_703 = arith.index_cast %add3A_699 : i32 to index
        %get3A_704 = arith.constant 0 : index
        %get3A_705 = tpu.vector_load %arg11[%get3A_703, %get3A_704] {strides = array<i32>} : memref<80x128xbf16, #tpu.memory_space<vmem>>, vector<32xbf16>,
        %sub3A_706 = arith.subf %get3A_702, %get3A_705 : vector<32xbf16>
        %mul3A_707 = arith.mulf %sub3A_706, %sub3A_706 : vector<32xbf16>
        %unpack3A_708 = tpu.unpack_subelements %mul3A_707, 0 {pack_format = #tpu.pack_format<interleaved>} : vector<32xbf16> -> vector<16xf32>
        %unpack3A_709 = tpu.unpack_subelements %mul3A_707, 1 {pack_format = #tpu.pack_format<interleaved>} : vector<32xbf16> -> vector<16xf32>
        %add3A_710 = arith.addf %unpack3A_708, %unpack3A_709 : vector<16xf32>
        %add3A_711 = arith.constant 8 : i32
        %add3A_712 = arith.addi %mul3A_115, %add3A_711 : i32
        %add3A_713 = arith.constant 3 : i32
        %add3A_714 = arith.addi %add3A_712, %add3A_713 : i32
        %get3A_715 = arith.index_cast %add3A_714 : i32 to index
        %get3A_716 = arith.constant 0 : index
        %get3A_717 = tpu.vector_load %arg10[%get3A_715, %get3A_716] {strides = array<i32>} : memref<80x128xbf16, #tpu.memory_space<vmem>>, vector<32xbf16>,
        %get3A_718 = arith.index_cast %add3A_714 : i32 to index
        %get3A_719 = arith.constant 0 : index
        %get3A_720 = tpu.vector_load %arg11[%get3A_718, %get3A_719] {strides = array<i32>} : memref<80x128xbf16, #tpu.memory_space<vmem>>, vector<32xbf16>,
        %sub3A_721 = arith.subf %get3A_717, %get3A_720 : vector<32xbf16>
        %mul3A_722 = arith.mulf %sub3A_721, %sub3A_721 : vector<32xbf16>
        %unpack3A_723 = tpu.unpack_subelements %mul3A_722, 0 {pack_format = #tpu.pack_format<interleaved>} : vector<32xbf16> -> vector<16xf32>
        %unpack3A_724 = tpu.unpack_subelements %mul3A_722, 1 {pack_format = #tpu.pack_format<interleaved>} : vector<32xbf16> -> vector<16xf32>
        %add3A_725 = arith.addf %unpack3A_723, %unpack3A_724 : vector<16xf32>
        %add3A_726 = arith.constant 8 : i32
        %add3A_727 = arith.addi %mul3A_115, %add3A_726 : i32
        %add3A_728 = arith.constant 0 : i32
        %add3A_729 = arith.addi %add3A_727, %add3A_728 : i32
        %get3A_730 = arith.index_cast %add3A_729 : i32 to index
        %get3A_731 = arith.constant 32 : index
        %get3A_732 = tpu.vector_load %arg10[%get3A_730, %get3A_731] {strides = array<i32>} : memref<80x128xbf16, #tpu.memory_space<vmem>>, vector<32xbf16>,
        %get3A_733 = arith.index_cast %add3A_729 : i32 to index
        %get3A_734 = arith.constant 32 : index
        %get3A_735 = tpu.vector_load %arg11[%get3A_733, %get3A_734] {strides = array<i32>} : memref<80x128xbf16, #tpu.memory_space<vmem>>, vector<32xbf16>,
        %sub3A_736 = arith.subf %get3A_732, %get3A_735 : vector<32xbf16>
        %mul3A_737 = arith.mulf %sub3A_736, %sub3A_736 : vector<32xbf16>
        %unpack3A_738 = tpu.unpack_subelements %mul3A_737, 0 {pack_format = #tpu.pack_format<interleaved>} : vector<32xbf16> -> vector<16xf32>
        %unpack3A_739 = tpu.unpack_subelements %mul3A_737, 1 {pack_format = #tpu.pack_format<interleaved>} : vector<32xbf16> -> vector<16xf32>
        %add3A_740 = arith.addf %unpack3A_738, %unpack3A_739 : vector<16xf32>
        %add3A_741 = arith.addf %add3A_680, %add3A_740 : vector<16xf32>
        %add3A_742 = arith.constant 8 : i32
        %add3A_743 = arith.addi %mul3A_115, %add3A_742 : i32
        %add3A_744 = arith.constant 1 : i32
        %add3A_745 = arith.addi %add3A_743, %add3A_744 : i32
        %get3A_746 = arith.index_cast %add3A_745 : i32 to index
        %get3A_747 = arith.constant 32 : index
        %get3A_748 = tpu.vector_load %arg10[%get3A_746, %get3A_747] {strides = array<i32>} : memref<80x128xbf16, #tpu.memory_space<vmem>>, vector<32xbf16>,
        %get3A_749 = arith.index_cast %add3A_745 : i32 to index
        %get3A_750 = arith.constant 32 : index
        %get3A_751 = tpu.vector_load %arg11[%get3A_749, %get3A_750] {strides = array<i32>} : memref<80x128xbf16, #tpu.memory_space<vmem>>, vector<32xbf16>,
        %sub3A_752 = arith.subf %get3A_748, %get3A_751 : vector<32xbf16>
        %mul3A_753 = arith.mulf %sub3A_752, %sub3A_752 : vector<32xbf16>
        %unpack3A_754 = tpu.unpack_subelements %mul3A_753, 0 {pack_format = #tpu.pack_format<interleaved>} : vector<32xbf16> -> vector<16xf32>
        %unpack3A_755 = tpu.unpack_subelements %mul3A_753, 1 {pack_format = #tpu.pack_format<interleaved>} : vector<32xbf16> -> vector<16xf32>
        %add3A_756 = arith.addf %unpack3A_754, %unpack3A_755 : vector<16xf32>
        %add3A_757 = arith.addf %add3A_695, %add3A_756 : vector<16xf32>
        %add3A_758 = arith.constant 8 : i32
        %add3A_759 = arith.addi %mul3A_115, %add3A_758 : i32
        %add3A_760 = arith.constant 2 : i32
        %add3A_761 = arith.addi %add3A_759, %add3A_760 : i32
        %get3A_762 = arith.index_cast %add3A_761 : i32 to index
        %get3A_763 = arith.constant 32 : index
        %get3A_764 = tpu.vector_load %arg10[%get3A_762, %get3A_763] {strides = array<i32>} : memref<80x128xbf16, #tpu.memory_space<vmem>>, vector<32xbf16>,
        %get3A_765 = arith.index_cast %add3A_761 : i32 to index
        %get3A_766 = arith.constant 32 : index
        %get3A_767 = tpu.vector_load %arg11[%get3A_765, %get3A_766] {strides = array<i32>} : memref<80x128xbf16, #tpu.memory_space<vmem>>, vector<32xbf16>,
        %sub3A_768 = arith.subf %get3A_764, %get3A_767 : vector<32xbf16>
        %mul3A_769 = arith.mulf %sub3A_768, %sub3A_768 : vector<32xbf16>
        %unpack3A_770 = tpu.unpack_subelements %mul3A_769, 0 {pack_format = #tpu.pack_format<interleaved>} : vector<32xbf16> -> vector<16xf32>
        %unpack3A_771 = tpu.unpack_subelements %mul3A_769, 1 {pack_format = #tpu.pack_format<interleaved>} : vector<32xbf16> -> vector<16xf32>
        %add3A_772 = arith.addf %unpack3A_770, %unpack3A_771 : vector<16xf32>
        %add3A_773 = arith.addf %add3A_710, %add3A_772 : vector<16xf32>
        %add3A_774 = arith.constant 8 : i32
        %add3A_775 = arith.addi %mul3A_115, %add3A_774 : i32
        %add3A_776 = arith.constant 3 : i32
        %add3A_777 = arith.addi %add3A_775, %add3A_776 : i32
        %get3A_778 = arith.index_cast %add3A_777 : i32 to index
        %get3A_779 = arith.constant 32 : index
        %get3A_780 = tpu.vector_load %arg10[%get3A_778, %get3A_779] {strides = array<i32>} : memref<80x128xbf16, #tpu.memory_space<vmem>>, vector<32xbf16>,
        %get3A_781 = arith.index_cast %add3A_777 : i32 to index
        %get3A_782 = arith.constant 32 : index
        %get3A_783 = tpu.vector_load %arg11[%get3A_781, %get3A_782] {strides = array<i32>} : memref<80x128xbf16, #tpu.memory_space<vmem>>, vector<32xbf16>,
        %sub3A_784 = arith.subf %get3A_780, %get3A_783 : vector<32xbf16>
        %mul3A_785 = arith.mulf %sub3A_784, %sub3A_784 : vector<32xbf16>
        %unpack3A_786 = tpu.unpack_subelements %mul3A_785, 0 {pack_format = #tpu.pack_format<interleaved>} : vector<32xbf16> -> vector<16xf32>
        %unpack3A_787 = tpu.unpack_subelements %mul3A_785, 1 {pack_format = #tpu.pack_format<interleaved>} : vector<32xbf16> -> vector<16xf32>
        %add3A_788 = arith.addf %unpack3A_786, %unpack3A_787 : vector<16xf32>
        %add3A_789 = arith.addf %add3A_725, %add3A_788 : vector<16xf32>
        %add3A_790 = arith.constant 8 : i32
        %add3A_791 = arith.addi %mul3A_115, %add3A_790 : i32
        %add3A_792 = arith.constant 0 : i32
        %add3A_793 = arith.addi %add3A_791, %add3A_792 : i32
        %get3A_794 = arith.index_cast %add3A_793 : i32 to index
        %get3A_795 = arith.constant 64 : index
        %get3A_796 = tpu.vector_load %arg10[%get3A_794, %get3A_795] {strides = array<i32>} : memref<80x128xbf16, #tpu.memory_space<vmem>>, vector<32xbf16>,
        %get3A_797 = arith.index_cast %add3A_793 : i32 to index
        %get3A_798 = arith.constant 64 : index
        %get3A_799 = tpu.vector_load %arg11[%get3A_797, %get3A_798] {strides = array<i32>} : memref<80x128xbf16, #tpu.memory_space<vmem>>, vector<32xbf16>,
        %sub3A_800 = arith.subf %get3A_796, %get3A_799 : vector<32xbf16>
        %mul3A_801 = arith.mulf %sub3A_800, %sub3A_800 : vector<32xbf16>
        %unpack3A_802 = tpu.unpack_subelements %mul3A_801, 0 {pack_format = #tpu.pack_format<interleaved>} : vector<32xbf16> -> vector<16xf32>
        %unpack3A_803 = tpu.unpack_subelements %mul3A_801, 1 {pack_format = #tpu.pack_format<interleaved>} : vector<32xbf16> -> vector<16xf32>
        %add3A_804 = arith.addf %unpack3A_802, %unpack3A_803 : vector<16xf32>
        %add3A_805 = arith.addf %add3A_741, %add3A_804 : vector<16xf32>
        %add3A_806 = arith.constant 8 : i32
        %add3A_807 = arith.addi %mul3A_115, %add3A_806 : i32
        %add3A_808 = arith.constant 1 : i32
        %add3A_809 = arith.addi %add3A_807, %add3A_808 : i32
        %get3A_810 = arith.index_cast %add3A_809 : i32 to index
        %get3A_811 = arith.constant 64 : index
        %get3A_812 = tpu.vector_load %arg10[%get3A_810, %get3A_811] {strides = array<i32>} : memref<80x128xbf16, #tpu.memory_space<vmem>>, vector<32xbf16>,
        %get3A_813 = arith.index_cast %add3A_809 : i32 to index
        %get3A_814 = arith.constant 64 : index
        %get3A_815 = tpu.vector_load %arg11[%get3A_813, %get3A_814] {strides = array<i32>} : memref<80x128xbf16, #tpu.memory_space<vmem>>, vector<32xbf16>,
        %sub3A_816 = arith.subf %get3A_812, %get3A_815 : vector<32xbf16>
        %mul3A_817 = arith.mulf %sub3A_816, %sub3A_816 : vector<32xbf16>
        %unpack3A_818 = tpu.unpack_subelements %mul3A_817, 0 {pack_format = #tpu.pack_format<interleaved>} : vector<32xbf16> -> vector<16xf32>
        %unpack3A_819 = tpu.unpack_subelements %mul3A_817, 1 {pack_format = #tpu.pack_format<interleaved>} : vector<32xbf16> -> vector<16xf32>
        %add3A_820 = arith.addf %unpack3A_818, %unpack3A_819 : vector<16xf32>
        %add3A_821 = arith.addf %add3A_757, %add3A_820 : vector<16xf32>
        %add3A_822 = arith.constant 8 : i32
        %add3A_823 = arith.addi %mul3A_115, %add3A_822 : i32
        %add3A_824 = arith.constant 2 : i32
        %add3A_825 = arith.addi %add3A_823, %add3A_824 : i32
        %get3A_826 = arith.index_cast %add3A_825 : i32 to index
        %get3A_827 = arith.constant 64 : index
        %get3A_828 = tpu.vector_load %arg10[%get3A_826, %get3A_827] {strides = array<i32>} : memref<80x128xbf16, #tpu.memory_space<vmem>>, vector<32xbf16>,
        %get3A_829 = arith.index_cast %add3A_825 : i32 to index
        %get3A_830 = arith.constant 64 : index
        %get3A_831 = tpu.vector_load %arg11[%get3A_829, %get3A_830] {strides = array<i32>} : memref<80x128xbf16, #tpu.memory_space<vmem>>, vector<32xbf16>,
        %sub3A_832 = arith.subf %get3A_828, %get3A_831 : vector<32xbf16>
        %mul3A_833 = arith.mulf %sub3A_832, %sub3A_832 : vector<32xbf16>
        %unpack3A_834 = tpu.unpack_subelements %mul3A_833, 0 {pack_format = #tpu.pack_format<interleaved>} : vector<32xbf16> -> vector<16xf32>
        %unpack3A_835 = tpu.unpack_subelements %mul3A_833, 1 {pack_format = #tpu.pack_format<interleaved>} : vector<32xbf16> -> vector<16xf32>
        %add3A_836 = arith.addf %unpack3A_834, %unpack3A_835 : vector<16xf32>
        %add3A_837 = arith.addf %add3A_773, %add3A_836 : vector<16xf32>
        %add3A_838 = arith.constant 8 : i32
        %add3A_839 = arith.addi %mul3A_115, %add3A_838 : i32
        %add3A_840 = arith.constant 3 : i32
        %add3A_841 = arith.addi %add3A_839, %add3A_840 : i32
        %get3A_842 = arith.index_cast %add3A_841 : i32 to index
        %get3A_843 = arith.constant 64 : index
        %get3A_844 = tpu.vector_load %arg10[%get3A_842, %get3A_843] {strides = array<i32>} : memref<80x128xbf16, #tpu.memory_space<vmem>>, vector<32xbf16>,
        %get3A_845 = arith.index_cast %add3A_841 : i32 to index
        %get3A_846 = arith.constant 64 : index
        %get3A_847 = tpu.vector_load %arg11[%get3A_845, %get3A_846] {strides = array<i32>} : memref<80x128xbf16, #tpu.memory_space<vmem>>, vector<32xbf16>,
        %sub3A_848 = arith.subf %get3A_844, %get3A_847 : vector<32xbf16>
        %mul3A_849 = arith.mulf %sub3A_848, %sub3A_848 : vector<32xbf16>
        %unpack3A_850 = tpu.unpack_subelements %mul3A_849, 0 {pack_format = #tpu.pack_format<interleaved>} : vector<32xbf16> -> vector<16xf32>
        %unpack3A_851 = tpu.unpack_subelements %mul3A_849, 1 {pack_format = #tpu.pack_format<interleaved>} : vector<32xbf16> -> vector<16xf32>
        %add3A_852 = arith.addf %unpack3A_850, %unpack3A_851 : vector<16xf32>
        %add3A_853 = arith.addf %add3A_789, %add3A_852 : vector<16xf32>
        %add3A_854 = arith.constant 8 : i32
        %add3A_855 = arith.addi %mul3A_115, %add3A_854 : i32
        %add3A_856 = arith.constant 0 : i32
        %add3A_857 = arith.addi %add3A_855, %add3A_856 : i32
        %get3A_858 = arith.index_cast %add3A_857 : i32 to index
        %get3A_859 = arith.constant 96 : index
        %get3A_860 = tpu.vector_load %arg10[%get3A_858, %get3A_859] {strides = array<i32>} : memref<80x128xbf16, #tpu.memory_space<vmem>>, vector<32xbf16>,
        %get3A_861 = arith.index_cast %add3A_857 : i32 to index
        %get3A_862 = arith.constant 96 : index
        %get3A_863 = tpu.vector_load %arg11[%get3A_861, %get3A_862] {strides = array<i32>} : memref<80x128xbf16, #tpu.memory_space<vmem>>, vector<32xbf16>,
        %sub3A_864 = arith.subf %get3A_860, %get3A_863 : vector<32xbf16>
        %mul3A_865 = arith.mulf %sub3A_864, %sub3A_864 : vector<32xbf16>
        %unpack3A_866 = tpu.unpack_subelements %mul3A_865, 0 {pack_format = #tpu.pack_format<interleaved>} : vector<32xbf16> -> vector<16xf32>
        %unpack3A_867 = tpu.unpack_subelements %mul3A_865, 1 {pack_format = #tpu.pack_format<interleaved>} : vector<32xbf16> -> vector<16xf32>
        %add3A_868 = arith.addf %unpack3A_866, %unpack3A_867 : vector<16xf32>
        %add3A_869 = arith.addf %add3A_805, %add3A_868 : vector<16xf32>
        %add3A_870 = arith.constant 8 : i32
        %add3A_871 = arith.addi %mul3A_115, %add3A_870 : i32
        %add3A_872 = arith.constant 1 : i32
        %add3A_873 = arith.addi %add3A_871, %add3A_872 : i32
        %get3A_874 = arith.index_cast %add3A_873 : i32 to index
        %get3A_875 = arith.constant 96 : index
        %get3A_876 = tpu.vector_load %arg10[%get3A_874, %get3A_875] {strides = array<i32>} : memref<80x128xbf16, #tpu.memory_space<vmem>>, vector<32xbf16>,
        %get3A_877 = arith.index_cast %add3A_873 : i32 to index
        %get3A_878 = arith.constant 96 : index
        %get3A_879 = tpu.vector_load %arg11[%get3A_877, %get3A_878] {strides = array<i32>} : memref<80x128xbf16, #tpu.memory_space<vmem>>, vector<32xbf16>,
        %sub3A_880 = arith.subf %get3A_876, %get3A_879 : vector<32xbf16>
        %mul3A_881 = arith.mulf %sub3A_880, %sub3A_880 : vector<32xbf16>
        %unpack3A_882 = tpu.unpack_subelements %mul3A_881, 0 {pack_format = #tpu.pack_format<interleaved>} : vector<32xbf16> -> vector<16xf32>
        %unpack3A_883 = tpu.unpack_subelements %mul3A_881, 1 {pack_format = #tpu.pack_format<interleaved>} : vector<32xbf16> -> vector<16xf32>
        %add3A_884 = arith.addf %unpack3A_882, %unpack3A_883 : vector<16xf32>
        %add3A_885 = arith.addf %add3A_821, %add3A_884 : vector<16xf32>
        %add3A_886 = arith.constant 8 : i32
        %add3A_887 = arith.addi %mul3A_115, %add3A_886 : i32
        %add3A_888 = arith.constant 2 : i32
        %add3A_889 = arith.addi %add3A_887, %add3A_888 : i32
        %get3A_890 = arith.index_cast %add3A_889 : i32 to index
        %get3A_891 = arith.constant 96 : index
        %get3A_892 = tpu.vector_load %arg10[%get3A_890, %get3A_891] {strides = array<i32>} : memref<80x128xbf16, #tpu.memory_space<vmem>>, vector<32xbf16>,
        %get3A_893 = arith.index_cast %add3A_889 : i32 to index
        %get3A_894 = arith.constant 96 : index
        %get3A_895 = tpu.vector_load %arg11[%get3A_893, %get3A_894] {strides = array<i32>} : memref<80x128xbf16, #tpu.memory_space<vmem>>, vector<32xbf16>,
        %sub3A_896 = arith.subf %get3A_892, %get3A_895 : vector<32xbf16>
        %mul3A_897 = arith.mulf %sub3A_896, %sub3A_896 : vector<32xbf16>
        %unpack3A_898 = tpu.unpack_subelements %mul3A_897, 0 {pack_format = #tpu.pack_format<interleaved>} : vector<32xbf16> -> vector<16xf32>
        %unpack3A_899 = tpu.unpack_subelements %mul3A_897, 1 {pack_format = #tpu.pack_format<interleaved>} : vector<32xbf16> -> vector<16xf32>
        %add3A_900 = arith.addf %unpack3A_898, %unpack3A_899 : vector<16xf32>
        %add3A_901 = arith.addf %add3A_837, %add3A_900 : vector<16xf32>
        %add3A_902 = arith.constant 8 : i32
        %add3A_903 = arith.addi %mul3A_115, %add3A_902 : i32
        %add3A_904 = arith.constant 3 : i32
        %add3A_905 = arith.addi %add3A_903, %add3A_904 : i32
        %get3A_906 = arith.index_cast %add3A_905 : i32 to index
        %get3A_907 = arith.constant 96 : index
        %get3A_908 = tpu.vector_load %arg10[%get3A_906, %get3A_907] {strides = array<i32>} : memref<80x128xbf16, #tpu.memory_space<vmem>>, vector<32xbf16>,
        %get3A_909 = arith.index_cast %add3A_905 : i32 to index
        %get3A_910 = arith.constant 96 : index
        %get3A_911 = tpu.vector_load %arg11[%get3A_909, %get3A_910] {strides = array<i32>} : memref<80x128xbf16, #tpu.memory_space<vmem>>, vector<32xbf16>,
        %sub3A_912 = arith.subf %get3A_908, %get3A_911 : vector<32xbf16>
        %mul3A_913 = arith.mulf %sub3A_912, %sub3A_912 : vector<32xbf16>
        %unpack3A_914 = tpu.unpack_subelements %mul3A_913, 0 {pack_format = #tpu.pack_format<interleaved>} : vector<32xbf16> -> vector<16xf32>
        %unpack3A_915 = tpu.unpack_subelements %mul3A_913, 1 {pack_format = #tpu.pack_format<interleaved>} : vector<32xbf16> -> vector<16xf32>
        %add3A_916 = arith.addf %unpack3A_914, %unpack3A_915 : vector<16xf32>
        %add3A_917 = arith.addf %add3A_853, %add3A_916 : vector<16xf32>
        %add3A_918 = arith.constant 8 : i32
        %add3A_919 = vector.broadcast %add3A_918 : i32 to vector<16xi32>
        %add3A_920 = arith.addi %mul3A_140, %add3A_919 : vector<16xi32>
        tpu.vector_store_idx %arg14[%add3A_920], %add3A_869 {add = true} : memref<144xf32, #tpu.memory_space<vmem>>[vector<16xi32>], vector<16xf32>,
        %add3A_921 = arith.constant 9 : i32
        %add3A_922 = vector.broadcast %add3A_921 : i32 to vector<16xi32>
        %add3A_923 = arith.addi %mul3A_140, %add3A_922 : vector<16xi32>
        tpu.vector_store_idx %arg14[%add3A_923], %add3A_885 {add = true} : memref<144xf32, #tpu.memory_space<vmem>>[vector<16xi32>], vector<16xf32>,
        %add3A_924 = arith.constant 10 : i32
        %add3A_925 = vector.broadcast %add3A_924 : i32 to vector<16xi32>
        %add3A_926 = arith.addi %mul3A_140, %add3A_925 : vector<16xi32>
        tpu.vector_store_idx %arg14[%add3A_926], %add3A_901 {add = true} : memref<144xf32, #tpu.memory_space<vmem>>[vector<16xi32>], vector<16xf32>,
        %add3A_927 = arith.constant 11 : i32
        %add3A_928 = vector.broadcast %add3A_927 : i32 to vector<16xi32>
        %add3A_929 = arith.addi %mul3A_140, %add3A_928 : vector<16xi32>
        tpu.vector_store_idx %arg14[%add3A_929], %add3A_917 {add = true} : memref<144xf32, #tpu.memory_space<vmem>>[vector<16xi32>], vector<16xf32>,
        %add3A_930 = arith.constant 12 : i32
        %add3A_931 = arith.addi %mul3A_115, %add3A_930 : i32
        %add3A_932 = arith.constant 0 : i32
        %add3A_933 = arith.addi %add3A_931, %add3A_932 : i32
        %get3A_934 = arith.index_cast %add3A_933 : i32 to index
        %get3A_935 = arith.constant 0 : index
        %get3A_936 = tpu.vector_load %arg10[%get3A_934, %get3A_935] {strides = array<i32>} : memref<80x128xbf16, #tpu.memory_space<vmem>>, vector<32xbf16>,
        %get3A_937 = arith.index_cast %add3A_933 : i32 to index
        %get3A_938 = arith.constant 0 : index
        %get3A_939 = tpu.vector_load %arg11[%get3A_937, %get3A_938] {strides = array<i32>} : memref<80x128xbf16, #tpu.memory_space<vmem>>, vector<32xbf16>,
        %sub3A_940 = arith.subf %get3A_936, %get3A_939 : vector<32xbf16>
        %mul3A_941 = arith.mulf %sub3A_940, %sub3A_940 : vector<32xbf16>
        %unpack3A_942 = tpu.unpack_subelements %mul3A_941, 0 {pack_format = #tpu.pack_format<interleaved>} : vector<32xbf16> -> vector<16xf32>
        %unpack3A_943 = tpu.unpack_subelements %mul3A_941, 1 {pack_format = #tpu.pack_format<interleaved>} : vector<32xbf16> -> vector<16xf32>
        %add3A_944 = arith.addf %unpack3A_942, %unpack3A_943 : vector<16xf32>
        %add3A_945 = arith.constant 12 : i32
        %add3A_946 = arith.addi %mul3A_115, %add3A_945 : i32
        %add3A_947 = arith.constant 1 : i32
        %add3A_948 = arith.addi %add3A_946, %add3A_947 : i32
        %get3A_949 = arith.index_cast %add3A_948 : i32 to index
        %get3A_950 = arith.constant 0 : index
        %get3A_951 = tpu.vector_load %arg10[%get3A_949, %get3A_950] {strides = array<i32>} : memref<80x128xbf16, #tpu.memory_space<vmem>>, vector<32xbf16>,
        %get3A_952 = arith.index_cast %add3A_948 : i32 to index
        %get3A_953 = arith.constant 0 : index
        %get3A_954 = tpu.vector_load %arg11[%get3A_952, %get3A_953] {strides = array<i32>} : memref<80x128xbf16, #tpu.memory_space<vmem>>, vector<32xbf16>,
        %sub3A_955 = arith.subf %get3A_951, %get3A_954 : vector<32xbf16>
        %mul3A_956 = arith.mulf %sub3A_955, %sub3A_955 : vector<32xbf16>
        %unpack3A_957 = tpu.unpack_subelements %mul3A_956, 0 {pack_format = #tpu.pack_format<interleaved>} : vector<32xbf16> -> vector<16xf32>
        %unpack3A_958 = tpu.unpack_subelements %mul3A_956, 1 {pack_format = #tpu.pack_format<interleaved>} : vector<32xbf16> -> vector<16xf32>
        %add3A_959 = arith.addf %unpack3A_957, %unpack3A_958 : vector<16xf32>
        %add3A_960 = arith.constant 12 : i32
        %add3A_961 = arith.addi %mul3A_115, %add3A_960 : i32
        %add3A_962 = arith.constant 2 : i32
        %add3A_963 = arith.addi %add3A_961, %add3A_962 : i32
        %get3A_964 = arith.index_cast %add3A_963 : i32 to index
        %get3A_965 = arith.constant 0 : index
        %get3A_966 = tpu.vector_load %arg10[%get3A_964, %get3A_965] {strides = array<i32>} : memref<80x128xbf16, #tpu.memory_space<vmem>>, vector<32xbf16>,
        %get3A_967 = arith.index_cast %add3A_963 : i32 to index
        %get3A_968 = arith.constant 0 : index
        %get3A_969 = tpu.vector_load %arg11[%get3A_967, %get3A_968] {strides = array<i32>} : memref<80x128xbf16, #tpu.memory_space<vmem>>, vector<32xbf16>,
        %sub3A_970 = arith.subf %get3A_966, %get3A_969 : vector<32xbf16>
        %mul3A_971 = arith.mulf %sub3A_970, %sub3A_970 : vector<32xbf16>
        %unpack3A_972 = tpu.unpack_subelements %mul3A_971, 0 {pack_format = #tpu.pack_format<interleaved>} : vector<32xbf16> -> vector<16xf32>
        %unpack3A_973 = tpu.unpack_subelements %mul3A_971, 1 {pack_format = #tpu.pack_format<interleaved>} : vector<32xbf16> -> vector<16xf32>
        %add3A_974 = arith.addf %unpack3A_972, %unpack3A_973 : vector<16xf32>
        %add3A_975 = arith.constant 12 : i32
        %add3A_976 = arith.addi %mul3A_115, %add3A_975 : i32
        %add3A_977 = arith.constant 3 : i32
        %add3A_978 = arith.addi %add3A_976, %add3A_977 : i32
        %get3A_979 = arith.index_cast %add3A_978 : i32 to index
        %get3A_980 = arith.constant 0 : index
        %get3A_981 = tpu.vector_load %arg10[%get3A_979, %get3A_980] {strides = array<i32>} : memref<80x128xbf16, #tpu.memory_space<vmem>>, vector<32xbf16>,
        %get3A_982 = arith.index_cast %add3A_978 : i32 to index
        %get3A_983 = arith.constant 0 : index
        %get3A_984 = tpu.vector_load %arg11[%get3A_982, %get3A_983] {strides = array<i32>} : memref<80x128xbf16, #tpu.memory_space<vmem>>, vector<32xbf16>,
        %sub3A_985 = arith.subf %get3A_981, %get3A_984 : vector<32xbf16>
        %mul3A_986 = arith.mulf %sub3A_985, %sub3A_985 : vector<32xbf16>
        %unpack3A_987 = tpu.unpack_subelements %mul3A_986, 0 {pack_format = #tpu.pack_format<interleaved>} : vector<32xbf16> -> vector<16xf32>
        %unpack3A_988 = tpu.unpack_subelements %mul3A_986, 1 {pack_format = #tpu.pack_format<interleaved>} : vector<32xbf16> -> vector<16xf32>
        %add3A_989 = arith.addf %unpack3A_987, %unpack3A_988 : vector<16xf32>
        %add3A_990 = arith.constant 12 : i32
        %add3A_991 = arith.addi %mul3A_115, %add3A_990 : i32
        %add3A_992 = arith.constant 0 : i32
        %add3A_993 = arith.addi %add3A_991, %add3A_992 : i32
        %get3A_994 = arith.index_cast %add3A_993 : i32 to index
        %get3A_995 = arith.constant 32 : index
        %get3A_996 = tpu.vector_load %arg10[%get3A_994, %get3A_995] {strides = array<i32>} : memref<80x128xbf16, #tpu.memory_space<vmem>>, vector<32xbf16>,
        %get3A_997 = arith.index_cast %add3A_993 : i32 to index
        %get3A_998 = arith.constant 32 : index
        %get3A_999 = tpu.vector_load %arg11[%get3A_997, %get3A_998] {strides = array<i32>} : memref<80x128xbf16, #tpu.memory_space<vmem>>, vector<32xbf16>,
        %sub3A_1000 = arith.subf %get3A_996, %get3A_999 : vector<32xbf16>
        %mul3A_1001 = arith.mulf %sub3A_1000, %sub3A_1000 : vector<32xbf16>
        %unpack3A_1002 = tpu.unpack_subelements %mul3A_1001, 0 {pack_format = #tpu.pack_format<interleaved>} : vector<32xbf16> -> vector<16xf32>
        %unpack3A_1003 = tpu.unpack_subelements %mul3A_1001, 1 {pack_format = #tpu.pack_format<interleaved>} : vector<32xbf16> -> vector<16xf32>
        %add3A_1004 = arith.addf %unpack3A_1002, %unpack3A_1003 : vector<16xf32>
        %add3A_1005 = arith.addf %add3A_944, %add3A_1004 : vector<16xf32>
        %add3A_1006 = arith.constant 12 : i32
        %add3A_1007 = arith.addi %mul3A_115, %add3A_1006 : i32
        %add3A_1008 = arith.constant 1 : i32
        %add3A_1009 = arith.addi %add3A_1007, %add3A_1008 : i32
        %get3A_1010 = arith.index_cast %add3A_1009 : i32 to index
        %get3A_1011 = arith.constant 32 : index
        %get3A_1012 = tpu.vector_load %arg10[%get3A_1010, %get3A_1011] {strides = array<i32>} : memref<80x128xbf16, #tpu.memory_space<vmem>>, vector<32xbf16>,
        %get3A_1013 = arith.index_cast %add3A_1009 : i32 to index
        %get3A_1014 = arith.constant 32 : index
        %get3A_1015 = tpu.vector_load %arg11[%get3A_1013, %get3A_1014] {strides = array<i32>} : memref<80x128xbf16, #tpu.memory_space<vmem>>, vector<32xbf16>,
        %sub3A_1016 = arith.subf %get3A_1012, %get3A_1015 : vector<32xbf16>
        %mul3A_1017 = arith.mulf %sub3A_1016, %sub3A_1016 : vector<32xbf16>
        %unpack3A_1018 = tpu.unpack_subelements %mul3A_1017, 0 {pack_format = #tpu.pack_format<interleaved>} : vector<32xbf16> -> vector<16xf32>
        %unpack3A_1019 = tpu.unpack_subelements %mul3A_1017, 1 {pack_format = #tpu.pack_format<interleaved>} : vector<32xbf16> -> vector<16xf32>
        %add3A_1020 = arith.addf %unpack3A_1018, %unpack3A_1019 : vector<16xf32>
        %add3A_1021 = arith.addf %add3A_959, %add3A_1020 : vector<16xf32>
        %add3A_1022 = arith.constant 12 : i32
        %add3A_1023 = arith.addi %mul3A_115, %add3A_1022 : i32
        %add3A_1024 = arith.constant 2 : i32
        %add3A_1025 = arith.addi %add3A_1023, %add3A_1024 : i32
        %get3A_1026 = arith.index_cast %add3A_1025 : i32 to index
        %get3A_1027 = arith.constant 32 : index
        %get3A_1028 = tpu.vector_load %arg10[%get3A_1026, %get3A_1027] {strides = array<i32>} : memref<80x128xbf16, #tpu.memory_space<vmem>>, vector<32xbf16>,
        %get3A_1029 = arith.index_cast %add3A_1025 : i32 to index
        %get3A_1030 = arith.constant 32 : index
        %get3A_1031 = tpu.vector_load %arg11[%get3A_1029, %get3A_1030] {strides = array<i32>} : memref<80x128xbf16, #tpu.memory_space<vmem>>, vector<32xbf16>,
        %sub3A_1032 = arith.subf %get3A_1028, %get3A_1031 : vector<32xbf16>
        %mul3A_1033 = arith.mulf %sub3A_1032, %sub3A_1032 : vector<32xbf16>
        %unpack3A_1034 = tpu.unpack_subelements %mul3A_1033, 0 {pack_format = #tpu.pack_format<interleaved>} : vector<32xbf16> -> vector<16xf32>
        %unpack3A_1035 = tpu.unpack_subelements %mul3A_1033, 1 {pack_format = #tpu.pack_format<interleaved>} : vector<32xbf16> -> vector<16xf32>
        %add3A_1036 = arith.addf %unpack3A_1034, %unpack3A_1035 : vector<16xf32>
        %add3A_1037 = arith.addf %add3A_974, %add3A_1036 : vector<16xf32>
        %add3A_1038 = arith.constant 12 : i32
        %add3A_1039 = arith.addi %mul3A_115, %add3A_1038 : i32
        %add3A_1040 = arith.constant 3 : i32
        %add3A_1041 = arith.addi %add3A_1039, %add3A_1040 : i32
        %get3A_1042 = arith.index_cast %add3A_1041 : i32 to index
        %get3A_1043 = arith.constant 32 : index
        %get3A_1044 = tpu.vector_load %arg10[%get3A_1042, %get3A_1043] {strides = array<i32>} : memref<80x128xbf16, #tpu.memory_space<vmem>>, vector<32xbf16>,
        %get3A_1045 = arith.index_cast %add3A_1041 : i32 to index
        %get3A_1046 = arith.constant 32 : index
        %get3A_1047 = tpu.vector_load %arg11[%get3A_1045, %get3A_1046] {strides = array<i32>} : memref<80x128xbf16, #tpu.memory_space<vmem>>, vector<32xbf16>,
        %sub3A_1048 = arith.subf %get3A_1044, %get3A_1047 : vector<32xbf16>
        %mul3A_1049 = arith.mulf %sub3A_1048, %sub3A_1048 : vector<32xbf16>
        %unpack3A_1050 = tpu.unpack_subelements %mul3A_1049, 0 {pack_format = #tpu.pack_format<interleaved>} : vector<32xbf16> -> vector<16xf32>
        %unpack3A_1051 = tpu.unpack_subelements %mul3A_1049, 1 {pack_format = #tpu.pack_format<interleaved>} : vector<32xbf16> -> vector<16xf32>
        %add3A_1052 = arith.addf %unpack3A_1050, %unpack3A_1051 : vector<16xf32>
        %add3A_1053 = arith.addf %add3A_989, %add3A_1052 : vector<16xf32>
        %add3A_1054 = arith.constant 12 : i32
        %add3A_1055 = arith.addi %mul3A_115, %add3A_1054 : i32
        %add3A_1056 = arith.constant 0 : i32
        %add3A_1057 = arith.addi %add3A_1055, %add3A_1056 : i32
        %get3A_1058 = arith.index_cast %add3A_1057 : i32 to index
        %get3A_1059 = arith.constant 64 : index
        %get3A_1060 = tpu.vector_load %arg10[%get3A_1058, %get3A_1059] {strides = array<i32>} : memref<80x128xbf16, #tpu.memory_space<vmem>>, vector<32xbf16>,
        %get3A_1061 = arith.index_cast %add3A_1057 : i32 to index
        %get3A_1062 = arith.constant 64 : index
        %get3A_1063 = tpu.vector_load %arg11[%get3A_1061, %get3A_1062] {strides = array<i32>} : memref<80x128xbf16, #tpu.memory_space<vmem>>, vector<32xbf16>,
        %sub3A_1064 = arith.subf %get3A_1060, %get3A_1063 : vector<32xbf16>
        %mul3A_1065 = arith.mulf %sub3A_1064, %sub3A_1064 : vector<32xbf16>
        %unpack3A_1066 = tpu.unpack_subelements %mul3A_1065, 0 {pack_format = #tpu.pack_format<interleaved>} : vector<32xbf16> -> vector<16xf32>
        %unpack3A_1067 = tpu.unpack_subelements %mul3A_1065, 1 {pack_format = #tpu.pack_format<interleaved>} : vector<32xbf16> -> vector<16xf32>
        %add3A_1068 = arith.addf %unpack3A_1066, %unpack3A_1067 : vector<16xf32>
        %add3A_1069 = arith.addf %add3A_1005, %add3A_1068 : vector<16xf32>
        %add3A_1070 = arith.constant 12 : i32
        %add3A_1071 = arith.addi %mul3A_115, %add3A_1070 : i32
        %add3A_1072 = arith.constant 1 : i32
        %add3A_1073 = arith.addi %add3A_1071, %add3A_1072 : i32
        %get3A_1074 = arith.index_cast %add3A_1073 : i32 to index
        %get3A_1075 = arith.constant 64 : index
        %get3A_1076 = tpu.vector_load %arg10[%get3A_1074, %get3A_1075] {strides = array<i32>} : memref<80x128xbf16, #tpu.memory_space<vmem>>, vector<32xbf16>,
        %get3A_1077 = arith.index_cast %add3A_1073 : i32 to index
        %get3A_1078 = arith.constant 64 : index
        %get3A_1079 = tpu.vector_load %arg11[%get3A_1077, %get3A_1078] {strides = array<i32>} : memref<80x128xbf16, #tpu.memory_space<vmem>>, vector<32xbf16>,
        %sub3A_1080 = arith.subf %get3A_1076, %get3A_1079 : vector<32xbf16>
        %mul3A_1081 = arith.mulf %sub3A_1080, %sub3A_1080 : vector<32xbf16>
        %unpack3A_1082 = tpu.unpack_subelements %mul3A_1081, 0 {pack_format = #tpu.pack_format<interleaved>} : vector<32xbf16> -> vector<16xf32>
        %unpack3A_1083 = tpu.unpack_subelements %mul3A_1081, 1 {pack_format = #tpu.pack_format<interleaved>} : vector<32xbf16> -> vector<16xf32>
        %add3A_1084 = arith.addf %unpack3A_1082, %unpack3A_1083 : vector<16xf32>
        %add3A_1085 = arith.addf %add3A_1021, %add3A_1084 : vector<16xf32>
        %add3A_1086 = arith.constant 12 : i32
        %add3A_1087 = arith.addi %mul3A_115, %add3A_1086 : i32
        %add3A_1088 = arith.constant 2 : i32
        %add3A_1089 = arith.addi %add3A_1087, %add3A_1088 : i32
        %get3A_1090 = arith.index_cast %add3A_1089 : i32 to index
        %get3A_1091 = arith.constant 64 : index
        %get3A_1092 = tpu.vector_load %arg10[%get3A_1090, %get3A_1091] {strides = array<i32>} : memref<80x128xbf16, #tpu.memory_space<vmem>>, vector<32xbf16>,
        %get3A_1093 = arith.index_cast %add3A_1089 : i32 to index
        %get3A_1094 = arith.constant 64 : index
        %get3A_1095 = tpu.vector_load %arg11[%get3A_1093, %get3A_1094] {strides = array<i32>} : memref<80x128xbf16, #tpu.memory_space<vmem>>, vector<32xbf16>,
        %sub3A_1096 = arith.subf %get3A_1092, %get3A_1095 : vector<32xbf16>
        %mul3A_1097 = arith.mulf %sub3A_1096, %sub3A_1096 : vector<32xbf16>
        %unpack3A_1098 = tpu.unpack_subelements %mul3A_1097, 0 {pack_format = #tpu.pack_format<interleaved>} : vector<32xbf16> -> vector<16xf32>
        %unpack3A_1099 = tpu.unpack_subelements %mul3A_1097, 1 {pack_format = #tpu.pack_format<interleaved>} : vector<32xbf16> -> vector<16xf32>
        %add3A_1100 = arith.addf %unpack3A_1098, %unpack3A_1099 : vector<16xf32>
        %add3A_1101 = arith.addf %add3A_1037, %add3A_1100 : vector<16xf32>
        %add3A_1102 = arith.constant 12 : i32
        %add3A_1103 = arith.addi %mul3A_115, %add3A_1102 : i32
        %add3A_1104 = arith.constant 3 : i32
        %add3A_1105 = arith.addi %add3A_1103, %add3A_1104 : i32
        %get3A_1106 = arith.index_cast %add3A_1105 : i32 to index
        %get3A_1107 = arith.constant 64 : index
        %get3A_1108 = tpu.vector_load %arg10[%get3A_1106, %get3A_1107] {strides = array<i32>} : memref<80x128xbf16, #tpu.memory_space<vmem>>, vector<32xbf16>,
        %get3A_1109 = arith.index_cast %add3A_1105 : i32 to index
        %get3A_1110 = arith.constant 64 : index
        %get3A_1111 = tpu.vector_load %arg11[%get3A_1109, %get3A_1110] {strides = array<i32>} : memref<80x128xbf16, #tpu.memory_space<vmem>>, vector<32xbf16>,
        %sub3A_1112 = arith.subf %get3A_1108, %get3A_1111 : vector<32xbf16>
        %mul3A_1113 = arith.mulf %sub3A_1112, %sub3A_1112 : vector<32xbf16>
        %unpack3A_1114 = tpu.unpack_subelements %mul3A_1113, 0 {pack_format = #tpu.pack_format<interleaved>} : vector<32xbf16> -> vector<16xf32>
        %unpack3A_1115 = tpu.unpack_subelements %mul3A_1113, 1 {pack_format = #tpu.pack_format<interleaved>} : vector<32xbf16> -> vector<16xf32>
        %add3A_1116 = arith.addf %unpack3A_1114, %unpack3A_1115 : vector<16xf32>
        %add3A_1117 = arith.addf %add3A_1053, %add3A_1116 : vector<16xf32>
        %add3A_1118 = arith.constant 12 : i32
        %add3A_1119 = arith.addi %mul3A_115, %add3A_1118 : i32
        %add3A_1120 = arith.constant 0 : i32
        %add3A_1121 = arith.addi %add3A_1119, %add3A_1120 : i32
        %get3A_1122 = arith.index_cast %add3A_1121 : i32 to index
        %get3A_1123 = arith.constant 96 : index
        %get3A_1124 = tpu.vector_load %arg10[%get3A_1122, %get3A_1123] {strides = array<i32>} : memref<80x128xbf16, #tpu.memory_space<vmem>>, vector<32xbf16>,
        %get3A_1125 = arith.index_cast %add3A_1121 : i32 to index
        %get3A_1126 = arith.constant 96 : index
        %get3A_1127 = tpu.vector_load %arg11[%get3A_1125, %get3A_1126] {strides = array<i32>} : memref<80x128xbf16, #tpu.memory_space<vmem>>, vector<32xbf16>,
        %sub3A_1128 = arith.subf %get3A_1124, %get3A_1127 : vector<32xbf16>
        %mul3A_1129 = arith.mulf %sub3A_1128, %sub3A_1128 : vector<32xbf16>
        %unpack3A_1130 = tpu.unpack_subelements %mul3A_1129, 0 {pack_format = #tpu.pack_format<interleaved>} : vector<32xbf16> -> vector<16xf32>
        %unpack3A_1131 = tpu.unpack_subelements %mul3A_1129, 1 {pack_format = #tpu.pack_format<interleaved>} : vector<32xbf16> -> vector<16xf32>
        %add3A_1132 = arith.addf %unpack3A_1130, %unpack3A_1131 : vector<16xf32>
        %add3A_1133 = arith.addf %add3A_1069, %add3A_1132 : vector<16xf32>
        %add3A_1134 = arith.constant 12 : i32
        %add3A_1135 = arith.addi %mul3A_115, %add3A_1134 : i32
        %add3A_1136 = arith.constant 1 : i32
        %add3A_1137 = arith.addi %add3A_1135, %add3A_1136 : i32
        %get3A_1138 = arith.index_cast %add3A_1137 : i32 to index
        %get3A_1139 = arith.constant 96 : index
        %get3A_1140 = tpu.vector_load %arg10[%get3A_1138, %get3A_1139] {strides = array<i32>} : memref<80x128xbf16, #tpu.memory_space<vmem>>, vector<32xbf16>,
        %get3A_1141 = arith.index_cast %add3A_1137 : i32 to index
        %get3A_1142 = arith.constant 96 : index
        %get3A_1143 = tpu.vector_load %arg11[%get3A_1141, %get3A_1142] {strides = array<i32>} : memref<80x128xbf16, #tpu.memory_space<vmem>>, vector<32xbf16>,
        %sub3A_1144 = arith.subf %get3A_1140, %get3A_1143 : vector<32xbf16>
        %mul3A_1145 = arith.mulf %sub3A_1144, %sub3A_1144 : vector<32xbf16>
        %unpack3A_1146 = tpu.unpack_subelements %mul3A_1145, 0 {pack_format = #tpu.pack_format<interleaved>} : vector<32xbf16> -> vector<16xf32>
        %unpack3A_1147 = tpu.unpack_subelements %mul3A_1145, 1 {pack_format = #tpu.pack_format<interleaved>} : vector<32xbf16> -> vector<16xf32>
        %add3A_1148 = arith.addf %unpack3A_1146, %unpack3A_1147 : vector<16xf32>
        %add3A_1149 = arith.addf %add3A_1085, %add3A_1148 : vector<16xf32>
        %add3A_1150 = arith.constant 12 : i32
        %add3A_1151 = arith.addi %mul3A_115, %add3A_1150 : i32
        %add3A_1152 = arith.constant 2 : i32
        %add3A_1153 = arith.addi %add3A_1151, %add3A_1152 : i32
        %get3A_1154 = arith.index_cast %add3A_1153 : i32 to index
        %get3A_1155 = arith.constant 96 : index
        %get3A_1156 = tpu.vector_load %arg10[%get3A_1154, %get3A_1155] {strides = array<i32>} : memref<80x128xbf16, #tpu.memory_space<vmem>>, vector<32xbf16>,
        %get3A_1157 = arith.index_cast %add3A_1153 : i32 to index
        %get3A_1158 = arith.constant 96 : index
        %get3A_1159 = tpu.vector_load %arg11[%get3A_1157, %get3A_1158] {strides = array<i32>} : memref<80x128xbf16, #tpu.memory_space<vmem>>, vector<32xbf16>,
        %sub3A_1160 = arith.subf %get3A_1156, %get3A_1159 : vector<32xbf16>
        %mul3A_1161 = arith.mulf %sub3A_1160, %sub3A_1160 : vector<32xbf16>
        %unpack3A_1162 = tpu.unpack_subelements %mul3A_1161, 0 {pack_format = #tpu.pack_format<interleaved>} : vector<32xbf16> -> vector<16xf32>
        %unpack3A_1163 = tpu.unpack_subelements %mul3A_1161, 1 {pack_format = #tpu.pack_format<interleaved>} : vector<32xbf16> -> vector<16xf32>
        %add3A_1164 = arith.addf %unpack3A_1162, %unpack3A_1163 : vector<16xf32>
        %add3A_1165 = arith.addf %add3A_1101, %add3A_1164 : vector<16xf32>
        %add3A_1166 = arith.constant 12 : i32
        %add3A_1167 = arith.addi %mul3A_115, %add3A_1166 : i32
        %add3A_1168 = arith.constant 3 : i32
        %add3A_1169 = arith.addi %add3A_1167, %add3A_1168 : i32
        %get3A_1170 = arith.index_cast %add3A_1169 : i32 to index
        %get3A_1171 = arith.constant 96 : index
        %get3A_1172 = tpu.vector_load %arg10[%get3A_1170, %get3A_1171] {strides = array<i32>} : memref<80x128xbf16, #tpu.memory_space<vmem>>, vector<32xbf16>,
        %get3A_1173 = arith.index_cast %add3A_1169 : i32 to index
        %get3A_1174 = arith.constant 96 : index
        %get3A_1175 = tpu.vector_load %arg11[%get3A_1173, %get3A_1174] {strides = array<i32>} : memref<80x128xbf16, #tpu.memory_space<vmem>>, vector<32xbf16>,
        %sub3A_1176 = arith.subf %get3A_1172, %get3A_1175 : vector<32xbf16>
        %mul3A_1177 = arith.mulf %sub3A_1176, %sub3A_1176 : vector<32xbf16>
        %unpack3A_1178 = tpu.unpack_subelements %mul3A_1177, 0 {pack_format = #tpu.pack_format<interleaved>} : vector<32xbf16> -> vector<16xf32>
        %unpack3A_1179 = tpu.unpack_subelements %mul3A_1177, 1 {pack_format = #tpu.pack_format<interleaved>} : vector<32xbf16> -> vector<16xf32>
        %add3A_1180 = arith.addf %unpack3A_1178, %unpack3A_1179 : vector<16xf32>
        %add3A_1181 = arith.addf %add3A_1117, %add3A_1180 : vector<16xf32>
        %add3A_1182 = arith.constant 12 : i32
        %add3A_1183 = vector.broadcast %add3A_1182 : i32 to vector<16xi32>
        %add3A_1184 = arith.addi %mul3A_140, %add3A_1183 : vector<16xi32>
        tpu.vector_store_idx %arg14[%add3A_1184], %add3A_1133 {add = true} : memref<144xf32, #tpu.memory_space<vmem>>[vector<16xi32>], vector<16xf32>,
        %add3A_1185 = arith.constant 13 : i32
        %add3A_1186 = vector.broadcast %add3A_1185 : i32 to vector<16xi32>
        %add3A_1187 = arith.addi %mul3A_140, %add3A_1186 : vector<16xi32>
        tpu.vector_store_idx %arg14[%add3A_1187], %add3A_1149 {add = true} : memref<144xf32, #tpu.memory_space<vmem>>[vector<16xi32>], vector<16xf32>,
        %add3A_1188 = arith.constant 14 : i32
        %add3A_1189 = vector.broadcast %add3A_1188 : i32 to vector<16xi32>
        %add3A_1190 = arith.addi %mul3A_140, %add3A_1189 : vector<16xi32>
        tpu.vector_store_idx %arg14[%add3A_1190], %add3A_1165 {add = true} : memref<144xf32, #tpu.memory_space<vmem>>[vector<16xi32>], vector<16xf32>,
        %add3A_1191 = arith.constant 15 : i32
        %add3A_1192 = vector.broadcast %add3A_1191 : i32 to vector<16xi32>
        %add3A_1193 = arith.addi %mul3A_140, %add3A_1192 : vector<16xi32>
        tpu.vector_store_idx %arg14[%add3A_1193], %add3A_1181 {add = true} : memref<144xf32, #tpu.memory_space<vmem>>[vector<16xi32>], vector<16xf32>,
        %get3A_1194 = arith.constant 0 : index
        %get3A_1195 = tpu.vector_load %arg14[%get3A_1194] {strides = array<i32>} : memref<144xf32, #tpu.memory_space<vmem>>, vector<16xf32>,
        %get3A_1196 = arith.constant 17 : index
        %get3A_1197 = tpu.vector_load %arg14[%get3A_1196] {strides = array<i32>} : memref<144xf32, #tpu.memory_space<vmem>>, vector<16xf32>,
        %add3A_1198 = arith.addf %get3A_1195, %get3A_1197 : vector<16xf32>
        %get3A_1199 = arith.constant 34 : index
        %get3A_1200 = tpu.vector_load %arg14[%get3A_1199] {strides = array<i32>} : memref<144xf32, #tpu.memory_space<vmem>>, vector<16xf32>,
        %get3A_1201 = arith.constant 51 : index
        %get3A_1202 = tpu.vector_load %arg14[%get3A_1201] {strides = array<i32>} : memref<144xf32, #tpu.memory_space<vmem>>, vector<16xf32>,
        %add3A_1203 = arith.addf %get3A_1200, %get3A_1202 : vector<16xf32>
        %add3A_1204 = arith.addf %add3A_1198, %add3A_1203 : vector<16xf32>
        %get3A_1205 = arith.constant 68 : index
        %get3A_1206 = tpu.vector_load %arg14[%get3A_1205] {strides = array<i32>} : memref<144xf32, #tpu.memory_space<vmem>>, vector<16xf32>,
        %get3A_1207 = arith.constant 85 : index
        %get3A_1208 = tpu.vector_load %arg14[%get3A_1207] {strides = array<i32>} : memref<144xf32, #tpu.memory_space<vmem>>, vector<16xf32>,
        %add3A_1209 = arith.addf %get3A_1206, %get3A_1208 : vector<16xf32>
        %get3A_1210 = arith.constant 102 : index
        %get3A_1211 = tpu.vector_load %arg14[%get3A_1210] {strides = array<i32>} : memref<144xf32, #tpu.memory_space<vmem>>, vector<16xf32>,
        %get3A_1212 = arith.constant 119 : index
        %get3A_1213 = tpu.vector_load %arg14[%get3A_1212] {strides = array<i32>} : memref<144xf32, #tpu.memory_space<vmem>>, vector<16xf32>,
        %add3A_1214 = arith.addf %get3A_1211, %get3A_1213 : vector<16xf32>
        %add3A_1215 = arith.addf %add3A_1209, %add3A_1214 : vector<16xf32>
        %add3A_1216 = arith.addf %add3A_1204, %add3A_1215 : vector<16xf32>
        %mul3A_1217 = arith.constant 16 : i32
        %mul3A_1218 = arith.muli %scan3A_109, %mul3A_1217 : i32
        %add3A_1219 = arith.addi %mul3A_70, %mul3A_1218 : i32
        %get3A_1220 = arith.index_cast %add3A_1219 : i32 to index
        %get3A_1221 = tpu.vector_load %arg7[%get3A_1220] {strides = array<i32>} : memref<10000xi32, #tpu.memory_space<vmem>>, vector<16xi32>,
        %mul3A_1222 = arith.constant 16 : i32
        %mul3A_1223 = arith.muli %scan3A_109, %mul3A_1222 : i32
        %add3A_1224 = arith.addi %mul3A_70, %mul3A_1223 : i32
        %get3A_1225 = arith.index_cast %add3A_1224 : i32 to index
        %get3A_1226 = tpu.vector_load %arg8[%get3A_1225] {strides = array<i32>} : memref<10000xi32, #tpu.memory_space<vmem>>, vector<16xi32>,
        %gather3A = tpu.vector_load_idx %arg9[%get3A_1221] : memref<10000xf32, #tpu.memory_space<vmem>>[vector<16xi32>], vector<16xf32>,
        %gather3A_1227 = tpu.vector_load_idx %arg9[%get3A_1226] : memref<10000xf32, #tpu.memory_space<vmem>>[vector<16xi32>], vector<16xf32>,
        %ge3A = arith.constant 8.000000e-01 : f32
        %ge3A_1228 = vector.broadcast %ge3A : f32 to vector<16xf32>
        %ge3A_1229 = arith.cmpf oge, %gather3A, %ge3A_1228 : vector<16xf32>
        %ge3A_1230 = arith.constant 8.000000e-01 : f32
        %ge3A_1231 = vector.broadcast %ge3A_1230 : f32 to vector<16xf32>
        %ge3A_1232 = arith.cmpf oge, %gather3A_1227, %ge3A_1231 : vector<16xf32>
        %lt3A = arith.constant 6.000000e-01 : f32
        %lt3A_1233 = vector.broadcast %lt3A : f32 to vector<16xf32>
        %lt3A_1234 = arith.cmpf olt, %gather3A, %lt3A_1233 : vector<16xf32>
        %lt3A_1235 = arith.constant 6.000000e-01 : f32
        %lt3A_1236 = vector.broadcast %lt3A_1235 : f32 to vector<16xf32>
        %lt3A_1237 = arith.cmpf olt, %gather3A_1227, %lt3A_1236 : vector<16xf32>
        %and3A_1238 = arith.andi %ge3A_1229, %ge3A_1232 : vector<16xi1>
        %and3A_1239 = arith.andi %lt3A_1234, %lt3A_1237 : vector<16xi1>
        %or3A = arith.ori %and3A_1238, %and3A_1239 : vector<16xi1>
        %and3A_1240 = arith.andi %ge3A_1229, %lt3A_1237 : vector<16xi1>
        %and3A_1241 = arith.andi %ge3A_1232, %lt3A_1234 : vector<16xi1>
        %or3A_1242 = arith.ori %and3A_1240, %and3A_1241 : vector<16xi1>
        %gt3A = arith.constant 9.99999991E-38 : f32
        %gt3A_1243 = vector.broadcast %gt3A : f32 to vector<16xf32>
        %gt3A_1244 = arith.cmpf ogt, %add3A_1216, %gt3A_1243 : vector<16xf32>
        %bitcast3A = vector.bitcast %add3A_1216 : vector<16xf32> to vector<16xi32>
        %shift_right_logical3A = arith.constant 1 : i32
        %shift_right_logical3A_1245 = vector.broadcast %shift_right_logical3A : i32 to vector<16xi32>
        %shift_right_logical3A_1246 = arith.shrui %bitcast3A, %shift_right_logical3A_1245 : vector<16xi32>
        %sub3A_1247 = arith.constant 1597463007 : i32
        %sub3A_1248 = vector.broadcast %sub3A_1247 : i32 to vector<16xi32>
        %sub3A_1249 = arith.subi %sub3A_1248, %shift_right_logical3A_1246 : vector<16xi32>
        %bitcast3A_1250 = vector.bitcast %sub3A_1249 : vector<16xi32> to vector<16xf32>
        %mul3A_1251 = arith.constant 5.000000e-01 : f32
        %mul3A_1252 = vector.broadcast %mul3A_1251 : f32 to vector<16xf32>
        %mul3A_1253 = arith.mulf %mul3A_1252, %add3A_1216 : vector<16xf32>
        %mul3A_1254 = arith.mulf %mul3A_1253, %bitcast3A_1250 : vector<16xf32>
        %mul3A_1255 = arith.mulf %mul3A_1254, %bitcast3A_1250 : vector<16xf32>
        %sub3A_1256 = arith.constant 1.500000e+00 : f32
        %sub3A_1257 = vector.broadcast %sub3A_1256 : f32 to vector<16xf32>
        %sub3A_1258 = arith.subf %sub3A_1257, %mul3A_1255 : vector<16xf32>
        %mul3A_1259 = arith.mulf %bitcast3A_1250, %sub3A_1258 : vector<16xf32>
        %mul3A_1260 = arith.constant 5.000000e-01 : f32
        %mul3A_1261 = vector.broadcast %mul3A_1260 : f32 to vector<16xf32>
        %mul3A_1262 = arith.mulf %mul3A_1261, %add3A_1216 : vector<16xf32>
        %mul3A_1263 = arith.mulf %mul3A_1262, %mul3A_1259 : vector<16xf32>
        %mul3A_1264 = arith.mulf %mul3A_1263, %mul3A_1259 : vector<16xf32>
        %sub3A_1265 = arith.constant 1.500000e+00 : f32
        %sub3A_1266 = vector.broadcast %sub3A_1265 : f32 to vector<16xf32>
        %sub3A_1267 = arith.subf %sub3A_1266, %mul3A_1264 : vector<16xf32>
        %mul3A_1268 = arith.mulf %mul3A_1259, %sub3A_1267 : vector<16xf32>
        %mul3A_1269 = arith.constant 5.000000e-01 : f32
        %mul3A_1270 = vector.broadcast %mul3A_1269 : f32 to vector<16xf32>
        %mul3A_1271 = arith.mulf %mul3A_1270, %add3A_1216 : vector<16xf32>
        %mul3A_1272 = arith.mulf %mul3A_1271, %mul3A_1268 : vector<16xf32>
        %mul3A_1273 = arith.mulf %mul3A_1272, %mul3A_1268 : vector<16xf32>
        %sub3A_1274 = arith.constant 1.500000e+00 : f32
        %sub3A_1275 = vector.broadcast %sub3A_1274 : f32 to vector<16xf32>
        %sub3A_1276 = arith.subf %sub3A_1275, %mul3A_1273 : vector<16xf32>
        %mul3A_1277 = arith.mulf %mul3A_1268, %sub3A_1276 : vector<16xf32>
        %mul3A_1278 = arith.mulf %add3A_1216, %mul3A_1277 : vector<16xf32>
        %jit3A = arith.constant 0.000000e+00 : f32
        %broadcast_in_dim3A_1279 = vector.broadcast %jit3A : f32 to vector<16xf32>
        %select_n3A = arith.select %gt3A_1244, %mul3A_1278, %broadcast_in_dim3A_1279 : vector<16xi1>, vector<16xf32>
        %neg3A = arith.constant 0.000000e+00 : f32
        %neg3A_1280 = vector.broadcast %neg3A : f32 to vector<16xf32>
        %neg3A_1281 = arith.subf %neg3A_1280, %select_n3A : vector<16xf32>
        %exp3A = math.exp %neg3A_1281 : vector<16xf32>
        %sub3A_1282 = arith.constant 1.000000e+00 : f32
        %sub3A_1283 = vector.broadcast %sub3A_1282 : f32 to vector<16xf32>
        %sub3A_1284 = arith.subf %sub3A_1283, %exp3A : vector<16xf32>
        %max3A = arith.constant 1.000000e-30 : f32
        %max3A_1285 = vector.broadcast %max3A : f32 to vector<16xf32>
        %max3A_1286 = arith.maximumf %sub3A_1284, %max3A_1285 : vector<16xf32>
        %bitcast3A_1287 = vector.bitcast %max3A_1286 : vector<16xf32> to vector<16xi32>
        %shift_right_logical3A_1288 = arith.constant 23 : i32
        %shift_right_logical3A_1289 = vector.broadcast %shift_right_logical3A_1288 : i32 to vector<16xi32>
        %shift_right_logical3A_1290 = arith.shrui %bitcast3A_1287, %shift_right_logical3A_1289 : vector<16xi32>
        %sub3A_1291 = arith.constant 127 : i32
        %sub3A_1292 = vector.broadcast %sub3A_1291 : i32 to vector<16xi32>
        %sub3A_1293 = arith.subi %shift_right_logical3A_1290, %sub3A_1292 : vector<16xi32>
        %and3A_1294 = arith.constant 8388607 : i32
        %and3A_1295 = vector.broadcast %and3A_1294 : i32 to vector<16xi32>
        %and3A_1296 = arith.andi %bitcast3A_1287, %and3A_1295 : vector<16xi32>
        %or3A_1297 = arith.constant 1065353216 : i32
        %or3A_1298 = vector.broadcast %or3A_1297 : i32 to vector<16xi32>
        %or3A_1299 = arith.ori %and3A_1296, %or3A_1298 : vector<16xi32>
        %bitcast3A_1300 = vector.bitcast %or3A_1299 : vector<16xi32> to vector<16xf32>
        %sub3A_1301 = arith.constant 1.500000e+00 : f32
        %sub3A_1302 = vector.broadcast %sub3A_1301 : f32 to vector<16xf32>
        %sub3A_1303 = arith.subf %bitcast3A_1300, %sub3A_1302 : vector<16xf32>
        %broadcast_in_dim3A_1304 = arith.constant -0.00231785467 : f32
        %broadcast_in_dim3A_1305 = vector.broadcast %broadcast_in_dim3A_1304 : f32 to vector<16xf32>
        %mul3A_1306 = arith.mulf %broadcast_in_dim3A_1305, %sub3A_1303 : vector<16xf32>
        %add3A_1307 = arith.constant 0.00375262415 : f32
        %add3A_1308 = vector.broadcast %add3A_1307 : f32 to vector<16xf32>
        %add3A_1309 = arith.addf %mul3A_1306, %add3A_1308 : vector<16xf32>
        %mul3A_1310 = arith.mulf %add3A_1309, %sub3A_1303 : vector<16xf32>
        %add3A_1311 = arith.constant -0.0047028116 : f32
        %add3A_1312 = vector.broadcast %add3A_1311 : f32 to vector<16xf32>
        %add3A_1313 = arith.addf %mul3A_1310, %add3A_1312 : vector<16xf32>
        %mul3A_1314 = arith.mulf %add3A_1313, %sub3A_1303 : vector<16xf32>
        %add3A_1315 = arith.constant 0.00813297741 : f32
        %add3A_1316 = vector.broadcast %add3A_1315 : f32 to vector<16xf32>
        %add3A_1317 = arith.addf %mul3A_1314, %add3A_1316 : vector<16xf32>
        %mul3A_1318 = arith.mulf %add3A_1317, %sub3A_1303 : vector<16xf32>
        %add3A_1319 = arith.constant -0.0146552362 : f32
        %add3A_1320 = vector.broadcast %add3A_1319 : f32 to vector<16xf32>
        %add3A_1321 = arith.addf %mul3A_1318, %add3A_1320 : vector<16xf32>
        %mul3A_1322 = arith.mulf %add3A_1321, %sub3A_1303 : vector<16xf32>
        %add3A_1323 = arith.constant 0.0263631139 : f32
        %add3A_1324 = vector.broadcast %add3A_1323 : f32 to vector<16xf32>
        %add3A_1325 = arith.addf %mul3A_1322, %add3A_1324 : vector<16xf32>
        %mul3A_1326 = arith.mulf %add3A_1325, %sub3A_1303 : vector<16xf32>
        %add3A_1327 = arith.constant -0.0493813232 : f32
        %add3A_1328 = vector.broadcast %add3A_1327 : f32 to vector<16xf32>
        %add3A_1329 = arith.addf %mul3A_1326, %add3A_1328 : vector<16xf32>
        %mul3A_1330 = arith.mulf %add3A_1329, %sub3A_1303 : vector<16xf32>
        %add3A_1331 = arith.constant 0.098764263 : f32
        %add3A_1332 = vector.broadcast %add3A_1331 : f32 to vector<16xf32>
        %add3A_1333 = arith.addf %mul3A_1330, %add3A_1332 : vector<16xf32>
        %mul3A_1334 = arith.mulf %add3A_1333, %sub3A_1303 : vector<16xf32>
        %add3A_1335 = arith.constant -0.222222254 : f32
        %add3A_1336 = vector.broadcast %add3A_1335 : f32 to vector<16xf32>
        %add3A_1337 = arith.addf %mul3A_1334, %add3A_1336 : vector<16xf32>
        %mul3A_1338 = arith.mulf %add3A_1337, %sub3A_1303 : vector<16xf32>
        %add3A_1339 = arith.constant 0.666666686 : f32
        %add3A_1340 = vector.broadcast %add3A_1339 : f32 to vector<16xf32>
        %add3A_1341 = arith.addf %mul3A_1338, %add3A_1340 : vector<16xf32>
        %mul3A_1342 = arith.mulf %add3A_1341, %sub3A_1303 : vector<16xf32>
        %add3A_1343 = arith.constant 0.405465096 : f32
        %add3A_1344 = vector.broadcast %add3A_1343 : f32 to vector<16xf32>
        %add3A_1345 = arith.addf %mul3A_1342, %add3A_1344 : vector<16xf32>
        %convert_element_type3A = arith.sitofp %sub3A_1293 : vector<16xi32> to vector<16xf32>
        %mul3A_1346 = arith.constant 0.693147182 : f32
        %mul3A_1347 = vector.broadcast %mul3A_1346 : f32 to vector<16xf32>
        %mul3A_1348 = arith.mulf %convert_element_type3A, %mul3A_1347 : vector<16xf32>
        %add3A_1349 = arith.addf %mul3A_1348, %add3A_1345 : vector<16xf32>
        %gt3A_1350 = arith.constant 0.000000e+00 : f32
        %gt3A_1351 = vector.broadcast %gt3A_1350 : f32 to vector<16xf32>
        %gt3A_1352 = arith.cmpf ogt, %sub3A_1284, %gt3A_1351 : vector<16xf32>
        %neg3A_1353 = arith.constant 0.000000e+00 : f32
        %neg3A_1354 = vector.broadcast %neg3A_1353 : f32 to vector<16xf32>
        %neg3A_1355 = arith.subf %neg3A_1354, %add3A_1349 : vector<16xf32>
        %min3A = arith.constant 1.000000e+02 : f32
        %min3A_1356 = vector.broadcast %min3A : f32 to vector<16xf32>
        %min3A_1357 = arith.minimumf %neg3A_1355, %min3A_1356 : vector<16xf32>
        %jit3A_1358 = arith.constant 1.000000e+02 : f32
        %broadcast_in_dim3A_1359 = vector.broadcast %jit3A_1358 : f32 to vector<16xf32>
        %select_n3A_1360 = arith.select %gt3A_1352, %min3A_1357, %broadcast_in_dim3A_1359 : vector<16xi1>, vector<16xf32>
        %min3A_1361 = arith.constant 1.000000e+02 : f32
        %min3A_1362 = vector.broadcast %min3A_1361 : f32 to vector<16xf32>
        %min3A_1363 = arith.minimumf %select_n3A, %min3A_1362 : vector<16xf32>
        %jit3A_1364 = arith.constant 0.000000e+00 : f32
        %broadcast_in_dim3A_1365 = vector.broadcast %jit3A_1364 : f32 to vector<16xf32>
        %select_n3A_1366 = arith.select %or3A, %min3A_1363, %broadcast_in_dim3A_1365 : vector<16xi1>, vector<16xf32>
        %add3A_1367 = arith.addf %scan3A_110, %select_n3A_1366 : vector<16xf32>
        %jit3A_1368 = arith.constant 0.000000e+00 : f32
        %broadcast_in_dim3A_1369 = vector.broadcast %jit3A_1368 : f32 to vector<16xf32>
        %select_n3A_1370 = arith.select %or3A_1242, %select_n3A_1360, %broadcast_in_dim3A_1369 : vector<16xi1>, vector<16xf32>
        %add3A_1371 = arith.addf %scan3A_111, %select_n3A_1370 : vector<16xf32>
        %jit3A_1372 = arith.constant 1.000000e+00 : f32
        %jit3A_1373 = arith.constant 0.000000e+00 : f32
        %broadcast_in_dim3A_1374 = vector.broadcast %jit3A_1372 : f32 to vector<16xf32>
        %broadcast_in_dim3A_1375 = vector.broadcast %jit3A_1373 : f32 to vector<16xf32>
        %select_n3A_1376 = arith.select %or3A, %broadcast_in_dim3A_1374, %broadcast_in_dim3A_1375 : vector<16xi1>, vector<16xf32>
        %add3A_1377 = arith.addf %scan3A_112, %select_n3A_1376 : vector<16xf32>
        %jit3A_1378 = arith.constant 1.000000e+00 : f32
        %jit3A_1379 = arith.constant 0.000000e+00 : f32
        %broadcast_in_dim3A_1380 = vector.broadcast %jit3A_1378 : f32 to vector<16xf32>
        %broadcast_in_dim3A_1381 = vector.broadcast %jit3A_1379 : f32 to vector<16xf32>
        %select_n3A_1382 = arith.select %or3A_1242, %broadcast_in_dim3A_1380, %broadcast_in_dim3A_1381 : vector<16xi1>, vector<16xf32>
        %add3A_1383 = arith.addf %scan3A_113, %select_n3A_1382 : vector<16xf32>
        scf.yield %add3A_1367, %add3A_1371, %add3A_1377, %add3A_1383 : vector<16xf32>, vector<16xf32>, vector<16xf32>, vector<16xf32>
      }
      %scan3A_76 = arith.constant 5 : i32
      %add3A_77 = arith.constant 2 : i32
      %add3A_78 = arith.addi %mul3A_46, %add3A_77 : i32
      %mul3A_79 = arith.constant 80 : i32
      %mul3A_80 = arith.muli %add3A_78, %mul3A_79 : i32
      %dma_start3A_81 = tpu.memref_slice %arg7[%mul3A_80] : memref<10000xi32, #tpu.memory_space<vmem>> -> memref<80xi32, #tpu.memory_space<vmem>>
      %dma_start3A_82 = arith.constant 0 : i32
      %dma_start3A_83 = arith.constant 0 : i32
      %dma_start3A_84 = tpu.memref_slice %arg5[%dma_start3A_82, %dma_start3A_83] : memref<10000x128xbf16, #tpu.memory_space<hbm>> -> memref<10000x128xbf16, #tpu.memory_space<hbm>>
      tpu.enqueue_indirect_dma source(%dma_start3A_84 : memref<10000x128xbf16, #tpu.memory_space<hbm>>) target(%arg10 : memref<80x128xbf16, #tpu.memory_space<vmem>>) offsets(%dma_start3A_81 : memref<80xi32, #tpu.memory_space<vmem>>) semaphore(%arg16 : memref<!tpu.dma_semaphore, #tpu.memory_space<semaphore_mem>>)
      %dma_start3A_85 = tpu.memref_slice %arg8[%mul3A_80] : memref<10000xi32, #tpu.memory_space<vmem>> -> memref<80xi32, #tpu.memory_space<vmem>>
      %dma_start3A_86 = arith.constant 0 : i32
      %dma_start3A_87 = arith.constant 0 : i32
      %dma_start3A_88 = tpu.memref_slice %arg5[%dma_start3A_86, %dma_start3A_87] : memref<10000x128xbf16, #tpu.memory_space<hbm>> -> memref<10000x128xbf16, #tpu.memory_space<hbm>>
      tpu.enqueue_indirect_dma source(%dma_start3A_88 : memref<10000x128xbf16, #tpu.memory_space<hbm>>) target(%arg11 : memref<80x128xbf16, #tpu.memory_space<vmem>>) offsets(%dma_start3A_85 : memref<80xi32, #tpu.memory_space<vmem>>) semaphore(%arg17 : memref<!tpu.dma_semaphore, #tpu.memory_space<semaphore_mem>>)
      %dma_wait3A_89 = arith.constant 0 : i32
      %dma_wait3A_90 = tpu.memref_slice %arg7[%dma_wait3A_89] : memref<10000xi32, #tpu.memory_space<vmem>> -> memref<80xi32, #tpu.memory_space<vmem>>
      %dma_wait3A_91 = arith.constant 0 : i32
      %dma_wait3A_92 = arith.constant 0 : i32
      %dma_wait3A_93 = tpu.memref_slice %arg5[%dma_wait3A_91, %dma_wait3A_92] : memref<10000x128xbf16, #tpu.memory_space<hbm>> -> memref<10000x128xbf16, #tpu.memory_space<hbm>>
      tpu.wait_indirect_dma semaphore(%arg18 : memref<!tpu.dma_semaphore, #tpu.memory_space<semaphore_mem>>) src(%dma_wait3A_93 : memref<10000x128xbf16, #tpu.memory_space<hbm>>) dst(%arg12 : memref<80x128xbf16, #tpu.memory_space<vmem>>)
      %dma_wait3A_94 = arith.constant 0 : i32
      %dma_wait3A_95 = tpu.memref_slice %arg8[%dma_wait3A_94] : memref<10000xi32, #tpu.memory_space<vmem>> -> memref<80xi32, #tpu.memory_space<vmem>>
      %dma_wait3A_96 = arith.constant 0 : i32
      %dma_wait3A_97 = arith.constant 0 : i32
      %dma_wait3A_98 = tpu.memref_slice %arg5[%dma_wait3A_96, %dma_wait3A_97] : memref<10000x128xbf16, #tpu.memory_space<hbm>> -> memref<10000x128xbf16, #tpu.memory_space<hbm>>
      tpu.wait_indirect_dma semaphore(%arg19 : memref<!tpu.dma_semaphore, #tpu.memory_space<semaphore_mem>>) src(%dma_wait3A_98 : memref<10000x128xbf16, #tpu.memory_space<hbm>>) dst(%arg13 : memref<80x128xbf16, #tpu.memory_space<vmem>>)
      %add3A_99 = arith.constant 1 : i32
      %add3A_100 = arith.addi %mul3A_46, %add3A_99 : i32
      %mul3A_101 = arith.constant 80 : i32
      %mul3A_102 = arith.muli %add3A_100, %mul3A_101 : i32
      %scan3A_103 = arith.constant 0 : i32
      %scan3A_104 = arith.constant 5 : i32
      %scan3A_105 = arith.addi %scan3A_103, %scan3A_104 : i32
      %scan3A_106 = arith.constant 1 : i32
      %scan3A_107:4 = scf.for %scan3A_109 = %scan3A_103 to %scan3A_105 step %scan3A_106 iter_args(%scan3A_110 = %scan3A_75#0, %scan3A_111 = %scan3A_75#1, %scan3A_112 = %scan3A_75#2, %scan3A_113 = %scan3A_75#3) -> (vector<16xf32>, vector<16xf32>, vector<16xf32>, vector<16xf32>)  : i32 {
        %mul3A_114 = arith.constant 16 : i32
        %mul3A_115 = arith.muli %scan3A_109, %mul3A_114 : i32
        %broadcast_in_dim3A_116 = arith.constant 0.000000e+00 : f32
        %broadcast_in_dim3A_117 = vector.broadcast %broadcast_in_dim3A_116 : f32 to vector<16xf32>
        %swap3A_118 = arith.constant 0 : index
        %swap3A_119 = tpu.vector_load %arg14[%swap3A_118] {strides = array<i32>} : memref<144xf32, #tpu.memory_space<vmem>>, vector<16xf32>,
        tpu.vector_store %arg14[%swap3A_118], %broadcast_in_dim3A_117 {strides = array<i32>} : memref<144xf32, #tpu.memory_space<vmem>>, vector<16xf32>,
        %swap3A_120 = arith.constant 16 : index
        %swap3A_121 = tpu.vector_load %arg14[%swap3A_120] {strides = array<i32>} : memref<144xf32, #tpu.memory_space<vmem>>, vector<16xf32>,
        tpu.vector_store %arg14[%swap3A_120], %broadcast_in_dim3A_117 {strides = array<i32>} : memref<144xf32, #tpu.memory_space<vmem>>, vector<16xf32>,
        %swap3A_122 = arith.constant 32 : index
        %swap3A_123 = tpu.vector_load %arg14[%swap3A_122] {strides = array<i32>} : memref<144xf32, #tpu.memory_space<vmem>>, vector<16xf32>,
        tpu.vector_store %arg14[%swap3A_122], %broadcast_in_dim3A_117 {strides = array<i32>} : memref<144xf32, #tpu.memory_space<vmem>>, vector<16xf32>,
        %swap3A_124 = arith.constant 48 : index
        %swap3A_125 = tpu.vector_load %arg14[%swap3A_124] {strides = array<i32>} : memref<144xf32, #tpu.memory_space<vmem>>, vector<16xf32>,
        tpu.vector_store %arg14[%swap3A_124], %broadcast_in_dim3A_117 {strides = array<i32>} : memref<144xf32, #tpu.memory_space<vmem>>, vector<16xf32>,
        %swap3A_126 = arith.constant 64 : index
        %swap3A_127 = tpu.vector_load %arg14[%swap3A_126] {strides = array<i32>} : memref<144xf32, #tpu.memory_space<vmem>>, vector<16xf32>,
        tpu.vector_store %arg14[%swap3A_126], %broadcast_in_dim3A_117 {strides = array<i32>} : memref<144xf32, #tpu.memory_space<vmem>>, vector<16xf32>,
        %swap3A_128 = arith.constant 80 : index
        %swap3A_129 = tpu.vector_load %arg14[%swap3A_128] {strides = array<i32>} : memref<144xf32, #tpu.memory_space<vmem>>, vector<16xf32>,
        tpu.vector_store %arg14[%swap3A_128], %broadcast_in_dim3A_117 {strides = array<i32>} : memref<144xf32, #tpu.memory_space<vmem>>, vector<16xf32>,
        %swap3A_130 = arith.constant 96 : index
        %swap3A_131 = tpu.vector_load %arg14[%swap3A_130] {strides = array<i32>} : memref<144xf32, #tpu.memory_space<vmem>>, vector<16xf32>,
        tpu.vector_store %arg14[%swap3A_130], %broadcast_in_dim3A_117 {strides = array<i32>} : memref<144xf32, #tpu.memory_space<vmem>>, vector<16xf32>,
        %swap3A_132 = arith.constant 112 : index
        %swap3A_133 = tpu.vector_load %arg14[%swap3A_132] {strides = array<i32>} : memref<144xf32, #tpu.memory_space<vmem>>, vector<16xf32>,
        tpu.vector_store %arg14[%swap3A_132], %broadcast_in_dim3A_117 {strides = array<i32>} : memref<144xf32, #tpu.memory_space<vmem>>, vector<16xf32>,
        %swap3A_134 = arith.constant 128 : index
        %swap3A_135 = tpu.vector_load %arg14[%swap3A_134] {strides = array<i32>} : memref<144xf32, #tpu.memory_space<vmem>>, vector<16xf32>,
        tpu.vector_store %arg14[%swap3A_134], %broadcast_in_dim3A_117 {strides = array<i32>} : memref<144xf32, #tpu.memory_space<vmem>>, vector<16xf32>,
        %and3A = arith.constant 7 : i32
        %and3A_136 = vector.broadcast %and3A : i32 to vector<16xi32>
        %and3A_137 = arith.andi %iota3A, %and3A_136 : vector<16xi32>
        %mul3A_138 = arith.constant 17 : i32
        %mul3A_139 = vector.broadcast %mul3A_138 : i32 to vector<16xi32>
        %mul3A_140 = arith.muli %and3A_137, %mul3A_139 : vector<16xi32>
        %add3A_141 = arith.constant 0 : i32
        %add3A_142 = arith.addi %mul3A_115, %add3A_141 : i32
        %add3A_143 = arith.constant 0 : i32
        %add3A_144 = arith.addi %add3A_142, %add3A_143 : i32
        %get3A = arith.index_cast %add3A_144 : i32 to index
        %get3A_145 = arith.constant 0 : index
        %get3A_146 = tpu.vector_load %arg12[%get3A, %get3A_145] {strides = array<i32>} : memref<80x128xbf16, #tpu.memory_space<vmem>>, vector<32xbf16>,
        %get3A_147 = arith.index_cast %add3A_144 : i32 to index
        %get3A_148 = arith.constant 0 : index
        %get3A_149 = tpu.vector_load %arg13[%get3A_147, %get3A_148] {strides = array<i32>} : memref<80x128xbf16, #tpu.memory_space<vmem>>, vector<32xbf16>,
        %sub3A = arith.subf %get3A_146, %get3A_149 : vector<32xbf16>
        %mul3A_150 = arith.mulf %sub3A, %sub3A : vector<32xbf16>
        %unpack3A = tpu.unpack_subelements %mul3A_150, 0 {pack_format = #tpu.pack_format<interleaved>} : vector<32xbf16> -> vector<16xf32>
        %unpack3A_151 = tpu.unpack_subelements %mul3A_150, 1 {pack_format = #tpu.pack_format<interleaved>} : vector<32xbf16> -> vector<16xf32>
        %add3A_152 = arith.addf %unpack3A, %unpack3A_151 : vector<16xf32>
        %add3A_153 = arith.constant 0 : i32
        %add3A_154 = arith.addi %mul3A_115, %add3A_153 : i32
        %add3A_155 = arith.constant 1 : i32
        %add3A_156 = arith.addi %add3A_154, %add3A_155 : i32
        %get3A_157 = arith.index_cast %add3A_156 : i32 to index
        %get3A_158 = arith.constant 0 : index
        %get3A_159 = tpu.vector_load %arg12[%get3A_157, %get3A_158] {strides = array<i32>} : memref<80x128xbf16, #tpu.memory_space<vmem>>, vector<32xbf16>,
        %get3A_160 = arith.index_cast %add3A_156 : i32 to index
        %get3A_161 = arith.constant 0 : index
        %get3A_162 = tpu.vector_load %arg13[%get3A_160, %get3A_161] {strides = array<i32>} : memref<80x128xbf16, #tpu.memory_space<vmem>>, vector<32xbf16>,
        %sub3A_163 = arith.subf %get3A_159, %get3A_162 : vector<32xbf16>
        %mul3A_164 = arith.mulf %sub3A_163, %sub3A_163 : vector<32xbf16>
        %unpack3A_165 = tpu.unpack_subelements %mul3A_164, 0 {pack_format = #tpu.pack_format<interleaved>} : vector<32xbf16> -> vector<16xf32>
        %unpack3A_166 = tpu.unpack_subelements %mul3A_164, 1 {pack_format = #tpu.pack_format<interleaved>} : vector<32xbf16> -> vector<16xf32>
        %add3A_167 = arith.addf %unpack3A_165, %unpack3A_166 : vector<16xf32>
        %add3A_168 = arith.constant 0 : i32
        %add3A_169 = arith.addi %mul3A_115, %add3A_168 : i32
        %add3A_170 = arith.constant 2 : i32
        %add3A_171 = arith.addi %add3A_169, %add3A_170 : i32
        %get3A_172 = arith.index_cast %add3A_171 : i32 to index
        %get3A_173 = arith.constant 0 : index
        %get3A_174 = tpu.vector_load %arg12[%get3A_172, %get3A_173] {strides = array<i32>} : memref<80x128xbf16, #tpu.memory_space<vmem>>, vector<32xbf16>,
        %get3A_175 = arith.index_cast %add3A_171 : i32 to index
        %get3A_176 = arith.constant 0 : index
        %get3A_177 = tpu.vector_load %arg13[%get3A_175, %get3A_176] {strides = array<i32>} : memref<80x128xbf16, #tpu.memory_space<vmem>>, vector<32xbf16>,
        %sub3A_178 = arith.subf %get3A_174, %get3A_177 : vector<32xbf16>
        %mul3A_179 = arith.mulf %sub3A_178, %sub3A_178 : vector<32xbf16>
        %unpack3A_180 = tpu.unpack_subelements %mul3A_179, 0 {pack_format = #tpu.pack_format<interleaved>} : vector<32xbf16> -> vector<16xf32>
        %unpack3A_181 = tpu.unpack_subelements %mul3A_179, 1 {pack_format = #tpu.pack_format<interleaved>} : vector<32xbf16> -> vector<16xf32>
        %add3A_182 = arith.addf %unpack3A_180, %unpack3A_181 : vector<16xf32>
        %add3A_183 = arith.constant 0 : i32
        %add3A_184 = arith.addi %mul3A_115, %add3A_183 : i32
        %add3A_185 = arith.constant 3 : i32
        %add3A_186 = arith.addi %add3A_184, %add3A_185 : i32
        %get3A_187 = arith.index_cast %add3A_186 : i32 to index
        %get3A_188 = arith.constant 0 : index
        %get3A_189 = tpu.vector_load %arg12[%get3A_187, %get3A_188] {strides = array<i32>} : memref<80x128xbf16, #tpu.memory_space<vmem>>, vector<32xbf16>,
        %get3A_190 = arith.index_cast %add3A_186 : i32 to index
        %get3A_191 = arith.constant 0 : index
        %get3A_192 = tpu.vector_load %arg13[%get3A_190, %get3A_191] {strides = array<i32>} : memref<80x128xbf16, #tpu.memory_space<vmem>>, vector<32xbf16>,
        %sub3A_193 = arith.subf %get3A_189, %get3A_192 : vector<32xbf16>
        %mul3A_194 = arith.mulf %sub3A_193, %sub3A_193 : vector<32xbf16>
        %unpack3A_195 = tpu.unpack_subelements %mul3A_194, 0 {pack_format = #tpu.pack_format<interleaved>} : vector<32xbf16> -> vector<16xf32>
        %unpack3A_196 = tpu.unpack_subelements %mul3A_194, 1 {pack_format = #tpu.pack_format<interleaved>} : vector<32xbf16> -> vector<16xf32>
        %add3A_197 = arith.addf %unpack3A_195, %unpack3A_196 : vector<16xf32>
        %add3A_198 = arith.constant 0 : i32
        %add3A_199 = arith.addi %mul3A_115, %add3A_198 : i32
        %add3A_200 = arith.constant 0 : i32
        %add3A_201 = arith.addi %add3A_199, %add3A_200 : i32
        %get3A_202 = arith.index_cast %add3A_201 : i32 to index
        %get3A_203 = arith.constant 32 : index
        %get3A_204 = tpu.vector_load %arg12[%get3A_202, %get3A_203] {strides = array<i32>} : memref<80x128xbf16, #tpu.memory_space<vmem>>, vector<32xbf16>,
        %get3A_205 = arith.index_cast %add3A_201 : i32 to index
        %get3A_206 = arith.constant 32 : index
        %get3A_207 = tpu.vector_load %arg13[%get3A_205, %get3A_206] {strides = array<i32>} : memref<80x128xbf16, #tpu.memory_space<vmem>>, vector<32xbf16>,
        %sub3A_208 = arith.subf %get3A_204, %get3A_207 : vector<32xbf16>
        %mul3A_209 = arith.mulf %sub3A_208, %sub3A_208 : vector<32xbf16>
        %unpack3A_210 = tpu.unpack_subelements %mul3A_209, 0 {pack_format = #tpu.pack_format<interleaved>} : vector<32xbf16> -> vector<16xf32>
        %unpack3A_211 = tpu.unpack_subelements %mul3A_209, 1 {pack_format = #tpu.pack_format<interleaved>} : vector<32xbf16> -> vector<16xf32>
        %add3A_212 = arith.addf %unpack3A_210, %unpack3A_211 : vector<16xf32>
        %add3A_213 = arith.addf %add3A_152, %add3A_212 : vector<16xf32>
        %add3A_214 = arith.constant 0 : i32
        %add3A_215 = arith.addi %mul3A_115, %add3A_214 : i32
        %add3A_216 = arith.constant 1 : i32
        %add3A_217 = arith.addi %add3A_215, %add3A_216 : i32
        %get3A_218 = arith.index_cast %add3A_217 : i32 to index
        %get3A_219 = arith.constant 32 : index
        %get3A_220 = tpu.vector_load %arg12[%get3A_218, %get3A_219] {strides = array<i32>} : memref<80x128xbf16, #tpu.memory_space<vmem>>, vector<32xbf16>,
        %get3A_221 = arith.index_cast %add3A_217 : i32 to index
        %get3A_222 = arith.constant 32 : index
        %get3A_223 = tpu.vector_load %arg13[%get3A_221, %get3A_222] {strides = array<i32>} : memref<80x128xbf16, #tpu.memory_space<vmem>>, vector<32xbf16>,
        %sub3A_224 = arith.subf %get3A_220, %get3A_223 : vector<32xbf16>
        %mul3A_225 = arith.mulf %sub3A_224, %sub3A_224 : vector<32xbf16>
        %unpack3A_226 = tpu.unpack_subelements %mul3A_225, 0 {pack_format = #tpu.pack_format<interleaved>} : vector<32xbf16> -> vector<16xf32>
        %unpack3A_227 = tpu.unpack_subelements %mul3A_225, 1 {pack_format = #tpu.pack_format<interleaved>} : vector<32xbf16> -> vector<16xf32>
        %add3A_228 = arith.addf %unpack3A_226, %unpack3A_227 : vector<16xf32>
        %add3A_229 = arith.addf %add3A_167, %add3A_228 : vector<16xf32>
        %add3A_230 = arith.constant 0 : i32
        %add3A_231 = arith.addi %mul3A_115, %add3A_230 : i32
        %add3A_232 = arith.constant 2 : i32
        %add3A_233 = arith.addi %add3A_231, %add3A_232 : i32
        %get3A_234 = arith.index_cast %add3A_233 : i32 to index
        %get3A_235 = arith.constant 32 : index
        %get3A_236 = tpu.vector_load %arg12[%get3A_234, %get3A_235] {strides = array<i32>} : memref<80x128xbf16, #tpu.memory_space<vmem>>, vector<32xbf16>,
        %get3A_237 = arith.index_cast %add3A_233 : i32 to index
        %get3A_238 = arith.constant 32 : index
        %get3A_239 = tpu.vector_load %arg13[%get3A_237, %get3A_238] {strides = array<i32>} : memref<80x128xbf16, #tpu.memory_space<vmem>>, vector<32xbf16>,
        %sub3A_240 = arith.subf %get3A_236, %get3A_239 : vector<32xbf16>
        %mul3A_241 = arith.mulf %sub3A_240, %sub3A_240 : vector<32xbf16>
        %unpack3A_242 = tpu.unpack_subelements %mul3A_241, 0 {pack_format = #tpu.pack_format<interleaved>} : vector<32xbf16> -> vector<16xf32>
        %unpack3A_243 = tpu.unpack_subelements %mul3A_241, 1 {pack_format = #tpu.pack_format<interleaved>} : vector<32xbf16> -> vector<16xf32>
        %add3A_244 = arith.addf %unpack3A_242, %unpack3A_243 : vector<16xf32>
        %add3A_245 = arith.addf %add3A_182, %add3A_244 : vector<16xf32>
        %add3A_246 = arith.constant 0 : i32
        %add3A_247 = arith.addi %mul3A_115, %add3A_246 : i32
        %add3A_248 = arith.constant 3 : i32
        %add3A_249 = arith.addi %add3A_247, %add3A_248 : i32
        %get3A_250 = arith.index_cast %add3A_249 : i32 to index
        %get3A_251 = arith.constant 32 : index
        %get3A_252 = tpu.vector_load %arg12[%get3A_250, %get3A_251] {strides = array<i32>} : memref<80x128xbf16, #tpu.memory_space<vmem>>, vector<32xbf16>,
        %get3A_253 = arith.index_cast %add3A_249 : i32 to index
        %get3A_254 = arith.constant 32 : index
        %get3A_255 = tpu.vector_load %arg13[%get3A_253, %get3A_254] {strides = array<i32>} : memref<80x128xbf16, #tpu.memory_space<vmem>>, vector<32xbf16>,
        %sub3A_256 = arith.subf %get3A_252, %get3A_255 : vector<32xbf16>
        %mul3A_257 = arith.mulf %sub3A_256, %sub3A_256 : vector<32xbf16>
        %unpack3A_258 = tpu.unpack_subelements %mul3A_257, 0 {pack_format = #tpu.pack_format<interleaved>} : vector<32xbf16> -> vector<16xf32>
        %unpack3A_259 = tpu.unpack_subelements %mul3A_257, 1 {pack_format = #tpu.pack_format<interleaved>} : vector<32xbf16> -> vector<16xf32>
        %add3A_260 = arith.addf %unpack3A_258, %unpack3A_259 : vector<16xf32>
        %add3A_261 = arith.addf %add3A_197, %add3A_260 : vector<16xf32>
        %add3A_262 = arith.constant 0 : i32
        %add3A_263 = arith.addi %mul3A_115, %add3A_262 : i32
        %add3A_264 = arith.constant 0 : i32
        %add3A_265 = arith.addi %add3A_263, %add3A_264 : i32
        %get3A_266 = arith.index_cast %add3A_265 : i32 to index
        %get3A_267 = arith.constant 64 : index
        %get3A_268 = tpu.vector_load %arg12[%get3A_266, %get3A_267] {strides = array<i32>} : memref<80x128xbf16, #tpu.memory_space<vmem>>, vector<32xbf16>,
        %get3A_269 = arith.index_cast %add3A_265 : i32 to index
        %get3A_270 = arith.constant 64 : index
        %get3A_271 = tpu.vector_load %arg13[%get3A_269, %get3A_270] {strides = array<i32>} : memref<80x128xbf16, #tpu.memory_space<vmem>>, vector<32xbf16>,
        %sub3A_272 = arith.subf %get3A_268, %get3A_271 : vector<32xbf16>
        %mul3A_273 = arith.mulf %sub3A_272, %sub3A_272 : vector<32xbf16>
        %unpack3A_274 = tpu.unpack_subelements %mul3A_273, 0 {pack_format = #tpu.pack_format<interleaved>} : vector<32xbf16> -> vector<16xf32>
        %unpack3A_275 = tpu.unpack_subelements %mul3A_273, 1 {pack_format = #tpu.pack_format<interleaved>} : vector<32xbf16> -> vector<16xf32>
        %add3A_276 = arith.addf %unpack3A_274, %unpack3A_275 : vector<16xf32>
        %add3A_277 = arith.addf %add3A_213, %add3A_276 : vector<16xf32>
        %add3A_278 = arith.constant 0 : i32
        %add3A_279 = arith.addi %mul3A_115, %add3A_278 : i32
        %add3A_280 = arith.constant 1 : i32
        %add3A_281 = arith.addi %add3A_279, %add3A_280 : i32
        %get3A_282 = arith.index_cast %add3A_281 : i32 to index
        %get3A_283 = arith.constant 64 : index
        %get3A_284 = tpu.vector_load %arg12[%get3A_282, %get3A_283] {strides = array<i32>} : memref<80x128xbf16, #tpu.memory_space<vmem>>, vector<32xbf16>,
        %get3A_285 = arith.index_cast %add3A_281 : i32 to index
        %get3A_286 = arith.constant 64 : index
        %get3A_287 = tpu.vector_load %arg13[%get3A_285, %get3A_286] {strides = array<i32>} : memref<80x128xbf16, #tpu.memory_space<vmem>>, vector<32xbf16>,
        %sub3A_288 = arith.subf %get3A_284, %get3A_287 : vector<32xbf16>
        %mul3A_289 = arith.mulf %sub3A_288, %sub3A_288 : vector<32xbf16>
        %unpack3A_290 = tpu.unpack_subelements %mul3A_289, 0 {pack_format = #tpu.pack_format<interleaved>} : vector<32xbf16> -> vector<16xf32>
        %unpack3A_291 = tpu.unpack_subelements %mul3A_289, 1 {pack_format = #tpu.pack_format<interleaved>} : vector<32xbf16> -> vector<16xf32>
        %add3A_292 = arith.addf %unpack3A_290, %unpack3A_291 : vector<16xf32>
        %add3A_293 = arith.addf %add3A_229, %add3A_292 : vector<16xf32>
        %add3A_294 = arith.constant 0 : i32
        %add3A_295 = arith.addi %mul3A_115, %add3A_294 : i32
        %add3A_296 = arith.constant 2 : i32
        %add3A_297 = arith.addi %add3A_295, %add3A_296 : i32
        %get3A_298 = arith.index_cast %add3A_297 : i32 to index
        %get3A_299 = arith.constant 64 : index
        %get3A_300 = tpu.vector_load %arg12[%get3A_298, %get3A_299] {strides = array<i32>} : memref<80x128xbf16, #tpu.memory_space<vmem>>, vector<32xbf16>,
        %get3A_301 = arith.index_cast %add3A_297 : i32 to index
        %get3A_302 = arith.constant 64 : index
        %get3A_303 = tpu.vector_load %arg13[%get3A_301, %get3A_302] {strides = array<i32>} : memref<80x128xbf16, #tpu.memory_space<vmem>>, vector<32xbf16>,
        %sub3A_304 = arith.subf %get3A_300, %get3A_303 : vector<32xbf16>
        %mul3A_305 = arith.mulf %sub3A_304, %sub3A_304 : vector<32xbf16>
        %unpack3A_306 = tpu.unpack_subelements %mul3A_305, 0 {pack_format = #tpu.pack_format<interleaved>} : vector<32xbf16> -> vector<16xf32>
        %unpack3A_307 = tpu.unpack_subelements %mul3A_305, 1 {pack_format = #tpu.pack_format<interleaved>} : vector<32xbf16> -> vector<16xf32>
        %add3A_308 = arith.addf %unpack3A_306, %unpack3A_307 : vector<16xf32>
        %add3A_309 = arith.addf %add3A_245, %add3A_308 : vector<16xf32>
        %add3A_310 = arith.constant 0 : i32
        %add3A_311 = arith.addi %mul3A_115, %add3A_310 : i32
        %add3A_312 = arith.constant 3 : i32
        %add3A_313 = arith.addi %add3A_311, %add3A_312 : i32
        %get3A_314 = arith.index_cast %add3A_313 : i32 to index
        %get3A_315 = arith.constant 64 : index
        %get3A_316 = tpu.vector_load %arg12[%get3A_314, %get3A_315] {strides = array<i32>} : memref<80x128xbf16, #tpu.memory_space<vmem>>, vector<32xbf16>,
        %get3A_317 = arith.index_cast %add3A_313 : i32 to index
        %get3A_318 = arith.constant 64 : index
        %get3A_319 = tpu.vector_load %arg13[%get3A_317, %get3A_318] {strides = array<i32>} : memref<80x128xbf16, #tpu.memory_space<vmem>>, vector<32xbf16>,
        %sub3A_320 = arith.subf %get3A_316, %get3A_319 : vector<32xbf16>
        %mul3A_321 = arith.mulf %sub3A_320, %sub3A_320 : vector<32xbf16>
        %unpack3A_322 = tpu.unpack_subelements %mul3A_321, 0 {pack_format = #tpu.pack_format<interleaved>} : vector<32xbf16> -> vector<16xf32>
        %unpack3A_323 = tpu.unpack_subelements %mul3A_321, 1 {pack_format = #tpu.pack_format<interleaved>} : vector<32xbf16> -> vector<16xf32>
        %add3A_324 = arith.addf %unpack3A_322, %unpack3A_323 : vector<16xf32>
        %add3A_325 = arith.addf %add3A_261, %add3A_324 : vector<16xf32>
        %add3A_326 = arith.constant 0 : i32
        %add3A_327 = arith.addi %mul3A_115, %add3A_326 : i32
        %add3A_328 = arith.constant 0 : i32
        %add3A_329 = arith.addi %add3A_327, %add3A_328 : i32
        %get3A_330 = arith.index_cast %add3A_329 : i32 to index
        %get3A_331 = arith.constant 96 : index
        %get3A_332 = tpu.vector_load %arg12[%get3A_330, %get3A_331] {strides = array<i32>} : memref<80x128xbf16, #tpu.memory_space<vmem>>, vector<32xbf16>,
        %get3A_333 = arith.index_cast %add3A_329 : i32 to index
        %get3A_334 = arith.constant 96 : index
        %get3A_335 = tpu.vector_load %arg13[%get3A_333, %get3A_334] {strides = array<i32>} : memref<80x128xbf16, #tpu.memory_space<vmem>>, vector<32xbf16>,
        %sub3A_336 = arith.subf %get3A_332, %get3A_335 : vector<32xbf16>
        %mul3A_337 = arith.mulf %sub3A_336, %sub3A_336 : vector<32xbf16>
        %unpack3A_338 = tpu.unpack_subelements %mul3A_337, 0 {pack_format = #tpu.pack_format<interleaved>} : vector<32xbf16> -> vector<16xf32>
        %unpack3A_339 = tpu.unpack_subelements %mul3A_337, 1 {pack_format = #tpu.pack_format<interleaved>} : vector<32xbf16> -> vector<16xf32>
        %add3A_340 = arith.addf %unpack3A_338, %unpack3A_339 : vector<16xf32>
        %add3A_341 = arith.addf %add3A_277, %add3A_340 : vector<16xf32>
        %add3A_342 = arith.constant 0 : i32
        %add3A_343 = arith.addi %mul3A_115, %add3A_342 : i32
        %add3A_344 = arith.constant 1 : i32
        %add3A_345 = arith.addi %add3A_343, %add3A_344 : i32
        %get3A_346 = arith.index_cast %add3A_345 : i32 to index
        %get3A_347 = arith.constant 96 : index
        %get3A_348 = tpu.vector_load %arg12[%get3A_346, %get3A_347] {strides = array<i32>} : memref<80x128xbf16, #tpu.memory_space<vmem>>, vector<32xbf16>,
        %get3A_349 = arith.index_cast %add3A_345 : i32 to index
        %get3A_350 = arith.constant 96 : index
        %get3A_351 = tpu.vector_load %arg13[%get3A_349, %get3A_350] {strides = array<i32>} : memref<80x128xbf16, #tpu.memory_space<vmem>>, vector<32xbf16>,
        %sub3A_352 = arith.subf %get3A_348, %get3A_351 : vector<32xbf16>
        %mul3A_353 = arith.mulf %sub3A_352, %sub3A_352 : vector<32xbf16>
        %unpack3A_354 = tpu.unpack_subelements %mul3A_353, 0 {pack_format = #tpu.pack_format<interleaved>} : vector<32xbf16> -> vector<16xf32>
        %unpack3A_355 = tpu.unpack_subelements %mul3A_353, 1 {pack_format = #tpu.pack_format<interleaved>} : vector<32xbf16> -> vector<16xf32>
        %add3A_356 = arith.addf %unpack3A_354, %unpack3A_355 : vector<16xf32>
        %add3A_357 = arith.addf %add3A_293, %add3A_356 : vector<16xf32>
        %add3A_358 = arith.constant 0 : i32
        %add3A_359 = arith.addi %mul3A_115, %add3A_358 : i32
        %add3A_360 = arith.constant 2 : i32
        %add3A_361 = arith.addi %add3A_359, %add3A_360 : i32
        %get3A_362 = arith.index_cast %add3A_361 : i32 to index
        %get3A_363 = arith.constant 96 : index
        %get3A_364 = tpu.vector_load %arg12[%get3A_362, %get3A_363] {strides = array<i32>} : memref<80x128xbf16, #tpu.memory_space<vmem>>, vector<32xbf16>,
        %get3A_365 = arith.index_cast %add3A_361 : i32 to index
        %get3A_366 = arith.constant 96 : index
        %get3A_367 = tpu.vector_load %arg13[%get3A_365, %get3A_366] {strides = array<i32>} : memref<80x128xbf16, #tpu.memory_space<vmem>>, vector<32xbf16>,
        %sub3A_368 = arith.subf %get3A_364, %get3A_367 : vector<32xbf16>
        %mul3A_369 = arith.mulf %sub3A_368, %sub3A_368 : vector<32xbf16>
        %unpack3A_370 = tpu.unpack_subelements %mul3A_369, 0 {pack_format = #tpu.pack_format<interleaved>} : vector<32xbf16> -> vector<16xf32>
        %unpack3A_371 = tpu.unpack_subelements %mul3A_369, 1 {pack_format = #tpu.pack_format<interleaved>} : vector<32xbf16> -> vector<16xf32>
        %add3A_372 = arith.addf %unpack3A_370, %unpack3A_371 : vector<16xf32>
        %add3A_373 = arith.addf %add3A_309, %add3A_372 : vector<16xf32>
        %add3A_374 = arith.constant 0 : i32
        %add3A_375 = arith.addi %mul3A_115, %add3A_374 : i32
        %add3A_376 = arith.constant 3 : i32
        %add3A_377 = arith.addi %add3A_375, %add3A_376 : i32
        %get3A_378 = arith.index_cast %add3A_377 : i32 to index
        %get3A_379 = arith.constant 96 : index
        %get3A_380 = tpu.vector_load %arg12[%get3A_378, %get3A_379] {strides = array<i32>} : memref<80x128xbf16, #tpu.memory_space<vmem>>, vector<32xbf16>,
        %get3A_381 = arith.index_cast %add3A_377 : i32 to index
        %get3A_382 = arith.constant 96 : index
        %get3A_383 = tpu.vector_load %arg13[%get3A_381, %get3A_382] {strides = array<i32>} : memref<80x128xbf16, #tpu.memory_space<vmem>>, vector<32xbf16>,
        %sub3A_384 = arith.subf %get3A_380, %get3A_383 : vector<32xbf16>
        %mul3A_385 = arith.mulf %sub3A_384, %sub3A_384 : vector<32xbf16>
        %unpack3A_386 = tpu.unpack_subelements %mul3A_385, 0 {pack_format = #tpu.pack_format<interleaved>} : vector<32xbf16> -> vector<16xf32>
        %unpack3A_387 = tpu.unpack_subelements %mul3A_385, 1 {pack_format = #tpu.pack_format<interleaved>} : vector<32xbf16> -> vector<16xf32>
        %add3A_388 = arith.addf %unpack3A_386, %unpack3A_387 : vector<16xf32>
        %add3A_389 = arith.addf %add3A_325, %add3A_388 : vector<16xf32>
        %add3A_390 = arith.constant 0 : i32
        %add3A_391 = vector.broadcast %add3A_390 : i32 to vector<16xi32>
        %add3A_392 = arith.addi %mul3A_140, %add3A_391 : vector<16xi32>
        tpu.vector_store_idx %arg14[%add3A_392], %add3A_341 {add = true} : memref<144xf32, #tpu.memory_space<vmem>>[vector<16xi32>], vector<16xf32>,
        %add3A_393 = arith.constant 1 : i32
        %add3A_394 = vector.broadcast %add3A_393 : i32 to vector<16xi32>
        %add3A_395 = arith.addi %mul3A_140, %add3A_394 : vector<16xi32>
        tpu.vector_store_idx %arg14[%add3A_395], %add3A_357 {add = true} : memref<144xf32, #tpu.memory_space<vmem>>[vector<16xi32>], vector<16xf32>,
        %add3A_396 = arith.constant 2 : i32
        %add3A_397 = vector.broadcast %add3A_396 : i32 to vector<16xi32>
        %add3A_398 = arith.addi %mul3A_140, %add3A_397 : vector<16xi32>
        tpu.vector_store_idx %arg14[%add3A_398], %add3A_373 {add = true} : memref<144xf32, #tpu.memory_space<vmem>>[vector<16xi32>], vector<16xf32>,
        %add3A_399 = arith.constant 3 : i32
        %add3A_400 = vector.broadcast %add3A_399 : i32 to vector<16xi32>
        %add3A_401 = arith.addi %mul3A_140, %add3A_400 : vector<16xi32>
        tpu.vector_store_idx %arg14[%add3A_401], %add3A_389 {add = true} : memref<144xf32, #tpu.memory_space<vmem>>[vector<16xi32>], vector<16xf32>,
        %add3A_402 = arith.constant 4 : i32
        %add3A_403 = arith.addi %mul3A_115, %add3A_402 : i32
        %add3A_404 = arith.constant 0 : i32
        %add3A_405 = arith.addi %add3A_403, %add3A_404 : i32
        %get3A_406 = arith.index_cast %add3A_405 : i32 to index
        %get3A_407 = arith.constant 0 : index
        %get3A_408 = tpu.vector_load %arg12[%get3A_406, %get3A_407] {strides = array<i32>} : memref<80x128xbf16, #tpu.memory_space<vmem>>, vector<32xbf16>,
        %get3A_409 = arith.index_cast %add3A_405 : i32 to index
        %get3A_410 = arith.constant 0 : index
        %get3A_411 = tpu.vector_load %arg13[%get3A_409, %get3A_410] {strides = array<i32>} : memref<80x128xbf16, #tpu.memory_space<vmem>>, vector<32xbf16>,
        %sub3A_412 = arith.subf %get3A_408, %get3A_411 : vector<32xbf16>
        %mul3A_413 = arith.mulf %sub3A_412, %sub3A_412 : vector<32xbf16>
        %unpack3A_414 = tpu.unpack_subelements %mul3A_413, 0 {pack_format = #tpu.pack_format<interleaved>} : vector<32xbf16> -> vector<16xf32>
        %unpack3A_415 = tpu.unpack_subelements %mul3A_413, 1 {pack_format = #tpu.pack_format<interleaved>} : vector<32xbf16> -> vector<16xf32>
        %add3A_416 = arith.addf %unpack3A_414, %unpack3A_415 : vector<16xf32>
        %add3A_417 = arith.constant 4 : i32
        %add3A_418 = arith.addi %mul3A_115, %add3A_417 : i32
        %add3A_419 = arith.constant 1 : i32
        %add3A_420 = arith.addi %add3A_418, %add3A_419 : i32
        %get3A_421 = arith.index_cast %add3A_420 : i32 to index
        %get3A_422 = arith.constant 0 : index
        %get3A_423 = tpu.vector_load %arg12[%get3A_421, %get3A_422] {strides = array<i32>} : memref<80x128xbf16, #tpu.memory_space<vmem>>, vector<32xbf16>,
        %get3A_424 = arith.index_cast %add3A_420 : i32 to index
        %get3A_425 = arith.constant 0 : index
        %get3A_426 = tpu.vector_load %arg13[%get3A_424, %get3A_425] {strides = array<i32>} : memref<80x128xbf16, #tpu.memory_space<vmem>>, vector<32xbf16>,
        %sub3A_427 = arith.subf %get3A_423, %get3A_426 : vector<32xbf16>
        %mul3A_428 = arith.mulf %sub3A_427, %sub3A_427 : vector<32xbf16>
        %unpack3A_429 = tpu.unpack_subelements %mul3A_428, 0 {pack_format = #tpu.pack_format<interleaved>} : vector<32xbf16> -> vector<16xf32>
        %unpack3A_430 = tpu.unpack_subelements %mul3A_428, 1 {pack_format = #tpu.pack_format<interleaved>} : vector<32xbf16> -> vector<16xf32>
        %add3A_431 = arith.addf %unpack3A_429, %unpack3A_430 : vector<16xf32>
        %add3A_432 = arith.constant 4 : i32
        %add3A_433 = arith.addi %mul3A_115, %add3A_432 : i32
        %add3A_434 = arith.constant 2 : i32
        %add3A_435 = arith.addi %add3A_433, %add3A_434 : i32
        %get3A_436 = arith.index_cast %add3A_435 : i32 to index
        %get3A_437 = arith.constant 0 : index
        %get3A_438 = tpu.vector_load %arg12[%get3A_436, %get3A_437] {strides = array<i32>} : memref<80x128xbf16, #tpu.memory_space<vmem>>, vector<32xbf16>,
        %get3A_439 = arith.index_cast %add3A_435 : i32 to index
        %get3A_440 = arith.constant 0 : index
        %get3A_441 = tpu.vector_load %arg13[%get3A_439, %get3A_440] {strides = array<i32>} : memref<80x128xbf16, #tpu.memory_space<vmem>>, vector<32xbf16>,
        %sub3A_442 = arith.subf %get3A_438, %get3A_441 : vector<32xbf16>
        %mul3A_443 = arith.mulf %sub3A_442, %sub3A_442 : vector<32xbf16>
        %unpack3A_444 = tpu.unpack_subelements %mul3A_443, 0 {pack_format = #tpu.pack_format<interleaved>} : vector<32xbf16> -> vector<16xf32>
        %unpack3A_445 = tpu.unpack_subelements %mul3A_443, 1 {pack_format = #tpu.pack_format<interleaved>} : vector<32xbf16> -> vector<16xf32>
        %add3A_446 = arith.addf %unpack3A_444, %unpack3A_445 : vector<16xf32>
        %add3A_447 = arith.constant 4 : i32
        %add3A_448 = arith.addi %mul3A_115, %add3A_447 : i32
        %add3A_449 = arith.constant 3 : i32
        %add3A_450 = arith.addi %add3A_448, %add3A_449 : i32
        %get3A_451 = arith.index_cast %add3A_450 : i32 to index
        %get3A_452 = arith.constant 0 : index
        %get3A_453 = tpu.vector_load %arg12[%get3A_451, %get3A_452] {strides = array<i32>} : memref<80x128xbf16, #tpu.memory_space<vmem>>, vector<32xbf16>,
        %get3A_454 = arith.index_cast %add3A_450 : i32 to index
        %get3A_455 = arith.constant 0 : index
        %get3A_456 = tpu.vector_load %arg13[%get3A_454, %get3A_455] {strides = array<i32>} : memref<80x128xbf16, #tpu.memory_space<vmem>>, vector<32xbf16>,
        %sub3A_457 = arith.subf %get3A_453, %get3A_456 : vector<32xbf16>
        %mul3A_458 = arith.mulf %sub3A_457, %sub3A_457 : vector<32xbf16>
        %unpack3A_459 = tpu.unpack_subelements %mul3A_458, 0 {pack_format = #tpu.pack_format<interleaved>} : vector<32xbf16> -> vector<16xf32>
        %unpack3A_460 = tpu.unpack_subelements %mul3A_458, 1 {pack_format = #tpu.pack_format<interleaved>} : vector<32xbf16> -> vector<16xf32>
        %add3A_461 = arith.addf %unpack3A_459, %unpack3A_460 : vector<16xf32>
        %add3A_462 = arith.constant 4 : i32
        %add3A_463 = arith.addi %mul3A_115, %add3A_462 : i32
        %add3A_464 = arith.constant 0 : i32
        %add3A_465 = arith.addi %add3A_463, %add3A_464 : i32
        %get3A_466 = arith.index_cast %add3A_465 : i32 to index
        %get3A_467 = arith.constant 32 : index
        %get3A_468 = tpu.vector_load %arg12[%get3A_466, %get3A_467] {strides = array<i32>} : memref<80x128xbf16, #tpu.memory_space<vmem>>, vector<32xbf16>,
        %get3A_469 = arith.index_cast %add3A_465 : i32 to index
        %get3A_470 = arith.constant 32 : index
        %get3A_471 = tpu.vector_load %arg13[%get3A_469, %get3A_470] {strides = array<i32>} : memref<80x128xbf16, #tpu.memory_space<vmem>>, vector<32xbf16>,
        %sub3A_472 = arith.subf %get3A_468, %get3A_471 : vector<32xbf16>
        %mul3A_473 = arith.mulf %sub3A_472, %sub3A_472 : vector<32xbf16>
        %unpack3A_474 = tpu.unpack_subelements %mul3A_473, 0 {pack_format = #tpu.pack_format<interleaved>} : vector<32xbf16> -> vector<16xf32>
        %unpack3A_475 = tpu.unpack_subelements %mul3A_473, 1 {pack_format = #tpu.pack_format<interleaved>} : vector<32xbf16> -> vector<16xf32>
        %add3A_476 = arith.addf %unpack3A_474, %unpack3A_475 : vector<16xf32>
        %add3A_477 = arith.addf %add3A_416, %add3A_476 : vector<16xf32>
        %add3A_478 = arith.constant 4 : i32
        %add3A_479 = arith.addi %mul3A_115, %add3A_478 : i32
        %add3A_480 = arith.constant 1 : i32
        %add3A_481 = arith.addi %add3A_479, %add3A_480 : i32
        %get3A_482 = arith.index_cast %add3A_481 : i32 to index
        %get3A_483 = arith.constant 32 : index
        %get3A_484 = tpu.vector_load %arg12[%get3A_482, %get3A_483] {strides = array<i32>} : memref<80x128xbf16, #tpu.memory_space<vmem>>, vector<32xbf16>,
        %get3A_485 = arith.index_cast %add3A_481 : i32 to index
        %get3A_486 = arith.constant 32 : index
        %get3A_487 = tpu.vector_load %arg13[%get3A_485, %get3A_486] {strides = array<i32>} : memref<80x128xbf16, #tpu.memory_space<vmem>>, vector<32xbf16>,
        %sub3A_488 = arith.subf %get3A_484, %get3A_487 : vector<32xbf16>
        %mul3A_489 = arith.mulf %sub3A_488, %sub3A_488 : vector<32xbf16>
        %unpack3A_490 = tpu.unpack_subelements %mul3A_489, 0 {pack_format = #tpu.pack_format<interleaved>} : vector<32xbf16> -> vector<16xf32>
        %unpack3A_491 = tpu.unpack_subelements %mul3A_489, 1 {pack_format = #tpu.pack_format<interleaved>} : vector<32xbf16> -> vector<16xf32>
        %add3A_492 = arith.addf %unpack3A_490, %unpack3A_491 : vector<16xf32>
        %add3A_493 = arith.addf %add3A_431, %add3A_492 : vector<16xf32>
        %add3A_494 = arith.constant 4 : i32
        %add3A_495 = arith.addi %mul3A_115, %add3A_494 : i32
        %add3A_496 = arith.constant 2 : i32
        %add3A_497 = arith.addi %add3A_495, %add3A_496 : i32
        %get3A_498 = arith.index_cast %add3A_497 : i32 to index
        %get3A_499 = arith.constant 32 : index
        %get3A_500 = tpu.vector_load %arg12[%get3A_498, %get3A_499] {strides = array<i32>} : memref<80x128xbf16, #tpu.memory_space<vmem>>, vector<32xbf16>,
        %get3A_501 = arith.index_cast %add3A_497 : i32 to index
        %get3A_502 = arith.constant 32 : index
        %get3A_503 = tpu.vector_load %arg13[%get3A_501, %get3A_502] {strides = array<i32>} : memref<80x128xbf16, #tpu.memory_space<vmem>>, vector<32xbf16>,
        %sub3A_504 = arith.subf %get3A_500, %get3A_503 : vector<32xbf16>
        %mul3A_505 = arith.mulf %sub3A_504, %sub3A_504 : vector<32xbf16>
        %unpack3A_506 = tpu.unpack_subelements %mul3A_505, 0 {pack_format = #tpu.pack_format<interleaved>} : vector<32xbf16> -> vector<16xf32>
        %unpack3A_507 = tpu.unpack_subelements %mul3A_505, 1 {pack_format = #tpu.pack_format<interleaved>} : vector<32xbf16> -> vector<16xf32>
        %add3A_508 = arith.addf %unpack3A_506, %unpack3A_507 : vector<16xf32>
        %add3A_509 = arith.addf %add3A_446, %add3A_508 : vector<16xf32>
        %add3A_510 = arith.constant 4 : i32
        %add3A_511 = arith.addi %mul3A_115, %add3A_510 : i32
        %add3A_512 = arith.constant 3 : i32
        %add3A_513 = arith.addi %add3A_511, %add3A_512 : i32
        %get3A_514 = arith.index_cast %add3A_513 : i32 to index
        %get3A_515 = arith.constant 32 : index
        %get3A_516 = tpu.vector_load %arg12[%get3A_514, %get3A_515] {strides = array<i32>} : memref<80x128xbf16, #tpu.memory_space<vmem>>, vector<32xbf16>,
        %get3A_517 = arith.index_cast %add3A_513 : i32 to index
        %get3A_518 = arith.constant 32 : index
        %get3A_519 = tpu.vector_load %arg13[%get3A_517, %get3A_518] {strides = array<i32>} : memref<80x128xbf16, #tpu.memory_space<vmem>>, vector<32xbf16>,
        %sub3A_520 = arith.subf %get3A_516, %get3A_519 : vector<32xbf16>
        %mul3A_521 = arith.mulf %sub3A_520, %sub3A_520 : vector<32xbf16>
        %unpack3A_522 = tpu.unpack_subelements %mul3A_521, 0 {pack_format = #tpu.pack_format<interleaved>} : vector<32xbf16> -> vector<16xf32>
        %unpack3A_523 = tpu.unpack_subelements %mul3A_521, 1 {pack_format = #tpu.pack_format<interleaved>} : vector<32xbf16> -> vector<16xf32>
        %add3A_524 = arith.addf %unpack3A_522, %unpack3A_523 : vector<16xf32>
        %add3A_525 = arith.addf %add3A_461, %add3A_524 : vector<16xf32>
        %add3A_526 = arith.constant 4 : i32
        %add3A_527 = arith.addi %mul3A_115, %add3A_526 : i32
        %add3A_528 = arith.constant 0 : i32
        %add3A_529 = arith.addi %add3A_527, %add3A_528 : i32
        %get3A_530 = arith.index_cast %add3A_529 : i32 to index
        %get3A_531 = arith.constant 64 : index
        %get3A_532 = tpu.vector_load %arg12[%get3A_530, %get3A_531] {strides = array<i32>} : memref<80x128xbf16, #tpu.memory_space<vmem>>, vector<32xbf16>,
        %get3A_533 = arith.index_cast %add3A_529 : i32 to index
        %get3A_534 = arith.constant 64 : index
        %get3A_535 = tpu.vector_load %arg13[%get3A_533, %get3A_534] {strides = array<i32>} : memref<80x128xbf16, #tpu.memory_space<vmem>>, vector<32xbf16>,
        %sub3A_536 = arith.subf %get3A_532, %get3A_535 : vector<32xbf16>
        %mul3A_537 = arith.mulf %sub3A_536, %sub3A_536 : vector<32xbf16>
        %unpack3A_538 = tpu.unpack_subelements %mul3A_537, 0 {pack_format = #tpu.pack_format<interleaved>} : vector<32xbf16> -> vector<16xf32>
        %unpack3A_539 = tpu.unpack_subelements %mul3A_537, 1 {pack_format = #tpu.pack_format<interleaved>} : vector<32xbf16> -> vector<16xf32>
        %add3A_540 = arith.addf %unpack3A_538, %unpack3A_539 : vector<16xf32>
        %add3A_541 = arith.addf %add3A_477, %add3A_540 : vector<16xf32>
        %add3A_542 = arith.constant 4 : i32
        %add3A_543 = arith.addi %mul3A_115, %add3A_542 : i32
        %add3A_544 = arith.constant 1 : i32
        %add3A_545 = arith.addi %add3A_543, %add3A_544 : i32
        %get3A_546 = arith.index_cast %add3A_545 : i32 to index
        %get3A_547 = arith.constant 64 : index
        %get3A_548 = tpu.vector_load %arg12[%get3A_546, %get3A_547] {strides = array<i32>} : memref<80x128xbf16, #tpu.memory_space<vmem>>, vector<32xbf16>,
        %get3A_549 = arith.index_cast %add3A_545 : i32 to index
        %get3A_550 = arith.constant 64 : index
        %get3A_551 = tpu.vector_load %arg13[%get3A_549, %get3A_550] {strides = array<i32>} : memref<80x128xbf16, #tpu.memory_space<vmem>>, vector<32xbf16>,
        %sub3A_552 = arith.subf %get3A_548, %get3A_551 : vector<32xbf16>
        %mul3A_553 = arith.mulf %sub3A_552, %sub3A_552 : vector<32xbf16>
        %unpack3A_554 = tpu.unpack_subelements %mul3A_553, 0 {pack_format = #tpu.pack_format<interleaved>} : vector<32xbf16> -> vector<16xf32>
        %unpack3A_555 = tpu.unpack_subelements %mul3A_553, 1 {pack_format = #tpu.pack_format<interleaved>} : vector<32xbf16> -> vector<16xf32>
        %add3A_556 = arith.addf %unpack3A_554, %unpack3A_555 : vector<16xf32>
        %add3A_557 = arith.addf %add3A_493, %add3A_556 : vector<16xf32>
        %add3A_558 = arith.constant 4 : i32
        %add3A_559 = arith.addi %mul3A_115, %add3A_558 : i32
        %add3A_560 = arith.constant 2 : i32
        %add3A_561 = arith.addi %add3A_559, %add3A_560 : i32
        %get3A_562 = arith.index_cast %add3A_561 : i32 to index
        %get3A_563 = arith.constant 64 : index
        %get3A_564 = tpu.vector_load %arg12[%get3A_562, %get3A_563] {strides = array<i32>} : memref<80x128xbf16, #tpu.memory_space<vmem>>, vector<32xbf16>,
        %get3A_565 = arith.index_cast %add3A_561 : i32 to index
        %get3A_566 = arith.constant 64 : index
        %get3A_567 = tpu.vector_load %arg13[%get3A_565, %get3A_566] {strides = array<i32>} : memref<80x128xbf16, #tpu.memory_space<vmem>>, vector<32xbf16>,
        %sub3A_568 = arith.subf %get3A_564, %get3A_567 : vector<32xbf16>
        %mul3A_569 = arith.mulf %sub3A_568, %sub3A_568 : vector<32xbf16>
        %unpack3A_570 = tpu.unpack_subelements %mul3A_569, 0 {pack_format = #tpu.pack_format<interleaved>} : vector<32xbf16> -> vector<16xf32>
        %unpack3A_571 = tpu.unpack_subelements %mul3A_569, 1 {pack_format = #tpu.pack_format<interleaved>} : vector<32xbf16> -> vector<16xf32>
        %add3A_572 = arith.addf %unpack3A_570, %unpack3A_571 : vector<16xf32>
        %add3A_573 = arith.addf %add3A_509, %add3A_572 : vector<16xf32>
        %add3A_574 = arith.constant 4 : i32
        %add3A_575 = arith.addi %mul3A_115, %add3A_574 : i32
        %add3A_576 = arith.constant 3 : i32
        %add3A_577 = arith.addi %add3A_575, %add3A_576 : i32
        %get3A_578 = arith.index_cast %add3A_577 : i32 to index
        %get3A_579 = arith.constant 64 : index
        %get3A_580 = tpu.vector_load %arg12[%get3A_578, %get3A_579] {strides = array<i32>} : memref<80x128xbf16, #tpu.memory_space<vmem>>, vector<32xbf16>,
        %get3A_581 = arith.index_cast %add3A_577 : i32 to index
        %get3A_582 = arith.constant 64 : index
        %get3A_583 = tpu.vector_load %arg13[%get3A_581, %get3A_582] {strides = array<i32>} : memref<80x128xbf16, #tpu.memory_space<vmem>>, vector<32xbf16>,
        %sub3A_584 = arith.subf %get3A_580, %get3A_583 : vector<32xbf16>
        %mul3A_585 = arith.mulf %sub3A_584, %sub3A_584 : vector<32xbf16>
        %unpack3A_586 = tpu.unpack_subelements %mul3A_585, 0 {pack_format = #tpu.pack_format<interleaved>} : vector<32xbf16> -> vector<16xf32>
        %unpack3A_587 = tpu.unpack_subelements %mul3A_585, 1 {pack_format = #tpu.pack_format<interleaved>} : vector<32xbf16> -> vector<16xf32>
        %add3A_588 = arith.addf %unpack3A_586, %unpack3A_587 : vector<16xf32>
        %add3A_589 = arith.addf %add3A_525, %add3A_588 : vector<16xf32>
        %add3A_590 = arith.constant 4 : i32
        %add3A_591 = arith.addi %mul3A_115, %add3A_590 : i32
        %add3A_592 = arith.constant 0 : i32
        %add3A_593 = arith.addi %add3A_591, %add3A_592 : i32
        %get3A_594 = arith.index_cast %add3A_593 : i32 to index
        %get3A_595 = arith.constant 96 : index
        %get3A_596 = tpu.vector_load %arg12[%get3A_594, %get3A_595] {strides = array<i32>} : memref<80x128xbf16, #tpu.memory_space<vmem>>, vector<32xbf16>,
        %get3A_597 = arith.index_cast %add3A_593 : i32 to index
        %get3A_598 = arith.constant 96 : index
        %get3A_599 = tpu.vector_load %arg13[%get3A_597, %get3A_598] {strides = array<i32>} : memref<80x128xbf16, #tpu.memory_space<vmem>>, vector<32xbf16>,
        %sub3A_600 = arith.subf %get3A_596, %get3A_599 : vector<32xbf16>
        %mul3A_601 = arith.mulf %sub3A_600, %sub3A_600 : vector<32xbf16>
        %unpack3A_602 = tpu.unpack_subelements %mul3A_601, 0 {pack_format = #tpu.pack_format<interleaved>} : vector<32xbf16> -> vector<16xf32>
        %unpack3A_603 = tpu.unpack_subelements %mul3A_601, 1 {pack_format = #tpu.pack_format<interleaved>} : vector<32xbf16> -> vector<16xf32>
        %add3A_604 = arith.addf %unpack3A_602, %unpack3A_603 : vector<16xf32>
        %add3A_605 = arith.addf %add3A_541, %add3A_604 : vector<16xf32>
        %add3A_606 = arith.constant 4 : i32
        %add3A_607 = arith.addi %mul3A_115, %add3A_606 : i32
        %add3A_608 = arith.constant 1 : i32
        %add3A_609 = arith.addi %add3A_607, %add3A_608 : i32
        %get3A_610 = arith.index_cast %add3A_609 : i32 to index
        %get3A_611 = arith.constant 96 : index
        %get3A_612 = tpu.vector_load %arg12[%get3A_610, %get3A_611] {strides = array<i32>} : memref<80x128xbf16, #tpu.memory_space<vmem>>, vector<32xbf16>,
        %get3A_613 = arith.index_cast %add3A_609 : i32 to index
        %get3A_614 = arith.constant 96 : index
        %get3A_615 = tpu.vector_load %arg13[%get3A_613, %get3A_614] {strides = array<i32>} : memref<80x128xbf16, #tpu.memory_space<vmem>>, vector<32xbf16>,
        %sub3A_616 = arith.subf %get3A_612, %get3A_615 : vector<32xbf16>
        %mul3A_617 = arith.mulf %sub3A_616, %sub3A_616 : vector<32xbf16>
        %unpack3A_618 = tpu.unpack_subelements %mul3A_617, 0 {pack_format = #tpu.pack_format<interleaved>} : vector<32xbf16> -> vector<16xf32>
        %unpack3A_619 = tpu.unpack_subelements %mul3A_617, 1 {pack_format = #tpu.pack_format<interleaved>} : vector<32xbf16> -> vector<16xf32>
        %add3A_620 = arith.addf %unpack3A_618, %unpack3A_619 : vector<16xf32>
        %add3A_621 = arith.addf %add3A_557, %add3A_620 : vector<16xf32>
        %add3A_622 = arith.constant 4 : i32
        %add3A_623 = arith.addi %mul3A_115, %add3A_622 : i32
        %add3A_624 = arith.constant 2 : i32
        %add3A_625 = arith.addi %add3A_623, %add3A_624 : i32
        %get3A_626 = arith.index_cast %add3A_625 : i32 to index
        %get3A_627 = arith.constant 96 : index
        %get3A_628 = tpu.vector_load %arg12[%get3A_626, %get3A_627] {strides = array<i32>} : memref<80x128xbf16, #tpu.memory_space<vmem>>, vector<32xbf16>,
        %get3A_629 = arith.index_cast %add3A_625 : i32 to index
        %get3A_630 = arith.constant 96 : index
        %get3A_631 = tpu.vector_load %arg13[%get3A_629, %get3A_630] {strides = array<i32>} : memref<80x128xbf16, #tpu.memory_space<vmem>>, vector<32xbf16>,
        %sub3A_632 = arith.subf %get3A_628, %get3A_631 : vector<32xbf16>
        %mul3A_633 = arith.mulf %sub3A_632, %sub3A_632 : vector<32xbf16>
        %unpack3A_634 = tpu.unpack_subelements %mul3A_633, 0 {pack_format = #tpu.pack_format<interleaved>} : vector<32xbf16> -> vector<16xf32>
        %unpack3A_635 = tpu.unpack_subelements %mul3A_633, 1 {pack_format = #tpu.pack_format<interleaved>} : vector<32xbf16> -> vector<16xf32>
        %add3A_636 = arith.addf %unpack3A_634, %unpack3A_635 : vector<16xf32>
        %add3A_637 = arith.addf %add3A_573, %add3A_636 : vector<16xf32>
        %add3A_638 = arith.constant 4 : i32
        %add3A_639 = arith.addi %mul3A_115, %add3A_638 : i32
        %add3A_640 = arith.constant 3 : i32
        %add3A_641 = arith.addi %add3A_639, %add3A_640 : i32
        %get3A_642 = arith.index_cast %add3A_641 : i32 to index
        %get3A_643 = arith.constant 96 : index
        %get3A_644 = tpu.vector_load %arg12[%get3A_642, %get3A_643] {strides = array<i32>} : memref<80x128xbf16, #tpu.memory_space<vmem>>, vector<32xbf16>,
        %get3A_645 = arith.index_cast %add3A_641 : i32 to index
        %get3A_646 = arith.constant 96 : index
        %get3A_647 = tpu.vector_load %arg13[%get3A_645, %get3A_646] {strides = array<i32>} : memref<80x128xbf16, #tpu.memory_space<vmem>>, vector<32xbf16>,
        %sub3A_648 = arith.subf %get3A_644, %get3A_647 : vector<32xbf16>
        %mul3A_649 = arith.mulf %sub3A_648, %sub3A_648 : vector<32xbf16>
        %unpack3A_650 = tpu.unpack_subelements %mul3A_649, 0 {pack_format = #tpu.pack_format<interleaved>} : vector<32xbf16> -> vector<16xf32>
        %unpack3A_651 = tpu.unpack_subelements %mul3A_649, 1 {pack_format = #tpu.pack_format<interleaved>} : vector<32xbf16> -> vector<16xf32>
        %add3A_652 = arith.addf %unpack3A_650, %unpack3A_651 : vector<16xf32>
        %add3A_653 = arith.addf %add3A_589, %add3A_652 : vector<16xf32>
        %add3A_654 = arith.constant 4 : i32
        %add3A_655 = vector.broadcast %add3A_654 : i32 to vector<16xi32>
        %add3A_656 = arith.addi %mul3A_140, %add3A_655 : vector<16xi32>
        tpu.vector_store_idx %arg14[%add3A_656], %add3A_605 {add = true} : memref<144xf32, #tpu.memory_space<vmem>>[vector<16xi32>], vector<16xf32>,
        %add3A_657 = arith.constant 5 : i32
        %add3A_658 = vector.broadcast %add3A_657 : i32 to vector<16xi32>
        %add3A_659 = arith.addi %mul3A_140, %add3A_658 : vector<16xi32>
        tpu.vector_store_idx %arg14[%add3A_659], %add3A_621 {add = true} : memref<144xf32, #tpu.memory_space<vmem>>[vector<16xi32>], vector<16xf32>,
        %add3A_660 = arith.constant 6 : i32
        %add3A_661 = vector.broadcast %add3A_660 : i32 to vector<16xi32>
        %add3A_662 = arith.addi %mul3A_140, %add3A_661 : vector<16xi32>
        tpu.vector_store_idx %arg14[%add3A_662], %add3A_637 {add = true} : memref<144xf32, #tpu.memory_space<vmem>>[vector<16xi32>], vector<16xf32>,
        %add3A_663 = arith.constant 7 : i32
        %add3A_664 = vector.broadcast %add3A_663 : i32 to vector<16xi32>
        %add3A_665 = arith.addi %mul3A_140, %add3A_664 : vector<16xi32>
        tpu.vector_store_idx %arg14[%add3A_665], %add3A_653 {add = true} : memref<144xf32, #tpu.memory_space<vmem>>[vector<16xi32>], vector<16xf32>,
        %add3A_666 = arith.constant 8 : i32
        %add3A_667 = arith.addi %mul3A_115, %add3A_666 : i32
        %add3A_668 = arith.constant 0 : i32
        %add3A_669 = arith.addi %add3A_667, %add3A_668 : i32
        %get3A_670 = arith.index_cast %add3A_669 : i32 to index
        %get3A_671 = arith.constant 0 : index
        %get3A_672 = tpu.vector_load %arg12[%get3A_670, %get3A_671] {strides = array<i32>} : memref<80x128xbf16, #tpu.memory_space<vmem>>, vector<32xbf16>,
        %get3A_673 = arith.index_cast %add3A_669 : i32 to index
        %get3A_674 = arith.constant 0 : index
        %get3A_675 = tpu.vector_load %arg13[%get3A_673, %get3A_674] {strides = array<i32>} : memref<80x128xbf16, #tpu.memory_space<vmem>>, vector<32xbf16>,
        %sub3A_676 = arith.subf %get3A_672, %get3A_675 : vector<32xbf16>
        %mul3A_677 = arith.mulf %sub3A_676, %sub3A_676 : vector<32xbf16>
        %unpack3A_678 = tpu.unpack_subelements %mul3A_677, 0 {pack_format = #tpu.pack_format<interleaved>} : vector<32xbf16> -> vector<16xf32>
        %unpack3A_679 = tpu.unpack_subelements %mul3A_677, 1 {pack_format = #tpu.pack_format<interleaved>} : vector<32xbf16> -> vector<16xf32>
        %add3A_680 = arith.addf %unpack3A_678, %unpack3A_679 : vector<16xf32>
        %add3A_681 = arith.constant 8 : i32
        %add3A_682 = arith.addi %mul3A_115, %add3A_681 : i32
        %add3A_683 = arith.constant 1 : i32
        %add3A_684 = arith.addi %add3A_682, %add3A_683 : i32
        %get3A_685 = arith.index_cast %add3A_684 : i32 to index
        %get3A_686 = arith.constant 0 : index
        %get3A_687 = tpu.vector_load %arg12[%get3A_685, %get3A_686] {strides = array<i32>} : memref<80x128xbf16, #tpu.memory_space<vmem>>, vector<32xbf16>,
        %get3A_688 = arith.index_cast %add3A_684 : i32 to index
        %get3A_689 = arith.constant 0 : index
        %get3A_690 = tpu.vector_load %arg13[%get3A_688, %get3A_689] {strides = array<i32>} : memref<80x128xbf16, #tpu.memory_space<vmem>>, vector<32xbf16>,
        %sub3A_691 = arith.subf %get3A_687, %get3A_690 : vector<32xbf16>
        %mul3A_692 = arith.mulf %sub3A_691, %sub3A_691 : vector<32xbf16>
        %unpack3A_693 = tpu.unpack_subelements %mul3A_692, 0 {pack_format = #tpu.pack_format<interleaved>} : vector<32xbf16> -> vector<16xf32>
        %unpack3A_694 = tpu.unpack_subelements %mul3A_692, 1 {pack_format = #tpu.pack_format<interleaved>} : vector<32xbf16> -> vector<16xf32>
        %add3A_695 = arith.addf %unpack3A_693, %unpack3A_694 : vector<16xf32>
        %add3A_696 = arith.constant 8 : i32
        %add3A_697 = arith.addi %mul3A_115, %add3A_696 : i32
        %add3A_698 = arith.constant 2 : i32
        %add3A_699 = arith.addi %add3A_697, %add3A_698 : i32
        %get3A_700 = arith.index_cast %add3A_699 : i32 to index
        %get3A_701 = arith.constant 0 : index
        %get3A_702 = tpu.vector_load %arg12[%get3A_700, %get3A_701] {strides = array<i32>} : memref<80x128xbf16, #tpu.memory_space<vmem>>, vector<32xbf16>,
        %get3A_703 = arith.index_cast %add3A_699 : i32 to index
        %get3A_704 = arith.constant 0 : index
        %get3A_705 = tpu.vector_load %arg13[%get3A_703, %get3A_704] {strides = array<i32>} : memref<80x128xbf16, #tpu.memory_space<vmem>>, vector<32xbf16>,
        %sub3A_706 = arith.subf %get3A_702, %get3A_705 : vector<32xbf16>
        %mul3A_707 = arith.mulf %sub3A_706, %sub3A_706 : vector<32xbf16>
        %unpack3A_708 = tpu.unpack_subelements %mul3A_707, 0 {pack_format = #tpu.pack_format<interleaved>} : vector<32xbf16> -> vector<16xf32>
        %unpack3A_709 = tpu.unpack_subelements %mul3A_707, 1 {pack_format = #tpu.pack_format<interleaved>} : vector<32xbf16> -> vector<16xf32>
        %add3A_710 = arith.addf %unpack3A_708, %unpack3A_709 : vector<16xf32>
        %add3A_711 = arith.constant 8 : i32
        %add3A_712 = arith.addi %mul3A_115, %add3A_711 : i32
        %add3A_713 = arith.constant 3 : i32
        %add3A_714 = arith.addi %add3A_712, %add3A_713 : i32
        %get3A_715 = arith.index_cast %add3A_714 : i32 to index
        %get3A_716 = arith.constant 0 : index
        %get3A_717 = tpu.vector_load %arg12[%get3A_715, %get3A_716] {strides = array<i32>} : memref<80x128xbf16, #tpu.memory_space<vmem>>, vector<32xbf16>,
        %get3A_718 = arith.index_cast %add3A_714 : i32 to index
        %get3A_719 = arith.constant 0 : index
        %get3A_720 = tpu.vector_load %arg13[%get3A_718, %get3A_719] {strides = array<i32>} : memref<80x128xbf16, #tpu.memory_space<vmem>>, vector<32xbf16>,
        %sub3A_721 = arith.subf %get3A_717, %get3A_720 : vector<32xbf16>
        %mul3A_722 = arith.mulf %sub3A_721, %sub3A_721 : vector<32xbf16>
        %unpack3A_723 = tpu.unpack_subelements %mul3A_722, 0 {pack_format = #tpu.pack_format<interleaved>} : vector<32xbf16> -> vector<16xf32>
        %unpack3A_724 = tpu.unpack_subelements %mul3A_722, 1 {pack_format = #tpu.pack_format<interleaved>} : vector<32xbf16> -> vector<16xf32>
        %add3A_725 = arith.addf %unpack3A_723, %unpack3A_724 : vector<16xf32>
        %add3A_726 = arith.constant 8 : i32
        %add3A_727 = arith.addi %mul3A_115, %add3A_726 : i32
        %add3A_728 = arith.constant 0 : i32
        %add3A_729 = arith.addi %add3A_727, %add3A_728 : i32
        %get3A_730 = arith.index_cast %add3A_729 : i32 to index
        %get3A_731 = arith.constant 32 : index
        %get3A_732 = tpu.vector_load %arg12[%get3A_730, %get3A_731] {strides = array<i32>} : memref<80x128xbf16, #tpu.memory_space<vmem>>, vector<32xbf16>,
        %get3A_733 = arith.index_cast %add3A_729 : i32 to index
        %get3A_734 = arith.constant 32 : index
        %get3A_735 = tpu.vector_load %arg13[%get3A_733, %get3A_734] {strides = array<i32>} : memref<80x128xbf16, #tpu.memory_space<vmem>>, vector<32xbf16>,
        %sub3A_736 = arith.subf %get3A_732, %get3A_735 : vector<32xbf16>
        %mul3A_737 = arith.mulf %sub3A_736, %sub3A_736 : vector<32xbf16>
        %unpack3A_738 = tpu.unpack_subelements %mul3A_737, 0 {pack_format = #tpu.pack_format<interleaved>} : vector<32xbf16> -> vector<16xf32>
        %unpack3A_739 = tpu.unpack_subelements %mul3A_737, 1 {pack_format = #tpu.pack_format<interleaved>} : vector<32xbf16> -> vector<16xf32>
        %add3A_740 = arith.addf %unpack3A_738, %unpack3A_739 : vector<16xf32>
        %add3A_741 = arith.addf %add3A_680, %add3A_740 : vector<16xf32>
        %add3A_742 = arith.constant 8 : i32
        %add3A_743 = arith.addi %mul3A_115, %add3A_742 : i32
        %add3A_744 = arith.constant 1 : i32
        %add3A_745 = arith.addi %add3A_743, %add3A_744 : i32
        %get3A_746 = arith.index_cast %add3A_745 : i32 to index
        %get3A_747 = arith.constant 32 : index
        %get3A_748 = tpu.vector_load %arg12[%get3A_746, %get3A_747] {strides = array<i32>} : memref<80x128xbf16, #tpu.memory_space<vmem>>, vector<32xbf16>,
        %get3A_749 = arith.index_cast %add3A_745 : i32 to index
        %get3A_750 = arith.constant 32 : index
        %get3A_751 = tpu.vector_load %arg13[%get3A_749, %get3A_750] {strides = array<i32>} : memref<80x128xbf16, #tpu.memory_space<vmem>>, vector<32xbf16>,
        %sub3A_752 = arith.subf %get3A_748, %get3A_751 : vector<32xbf16>
        %mul3A_753 = arith.mulf %sub3A_752, %sub3A_752 : vector<32xbf16>
        %unpack3A_754 = tpu.unpack_subelements %mul3A_753, 0 {pack_format = #tpu.pack_format<interleaved>} : vector<32xbf16> -> vector<16xf32>
        %unpack3A_755 = tpu.unpack_subelements %mul3A_753, 1 {pack_format = #tpu.pack_format<interleaved>} : vector<32xbf16> -> vector<16xf32>
        %add3A_756 = arith.addf %unpack3A_754, %unpack3A_755 : vector<16xf32>
        %add3A_757 = arith.addf %add3A_695, %add3A_756 : vector<16xf32>
        %add3A_758 = arith.constant 8 : i32
        %add3A_759 = arith.addi %mul3A_115, %add3A_758 : i32
        %add3A_760 = arith.constant 2 : i32
        %add3A_761 = arith.addi %add3A_759, %add3A_760 : i32
        %get3A_762 = arith.index_cast %add3A_761 : i32 to index
        %get3A_763 = arith.constant 32 : index
        %get3A_764 = tpu.vector_load %arg12[%get3A_762, %get3A_763] {strides = array<i32>} : memref<80x128xbf16, #tpu.memory_space<vmem>>, vector<32xbf16>,
        %get3A_765 = arith.index_cast %add3A_761 : i32 to index
        %get3A_766 = arith.constant 32 : index
        %get3A_767 = tpu.vector_load %arg13[%get3A_765, %get3A_766] {strides = array<i32>} : memref<80x128xbf16, #tpu.memory_space<vmem>>, vector<32xbf16>,
        %sub3A_768 = arith.subf %get3A_764, %get3A_767 : vector<32xbf16>
        %mul3A_769 = arith.mulf %sub3A_768, %sub3A_768 : vector<32xbf16>
        %unpack3A_770 = tpu.unpack_subelements %mul3A_769, 0 {pack_format = #tpu.pack_format<interleaved>} : vector<32xbf16> -> vector<16xf32>
        %unpack3A_771 = tpu.unpack_subelements %mul3A_769, 1 {pack_format = #tpu.pack_format<interleaved>} : vector<32xbf16> -> vector<16xf32>
        %add3A_772 = arith.addf %unpack3A_770, %unpack3A_771 : vector<16xf32>
        %add3A_773 = arith.addf %add3A_710, %add3A_772 : vector<16xf32>
        %add3A_774 = arith.constant 8 : i32
        %add3A_775 = arith.addi %mul3A_115, %add3A_774 : i32
        %add3A_776 = arith.constant 3 : i32
        %add3A_777 = arith.addi %add3A_775, %add3A_776 : i32
        %get3A_778 = arith.index_cast %add3A_777 : i32 to index
        %get3A_779 = arith.constant 32 : index
        %get3A_780 = tpu.vector_load %arg12[%get3A_778, %get3A_779] {strides = array<i32>} : memref<80x128xbf16, #tpu.memory_space<vmem>>, vector<32xbf16>,
        %get3A_781 = arith.index_cast %add3A_777 : i32 to index
        %get3A_782 = arith.constant 32 : index
        %get3A_783 = tpu.vector_load %arg13[%get3A_781, %get3A_782] {strides = array<i32>} : memref<80x128xbf16, #tpu.memory_space<vmem>>, vector<32xbf16>,
        %sub3A_784 = arith.subf %get3A_780, %get3A_783 : vector<32xbf16>
        %mul3A_785 = arith.mulf %sub3A_784, %sub3A_784 : vector<32xbf16>
        %unpack3A_786 = tpu.unpack_subelements %mul3A_785, 0 {pack_format = #tpu.pack_format<interleaved>} : vector<32xbf16> -> vector<16xf32>
        %unpack3A_787 = tpu.unpack_subelements %mul3A_785, 1 {pack_format = #tpu.pack_format<interleaved>} : vector<32xbf16> -> vector<16xf32>
        %add3A_788 = arith.addf %unpack3A_786, %unpack3A_787 : vector<16xf32>
        %add3A_789 = arith.addf %add3A_725, %add3A_788 : vector<16xf32>
        %add3A_790 = arith.constant 8 : i32
        %add3A_791 = arith.addi %mul3A_115, %add3A_790 : i32
        %add3A_792 = arith.constant 0 : i32
        %add3A_793 = arith.addi %add3A_791, %add3A_792 : i32
        %get3A_794 = arith.index_cast %add3A_793 : i32 to index
        %get3A_795 = arith.constant 64 : index
        %get3A_796 = tpu.vector_load %arg12[%get3A_794, %get3A_795] {strides = array<i32>} : memref<80x128xbf16, #tpu.memory_space<vmem>>, vector<32xbf16>,
        %get3A_797 = arith.index_cast %add3A_793 : i32 to index
        %get3A_798 = arith.constant 64 : index
        %get3A_799 = tpu.vector_load %arg13[%get3A_797, %get3A_798] {strides = array<i32>} : memref<80x128xbf16, #tpu.memory_space<vmem>>, vector<32xbf16>,
        %sub3A_800 = arith.subf %get3A_796, %get3A_799 : vector<32xbf16>
        %mul3A_801 = arith.mulf %sub3A_800, %sub3A_800 : vector<32xbf16>
        %unpack3A_802 = tpu.unpack_subelements %mul3A_801, 0 {pack_format = #tpu.pack_format<interleaved>} : vector<32xbf16> -> vector<16xf32>
        %unpack3A_803 = tpu.unpack_subelements %mul3A_801, 1 {pack_format = #tpu.pack_format<interleaved>} : vector<32xbf16> -> vector<16xf32>
        %add3A_804 = arith.addf %unpack3A_802, %unpack3A_803 : vector<16xf32>
        %add3A_805 = arith.addf %add3A_741, %add3A_804 : vector<16xf32>
        %add3A_806 = arith.constant 8 : i32
        %add3A_807 = arith.addi %mul3A_115, %add3A_806 : i32
        %add3A_808 = arith.constant 1 : i32
        %add3A_809 = arith.addi %add3A_807, %add3A_808 : i32
        %get3A_810 = arith.index_cast %add3A_809 : i32 to index
        %get3A_811 = arith.constant 64 : index
        %get3A_812 = tpu.vector_load %arg12[%get3A_810, %get3A_811] {strides = array<i32>} : memref<80x128xbf16, #tpu.memory_space<vmem>>, vector<32xbf16>,
        %get3A_813 = arith.index_cast %add3A_809 : i32 to index
        %get3A_814 = arith.constant 64 : index
        %get3A_815 = tpu.vector_load %arg13[%get3A_813, %get3A_814] {strides = array<i32>} : memref<80x128xbf16, #tpu.memory_space<vmem>>, vector<32xbf16>,
        %sub3A_816 = arith.subf %get3A_812, %get3A_815 : vector<32xbf16>
        %mul3A_817 = arith.mulf %sub3A_816, %sub3A_816 : vector<32xbf16>
        %unpack3A_818 = tpu.unpack_subelements %mul3A_817, 0 {pack_format = #tpu.pack_format<interleaved>} : vector<32xbf16> -> vector<16xf32>
        %unpack3A_819 = tpu.unpack_subelements %mul3A_817, 1 {pack_format = #tpu.pack_format<interleaved>} : vector<32xbf16> -> vector<16xf32>
        %add3A_820 = arith.addf %unpack3A_818, %unpack3A_819 : vector<16xf32>
        %add3A_821 = arith.addf %add3A_757, %add3A_820 : vector<16xf32>
        %add3A_822 = arith.constant 8 : i32
        %add3A_823 = arith.addi %mul3A_115, %add3A_822 : i32
        %add3A_824 = arith.constant 2 : i32
        %add3A_825 = arith.addi %add3A_823, %add3A_824 : i32
        %get3A_826 = arith.index_cast %add3A_825 : i32 to index
        %get3A_827 = arith.constant 64 : index
        %get3A_828 = tpu.vector_load %arg12[%get3A_826, %get3A_827] {strides = array<i32>} : memref<80x128xbf16, #tpu.memory_space<vmem>>, vector<32xbf16>,
        %get3A_829 = arith.index_cast %add3A_825 : i32 to index
        %get3A_830 = arith.constant 64 : index
        %get3A_831 = tpu.vector_load %arg13[%get3A_829, %get3A_830] {strides = array<i32>} : memref<80x128xbf16, #tpu.memory_space<vmem>>, vector<32xbf16>,
        %sub3A_832 = arith.subf %get3A_828, %get3A_831 : vector<32xbf16>
        %mul3A_833 = arith.mulf %sub3A_832, %sub3A_832 : vector<32xbf16>
        %unpack3A_834 = tpu.unpack_subelements %mul3A_833, 0 {pack_format = #tpu.pack_format<interleaved>} : vector<32xbf16> -> vector<16xf32>
        %unpack3A_835 = tpu.unpack_subelements %mul3A_833, 1 {pack_format = #tpu.pack_format<interleaved>} : vector<32xbf16> -> vector<16xf32>
        %add3A_836 = arith.addf %unpack3A_834, %unpack3A_835 : vector<16xf32>
        %add3A_837 = arith.addf %add3A_773, %add3A_836 : vector<16xf32>
        %add3A_838 = arith.constant 8 : i32
        %add3A_839 = arith.addi %mul3A_115, %add3A_838 : i32
        %add3A_840 = arith.constant 3 : i32
        %add3A_841 = arith.addi %add3A_839, %add3A_840 : i32
        %get3A_842 = arith.index_cast %add3A_841 : i32 to index
        %get3A_843 = arith.constant 64 : index
        %get3A_844 = tpu.vector_load %arg12[%get3A_842, %get3A_843] {strides = array<i32>} : memref<80x128xbf16, #tpu.memory_space<vmem>>, vector<32xbf16>,
        %get3A_845 = arith.index_cast %add3A_841 : i32 to index
        %get3A_846 = arith.constant 64 : index
        %get3A_847 = tpu.vector_load %arg13[%get3A_845, %get3A_846] {strides = array<i32>} : memref<80x128xbf16, #tpu.memory_space<vmem>>, vector<32xbf16>,
        %sub3A_848 = arith.subf %get3A_844, %get3A_847 : vector<32xbf16>
        %mul3A_849 = arith.mulf %sub3A_848, %sub3A_848 : vector<32xbf16>
        %unpack3A_850 = tpu.unpack_subelements %mul3A_849, 0 {pack_format = #tpu.pack_format<interleaved>} : vector<32xbf16> -> vector<16xf32>
        %unpack3A_851 = tpu.unpack_subelements %mul3A_849, 1 {pack_format = #tpu.pack_format<interleaved>} : vector<32xbf16> -> vector<16xf32>
        %add3A_852 = arith.addf %unpack3A_850, %unpack3A_851 : vector<16xf32>
        %add3A_853 = arith.addf %add3A_789, %add3A_852 : vector<16xf32>
        %add3A_854 = arith.constant 8 : i32
        %add3A_855 = arith.addi %mul3A_115, %add3A_854 : i32
        %add3A_856 = arith.constant 0 : i32
        %add3A_857 = arith.addi %add3A_855, %add3A_856 : i32
        %get3A_858 = arith.index_cast %add3A_857 : i32 to index
        %get3A_859 = arith.constant 96 : index
        %get3A_860 = tpu.vector_load %arg12[%get3A_858, %get3A_859] {strides = array<i32>} : memref<80x128xbf16, #tpu.memory_space<vmem>>, vector<32xbf16>,
        %get3A_861 = arith.index_cast %add3A_857 : i32 to index
        %get3A_862 = arith.constant 96 : index
        %get3A_863 = tpu.vector_load %arg13[%get3A_861, %get3A_862] {strides = array<i32>} : memref<80x128xbf16, #tpu.memory_space<vmem>>, vector<32xbf16>,
        %sub3A_864 = arith.subf %get3A_860, %get3A_863 : vector<32xbf16>
        %mul3A_865 = arith.mulf %sub3A_864, %sub3A_864 : vector<32xbf16>
        %unpack3A_866 = tpu.unpack_subelements %mul3A_865, 0 {pack_format = #tpu.pack_format<interleaved>} : vector<32xbf16> -> vector<16xf32>
        %unpack3A_867 = tpu.unpack_subelements %mul3A_865, 1 {pack_format = #tpu.pack_format<interleaved>} : vector<32xbf16> -> vector<16xf32>
        %add3A_868 = arith.addf %unpack3A_866, %unpack3A_867 : vector<16xf32>
        %add3A_869 = arith.addf %add3A_805, %add3A_868 : vector<16xf32>
        %add3A_870 = arith.constant 8 : i32
        %add3A_871 = arith.addi %mul3A_115, %add3A_870 : i32
        %add3A_872 = arith.constant 1 : i32
        %add3A_873 = arith.addi %add3A_871, %add3A_872 : i32
        %get3A_874 = arith.index_cast %add3A_873 : i32 to index
        %get3A_875 = arith.constant 96 : index
        %get3A_876 = tpu.vector_load %arg12[%get3A_874, %get3A_875] {strides = array<i32>} : memref<80x128xbf16, #tpu.memory_space<vmem>>, vector<32xbf16>,
        %get3A_877 = arith.index_cast %add3A_873 : i32 to index
        %get3A_878 = arith.constant 96 : index
        %get3A_879 = tpu.vector_load %arg13[%get3A_877, %get3A_878] {strides = array<i32>} : memref<80x128xbf16, #tpu.memory_space<vmem>>, vector<32xbf16>,
        %sub3A_880 = arith.subf %get3A_876, %get3A_879 : vector<32xbf16>
        %mul3A_881 = arith.mulf %sub3A_880, %sub3A_880 : vector<32xbf16>
        %unpack3A_882 = tpu.unpack_subelements %mul3A_881, 0 {pack_format = #tpu.pack_format<interleaved>} : vector<32xbf16> -> vector<16xf32>
        %unpack3A_883 = tpu.unpack_subelements %mul3A_881, 1 {pack_format = #tpu.pack_format<interleaved>} : vector<32xbf16> -> vector<16xf32>
        %add3A_884 = arith.addf %unpack3A_882, %unpack3A_883 : vector<16xf32>
        %add3A_885 = arith.addf %add3A_821, %add3A_884 : vector<16xf32>
        %add3A_886 = arith.constant 8 : i32
        %add3A_887 = arith.addi %mul3A_115, %add3A_886 : i32
        %add3A_888 = arith.constant 2 : i32
        %add3A_889 = arith.addi %add3A_887, %add3A_888 : i32
        %get3A_890 = arith.index_cast %add3A_889 : i32 to index
        %get3A_891 = arith.constant 96 : index
        %get3A_892 = tpu.vector_load %arg12[%get3A_890, %get3A_891] {strides = array<i32>} : memref<80x128xbf16, #tpu.memory_space<vmem>>, vector<32xbf16>,
        %get3A_893 = arith.index_cast %add3A_889 : i32 to index
        %get3A_894 = arith.constant 96 : index
        %get3A_895 = tpu.vector_load %arg13[%get3A_893, %get3A_894] {strides = array<i32>} : memref<80x128xbf16, #tpu.memory_space<vmem>>, vector<32xbf16>,
        %sub3A_896 = arith.subf %get3A_892, %get3A_895 : vector<32xbf16>
        %mul3A_897 = arith.mulf %sub3A_896, %sub3A_896 : vector<32xbf16>
        %unpack3A_898 = tpu.unpack_subelements %mul3A_897, 0 {pack_format = #tpu.pack_format<interleaved>} : vector<32xbf16> -> vector<16xf32>
        %unpack3A_899 = tpu.unpack_subelements %mul3A_897, 1 {pack_format = #tpu.pack_format<interleaved>} : vector<32xbf16> -> vector<16xf32>
        %add3A_900 = arith.addf %unpack3A_898, %unpack3A_899 : vector<16xf32>
        %add3A_901 = arith.addf %add3A_837, %add3A_900 : vector<16xf32>
        %add3A_902 = arith.constant 8 : i32
        %add3A_903 = arith.addi %mul3A_115, %add3A_902 : i32
        %add3A_904 = arith.constant 3 : i32
        %add3A_905 = arith.addi %add3A_903, %add3A_904 : i32
        %get3A_906 = arith.index_cast %add3A_905 : i32 to index
        %get3A_907 = arith.constant 96 : index
        %get3A_908 = tpu.vector_load %arg12[%get3A_906, %get3A_907] {strides = array<i32>} : memref<80x128xbf16, #tpu.memory_space<vmem>>, vector<32xbf16>,
        %get3A_909 = arith.index_cast %add3A_905 : i32 to index
        %get3A_910 = arith.constant 96 : index
        %get3A_911 = tpu.vector_load %arg13[%get3A_909, %get3A_910] {strides = array<i32>} : memref<80x128xbf16, #tpu.memory_space<vmem>>, vector<32xbf16>,
        %sub3A_912 = arith.subf %get3A_908, %get3A_911 : vector<32xbf16>
        %mul3A_913 = arith.mulf %sub3A_912, %sub3A_912 : vector<32xbf16>
        %unpack3A_914 = tpu.unpack_subelements %mul3A_913, 0 {pack_format = #tpu.pack_format<interleaved>} : vector<32xbf16> -> vector<16xf32>
        %unpack3A_915 = tpu.unpack_subelements %mul3A_913, 1 {pack_format = #tpu.pack_format<interleaved>} : vector<32xbf16> -> vector<16xf32>
        %add3A_916 = arith.addf %unpack3A_914, %unpack3A_915 : vector<16xf32>
        %add3A_917 = arith.addf %add3A_853, %add3A_916 : vector<16xf32>
        %add3A_918 = arith.constant 8 : i32
        %add3A_919 = vector.broadcast %add3A_918 : i32 to vector<16xi32>
        %add3A_920 = arith.addi %mul3A_140, %add3A_919 : vector<16xi32>
        tpu.vector_store_idx %arg14[%add3A_920], %add3A_869 {add = true} : memref<144xf32, #tpu.memory_space<vmem>>[vector<16xi32>], vector<16xf32>,
        %add3A_921 = arith.constant 9 : i32
        %add3A_922 = vector.broadcast %add3A_921 : i32 to vector<16xi32>
        %add3A_923 = arith.addi %mul3A_140, %add3A_922 : vector<16xi32>
        tpu.vector_store_idx %arg14[%add3A_923], %add3A_885 {add = true} : memref<144xf32, #tpu.memory_space<vmem>>[vector<16xi32>], vector<16xf32>,
        %add3A_924 = arith.constant 10 : i32
        %add3A_925 = vector.broadcast %add3A_924 : i32 to vector<16xi32>
        %add3A_926 = arith.addi %mul3A_140, %add3A_925 : vector<16xi32>
        tpu.vector_store_idx %arg14[%add3A_926], %add3A_901 {add = true} : memref<144xf32, #tpu.memory_space<vmem>>[vector<16xi32>], vector<16xf32>,
        %add3A_927 = arith.constant 11 : i32
        %add3A_928 = vector.broadcast %add3A_927 : i32 to vector<16xi32>
        %add3A_929 = arith.addi %mul3A_140, %add3A_928 : vector<16xi32>
        tpu.vector_store_idx %arg14[%add3A_929], %add3A_917 {add = true} : memref<144xf32, #tpu.memory_space<vmem>>[vector<16xi32>], vector<16xf32>,
        %add3A_930 = arith.constant 12 : i32
        %add3A_931 = arith.addi %mul3A_115, %add3A_930 : i32
        %add3A_932 = arith.constant 0 : i32
        %add3A_933 = arith.addi %add3A_931, %add3A_932 : i32
        %get3A_934 = arith.index_cast %add3A_933 : i32 to index
        %get3A_935 = arith.constant 0 : index
        %get3A_936 = tpu.vector_load %arg12[%get3A_934, %get3A_935] {strides = array<i32>} : memref<80x128xbf16, #tpu.memory_space<vmem>>, vector<32xbf16>,
        %get3A_937 = arith.index_cast %add3A_933 : i32 to index
        %get3A_938 = arith.constant 0 : index
        %get3A_939 = tpu.vector_load %arg13[%get3A_937, %get3A_938] {strides = array<i32>} : memref<80x128xbf16, #tpu.memory_space<vmem>>, vector<32xbf16>,
        %sub3A_940 = arith.subf %get3A_936, %get3A_939 : vector<32xbf16>
        %mul3A_941 = arith.mulf %sub3A_940, %sub3A_940 : vector<32xbf16>
        %unpack3A_942 = tpu.unpack_subelements %mul3A_941, 0 {pack_format = #tpu.pack_format<interleaved>} : vector<32xbf16> -> vector<16xf32>
        %unpack3A_943 = tpu.unpack_subelements %mul3A_941, 1 {pack_format = #tpu.pack_format<interleaved>} : vector<32xbf16> -> vector<16xf32>
        %add3A_944 = arith.addf %unpack3A_942, %unpack3A_943 : vector<16xf32>
        %add3A_945 = arith.constant 12 : i32
        %add3A_946 = arith.addi %mul3A_115, %add3A_945 : i32
        %add3A_947 = arith.constant 1 : i32
        %add3A_948 = arith.addi %add3A_946, %add3A_947 : i32
        %get3A_949 = arith.index_cast %add3A_948 : i32 to index
        %get3A_950 = arith.constant 0 : index
        %get3A_951 = tpu.vector_load %arg12[%get3A_949, %get3A_950] {strides = array<i32>} : memref<80x128xbf16, #tpu.memory_space<vmem>>, vector<32xbf16>,
        %get3A_952 = arith.index_cast %add3A_948 : i32 to index
        %get3A_953 = arith.constant 0 : index
        %get3A_954 = tpu.vector_load %arg13[%get3A_952, %get3A_953] {strides = array<i32>} : memref<80x128xbf16, #tpu.memory_space<vmem>>, vector<32xbf16>,
        %sub3A_955 = arith.subf %get3A_951, %get3A_954 : vector<32xbf16>
        %mul3A_956 = arith.mulf %sub3A_955, %sub3A_955 : vector<32xbf16>
        %unpack3A_957 = tpu.unpack_subelements %mul3A_956, 0 {pack_format = #tpu.pack_format<interleaved>} : vector<32xbf16> -> vector<16xf32>
        %unpack3A_958 = tpu.unpack_subelements %mul3A_956, 1 {pack_format = #tpu.pack_format<interleaved>} : vector<32xbf16> -> vector<16xf32>
        %add3A_959 = arith.addf %unpack3A_957, %unpack3A_958 : vector<16xf32>
        %add3A_960 = arith.constant 12 : i32
        %add3A_961 = arith.addi %mul3A_115, %add3A_960 : i32
        %add3A_962 = arith.constant 2 : i32
        %add3A_963 = arith.addi %add3A_961, %add3A_962 : i32
        %get3A_964 = arith.index_cast %add3A_963 : i32 to index
        %get3A_965 = arith.constant 0 : index
        %get3A_966 = tpu.vector_load %arg12[%get3A_964, %get3A_965] {strides = array<i32>} : memref<80x128xbf16, #tpu.memory_space<vmem>>, vector<32xbf16>,
        %get3A_967 = arith.index_cast %add3A_963 : i32 to index
        %get3A_968 = arith.constant 0 : index
        %get3A_969 = tpu.vector_load %arg13[%get3A_967, %get3A_968] {strides = array<i32>} : memref<80x128xbf16, #tpu.memory_space<vmem>>, vector<32xbf16>,
        %sub3A_970 = arith.subf %get3A_966, %get3A_969 : vector<32xbf16>
        %mul3A_971 = arith.mulf %sub3A_970, %sub3A_970 : vector<32xbf16>
        %unpack3A_972 = tpu.unpack_subelements %mul3A_971, 0 {pack_format = #tpu.pack_format<interleaved>} : vector<32xbf16> -> vector<16xf32>
        %unpack3A_973 = tpu.unpack_subelements %mul3A_971, 1 {pack_format = #tpu.pack_format<interleaved>} : vector<32xbf16> -> vector<16xf32>
        %add3A_974 = arith.addf %unpack3A_972, %unpack3A_973 : vector<16xf32>
        %add3A_975 = arith.constant 12 : i32
        %add3A_976 = arith.addi %mul3A_115, %add3A_975 : i32
        %add3A_977 = arith.constant 3 : i32
        %add3A_978 = arith.addi %add3A_976, %add3A_977 : i32
        %get3A_979 = arith.index_cast %add3A_978 : i32 to index
        %get3A_980 = arith.constant 0 : index
        %get3A_981 = tpu.vector_load %arg12[%get3A_979, %get3A_980] {strides = array<i32>} : memref<80x128xbf16, #tpu.memory_space<vmem>>, vector<32xbf16>,
        %get3A_982 = arith.index_cast %add3A_978 : i32 to index
        %get3A_983 = arith.constant 0 : index
        %get3A_984 = tpu.vector_load %arg13[%get3A_982, %get3A_983] {strides = array<i32>} : memref<80x128xbf16, #tpu.memory_space<vmem>>, vector<32xbf16>,
        %sub3A_985 = arith.subf %get3A_981, %get3A_984 : vector<32xbf16>
        %mul3A_986 = arith.mulf %sub3A_985, %sub3A_985 : vector<32xbf16>
        %unpack3A_987 = tpu.unpack_subelements %mul3A_986, 0 {pack_format = #tpu.pack_format<interleaved>} : vector<32xbf16> -> vector<16xf32>
        %unpack3A_988 = tpu.unpack_subelements %mul3A_986, 1 {pack_format = #tpu.pack_format<interleaved>} : vector<32xbf16> -> vector<16xf32>
        %add3A_989 = arith.addf %unpack3A_987, %unpack3A_988 : vector<16xf32>
        %add3A_990 = arith.constant 12 : i32
        %add3A_991 = arith.addi %mul3A_115, %add3A_990 : i32
        %add3A_992 = arith.constant 0 : i32
        %add3A_993 = arith.addi %add3A_991, %add3A_992 : i32
        %get3A_994 = arith.index_cast %add3A_993 : i32 to index
        %get3A_995 = arith.constant 32 : index
        %get3A_996 = tpu.vector_load %arg12[%get3A_994, %get3A_995] {strides = array<i32>} : memref<80x128xbf16, #tpu.memory_space<vmem>>, vector<32xbf16>,
        %get3A_997 = arith.index_cast %add3A_993 : i32 to index
        %get3A_998 = arith.constant 32 : index
        %get3A_999 = tpu.vector_load %arg13[%get3A_997, %get3A_998] {strides = array<i32>} : memref<80x128xbf16, #tpu.memory_space<vmem>>, vector<32xbf16>,
        %sub3A_1000 = arith.subf %get3A_996, %get3A_999 : vector<32xbf16>
        %mul3A_1001 = arith.mulf %sub3A_1000, %sub3A_1000 : vector<32xbf16>
        %unpack3A_1002 = tpu.unpack_subelements %mul3A_1001, 0 {pack_format = #tpu.pack_format<interleaved>} : vector<32xbf16> -> vector<16xf32>
        %unpack3A_1003 = tpu.unpack_subelements %mul3A_1001, 1 {pack_format = #tpu.pack_format<interleaved>} : vector<32xbf16> -> vector<16xf32>
        %add3A_1004 = arith.addf %unpack3A_1002, %unpack3A_1003 : vector<16xf32>
        %add3A_1005 = arith.addf %add3A_944, %add3A_1004 : vector<16xf32>
        %add3A_1006 = arith.constant 12 : i32
        %add3A_1007 = arith.addi %mul3A_115, %add3A_1006 : i32
        %add3A_1008 = arith.constant 1 : i32
        %add3A_1009 = arith.addi %add3A_1007, %add3A_1008 : i32
        %get3A_1010 = arith.index_cast %add3A_1009 : i32 to index
        %get3A_1011 = arith.constant 32 : index
        %get3A_1012 = tpu.vector_load %arg12[%get3A_1010, %get3A_1011] {strides = array<i32>} : memref<80x128xbf16, #tpu.memory_space<vmem>>, vector<32xbf16>,
        %get3A_1013 = arith.index_cast %add3A_1009 : i32 to index
        %get3A_1014 = arith.constant 32 : index
        %get3A_1015 = tpu.vector_load %arg13[%get3A_1013, %get3A_1014] {strides = array<i32>} : memref<80x128xbf16, #tpu.memory_space<vmem>>, vector<32xbf16>,
        %sub3A_1016 = arith.subf %get3A_1012, %get3A_1015 : vector<32xbf16>
        %mul3A_1017 = arith.mulf %sub3A_1016, %sub3A_1016 : vector<32xbf16>
        %unpack3A_1018 = tpu.unpack_subelements %mul3A_1017, 0 {pack_format = #tpu.pack_format<interleaved>} : vector<32xbf16> -> vector<16xf32>
        %unpack3A_1019 = tpu.unpack_subelements %mul3A_1017, 1 {pack_format = #tpu.pack_format<interleaved>} : vector<32xbf16> -> vector<16xf32>
        %add3A_1020 = arith.addf %unpack3A_1018, %unpack3A_1019 : vector<16xf32>
        %add3A_1021 = arith.addf %add3A_959, %add3A_1020 : vector<16xf32>
        %add3A_1022 = arith.constant 12 : i32
        %add3A_1023 = arith.addi %mul3A_115, %add3A_1022 : i32
        %add3A_1024 = arith.constant 2 : i32
        %add3A_1025 = arith.addi %add3A_1023, %add3A_1024 : i32
        %get3A_1026 = arith.index_cast %add3A_1025 : i32 to index
        %get3A_1027 = arith.constant 32 : index
        %get3A_1028 = tpu.vector_load %arg12[%get3A_1026, %get3A_1027] {strides = array<i32>} : memref<80x128xbf16, #tpu.memory_space<vmem>>, vector<32xbf16>,
        %get3A_1029 = arith.index_cast %add3A_1025 : i32 to index
        %get3A_1030 = arith.constant 32 : index
        %get3A_1031 = tpu.vector_load %arg13[%get3A_1029, %get3A_1030] {strides = array<i32>} : memref<80x128xbf16, #tpu.memory_space<vmem>>, vector<32xbf16>,
        %sub3A_1032 = arith.subf %get3A_1028, %get3A_1031 : vector<32xbf16>
        %mul3A_1033 = arith.mulf %sub3A_1032, %sub3A_1032 : vector<32xbf16>
        %unpack3A_1034 = tpu.unpack_subelements %mul3A_1033, 0 {pack_format = #tpu.pack_format<interleaved>} : vector<32xbf16> -> vector<16xf32>
        %unpack3A_1035 = tpu.unpack_subelements %mul3A_1033, 1 {pack_format = #tpu.pack_format<interleaved>} : vector<32xbf16> -> vector<16xf32>
        %add3A_1036 = arith.addf %unpack3A_1034, %unpack3A_1035 : vector<16xf32>
        %add3A_1037 = arith.addf %add3A_974, %add3A_1036 : vector<16xf32>
        %add3A_1038 = arith.constant 12 : i32
        %add3A_1039 = arith.addi %mul3A_115, %add3A_1038 : i32
        %add3A_1040 = arith.constant 3 : i32
        %add3A_1041 = arith.addi %add3A_1039, %add3A_1040 : i32
        %get3A_1042 = arith.index_cast %add3A_1041 : i32 to index
        %get3A_1043 = arith.constant 32 : index
        %get3A_1044 = tpu.vector_load %arg12[%get3A_1042, %get3A_1043] {strides = array<i32>} : memref<80x128xbf16, #tpu.memory_space<vmem>>, vector<32xbf16>,
        %get3A_1045 = arith.index_cast %add3A_1041 : i32 to index
        %get3A_1046 = arith.constant 32 : index
        %get3A_1047 = tpu.vector_load %arg13[%get3A_1045, %get3A_1046] {strides = array<i32>} : memref<80x128xbf16, #tpu.memory_space<vmem>>, vector<32xbf16>,
        %sub3A_1048 = arith.subf %get3A_1044, %get3A_1047 : vector<32xbf16>
        %mul3A_1049 = arith.mulf %sub3A_1048, %sub3A_1048 : vector<32xbf16>
        %unpack3A_1050 = tpu.unpack_subelements %mul3A_1049, 0 {pack_format = #tpu.pack_format<interleaved>} : vector<32xbf16> -> vector<16xf32>
        %unpack3A_1051 = tpu.unpack_subelements %mul3A_1049, 1 {pack_format = #tpu.pack_format<interleaved>} : vector<32xbf16> -> vector<16xf32>
        %add3A_1052 = arith.addf %unpack3A_1050, %unpack3A_1051 : vector<16xf32>
        %add3A_1053 = arith.addf %add3A_989, %add3A_1052 : vector<16xf32>
        %add3A_1054 = arith.constant 12 : i32
        %add3A_1055 = arith.addi %mul3A_115, %add3A_1054 : i32
        %add3A_1056 = arith.constant 0 : i32
        %add3A_1057 = arith.addi %add3A_1055, %add3A_1056 : i32
        %get3A_1058 = arith.index_cast %add3A_1057 : i32 to index
        %get3A_1059 = arith.constant 64 : index
        %get3A_1060 = tpu.vector_load %arg12[%get3A_1058, %get3A_1059] {strides = array<i32>} : memref<80x128xbf16, #tpu.memory_space<vmem>>, vector<32xbf16>,
        %get3A_1061 = arith.index_cast %add3A_1057 : i32 to index
        %get3A_1062 = arith.constant 64 : index
        %get3A_1063 = tpu.vector_load %arg13[%get3A_1061, %get3A_1062] {strides = array<i32>} : memref<80x128xbf16, #tpu.memory_space<vmem>>, vector<32xbf16>,
        %sub3A_1064 = arith.subf %get3A_1060, %get3A_1063 : vector<32xbf16>
        %mul3A_1065 = arith.mulf %sub3A_1064, %sub3A_1064 : vector<32xbf16>
        %unpack3A_1066 = tpu.unpack_subelements %mul3A_1065, 0 {pack_format = #tpu.pack_format<interleaved>} : vector<32xbf16> -> vector<16xf32>
        %unpack3A_1067 = tpu.unpack_subelements %mul3A_1065, 1 {pack_format = #tpu.pack_format<interleaved>} : vector<32xbf16> -> vector<16xf32>
        %add3A_1068 = arith.addf %unpack3A_1066, %unpack3A_1067 : vector<16xf32>
        %add3A_1069 = arith.addf %add3A_1005, %add3A_1068 : vector<16xf32>
        %add3A_1070 = arith.constant 12 : i32
        %add3A_1071 = arith.addi %mul3A_115, %add3A_1070 : i32
        %add3A_1072 = arith.constant 1 : i32
        %add3A_1073 = arith.addi %add3A_1071, %add3A_1072 : i32
        %get3A_1074 = arith.index_cast %add3A_1073 : i32 to index
        %get3A_1075 = arith.constant 64 : index
        %get3A_1076 = tpu.vector_load %arg12[%get3A_1074, %get3A_1075] {strides = array<i32>} : memref<80x128xbf16, #tpu.memory_space<vmem>>, vector<32xbf16>,
        %get3A_1077 = arith.index_cast %add3A_1073 : i32 to index
        %get3A_1078 = arith.constant 64 : index
        %get3A_1079 = tpu.vector_load %arg13[%get3A_1077, %get3A_1078] {strides = array<i32>} : memref<80x128xbf16, #tpu.memory_space<vmem>>, vector<32xbf16>,
        %sub3A_1080 = arith.subf %get3A_1076, %get3A_1079 : vector<32xbf16>
        %mul3A_1081 = arith.mulf %sub3A_1080, %sub3A_1080 : vector<32xbf16>
        %unpack3A_1082 = tpu.unpack_subelements %mul3A_1081, 0 {pack_format = #tpu.pack_format<interleaved>} : vector<32xbf16> -> vector<16xf32>
        %unpack3A_1083 = tpu.unpack_subelements %mul3A_1081, 1 {pack_format = #tpu.pack_format<interleaved>} : vector<32xbf16> -> vector<16xf32>
        %add3A_1084 = arith.addf %unpack3A_1082, %unpack3A_1083 : vector<16xf32>
        %add3A_1085 = arith.addf %add3A_1021, %add3A_1084 : vector<16xf32>
        %add3A_1086 = arith.constant 12 : i32
        %add3A_1087 = arith.addi %mul3A_115, %add3A_1086 : i32
        %add3A_1088 = arith.constant 2 : i32
        %add3A_1089 = arith.addi %add3A_1087, %add3A_1088 : i32
        %get3A_1090 = arith.index_cast %add3A_1089 : i32 to index
        %get3A_1091 = arith.constant 64 : index
        %get3A_1092 = tpu.vector_load %arg12[%get3A_1090, %get3A_1091] {strides = array<i32>} : memref<80x128xbf16, #tpu.memory_space<vmem>>, vector<32xbf16>,
        %get3A_1093 = arith.index_cast %add3A_1089 : i32 to index
        %get3A_1094 = arith.constant 64 : index
        %get3A_1095 = tpu.vector_load %arg13[%get3A_1093, %get3A_1094] {strides = array<i32>} : memref<80x128xbf16, #tpu.memory_space<vmem>>, vector<32xbf16>,
        %sub3A_1096 = arith.subf %get3A_1092, %get3A_1095 : vector<32xbf16>
        %mul3A_1097 = arith.mulf %sub3A_1096, %sub3A_1096 : vector<32xbf16>
        %unpack3A_1098 = tpu.unpack_subelements %mul3A_1097, 0 {pack_format = #tpu.pack_format<interleaved>} : vector<32xbf16> -> vector<16xf32>
        %unpack3A_1099 = tpu.unpack_subelements %mul3A_1097, 1 {pack_format = #tpu.pack_format<interleaved>} : vector<32xbf16> -> vector<16xf32>
        %add3A_1100 = arith.addf %unpack3A_1098, %unpack3A_1099 : vector<16xf32>
        %add3A_1101 = arith.addf %add3A_1037, %add3A_1100 : vector<16xf32>
        %add3A_1102 = arith.constant 12 : i32
        %add3A_1103 = arith.addi %mul3A_115, %add3A_1102 : i32
        %add3A_1104 = arith.constant 3 : i32
        %add3A_1105 = arith.addi %add3A_1103, %add3A_1104 : i32
        %get3A_1106 = arith.index_cast %add3A_1105 : i32 to index
        %get3A_1107 = arith.constant 64 : index
        %get3A_1108 = tpu.vector_load %arg12[%get3A_1106, %get3A_1107] {strides = array<i32>} : memref<80x128xbf16, #tpu.memory_space<vmem>>, vector<32xbf16>,
        %get3A_1109 = arith.index_cast %add3A_1105 : i32 to index
        %get3A_1110 = arith.constant 64 : index
        %get3A_1111 = tpu.vector_load %arg13[%get3A_1109, %get3A_1110] {strides = array<i32>} : memref<80x128xbf16, #tpu.memory_space<vmem>>, vector<32xbf16>,
        %sub3A_1112 = arith.subf %get3A_1108, %get3A_1111 : vector<32xbf16>
        %mul3A_1113 = arith.mulf %sub3A_1112, %sub3A_1112 : vector<32xbf16>
        %unpack3A_1114 = tpu.unpack_subelements %mul3A_1113, 0 {pack_format = #tpu.pack_format<interleaved>} : vector<32xbf16> -> vector<16xf32>
        %unpack3A_1115 = tpu.unpack_subelements %mul3A_1113, 1 {pack_format = #tpu.pack_format<interleaved>} : vector<32xbf16> -> vector<16xf32>
        %add3A_1116 = arith.addf %unpack3A_1114, %unpack3A_1115 : vector<16xf32>
        %add3A_1117 = arith.addf %add3A_1053, %add3A_1116 : vector<16xf32>
        %add3A_1118 = arith.constant 12 : i32
        %add3A_1119 = arith.addi %mul3A_115, %add3A_1118 : i32
        %add3A_1120 = arith.constant 0 : i32
        %add3A_1121 = arith.addi %add3A_1119, %add3A_1120 : i32
        %get3A_1122 = arith.index_cast %add3A_1121 : i32 to index
        %get3A_1123 = arith.constant 96 : index
        %get3A_1124 = tpu.vector_load %arg12[%get3A_1122, %get3A_1123] {strides = array<i32>} : memref<80x128xbf16, #tpu.memory_space<vmem>>, vector<32xbf16>,
        %get3A_1125 = arith.index_cast %add3A_1121 : i32 to index
        %get3A_1126 = arith.constant 96 : index
        %get3A_1127 = tpu.vector_load %arg13[%get3A_1125, %get3A_1126] {strides = array<i32>} : memref<80x128xbf16, #tpu.memory_space<vmem>>, vector<32xbf16>,
        %sub3A_1128 = arith.subf %get3A_1124, %get3A_1127 : vector<32xbf16>
        %mul3A_1129 = arith.mulf %sub3A_1128, %sub3A_1128 : vector<32xbf16>
        %unpack3A_1130 = tpu.unpack_subelements %mul3A_1129, 0 {pack_format = #tpu.pack_format<interleaved>} : vector<32xbf16> -> vector<16xf32>
        %unpack3A_1131 = tpu.unpack_subelements %mul3A_1129, 1 {pack_format = #tpu.pack_format<interleaved>} : vector<32xbf16> -> vector<16xf32>
        %add3A_1132 = arith.addf %unpack3A_1130, %unpack3A_1131 : vector<16xf32>
        %add3A_1133 = arith.addf %add3A_1069, %add3A_1132 : vector<16xf32>
        %add3A_1134 = arith.constant 12 : i32
        %add3A_1135 = arith.addi %mul3A_115, %add3A_1134 : i32
        %add3A_1136 = arith.constant 1 : i32
        %add3A_1137 = arith.addi %add3A_1135, %add3A_1136 : i32
        %get3A_1138 = arith.index_cast %add3A_1137 : i32 to index
        %get3A_1139 = arith.constant 96 : index
        %get3A_1140 = tpu.vector_load %arg12[%get3A_1138, %get3A_1139] {strides = array<i32>} : memref<80x128xbf16, #tpu.memory_space<vmem>>, vector<32xbf16>,
        %get3A_1141 = arith.index_cast %add3A_1137 : i32 to index
        %get3A_1142 = arith.constant 96 : index
        %get3A_1143 = tpu.vector_load %arg13[%get3A_1141, %get3A_1142] {strides = array<i32>} : memref<80x128xbf16, #tpu.memory_space<vmem>>, vector<32xbf16>,
        %sub3A_1144 = arith.subf %get3A_1140, %get3A_1143 : vector<32xbf16>
        %mul3A_1145 = arith.mulf %sub3A_1144, %sub3A_1144 : vector<32xbf16>
        %unpack3A_1146 = tpu.unpack_subelements %mul3A_1145, 0 {pack_format = #tpu.pack_format<interleaved>} : vector<32xbf16> -> vector<16xf32>
        %unpack3A_1147 = tpu.unpack_subelements %mul3A_1145, 1 {pack_format = #tpu.pack_format<interleaved>} : vector<32xbf16> -> vector<16xf32>
        %add3A_1148 = arith.addf %unpack3A_1146, %unpack3A_1147 : vector<16xf32>
        %add3A_1149 = arith.addf %add3A_1085, %add3A_1148 : vector<16xf32>
        %add3A_1150 = arith.constant 12 : i32
        %add3A_1151 = arith.addi %mul3A_115, %add3A_1150 : i32
        %add3A_1152 = arith.constant 2 : i32
        %add3A_1153 = arith.addi %add3A_1151, %add3A_1152 : i32
        %get3A_1154 = arith.index_cast %add3A_1153 : i32 to index
        %get3A_1155 = arith.constant 96 : index
        %get3A_1156 = tpu.vector_load %arg12[%get3A_1154, %get3A_1155] {strides = array<i32>} : memref<80x128xbf16, #tpu.memory_space<vmem>>, vector<32xbf16>,
        %get3A_1157 = arith.index_cast %add3A_1153 : i32 to index
        %get3A_1158 = arith.constant 96 : index
        %get3A_1159 = tpu.vector_load %arg13[%get3A_1157, %get3A_1158] {strides = array<i32>} : memref<80x128xbf16, #tpu.memory_space<vmem>>, vector<32xbf16>,
        %sub3A_1160 = arith.subf %get3A_1156, %get3A_1159 : vector<32xbf16>
        %mul3A_1161 = arith.mulf %sub3A_1160, %sub3A_1160 : vector<32xbf16>
        %unpack3A_1162 = tpu.unpack_subelements %mul3A_1161, 0 {pack_format = #tpu.pack_format<interleaved>} : vector<32xbf16> -> vector<16xf32>
        %unpack3A_1163 = tpu.unpack_subelements %mul3A_1161, 1 {pack_format = #tpu.pack_format<interleaved>} : vector<32xbf16> -> vector<16xf32>
        %add3A_1164 = arith.addf %unpack3A_1162, %unpack3A_1163 : vector<16xf32>
        %add3A_1165 = arith.addf %add3A_1101, %add3A_1164 : vector<16xf32>
        %add3A_1166 = arith.constant 12 : i32
        %add3A_1167 = arith.addi %mul3A_115, %add3A_1166 : i32
        %add3A_1168 = arith.constant 3 : i32
        %add3A_1169 = arith.addi %add3A_1167, %add3A_1168 : i32
        %get3A_1170 = arith.index_cast %add3A_1169 : i32 to index
        %get3A_1171 = arith.constant 96 : index
        %get3A_1172 = tpu.vector_load %arg12[%get3A_1170, %get3A_1171] {strides = array<i32>} : memref<80x128xbf16, #tpu.memory_space<vmem>>, vector<32xbf16>,
        %get3A_1173 = arith.index_cast %add3A_1169 : i32 to index
        %get3A_1174 = arith.constant 96 : index
        %get3A_1175 = tpu.vector_load %arg13[%get3A_1173, %get3A_1174] {strides = array<i32>} : memref<80x128xbf16, #tpu.memory_space<vmem>>, vector<32xbf16>,
        %sub3A_1176 = arith.subf %get3A_1172, %get3A_1175 : vector<32xbf16>
        %mul3A_1177 = arith.mulf %sub3A_1176, %sub3A_1176 : vector<32xbf16>
        %unpack3A_1178 = tpu.unpack_subelements %mul3A_1177, 0 {pack_format = #tpu.pack_format<interleaved>} : vector<32xbf16> -> vector<16xf32>
        %unpack3A_1179 = tpu.unpack_subelements %mul3A_1177, 1 {pack_format = #tpu.pack_format<interleaved>} : vector<32xbf16> -> vector<16xf32>
        %add3A_1180 = arith.addf %unpack3A_1178, %unpack3A_1179 : vector<16xf32>
        %add3A_1181 = arith.addf %add3A_1117, %add3A_1180 : vector<16xf32>
        %add3A_1182 = arith.constant 12 : i32
        %add3A_1183 = vector.broadcast %add3A_1182 : i32 to vector<16xi32>
        %add3A_1184 = arith.addi %mul3A_140, %add3A_1183 : vector<16xi32>
        tpu.vector_store_idx %arg14[%add3A_1184], %add3A_1133 {add = true} : memref<144xf32, #tpu.memory_space<vmem>>[vector<16xi32>], vector<16xf32>,
        %add3A_1185 = arith.constant 13 : i32
        %add3A_1186 = vector.broadcast %add3A_1185 : i32 to vector<16xi32>
        %add3A_1187 = arith.addi %mul3A_140, %add3A_1186 : vector<16xi32>
        tpu.vector_store_idx %arg14[%add3A_1187], %add3A_1149 {add = true} : memref<144xf32, #tpu.memory_space<vmem>>[vector<16xi32>], vector<16xf32>,
        %add3A_1188 = arith.constant 14 : i32
        %add3A_1189 = vector.broadcast %add3A_1188 : i32 to vector<16xi32>
        %add3A_1190 = arith.addi %mul3A_140, %add3A_1189 : vector<16xi32>
        tpu.vector_store_idx %arg14[%add3A_1190], %add3A_1165 {add = true} : memref<144xf32, #tpu.memory_space<vmem>>[vector<16xi32>], vector<16xf32>,
        %add3A_1191 = arith.constant 15 : i32
        %add3A_1192 = vector.broadcast %add3A_1191 : i32 to vector<16xi32>
        %add3A_1193 = arith.addi %mul3A_140, %add3A_1192 : vector<16xi32>
        tpu.vector_store_idx %arg14[%add3A_1193], %add3A_1181 {add = true} : memref<144xf32, #tpu.memory_space<vmem>>[vector<16xi32>], vector<16xf32>,
        %get3A_1194 = arith.constant 0 : index
        %get3A_1195 = tpu.vector_load %arg14[%get3A_1194] {strides = array<i32>} : memref<144xf32, #tpu.memory_space<vmem>>, vector<16xf32>,
        %get3A_1196 = arith.constant 17 : index
        %get3A_1197 = tpu.vector_load %arg14[%get3A_1196] {strides = array<i32>} : memref<144xf32, #tpu.memory_space<vmem>>, vector<16xf32>,
        %add3A_1198 = arith.addf %get3A_1195, %get3A_1197 : vector<16xf32>
        %get3A_1199 = arith.constant 34 : index
        %get3A_1200 = tpu.vector_load %arg14[%get3A_1199] {strides = array<i32>} : memref<144xf32, #tpu.memory_space<vmem>>, vector<16xf32>,
        %get3A_1201 = arith.constant 51 : index
        %get3A_1202 = tpu.vector_load %arg14[%get3A_1201] {strides = array<i32>} : memref<144xf32, #tpu.memory_space<vmem>>, vector<16xf32>,
        %add3A_1203 = arith.addf %get3A_1200, %get3A_1202 : vector<16xf32>
        %add3A_1204 = arith.addf %add3A_1198, %add3A_1203 : vector<16xf32>
        %get3A_1205 = arith.constant 68 : index
        %get3A_1206 = tpu.vector_load %arg14[%get3A_1205] {strides = array<i32>} : memref<144xf32, #tpu.memory_space<vmem>>, vector<16xf32>,
        %get3A_1207 = arith.constant 85 : index
        %get3A_1208 = tpu.vector_load %arg14[%get3A_1207] {strides = array<i32>} : memref<144xf32, #tpu.memory_space<vmem>>, vector<16xf32>,
        %add3A_1209 = arith.addf %get3A_1206, %get3A_1208 : vector<16xf32>
        %get3A_1210 = arith.constant 102 : index
        %get3A_1211 = tpu.vector_load %arg14[%get3A_1210] {strides = array<i32>} : memref<144xf32, #tpu.memory_space<vmem>>, vector<16xf32>,
        %get3A_1212 = arith.constant 119 : index
        %get3A_1213 = tpu.vector_load %arg14[%get3A_1212] {strides = array<i32>} : memref<144xf32, #tpu.memory_space<vmem>>, vector<16xf32>,
        %add3A_1214 = arith.addf %get3A_1211, %get3A_1213 : vector<16xf32>
        %add3A_1215 = arith.addf %add3A_1209, %add3A_1214 : vector<16xf32>
        %add3A_1216 = arith.addf %add3A_1204, %add3A_1215 : vector<16xf32>
        %mul3A_1217 = arith.constant 16 : i32
        %mul3A_1218 = arith.muli %scan3A_109, %mul3A_1217 : i32
        %add3A_1219 = arith.addi %mul3A_102, %mul3A_1218 : i32
        %get3A_1220 = arith.index_cast %add3A_1219 : i32 to index
        %get3A_1221 = tpu.vector_load %arg7[%get3A_1220] {strides = array<i32>} : memref<10000xi32, #tpu.memory_space<vmem>>, vector<16xi32>,
        %mul3A_1222 = arith.constant 16 : i32
        %mul3A_1223 = arith.muli %scan3A_109, %mul3A_1222 : i32
        %add3A_1224 = arith.addi %mul3A_102, %mul3A_1223 : i32
        %get3A_1225 = arith.index_cast %add3A_1224 : i32 to index
        %get3A_1226 = tpu.vector_load %arg8[%get3A_1225] {strides = array<i32>} : memref<10000xi32, #tpu.memory_space<vmem>>, vector<16xi32>,
        %gather3A = tpu.vector_load_idx %arg9[%get3A_1221] : memref<10000xf32, #tpu.memory_space<vmem>>[vector<16xi32>], vector<16xf32>,
        %gather3A_1227 = tpu.vector_load_idx %arg9[%get3A_1226] : memref<10000xf32, #tpu.memory_space<vmem>>[vector<16xi32>], vector<16xf32>,
        %ge3A = arith.constant 8.000000e-01 : f32
        %ge3A_1228 = vector.broadcast %ge3A : f32 to vector<16xf32>
        %ge3A_1229 = arith.cmpf oge, %gather3A, %ge3A_1228 : vector<16xf32>
        %ge3A_1230 = arith.constant 8.000000e-01 : f32
        %ge3A_1231 = vector.broadcast %ge3A_1230 : f32 to vector<16xf32>
        %ge3A_1232 = arith.cmpf oge, %gather3A_1227, %ge3A_1231 : vector<16xf32>
        %lt3A = arith.constant 6.000000e-01 : f32
        %lt3A_1233 = vector.broadcast %lt3A : f32 to vector<16xf32>
        %lt3A_1234 = arith.cmpf olt, %gather3A, %lt3A_1233 : vector<16xf32>
        %lt3A_1235 = arith.constant 6.000000e-01 : f32
        %lt3A_1236 = vector.broadcast %lt3A_1235 : f32 to vector<16xf32>
        %lt3A_1237 = arith.cmpf olt, %gather3A_1227, %lt3A_1236 : vector<16xf32>
        %and3A_1238 = arith.andi %ge3A_1229, %ge3A_1232 : vector<16xi1>
        %and3A_1239 = arith.andi %lt3A_1234, %lt3A_1237 : vector<16xi1>
        %or3A = arith.ori %and3A_1238, %and3A_1239 : vector<16xi1>
        %and3A_1240 = arith.andi %ge3A_1229, %lt3A_1237 : vector<16xi1>
        %and3A_1241 = arith.andi %ge3A_1232, %lt3A_1234 : vector<16xi1>
        %or3A_1242 = arith.ori %and3A_1240, %and3A_1241 : vector<16xi1>
        %gt3A = arith.constant 9.99999991E-38 : f32
        %gt3A_1243 = vector.broadcast %gt3A : f32 to vector<16xf32>
        %gt3A_1244 = arith.cmpf ogt, %add3A_1216, %gt3A_1243 : vector<16xf32>
        %bitcast3A = vector.bitcast %add3A_1216 : vector<16xf32> to vector<16xi32>
        %shift_right_logical3A = arith.constant 1 : i32
        %shift_right_logical3A_1245 = vector.broadcast %shift_right_logical3A : i32 to vector<16xi32>
        %shift_right_logical3A_1246 = arith.shrui %bitcast3A, %shift_right_logical3A_1245 : vector<16xi32>
        %sub3A_1247 = arith.constant 1597463007 : i32
        %sub3A_1248 = vector.broadcast %sub3A_1247 : i32 to vector<16xi32>
        %sub3A_1249 = arith.subi %sub3A_1248, %shift_right_logical3A_1246 : vector<16xi32>
        %bitcast3A_1250 = vector.bitcast %sub3A_1249 : vector<16xi32> to vector<16xf32>
        %mul3A_1251 = arith.constant 5.000000e-01 : f32
        %mul3A_1252 = vector.broadcast %mul3A_1251 : f32 to vector<16xf32>
        %mul3A_1253 = arith.mulf %mul3A_1252, %add3A_1216 : vector<16xf32>
        %mul3A_1254 = arith.mulf %mul3A_1253, %bitcast3A_1250 : vector<16xf32>
        %mul3A_1255 = arith.mulf %mul3A_1254, %bitcast3A_1250 : vector<16xf32>
        %sub3A_1256 = arith.constant 1.500000e+00 : f32
        %sub3A_1257 = vector.broadcast %sub3A_1256 : f32 to vector<16xf32>
        %sub3A_1258 = arith.subf %sub3A_1257, %mul3A_1255 : vector<16xf32>
        %mul3A_1259 = arith.mulf %bitcast3A_1250, %sub3A_1258 : vector<16xf32>
        %mul3A_1260 = arith.constant 5.000000e-01 : f32
        %mul3A_1261 = vector.broadcast %mul3A_1260 : f32 to vector<16xf32>
        %mul3A_1262 = arith.mulf %mul3A_1261, %add3A_1216 : vector<16xf32>
        %mul3A_1263 = arith.mulf %mul3A_1262, %mul3A_1259 : vector<16xf32>
        %mul3A_1264 = arith.mulf %mul3A_1263, %mul3A_1259 : vector<16xf32>
        %sub3A_1265 = arith.constant 1.500000e+00 : f32
        %sub3A_1266 = vector.broadcast %sub3A_1265 : f32 to vector<16xf32>
        %sub3A_1267 = arith.subf %sub3A_1266, %mul3A_1264 : vector<16xf32>
        %mul3A_1268 = arith.mulf %mul3A_1259, %sub3A_1267 : vector<16xf32>
        %mul3A_1269 = arith.constant 5.000000e-01 : f32
        %mul3A_1270 = vector.broadcast %mul3A_1269 : f32 to vector<16xf32>
        %mul3A_1271 = arith.mulf %mul3A_1270, %add3A_1216 : vector<16xf32>
        %mul3A_1272 = arith.mulf %mul3A_1271, %mul3A_1268 : vector<16xf32>
        %mul3A_1273 = arith.mulf %mul3A_1272, %mul3A_1268 : vector<16xf32>
        %sub3A_1274 = arith.constant 1.500000e+00 : f32
        %sub3A_1275 = vector.broadcast %sub3A_1274 : f32 to vector<16xf32>
        %sub3A_1276 = arith.subf %sub3A_1275, %mul3A_1273 : vector<16xf32>
        %mul3A_1277 = arith.mulf %mul3A_1268, %sub3A_1276 : vector<16xf32>
        %mul3A_1278 = arith.mulf %add3A_1216, %mul3A_1277 : vector<16xf32>
        %jit3A = arith.constant 0.000000e+00 : f32
        %broadcast_in_dim3A_1279 = vector.broadcast %jit3A : f32 to vector<16xf32>
        %select_n3A = arith.select %gt3A_1244, %mul3A_1278, %broadcast_in_dim3A_1279 : vector<16xi1>, vector<16xf32>
        %neg3A = arith.constant 0.000000e+00 : f32
        %neg3A_1280 = vector.broadcast %neg3A : f32 to vector<16xf32>
        %neg3A_1281 = arith.subf %neg3A_1280, %select_n3A : vector<16xf32>
        %exp3A = math.exp %neg3A_1281 : vector<16xf32>
        %sub3A_1282 = arith.constant 1.000000e+00 : f32
        %sub3A_1283 = vector.broadcast %sub3A_1282 : f32 to vector<16xf32>
        %sub3A_1284 = arith.subf %sub3A_1283, %exp3A : vector<16xf32>
        %max3A = arith.constant 1.000000e-30 : f32
        %max3A_1285 = vector.broadcast %max3A : f32 to vector<16xf32>
        %max3A_1286 = arith.maximumf %sub3A_1284, %max3A_1285 : vector<16xf32>
        %bitcast3A_1287 = vector.bitcast %max3A_1286 : vector<16xf32> to vector<16xi32>
        %shift_right_logical3A_1288 = arith.constant 23 : i32
        %shift_right_logical3A_1289 = vector.broadcast %shift_right_logical3A_1288 : i32 to vector<16xi32>
        %shift_right_logical3A_1290 = arith.shrui %bitcast3A_1287, %shift_right_logical3A_1289 : vector<16xi32>
        %sub3A_1291 = arith.constant 127 : i32
        %sub3A_1292 = vector.broadcast %sub3A_1291 : i32 to vector<16xi32>
        %sub3A_1293 = arith.subi %shift_right_logical3A_1290, %sub3A_1292 : vector<16xi32>
        %and3A_1294 = arith.constant 8388607 : i32
        %and3A_1295 = vector.broadcast %and3A_1294 : i32 to vector<16xi32>
        %and3A_1296 = arith.andi %bitcast3A_1287, %and3A_1295 : vector<16xi32>
        %or3A_1297 = arith.constant 1065353216 : i32
        %or3A_1298 = vector.broadcast %or3A_1297 : i32 to vector<16xi32>
        %or3A_1299 = arith.ori %and3A_1296, %or3A_1298 : vector<16xi32>
        %bitcast3A_1300 = vector.bitcast %or3A_1299 : vector<16xi32> to vector<16xf32>
        %sub3A_1301 = arith.constant 1.500000e+00 : f32
        %sub3A_1302 = vector.broadcast %sub3A_1301 : f32 to vector<16xf32>
        %sub3A_1303 = arith.subf %bitcast3A_1300, %sub3A_1302 : vector<16xf32>
        %broadcast_in_dim3A_1304 = arith.constant -0.00231785467 : f32
        %broadcast_in_dim3A_1305 = vector.broadcast %broadcast_in_dim3A_1304 : f32 to vector<16xf32>
        %mul3A_1306 = arith.mulf %broadcast_in_dim3A_1305, %sub3A_1303 : vector<16xf32>
        %add3A_1307 = arith.constant 0.00375262415 : f32
        %add3A_1308 = vector.broadcast %add3A_1307 : f32 to vector<16xf32>
        %add3A_1309 = arith.addf %mul3A_1306, %add3A_1308 : vector<16xf32>
        %mul3A_1310 = arith.mulf %add3A_1309, %sub3A_1303 : vector<16xf32>
        %add3A_1311 = arith.constant -0.0047028116 : f32
        %add3A_1312 = vector.broadcast %add3A_1311 : f32 to vector<16xf32>
        %add3A_1313 = arith.addf %mul3A_1310, %add3A_1312 : vector<16xf32>
        %mul3A_1314 = arith.mulf %add3A_1313, %sub3A_1303 : vector<16xf32>
        %add3A_1315 = arith.constant 0.00813297741 : f32
        %add3A_1316 = vector.broadcast %add3A_1315 : f32 to vector<16xf32>
        %add3A_1317 = arith.addf %mul3A_1314, %add3A_1316 : vector<16xf32>
        %mul3A_1318 = arith.mulf %add3A_1317, %sub3A_1303 : vector<16xf32>
        %add3A_1319 = arith.constant -0.0146552362 : f32
        %add3A_1320 = vector.broadcast %add3A_1319 : f32 to vector<16xf32>
        %add3A_1321 = arith.addf %mul3A_1318, %add3A_1320 : vector<16xf32>
        %mul3A_1322 = arith.mulf %add3A_1321, %sub3A_1303 : vector<16xf32>
        %add3A_1323 = arith.constant 0.0263631139 : f32
        %add3A_1324 = vector.broadcast %add3A_1323 : f32 to vector<16xf32>
        %add3A_1325 = arith.addf %mul3A_1322, %add3A_1324 : vector<16xf32>
        %mul3A_1326 = arith.mulf %add3A_1325, %sub3A_1303 : vector<16xf32>
        %add3A_1327 = arith.constant -0.0493813232 : f32
        %add3A_1328 = vector.broadcast %add3A_1327 : f32 to vector<16xf32>
        %add3A_1329 = arith.addf %mul3A_1326, %add3A_1328 : vector<16xf32>
        %mul3A_1330 = arith.mulf %add3A_1329, %sub3A_1303 : vector<16xf32>
        %add3A_1331 = arith.constant 0.098764263 : f32
        %add3A_1332 = vector.broadcast %add3A_1331 : f32 to vector<16xf32>
        %add3A_1333 = arith.addf %mul3A_1330, %add3A_1332 : vector<16xf32>
        %mul3A_1334 = arith.mulf %add3A_1333, %sub3A_1303 : vector<16xf32>
        %add3A_1335 = arith.constant -0.222222254 : f32
        %add3A_1336 = vector.broadcast %add3A_1335 : f32 to vector<16xf32>
        %add3A_1337 = arith.addf %mul3A_1334, %add3A_1336 : vector<16xf32>
        %mul3A_1338 = arith.mulf %add3A_1337, %sub3A_1303 : vector<16xf32>
        %add3A_1339 = arith.constant 0.666666686 : f32
        %add3A_1340 = vector.broadcast %add3A_1339 : f32 to vector<16xf32>
        %add3A_1341 = arith.addf %mul3A_1338, %add3A_1340 : vector<16xf32>
        %mul3A_1342 = arith.mulf %add3A_1341, %sub3A_1303 : vector<16xf32>
        %add3A_1343 = arith.constant 0.405465096 : f32
        %add3A_1344 = vector.broadcast %add3A_1343 : f32 to vector<16xf32>
        %add3A_1345 = arith.addf %mul3A_1342, %add3A_1344 : vector<16xf32>
        %convert_element_type3A = arith.sitofp %sub3A_1293 : vector<16xi32> to vector<16xf32>
        %mul3A_1346 = arith.constant 0.693147182 : f32
        %mul3A_1347 = vector.broadcast %mul3A_1346 : f32 to vector<16xf32>
        %mul3A_1348 = arith.mulf %convert_element_type3A, %mul3A_1347 : vector<16xf32>
        %add3A_1349 = arith.addf %mul3A_1348, %add3A_1345 : vector<16xf32>
        %gt3A_1350 = arith.constant 0.000000e+00 : f32
        %gt3A_1351 = vector.broadcast %gt3A_1350 : f32 to vector<16xf32>
        %gt3A_1352 = arith.cmpf ogt, %sub3A_1284, %gt3A_1351 : vector<16xf32>
        %neg3A_1353 = arith.constant 0.000000e+00 : f32
        %neg3A_1354 = vector.broadcast %neg3A_1353 : f32 to vector<16xf32>
        %neg3A_1355 = arith.subf %neg3A_1354, %add3A_1349 : vector<16xf32>
        %min3A = arith.constant 1.000000e+02 : f32
        %min3A_1356 = vector.broadcast %min3A : f32 to vector<16xf32>
        %min3A_1357 = arith.minimumf %neg3A_1355, %min3A_1356 : vector<16xf32>
        %jit3A_1358 = arith.constant 1.000000e+02 : f32
        %broadcast_in_dim3A_1359 = vector.broadcast %jit3A_1358 : f32 to vector<16xf32>
        %select_n3A_1360 = arith.select %gt3A_1352, %min3A_1357, %broadcast_in_dim3A_1359 : vector<16xi1>, vector<16xf32>
        %min3A_1361 = arith.constant 1.000000e+02 : f32
        %min3A_1362 = vector.broadcast %min3A_1361 : f32 to vector<16xf32>
        %min3A_1363 = arith.minimumf %select_n3A, %min3A_1362 : vector<16xf32>
        %jit3A_1364 = arith.constant 0.000000e+00 : f32
        %broadcast_in_dim3A_1365 = vector.broadcast %jit3A_1364 : f32 to vector<16xf32>
        %select_n3A_1366 = arith.select %or3A, %min3A_1363, %broadcast_in_dim3A_1365 : vector<16xi1>, vector<16xf32>
        %add3A_1367 = arith.addf %scan3A_110, %select_n3A_1366 : vector<16xf32>
        %jit3A_1368 = arith.constant 0.000000e+00 : f32
        %broadcast_in_dim3A_1369 = vector.broadcast %jit3A_1368 : f32 to vector<16xf32>
        %select_n3A_1370 = arith.select %or3A_1242, %select_n3A_1360, %broadcast_in_dim3A_1369 : vector<16xi1>, vector<16xf32>
        %add3A_1371 = arith.addf %scan3A_111, %select_n3A_1370 : vector<16xf32>
        %jit3A_1372 = arith.constant 1.000000e+00 : f32
        %jit3A_1373 = arith.constant 0.000000e+00 : f32
        %broadcast_in_dim3A_1374 = vector.broadcast %jit3A_1372 : f32 to vector<16xf32>
        %broadcast_in_dim3A_1375 = vector.broadcast %jit3A_1373 : f32 to vector<16xf32>
        %select_n3A_1376 = arith.select %or3A, %broadcast_in_dim3A_1374, %broadcast_in_dim3A_1375 : vector<16xi1>, vector<16xf32>
        %add3A_1377 = arith.addf %scan3A_112, %select_n3A_1376 : vector<16xf32>
        %jit3A_1378 = arith.constant 1.000000e+00 : f32
        %jit3A_1379 = arith.constant 0.000000e+00 : f32
        %broadcast_in_dim3A_1380 = vector.broadcast %jit3A_1378 : f32 to vector<16xf32>
        %broadcast_in_dim3A_1381 = vector.broadcast %jit3A_1379 : f32 to vector<16xf32>
        %select_n3A_1382 = arith.select %or3A_1242, %broadcast_in_dim3A_1380, %broadcast_in_dim3A_1381 : vector<16xi1>, vector<16xf32>
        %add3A_1383 = arith.addf %scan3A_113, %select_n3A_1382 : vector<16xf32>
        scf.yield %add3A_1367, %add3A_1371, %add3A_1377, %add3A_1383 : vector<16xf32>, vector<16xf32>, vector<16xf32>, vector<16xf32>
      }
      %scan3A_108 = arith.constant 5 : i32
      scf.yield %scan3A_107#0, %scan3A_107#1, %scan3A_107#2, %scan3A_107#3 : vector<16xf32>, vector<16xf32>, vector<16xf32>, vector<16xf32>
    }
    %scan3A_17 = arith.constant 62 : i32
    %dma_wait3A = arith.constant 0 : i32
    %dma_wait3A_18 = tpu.memref_slice %arg7[%dma_wait3A] : memref<10000xi32, #tpu.memory_space<vmem>> -> memref<80xi32, #tpu.memory_space<vmem>>
    %dma_wait3A_19 = arith.constant 0 : i32
    %dma_wait3A_20 = arith.constant 0 : i32
    %dma_wait3A_21 = tpu.memref_slice %arg5[%dma_wait3A_19, %dma_wait3A_20] : memref<10000x128xbf16, #tpu.memory_space<hbm>> -> memref<10000x128xbf16, #tpu.memory_space<hbm>>
    tpu.wait_indirect_dma semaphore(%arg16 : memref<!tpu.dma_semaphore, #tpu.memory_space<semaphore_mem>>) src(%dma_wait3A_21 : memref<10000x128xbf16, #tpu.memory_space<hbm>>) dst(%arg10 : memref<80x128xbf16, #tpu.memory_space<vmem>>)
    %dma_wait3A_22 = arith.constant 0 : i32
    %dma_wait3A_23 = tpu.memref_slice %arg8[%dma_wait3A_22] : memref<10000xi32, #tpu.memory_space<vmem>> -> memref<80xi32, #tpu.memory_space<vmem>>
    %dma_wait3A_24 = arith.constant 0 : i32
    %dma_wait3A_25 = arith.constant 0 : i32
    %dma_wait3A_26 = tpu.memref_slice %arg5[%dma_wait3A_24, %dma_wait3A_25] : memref<10000x128xbf16, #tpu.memory_space<hbm>> -> memref<10000x128xbf16, #tpu.memory_space<hbm>>
    tpu.wait_indirect_dma semaphore(%arg17 : memref<!tpu.dma_semaphore, #tpu.memory_space<semaphore_mem>>) src(%dma_wait3A_26 : memref<10000x128xbf16, #tpu.memory_space<hbm>>) dst(%arg11 : memref<80x128xbf16, #tpu.memory_space<vmem>>)
    %scan3A_27 = arith.constant 0 : i32
    %scan3A_28 = arith.constant 5 : i32
    %scan3A_29 = arith.addi %scan3A_27, %scan3A_28 : i32
    %scan3A_30 = arith.constant 1 : i32
    %scan3A_31:4 = scf.for %scan3A_40 = %scan3A_27 to %scan3A_29 step %scan3A_30 iter_args(%scan3A_41 = %scan3A_16#0, %scan3A_42 = %scan3A_16#1, %scan3A_43 = %scan3A_16#2, %scan3A_44 = %scan3A_16#3) -> (vector<16xf32>, vector<16xf32>, vector<16xf32>, vector<16xf32>)  : i32 {
      %mul3A_45 = arith.constant 16 : i32
      %mul3A_46 = arith.muli %scan3A_40, %mul3A_45 : i32
      %broadcast_in_dim3A_47 = arith.constant 0.000000e+00 : f32
      %broadcast_in_dim3A_48 = vector.broadcast %broadcast_in_dim3A_47 : f32 to vector<16xf32>
      %swap3A_49 = arith.constant 0 : index
      %swap3A_50 = tpu.vector_load %arg14[%swap3A_49] {strides = array<i32>} : memref<144xf32, #tpu.memory_space<vmem>>, vector<16xf32>,
      tpu.vector_store %arg14[%swap3A_49], %broadcast_in_dim3A_48 {strides = array<i32>} : memref<144xf32, #tpu.memory_space<vmem>>, vector<16xf32>,
      %swap3A_51 = arith.constant 16 : index
      %swap3A_52 = tpu.vector_load %arg14[%swap3A_51] {strides = array<i32>} : memref<144xf32, #tpu.memory_space<vmem>>, vector<16xf32>,
      tpu.vector_store %arg14[%swap3A_51], %broadcast_in_dim3A_48 {strides = array<i32>} : memref<144xf32, #tpu.memory_space<vmem>>, vector<16xf32>,
      %swap3A_53 = arith.constant 32 : index
      %swap3A_54 = tpu.vector_load %arg14[%swap3A_53] {strides = array<i32>} : memref<144xf32, #tpu.memory_space<vmem>>, vector<16xf32>,
      tpu.vector_store %arg14[%swap3A_53], %broadcast_in_dim3A_48 {strides = array<i32>} : memref<144xf32, #tpu.memory_space<vmem>>, vector<16xf32>,
      %swap3A_55 = arith.constant 48 : index
      %swap3A_56 = tpu.vector_load %arg14[%swap3A_55] {strides = array<i32>} : memref<144xf32, #tpu.memory_space<vmem>>, vector<16xf32>,
      tpu.vector_store %arg14[%swap3A_55], %broadcast_in_dim3A_48 {strides = array<i32>} : memref<144xf32, #tpu.memory_space<vmem>>, vector<16xf32>,
      %swap3A_57 = arith.constant 64 : index
      %swap3A_58 = tpu.vector_load %arg14[%swap3A_57] {strides = array<i32>} : memref<144xf32, #tpu.memory_space<vmem>>, vector<16xf32>,
      tpu.vector_store %arg14[%swap3A_57], %broadcast_in_dim3A_48 {strides = array<i32>} : memref<144xf32, #tpu.memory_space<vmem>>, vector<16xf32>,
      %swap3A_59 = arith.constant 80 : index
      %swap3A_60 = tpu.vector_load %arg14[%swap3A_59] {strides = array<i32>} : memref<144xf32, #tpu.memory_space<vmem>>, vector<16xf32>,
      tpu.vector_store %arg14[%swap3A_59], %broadcast_in_dim3A_48 {strides = array<i32>} : memref<144xf32, #tpu.memory_space<vmem>>, vector<16xf32>,
      %swap3A_61 = arith.constant 96 : index
      %swap3A_62 = tpu.vector_load %arg14[%swap3A_61] {strides = array<i32>} : memref<144xf32, #tpu.memory_space<vmem>>, vector<16xf32>,
      tpu.vector_store %arg14[%swap3A_61], %broadcast_in_dim3A_48 {strides = array<i32>} : memref<144xf32, #tpu.memory_space<vmem>>, vector<16xf32>,
      %swap3A_63 = arith.constant 112 : index
      %swap3A_64 = tpu.vector_load %arg14[%swap3A_63] {strides = array<i32>} : memref<144xf32, #tpu.memory_space<vmem>>, vector<16xf32>,
      tpu.vector_store %arg14[%swap3A_63], %broadcast_in_dim3A_48 {strides = array<i32>} : memref<144xf32, #tpu.memory_space<vmem>>, vector<16xf32>,
      %swap3A_65 = arith.constant 128 : index
      %swap3A_66 = tpu.vector_load %arg14[%swap3A_65] {strides = array<i32>} : memref<144xf32, #tpu.memory_space<vmem>>, vector<16xf32>,
      tpu.vector_store %arg14[%swap3A_65], %broadcast_in_dim3A_48 {strides = array<i32>} : memref<144xf32, #tpu.memory_space<vmem>>, vector<16xf32>,
      %and3A = arith.constant 7 : i32
      %and3A_67 = vector.broadcast %and3A : i32 to vector<16xi32>
      %and3A_68 = arith.andi %iota3A, %and3A_67 : vector<16xi32>
      %mul3A_69 = arith.constant 17 : i32
      %mul3A_70 = vector.broadcast %mul3A_69 : i32 to vector<16xi32>
      %mul3A_71 = arith.muli %and3A_68, %mul3A_70 : vector<16xi32>
      %add3A_72 = arith.constant 0 : i32
      %add3A_73 = arith.addi %mul3A_46, %add3A_72 : i32
      %add3A_74 = arith.constant 0 : i32
      %add3A_75 = arith.addi %add3A_73, %add3A_74 : i32
      %get3A = arith.index_cast %add3A_75 : i32 to index
      %get3A_76 = arith.constant 0 : index
      %get3A_77 = tpu.vector_load %arg10[%get3A, %get3A_76] {strides = array<i32>} : memref<80x128xbf16, #tpu.memory_space<vmem>>, vector<32xbf16>,
      %get3A_78 = arith.index_cast %add3A_75 : i32 to index
      %get3A_79 = arith.constant 0 : index
      %get3A_80 = tpu.vector_load %arg11[%get3A_78, %get3A_79] {strides = array<i32>} : memref<80x128xbf16, #tpu.memory_space<vmem>>, vector<32xbf16>,
      %sub3A = arith.subf %get3A_77, %get3A_80 : vector<32xbf16>
      %mul3A_81 = arith.mulf %sub3A, %sub3A : vector<32xbf16>
      %unpack3A = tpu.unpack_subelements %mul3A_81, 0 {pack_format = #tpu.pack_format<interleaved>} : vector<32xbf16> -> vector<16xf32>
      %unpack3A_82 = tpu.unpack_subelements %mul3A_81, 1 {pack_format = #tpu.pack_format<interleaved>} : vector<32xbf16> -> vector<16xf32>
      %add3A_83 = arith.addf %unpack3A, %unpack3A_82 : vector<16xf32>
      %add3A_84 = arith.constant 0 : i32
      %add3A_85 = arith.addi %mul3A_46, %add3A_84 : i32
      %add3A_86 = arith.constant 1 : i32
      %add3A_87 = arith.addi %add3A_85, %add3A_86 : i32
      %get3A_88 = arith.index_cast %add3A_87 : i32 to index
      %get3A_89 = arith.constant 0 : index
      %get3A_90 = tpu.vector_load %arg10[%get3A_88, %get3A_89] {strides = array<i32>} : memref<80x128xbf16, #tpu.memory_space<vmem>>, vector<32xbf16>,
      %get3A_91 = arith.index_cast %add3A_87 : i32 to index
      %get3A_92 = arith.constant 0 : index
      %get3A_93 = tpu.vector_load %arg11[%get3A_91, %get3A_92] {strides = array<i32>} : memref<80x128xbf16, #tpu.memory_space<vmem>>, vector<32xbf16>,
      %sub3A_94 = arith.subf %get3A_90, %get3A_93 : vector<32xbf16>
      %mul3A_95 = arith.mulf %sub3A_94, %sub3A_94 : vector<32xbf16>
      %unpack3A_96 = tpu.unpack_subelements %mul3A_95, 0 {pack_format = #tpu.pack_format<interleaved>} : vector<32xbf16> -> vector<16xf32>
      %unpack3A_97 = tpu.unpack_subelements %mul3A_95, 1 {pack_format = #tpu.pack_format<interleaved>} : vector<32xbf16> -> vector<16xf32>
      %add3A_98 = arith.addf %unpack3A_96, %unpack3A_97 : vector<16xf32>
      %add3A_99 = arith.constant 0 : i32
      %add3A_100 = arith.addi %mul3A_46, %add3A_99 : i32
      %add3A_101 = arith.constant 2 : i32
      %add3A_102 = arith.addi %add3A_100, %add3A_101 : i32
      %get3A_103 = arith.index_cast %add3A_102 : i32 to index
      %get3A_104 = arith.constant 0 : index
      %get3A_105 = tpu.vector_load %arg10[%get3A_103, %get3A_104] {strides = array<i32>} : memref<80x128xbf16, #tpu.memory_space<vmem>>, vector<32xbf16>,
      %get3A_106 = arith.index_cast %add3A_102 : i32 to index
      %get3A_107 = arith.constant 0 : index
      %get3A_108 = tpu.vector_load %arg11[%get3A_106, %get3A_107] {strides = array<i32>} : memref<80x128xbf16, #tpu.memory_space<vmem>>, vector<32xbf16>,
      %sub3A_109 = arith.subf %get3A_105, %get3A_108 : vector<32xbf16>
      %mul3A_110 = arith.mulf %sub3A_109, %sub3A_109 : vector<32xbf16>
      %unpack3A_111 = tpu.unpack_subelements %mul3A_110, 0 {pack_format = #tpu.pack_format<interleaved>} : vector<32xbf16> -> vector<16xf32>
      %unpack3A_112 = tpu.unpack_subelements %mul3A_110, 1 {pack_format = #tpu.pack_format<interleaved>} : vector<32xbf16> -> vector<16xf32>
      %add3A_113 = arith.addf %unpack3A_111, %unpack3A_112 : vector<16xf32>
      %add3A_114 = arith.constant 0 : i32
      %add3A_115 = arith.addi %mul3A_46, %add3A_114 : i32
      %add3A_116 = arith.constant 3 : i32
      %add3A_117 = arith.addi %add3A_115, %add3A_116 : i32
      %get3A_118 = arith.index_cast %add3A_117 : i32 to index
      %get3A_119 = arith.constant 0 : index
      %get3A_120 = tpu.vector_load %arg10[%get3A_118, %get3A_119] {strides = array<i32>} : memref<80x128xbf16, #tpu.memory_space<vmem>>, vector<32xbf16>,
      %get3A_121 = arith.index_cast %add3A_117 : i32 to index
      %get3A_122 = arith.constant 0 : index
      %get3A_123 = tpu.vector_load %arg11[%get3A_121, %get3A_122] {strides = array<i32>} : memref<80x128xbf16, #tpu.memory_space<vmem>>, vector<32xbf16>,
      %sub3A_124 = arith.subf %get3A_120, %get3A_123 : vector<32xbf16>
      %mul3A_125 = arith.mulf %sub3A_124, %sub3A_124 : vector<32xbf16>
      %unpack3A_126 = tpu.unpack_subelements %mul3A_125, 0 {pack_format = #tpu.pack_format<interleaved>} : vector<32xbf16> -> vector<16xf32>
      %unpack3A_127 = tpu.unpack_subelements %mul3A_125, 1 {pack_format = #tpu.pack_format<interleaved>} : vector<32xbf16> -> vector<16xf32>
      %add3A_128 = arith.addf %unpack3A_126, %unpack3A_127 : vector<16xf32>
      %add3A_129 = arith.constant 0 : i32
      %add3A_130 = arith.addi %mul3A_46, %add3A_129 : i32
      %add3A_131 = arith.constant 0 : i32
      %add3A_132 = arith.addi %add3A_130, %add3A_131 : i32
      %get3A_133 = arith.index_cast %add3A_132 : i32 to index
      %get3A_134 = arith.constant 32 : index
      %get3A_135 = tpu.vector_load %arg10[%get3A_133, %get3A_134] {strides = array<i32>} : memref<80x128xbf16, #tpu.memory_space<vmem>>, vector<32xbf16>,
      %get3A_136 = arith.index_cast %add3A_132 : i32 to index
      %get3A_137 = arith.constant 32 : index
      %get3A_138 = tpu.vector_load %arg11[%get3A_136, %get3A_137] {strides = array<i32>} : memref<80x128xbf16, #tpu.memory_space<vmem>>, vector<32xbf16>,
      %sub3A_139 = arith.subf %get3A_135, %get3A_138 : vector<32xbf16>
      %mul3A_140 = arith.mulf %sub3A_139, %sub3A_139 : vector<32xbf16>
      %unpack3A_141 = tpu.unpack_subelements %mul3A_140, 0 {pack_format = #tpu.pack_format<interleaved>} : vector<32xbf16> -> vector<16xf32>
      %unpack3A_142 = tpu.unpack_subelements %mul3A_140, 1 {pack_format = #tpu.pack_format<interleaved>} : vector<32xbf16> -> vector<16xf32>
      %add3A_143 = arith.addf %unpack3A_141, %unpack3A_142 : vector<16xf32>
      %add3A_144 = arith.addf %add3A_83, %add3A_143 : vector<16xf32>
      %add3A_145 = arith.constant 0 : i32
      %add3A_146 = arith.addi %mul3A_46, %add3A_145 : i32
      %add3A_147 = arith.constant 1 : i32
      %add3A_148 = arith.addi %add3A_146, %add3A_147 : i32
      %get3A_149 = arith.index_cast %add3A_148 : i32 to index
      %get3A_150 = arith.constant 32 : index
      %get3A_151 = tpu.vector_load %arg10[%get3A_149, %get3A_150] {strides = array<i32>} : memref<80x128xbf16, #tpu.memory_space<vmem>>, vector<32xbf16>,
      %get3A_152 = arith.index_cast %add3A_148 : i32 to index
      %get3A_153 = arith.constant 32 : index
      %get3A_154 = tpu.vector_load %arg11[%get3A_152, %get3A_153] {strides = array<i32>} : memref<80x128xbf16, #tpu.memory_space<vmem>>, vector<32xbf16>,
      %sub3A_155 = arith.subf %get3A_151, %get3A_154 : vector<32xbf16>
      %mul3A_156 = arith.mulf %sub3A_155, %sub3A_155 : vector<32xbf16>
      %unpack3A_157 = tpu.unpack_subelements %mul3A_156, 0 {pack_format = #tpu.pack_format<interleaved>} : vector<32xbf16> -> vector<16xf32>
      %unpack3A_158 = tpu.unpack_subelements %mul3A_156, 1 {pack_format = #tpu.pack_format<interleaved>} : vector<32xbf16> -> vector<16xf32>
      %add3A_159 = arith.addf %unpack3A_157, %unpack3A_158 : vector<16xf32>
      %add3A_160 = arith.addf %add3A_98, %add3A_159 : vector<16xf32>
      %add3A_161 = arith.constant 0 : i32
      %add3A_162 = arith.addi %mul3A_46, %add3A_161 : i32
      %add3A_163 = arith.constant 2 : i32
      %add3A_164 = arith.addi %add3A_162, %add3A_163 : i32
      %get3A_165 = arith.index_cast %add3A_164 : i32 to index
      %get3A_166 = arith.constant 32 : index
      %get3A_167 = tpu.vector_load %arg10[%get3A_165, %get3A_166] {strides = array<i32>} : memref<80x128xbf16, #tpu.memory_space<vmem>>, vector<32xbf16>,
      %get3A_168 = arith.index_cast %add3A_164 : i32 to index
      %get3A_169 = arith.constant 32 : index
      %get3A_170 = tpu.vector_load %arg11[%get3A_168, %get3A_169] {strides = array<i32>} : memref<80x128xbf16, #tpu.memory_space<vmem>>, vector<32xbf16>,
      %sub3A_171 = arith.subf %get3A_167, %get3A_170 : vector<32xbf16>
      %mul3A_172 = arith.mulf %sub3A_171, %sub3A_171 : vector<32xbf16>
      %unpack3A_173 = tpu.unpack_subelements %mul3A_172, 0 {pack_format = #tpu.pack_format<interleaved>} : vector<32xbf16> -> vector<16xf32>
      %unpack3A_174 = tpu.unpack_subelements %mul3A_172, 1 {pack_format = #tpu.pack_format<interleaved>} : vector<32xbf16> -> vector<16xf32>
      %add3A_175 = arith.addf %unpack3A_173, %unpack3A_174 : vector<16xf32>
      %add3A_176 = arith.addf %add3A_113, %add3A_175 : vector<16xf32>
      %add3A_177 = arith.constant 0 : i32
      %add3A_178 = arith.addi %mul3A_46, %add3A_177 : i32
      %add3A_179 = arith.constant 3 : i32
      %add3A_180 = arith.addi %add3A_178, %add3A_179 : i32
      %get3A_181 = arith.index_cast %add3A_180 : i32 to index
      %get3A_182 = arith.constant 32 : index
      %get3A_183 = tpu.vector_load %arg10[%get3A_181, %get3A_182] {strides = array<i32>} : memref<80x128xbf16, #tpu.memory_space<vmem>>, vector<32xbf16>,
      %get3A_184 = arith.index_cast %add3A_180 : i32 to index
      %get3A_185 = arith.constant 32 : index
      %get3A_186 = tpu.vector_load %arg11[%get3A_184, %get3A_185] {strides = array<i32>} : memref<80x128xbf16, #tpu.memory_space<vmem>>, vector<32xbf16>,
      %sub3A_187 = arith.subf %get3A_183, %get3A_186 : vector<32xbf16>
      %mul3A_188 = arith.mulf %sub3A_187, %sub3A_187 : vector<32xbf16>
      %unpack3A_189 = tpu.unpack_subelements %mul3A_188, 0 {pack_format = #tpu.pack_format<interleaved>} : vector<32xbf16> -> vector<16xf32>
      %unpack3A_190 = tpu.unpack_subelements %mul3A_188, 1 {pack_format = #tpu.pack_format<interleaved>} : vector<32xbf16> -> vector<16xf32>
      %add3A_191 = arith.addf %unpack3A_189, %unpack3A_190 : vector<16xf32>
      %add3A_192 = arith.addf %add3A_128, %add3A_191 : vector<16xf32>
      %add3A_193 = arith.constant 0 : i32
      %add3A_194 = arith.addi %mul3A_46, %add3A_193 : i32
      %add3A_195 = arith.constant 0 : i32
      %add3A_196 = arith.addi %add3A_194, %add3A_195 : i32
      %get3A_197 = arith.index_cast %add3A_196 : i32 to index
      %get3A_198 = arith.constant 64 : index
      %get3A_199 = tpu.vector_load %arg10[%get3A_197, %get3A_198] {strides = array<i32>} : memref<80x128xbf16, #tpu.memory_space<vmem>>, vector<32xbf16>,
      %get3A_200 = arith.index_cast %add3A_196 : i32 to index
      %get3A_201 = arith.constant 64 : index
      %get3A_202 = tpu.vector_load %arg11[%get3A_200, %get3A_201] {strides = array<i32>} : memref<80x128xbf16, #tpu.memory_space<vmem>>, vector<32xbf16>,
      %sub3A_203 = arith.subf %get3A_199, %get3A_202 : vector<32xbf16>
      %mul3A_204 = arith.mulf %sub3A_203, %sub3A_203 : vector<32xbf16>
      %unpack3A_205 = tpu.unpack_subelements %mul3A_204, 0 {pack_format = #tpu.pack_format<interleaved>} : vector<32xbf16> -> vector<16xf32>
      %unpack3A_206 = tpu.unpack_subelements %mul3A_204, 1 {pack_format = #tpu.pack_format<interleaved>} : vector<32xbf16> -> vector<16xf32>
      %add3A_207 = arith.addf %unpack3A_205, %unpack3A_206 : vector<16xf32>
      %add3A_208 = arith.addf %add3A_144, %add3A_207 : vector<16xf32>
      %add3A_209 = arith.constant 0 : i32
      %add3A_210 = arith.addi %mul3A_46, %add3A_209 : i32
      %add3A_211 = arith.constant 1 : i32
      %add3A_212 = arith.addi %add3A_210, %add3A_211 : i32
      %get3A_213 = arith.index_cast %add3A_212 : i32 to index
      %get3A_214 = arith.constant 64 : index
      %get3A_215 = tpu.vector_load %arg10[%get3A_213, %get3A_214] {strides = array<i32>} : memref<80x128xbf16, #tpu.memory_space<vmem>>, vector<32xbf16>,
      %get3A_216 = arith.index_cast %add3A_212 : i32 to index
      %get3A_217 = arith.constant 64 : index
      %get3A_218 = tpu.vector_load %arg11[%get3A_216, %get3A_217] {strides = array<i32>} : memref<80x128xbf16, #tpu.memory_space<vmem>>, vector<32xbf16>,
      %sub3A_219 = arith.subf %get3A_215, %get3A_218 : vector<32xbf16>
      %mul3A_220 = arith.mulf %sub3A_219, %sub3A_219 : vector<32xbf16>
      %unpack3A_221 = tpu.unpack_subelements %mul3A_220, 0 {pack_format = #tpu.pack_format<interleaved>} : vector<32xbf16> -> vector<16xf32>
      %unpack3A_222 = tpu.unpack_subelements %mul3A_220, 1 {pack_format = #tpu.pack_format<interleaved>} : vector<32xbf16> -> vector<16xf32>
      %add3A_223 = arith.addf %unpack3A_221, %unpack3A_222 : vector<16xf32>
      %add3A_224 = arith.addf %add3A_160, %add3A_223 : vector<16xf32>
      %add3A_225 = arith.constant 0 : i32
      %add3A_226 = arith.addi %mul3A_46, %add3A_225 : i32
      %add3A_227 = arith.constant 2 : i32
      %add3A_228 = arith.addi %add3A_226, %add3A_227 : i32
      %get3A_229 = arith.index_cast %add3A_228 : i32 to index
      %get3A_230 = arith.constant 64 : index
      %get3A_231 = tpu.vector_load %arg10[%get3A_229, %get3A_230] {strides = array<i32>} : memref<80x128xbf16, #tpu.memory_space<vmem>>, vector<32xbf16>,
      %get3A_232 = arith.index_cast %add3A_228 : i32 to index
      %get3A_233 = arith.constant 64 : index
      %get3A_234 = tpu.vector_load %arg11[%get3A_232, %get3A_233] {strides = array<i32>} : memref<80x128xbf16, #tpu.memory_space<vmem>>, vector<32xbf16>,
      %sub3A_235 = arith.subf %get3A_231, %get3A_234 : vector<32xbf16>
      %mul3A_236 = arith.mulf %sub3A_235, %sub3A_235 : vector<32xbf16>
      %unpack3A_237 = tpu.unpack_subelements %mul3A_236, 0 {pack_format = #tpu.pack_format<interleaved>} : vector<32xbf16> -> vector<16xf32>
      %unpack3A_238 = tpu.unpack_subelements %mul3A_236, 1 {pack_format = #tpu.pack_format<interleaved>} : vector<32xbf16> -> vector<16xf32>
      %add3A_239 = arith.addf %unpack3A_237, %unpack3A_238 : vector<16xf32>
      %add3A_240 = arith.addf %add3A_176, %add3A_239 : vector<16xf32>
      %add3A_241 = arith.constant 0 : i32
      %add3A_242 = arith.addi %mul3A_46, %add3A_241 : i32
      %add3A_243 = arith.constant 3 : i32
      %add3A_244 = arith.addi %add3A_242, %add3A_243 : i32
      %get3A_245 = arith.index_cast %add3A_244 : i32 to index
      %get3A_246 = arith.constant 64 : index
      %get3A_247 = tpu.vector_load %arg10[%get3A_245, %get3A_246] {strides = array<i32>} : memref<80x128xbf16, #tpu.memory_space<vmem>>, vector<32xbf16>,
      %get3A_248 = arith.index_cast %add3A_244 : i32 to index
      %get3A_249 = arith.constant 64 : index
      %get3A_250 = tpu.vector_load %arg11[%get3A_248, %get3A_249] {strides = array<i32>} : memref<80x128xbf16, #tpu.memory_space<vmem>>, vector<32xbf16>,
      %sub3A_251 = arith.subf %get3A_247, %get3A_250 : vector<32xbf16>
      %mul3A_252 = arith.mulf %sub3A_251, %sub3A_251 : vector<32xbf16>
      %unpack3A_253 = tpu.unpack_subelements %mul3A_252, 0 {pack_format = #tpu.pack_format<interleaved>} : vector<32xbf16> -> vector<16xf32>
      %unpack3A_254 = tpu.unpack_subelements %mul3A_252, 1 {pack_format = #tpu.pack_format<interleaved>} : vector<32xbf16> -> vector<16xf32>
      %add3A_255 = arith.addf %unpack3A_253, %unpack3A_254 : vector<16xf32>
      %add3A_256 = arith.addf %add3A_192, %add3A_255 : vector<16xf32>
      %add3A_257 = arith.constant 0 : i32
      %add3A_258 = arith.addi %mul3A_46, %add3A_257 : i32
      %add3A_259 = arith.constant 0 : i32
      %add3A_260 = arith.addi %add3A_258, %add3A_259 : i32
      %get3A_261 = arith.index_cast %add3A_260 : i32 to index
      %get3A_262 = arith.constant 96 : index
      %get3A_263 = tpu.vector_load %arg10[%get3A_261, %get3A_262] {strides = array<i32>} : memref<80x128xbf16, #tpu.memory_space<vmem>>, vector<32xbf16>,
      %get3A_264 = arith.index_cast %add3A_260 : i32 to index
      %get3A_265 = arith.constant 96 : index
      %get3A_266 = tpu.vector_load %arg11[%get3A_264, %get3A_265] {strides = array<i32>} : memref<80x128xbf16, #tpu.memory_space<vmem>>, vector<32xbf16>,
      %sub3A_267 = arith.subf %get3A_263, %get3A_266 : vector<32xbf16>
      %mul3A_268 = arith.mulf %sub3A_267, %sub3A_267 : vector<32xbf16>
      %unpack3A_269 = tpu.unpack_subelements %mul3A_268, 0 {pack_format = #tpu.pack_format<interleaved>} : vector<32xbf16> -> vector<16xf32>
      %unpack3A_270 = tpu.unpack_subelements %mul3A_268, 1 {pack_format = #tpu.pack_format<interleaved>} : vector<32xbf16> -> vector<16xf32>
      %add3A_271 = arith.addf %unpack3A_269, %unpack3A_270 : vector<16xf32>
      %add3A_272 = arith.addf %add3A_208, %add3A_271 : vector<16xf32>
      %add3A_273 = arith.constant 0 : i32
      %add3A_274 = arith.addi %mul3A_46, %add3A_273 : i32
      %add3A_275 = arith.constant 1 : i32
      %add3A_276 = arith.addi %add3A_274, %add3A_275 : i32
      %get3A_277 = arith.index_cast %add3A_276 : i32 to index
      %get3A_278 = arith.constant 96 : index
      %get3A_279 = tpu.vector_load %arg10[%get3A_277, %get3A_278] {strides = array<i32>} : memref<80x128xbf16, #tpu.memory_space<vmem>>, vector<32xbf16>,
      %get3A_280 = arith.index_cast %add3A_276 : i32 to index
      %get3A_281 = arith.constant 96 : index
      %get3A_282 = tpu.vector_load %arg11[%get3A_280, %get3A_281] {strides = array<i32>} : memref<80x128xbf16, #tpu.memory_space<vmem>>, vector<32xbf16>,
      %sub3A_283 = arith.subf %get3A_279, %get3A_282 : vector<32xbf16>
      %mul3A_284 = arith.mulf %sub3A_283, %sub3A_283 : vector<32xbf16>
      %unpack3A_285 = tpu.unpack_subelements %mul3A_284, 0 {pack_format = #tpu.pack_format<interleaved>} : vector<32xbf16> -> vector<16xf32>
      %unpack3A_286 = tpu.unpack_subelements %mul3A_284, 1 {pack_format = #tpu.pack_format<interleaved>} : vector<32xbf16> -> vector<16xf32>
      %add3A_287 = arith.addf %unpack3A_285, %unpack3A_286 : vector<16xf32>
      %add3A_288 = arith.addf %add3A_224, %add3A_287 : vector<16xf32>
      %add3A_289 = arith.constant 0 : i32
      %add3A_290 = arith.addi %mul3A_46, %add3A_289 : i32
      %add3A_291 = arith.constant 2 : i32
      %add3A_292 = arith.addi %add3A_290, %add3A_291 : i32
      %get3A_293 = arith.index_cast %add3A_292 : i32 to index
      %get3A_294 = arith.constant 96 : index
      %get3A_295 = tpu.vector_load %arg10[%get3A_293, %get3A_294] {strides = array<i32>} : memref<80x128xbf16, #tpu.memory_space<vmem>>, vector<32xbf16>,
      %get3A_296 = arith.index_cast %add3A_292 : i32 to index
      %get3A_297 = arith.constant 96 : index
      %get3A_298 = tpu.vector_load %arg11[%get3A_296, %get3A_297] {strides = array<i32>} : memref<80x128xbf16, #tpu.memory_space<vmem>>, vector<32xbf16>,
      %sub3A_299 = arith.subf %get3A_295, %get3A_298 : vector<32xbf16>
      %mul3A_300 = arith.mulf %sub3A_299, %sub3A_299 : vector<32xbf16>
      %unpack3A_301 = tpu.unpack_subelements %mul3A_300, 0 {pack_format = #tpu.pack_format<interleaved>} : vector<32xbf16> -> vector<16xf32>
      %unpack3A_302 = tpu.unpack_subelements %mul3A_300, 1 {pack_format = #tpu.pack_format<interleaved>} : vector<32xbf16> -> vector<16xf32>
      %add3A_303 = arith.addf %unpack3A_301, %unpack3A_302 : vector<16xf32>
      %add3A_304 = arith.addf %add3A_240, %add3A_303 : vector<16xf32>
      %add3A_305 = arith.constant 0 : i32
      %add3A_306 = arith.addi %mul3A_46, %add3A_305 : i32
      %add3A_307 = arith.constant 3 : i32
      %add3A_308 = arith.addi %add3A_306, %add3A_307 : i32
      %get3A_309 = arith.index_cast %add3A_308 : i32 to index
      %get3A_310 = arith.constant 96 : index
      %get3A_311 = tpu.vector_load %arg10[%get3A_309, %get3A_310] {strides = array<i32>} : memref<80x128xbf16, #tpu.memory_space<vmem>>, vector<32xbf16>,
      %get3A_312 = arith.index_cast %add3A_308 : i32 to index
      %get3A_313 = arith.constant 96 : index
      %get3A_314 = tpu.vector_load %arg11[%get3A_312, %get3A_313] {strides = array<i32>} : memref<80x128xbf16, #tpu.memory_space<vmem>>, vector<32xbf16>,
      %sub3A_315 = arith.subf %get3A_311, %get3A_314 : vector<32xbf16>
      %mul3A_316 = arith.mulf %sub3A_315, %sub3A_315 : vector<32xbf16>
      %unpack3A_317 = tpu.unpack_subelements %mul3A_316, 0 {pack_format = #tpu.pack_format<interleaved>} : vector<32xbf16> -> vector<16xf32>
      %unpack3A_318 = tpu.unpack_subelements %mul3A_316, 1 {pack_format = #tpu.pack_format<interleaved>} : vector<32xbf16> -> vector<16xf32>
      %add3A_319 = arith.addf %unpack3A_317, %unpack3A_318 : vector<16xf32>
      %add3A_320 = arith.addf %add3A_256, %add3A_319 : vector<16xf32>
      %add3A_321 = arith.constant 0 : i32
      %add3A_322 = vector.broadcast %add3A_321 : i32 to vector<16xi32>
      %add3A_323 = arith.addi %mul3A_71, %add3A_322 : vector<16xi32>
      tpu.vector_store_idx %arg14[%add3A_323], %add3A_272 {add = true} : memref<144xf32, #tpu.memory_space<vmem>>[vector<16xi32>], vector<16xf32>,
      %add3A_324 = arith.constant 1 : i32
      %add3A_325 = vector.broadcast %add3A_324 : i32 to vector<16xi32>
      %add3A_326 = arith.addi %mul3A_71, %add3A_325 : vector<16xi32>
      tpu.vector_store_idx %arg14[%add3A_326], %add3A_288 {add = true} : memref<144xf32, #tpu.memory_space<vmem>>[vector<16xi32>], vector<16xf32>,
      %add3A_327 = arith.constant 2 : i32
      %add3A_328 = vector.broadcast %add3A_327 : i32 to vector<16xi32>
      %add3A_329 = arith.addi %mul3A_71, %add3A_328 : vector<16xi32>
      tpu.vector_store_idx %arg14[%add3A_329], %add3A_304 {add = true} : memref<144xf32, #tpu.memory_space<vmem>>[vector<16xi32>], vector<16xf32>,
      %add3A_330 = arith.constant 3 : i32
      %add3A_331 = vector.broadcast %add3A_330 : i32 to vector<16xi32>
      %add3A_332 = arith.addi %mul3A_71, %add3A_331 : vector<16xi32>
      tpu.vector_store_idx %arg14[%add3A_332], %add3A_320 {add = true} : memref<144xf32, #tpu.memory_space<vmem>>[vector<16xi32>], vector<16xf32>,
      %add3A_333 = arith.constant 4 : i32
      %add3A_334 = arith.addi %mul3A_46, %add3A_333 : i32
      %add3A_335 = arith.constant 0 : i32
      %add3A_336 = arith.addi %add3A_334, %add3A_335 : i32
      %get3A_337 = arith.index_cast %add3A_336 : i32 to index
      %get3A_338 = arith.constant 0 : index
      %get3A_339 = tpu.vector_load %arg10[%get3A_337, %get3A_338] {strides = array<i32>} : memref<80x128xbf16, #tpu.memory_space<vmem>>, vector<32xbf16>,
      %get3A_340 = arith.index_cast %add3A_336 : i32 to index
      %get3A_341 = arith.constant 0 : index
      %get3A_342 = tpu.vector_load %arg11[%get3A_340, %get3A_341] {strides = array<i32>} : memref<80x128xbf16, #tpu.memory_space<vmem>>, vector<32xbf16>,
      %sub3A_343 = arith.subf %get3A_339, %get3A_342 : vector<32xbf16>
      %mul3A_344 = arith.mulf %sub3A_343, %sub3A_343 : vector<32xbf16>
      %unpack3A_345 = tpu.unpack_subelements %mul3A_344, 0 {pack_format = #tpu.pack_format<interleaved>} : vector<32xbf16> -> vector<16xf32>
      %unpack3A_346 = tpu.unpack_subelements %mul3A_344, 1 {pack_format = #tpu.pack_format<interleaved>} : vector<32xbf16> -> vector<16xf32>
      %add3A_347 = arith.addf %unpack3A_345, %unpack3A_346 : vector<16xf32>
      %add3A_348 = arith.constant 4 : i32
      %add3A_349 = arith.addi %mul3A_46, %add3A_348 : i32
      %add3A_350 = arith.constant 1 : i32
      %add3A_351 = arith.addi %add3A_349, %add3A_350 : i32
      %get3A_352 = arith.index_cast %add3A_351 : i32 to index
      %get3A_353 = arith.constant 0 : index
      %get3A_354 = tpu.vector_load %arg10[%get3A_352, %get3A_353] {strides = array<i32>} : memref<80x128xbf16, #tpu.memory_space<vmem>>, vector<32xbf16>,
      %get3A_355 = arith.index_cast %add3A_351 : i32 to index
      %get3A_356 = arith.constant 0 : index
      %get3A_357 = tpu.vector_load %arg11[%get3A_355, %get3A_356] {strides = array<i32>} : memref<80x128xbf16, #tpu.memory_space<vmem>>, vector<32xbf16>,
      %sub3A_358 = arith.subf %get3A_354, %get3A_357 : vector<32xbf16>
      %mul3A_359 = arith.mulf %sub3A_358, %sub3A_358 : vector<32xbf16>
      %unpack3A_360 = tpu.unpack_subelements %mul3A_359, 0 {pack_format = #tpu.pack_format<interleaved>} : vector<32xbf16> -> vector<16xf32>
      %unpack3A_361 = tpu.unpack_subelements %mul3A_359, 1 {pack_format = #tpu.pack_format<interleaved>} : vector<32xbf16> -> vector<16xf32>
      %add3A_362 = arith.addf %unpack3A_360, %unpack3A_361 : vector<16xf32>
      %add3A_363 = arith.constant 4 : i32
      %add3A_364 = arith.addi %mul3A_46, %add3A_363 : i32
      %add3A_365 = arith.constant 2 : i32
      %add3A_366 = arith.addi %add3A_364, %add3A_365 : i32
      %get3A_367 = arith.index_cast %add3A_366 : i32 to index
      %get3A_368 = arith.constant 0 : index
      %get3A_369 = tpu.vector_load %arg10[%get3A_367, %get3A_368] {strides = array<i32>} : memref<80x128xbf16, #tpu.memory_space<vmem>>, vector<32xbf16>,
      %get3A_370 = arith.index_cast %add3A_366 : i32 to index
      %get3A_371 = arith.constant 0 : index
      %get3A_372 = tpu.vector_load %arg11[%get3A_370, %get3A_371] {strides = array<i32>} : memref<80x128xbf16, #tpu.memory_space<vmem>>, vector<32xbf16>,
      %sub3A_373 = arith.subf %get3A_369, %get3A_372 : vector<32xbf16>
      %mul3A_374 = arith.mulf %sub3A_373, %sub3A_373 : vector<32xbf16>
      %unpack3A_375 = tpu.unpack_subelements %mul3A_374, 0 {pack_format = #tpu.pack_format<interleaved>} : vector<32xbf16> -> vector<16xf32>
      %unpack3A_376 = tpu.unpack_subelements %mul3A_374, 1 {pack_format = #tpu.pack_format<interleaved>} : vector<32xbf16> -> vector<16xf32>
      %add3A_377 = arith.addf %unpack3A_375, %unpack3A_376 : vector<16xf32>
      %add3A_378 = arith.constant 4 : i32
      %add3A_379 = arith.addi %mul3A_46, %add3A_378 : i32
      %add3A_380 = arith.constant 3 : i32
      %add3A_381 = arith.addi %add3A_379, %add3A_380 : i32
      %get3A_382 = arith.index_cast %add3A_381 : i32 to index
      %get3A_383 = arith.constant 0 : index
      %get3A_384 = tpu.vector_load %arg10[%get3A_382, %get3A_383] {strides = array<i32>} : memref<80x128xbf16, #tpu.memory_space<vmem>>, vector<32xbf16>,
      %get3A_385 = arith.index_cast %add3A_381 : i32 to index
      %get3A_386 = arith.constant 0 : index
      %get3A_387 = tpu.vector_load %arg11[%get3A_385, %get3A_386] {strides = array<i32>} : memref<80x128xbf16, #tpu.memory_space<vmem>>, vector<32xbf16>,
      %sub3A_388 = arith.subf %get3A_384, %get3A_387 : vector<32xbf16>
      %mul3A_389 = arith.mulf %sub3A_388, %sub3A_388 : vector<32xbf16>
      %unpack3A_390 = tpu.unpack_subelements %mul3A_389, 0 {pack_format = #tpu.pack_format<interleaved>} : vector<32xbf16> -> vector<16xf32>
      %unpack3A_391 = tpu.unpack_subelements %mul3A_389, 1 {pack_format = #tpu.pack_format<interleaved>} : vector<32xbf16> -> vector<16xf32>
      %add3A_392 = arith.addf %unpack3A_390, %unpack3A_391 : vector<16xf32>
      %add3A_393 = arith.constant 4 : i32
      %add3A_394 = arith.addi %mul3A_46, %add3A_393 : i32
      %add3A_395 = arith.constant 0 : i32
      %add3A_396 = arith.addi %add3A_394, %add3A_395 : i32
      %get3A_397 = arith.index_cast %add3A_396 : i32 to index
      %get3A_398 = arith.constant 32 : index
      %get3A_399 = tpu.vector_load %arg10[%get3A_397, %get3A_398] {strides = array<i32>} : memref<80x128xbf16, #tpu.memory_space<vmem>>, vector<32xbf16>,
      %get3A_400 = arith.index_cast %add3A_396 : i32 to index
      %get3A_401 = arith.constant 32 : index
      %get3A_402 = tpu.vector_load %arg11[%get3A_400, %get3A_401] {strides = array<i32>} : memref<80x128xbf16, #tpu.memory_space<vmem>>, vector<32xbf16>,
      %sub3A_403 = arith.subf %get3A_399, %get3A_402 : vector<32xbf16>
      %mul3A_404 = arith.mulf %sub3A_403, %sub3A_403 : vector<32xbf16>
      %unpack3A_405 = tpu.unpack_subelements %mul3A_404, 0 {pack_format = #tpu.pack_format<interleaved>} : vector<32xbf16> -> vector<16xf32>
      %unpack3A_406 = tpu.unpack_subelements %mul3A_404, 1 {pack_format = #tpu.pack_format<interleaved>} : vector<32xbf16> -> vector<16xf32>
      %add3A_407 = arith.addf %unpack3A_405, %unpack3A_406 : vector<16xf32>
      %add3A_408 = arith.addf %add3A_347, %add3A_407 : vector<16xf32>
      %add3A_409 = arith.constant 4 : i32
      %add3A_410 = arith.addi %mul3A_46, %add3A_409 : i32
      %add3A_411 = arith.constant 1 : i32
      %add3A_412 = arith.addi %add3A_410, %add3A_411 : i32
      %get3A_413 = arith.index_cast %add3A_412 : i32 to index
      %get3A_414 = arith.constant 32 : index
      %get3A_415 = tpu.vector_load %arg10[%get3A_413, %get3A_414] {strides = array<i32>} : memref<80x128xbf16, #tpu.memory_space<vmem>>, vector<32xbf16>,
      %get3A_416 = arith.index_cast %add3A_412 : i32 to index
      %get3A_417 = arith.constant 32 : index
      %get3A_418 = tpu.vector_load %arg11[%get3A_416, %get3A_417] {strides = array<i32>} : memref<80x128xbf16, #tpu.memory_space<vmem>>, vector<32xbf16>,
      %sub3A_419 = arith.subf %get3A_415, %get3A_418 : vector<32xbf16>
      %mul3A_420 = arith.mulf %sub3A_419, %sub3A_419 : vector<32xbf16>
      %unpack3A_421 = tpu.unpack_subelements %mul3A_420, 0 {pack_format = #tpu.pack_format<interleaved>} : vector<32xbf16> -> vector<16xf32>
      %unpack3A_422 = tpu.unpack_subelements %mul3A_420, 1 {pack_format = #tpu.pack_format<interleaved>} : vector<32xbf16> -> vector<16xf32>
      %add3A_423 = arith.addf %unpack3A_421, %unpack3A_422 : vector<16xf32>
      %add3A_424 = arith.addf %add3A_362, %add3A_423 : vector<16xf32>
      %add3A_425 = arith.constant 4 : i32
      %add3A_426 = arith.addi %mul3A_46, %add3A_425 : i32
      %add3A_427 = arith.constant 2 : i32
      %add3A_428 = arith.addi %add3A_426, %add3A_427 : i32
      %get3A_429 = arith.index_cast %add3A_428 : i32 to index
      %get3A_430 = arith.constant 32 : index
      %get3A_431 = tpu.vector_load %arg10[%get3A_429, %get3A_430] {strides = array<i32>} : memref<80x128xbf16, #tpu.memory_space<vmem>>, vector<32xbf16>,
      %get3A_432 = arith.index_cast %add3A_428 : i32 to index
      %get3A_433 = arith.constant 32 : index
      %get3A_434 = tpu.vector_load %arg11[%get3A_432, %get3A_433] {strides = array<i32>} : memref<80x128xbf16, #tpu.memory_space<vmem>>, vector<32xbf16>,
      %sub3A_435 = arith.subf %get3A_431, %get3A_434 : vector<32xbf16>
      %mul3A_436 = arith.mulf %sub3A_435, %sub3A_435 : vector<32xbf16>
      %unpack3A_437 = tpu.unpack_subelements %mul3A_436, 0 {pack_format = #tpu.pack_format<interleaved>} : vector<32xbf16> -> vector<16xf32>
      %unpack3A_438 = tpu.unpack_subelements %mul3A_436, 1 {pack_format = #tpu.pack_format<interleaved>} : vector<32xbf16> -> vector<16xf32>
      %add3A_439 = arith.addf %unpack3A_437, %unpack3A_438 : vector<16xf32>
      %add3A_440 = arith.addf %add3A_377, %add3A_439 : vector<16xf32>
      %add3A_441 = arith.constant 4 : i32
      %add3A_442 = arith.addi %mul3A_46, %add3A_441 : i32
      %add3A_443 = arith.constant 3 : i32
      %add3A_444 = arith.addi %add3A_442, %add3A_443 : i32
      %get3A_445 = arith.index_cast %add3A_444 : i32 to index
      %get3A_446 = arith.constant 32 : index
      %get3A_447 = tpu.vector_load %arg10[%get3A_445, %get3A_446] {strides = array<i32>} : memref<80x128xbf16, #tpu.memory_space<vmem>>, vector<32xbf16>,
      %get3A_448 = arith.index_cast %add3A_444 : i32 to index
      %get3A_449 = arith.constant 32 : index
      %get3A_450 = tpu.vector_load %arg11[%get3A_448, %get3A_449] {strides = array<i32>} : memref<80x128xbf16, #tpu.memory_space<vmem>>, vector<32xbf16>,
      %sub3A_451 = arith.subf %get3A_447, %get3A_450 : vector<32xbf16>
      %mul3A_452 = arith.mulf %sub3A_451, %sub3A_451 : vector<32xbf16>
      %unpack3A_453 = tpu.unpack_subelements %mul3A_452, 0 {pack_format = #tpu.pack_format<interleaved>} : vector<32xbf16> -> vector<16xf32>
      %unpack3A_454 = tpu.unpack_subelements %mul3A_452, 1 {pack_format = #tpu.pack_format<interleaved>} : vector<32xbf16> -> vector<16xf32>
      %add3A_455 = arith.addf %unpack3A_453, %unpack3A_454 : vector<16xf32>
      %add3A_456 = arith.addf %add3A_392, %add3A_455 : vector<16xf32>
      %add3A_457 = arith.constant 4 : i32
      %add3A_458 = arith.addi %mul3A_46, %add3A_457 : i32
      %add3A_459 = arith.constant 0 : i32
      %add3A_460 = arith.addi %add3A_458, %add3A_459 : i32
      %get3A_461 = arith.index_cast %add3A_460 : i32 to index
      %get3A_462 = arith.constant 64 : index
      %get3A_463 = tpu.vector_load %arg10[%get3A_461, %get3A_462] {strides = array<i32>} : memref<80x128xbf16, #tpu.memory_space<vmem>>, vector<32xbf16>,
      %get3A_464 = arith.index_cast %add3A_460 : i32 to index
      %get3A_465 = arith.constant 64 : index
      %get3A_466 = tpu.vector_load %arg11[%get3A_464, %get3A_465] {strides = array<i32>} : memref<80x128xbf16, #tpu.memory_space<vmem>>, vector<32xbf16>,
      %sub3A_467 = arith.subf %get3A_463, %get3A_466 : vector<32xbf16>
      %mul3A_468 = arith.mulf %sub3A_467, %sub3A_467 : vector<32xbf16>
      %unpack3A_469 = tpu.unpack_subelements %mul3A_468, 0 {pack_format = #tpu.pack_format<interleaved>} : vector<32xbf16> -> vector<16xf32>
      %unpack3A_470 = tpu.unpack_subelements %mul3A_468, 1 {pack_format = #tpu.pack_format<interleaved>} : vector<32xbf16> -> vector<16xf32>
      %add3A_471 = arith.addf %unpack3A_469, %unpack3A_470 : vector<16xf32>
      %add3A_472 = arith.addf %add3A_408, %add3A_471 : vector<16xf32>
      %add3A_473 = arith.constant 4 : i32
      %add3A_474 = arith.addi %mul3A_46, %add3A_473 : i32
      %add3A_475 = arith.constant 1 : i32
      %add3A_476 = arith.addi %add3A_474, %add3A_475 : i32
      %get3A_477 = arith.index_cast %add3A_476 : i32 to index
      %get3A_478 = arith.constant 64 : index
      %get3A_479 = tpu.vector_load %arg10[%get3A_477, %get3A_478] {strides = array<i32>} : memref<80x128xbf16, #tpu.memory_space<vmem>>, vector<32xbf16>,
      %get3A_480 = arith.index_cast %add3A_476 : i32 to index
      %get3A_481 = arith.constant 64 : index
      %get3A_482 = tpu.vector_load %arg11[%get3A_480, %get3A_481] {strides = array<i32>} : memref<80x128xbf16, #tpu.memory_space<vmem>>, vector<32xbf16>,
      %sub3A_483 = arith.subf %get3A_479, %get3A_482 : vector<32xbf16>
      %mul3A_484 = arith.mulf %sub3A_483, %sub3A_483 : vector<32xbf16>
      %unpack3A_485 = tpu.unpack_subelements %mul3A_484, 0 {pack_format = #tpu.pack_format<interleaved>} : vector<32xbf16> -> vector<16xf32>
      %unpack3A_486 = tpu.unpack_subelements %mul3A_484, 1 {pack_format = #tpu.pack_format<interleaved>} : vector<32xbf16> -> vector<16xf32>
      %add3A_487 = arith.addf %unpack3A_485, %unpack3A_486 : vector<16xf32>
      %add3A_488 = arith.addf %add3A_424, %add3A_487 : vector<16xf32>
      %add3A_489 = arith.constant 4 : i32
      %add3A_490 = arith.addi %mul3A_46, %add3A_489 : i32
      %add3A_491 = arith.constant 2 : i32
      %add3A_492 = arith.addi %add3A_490, %add3A_491 : i32
      %get3A_493 = arith.index_cast %add3A_492 : i32 to index
      %get3A_494 = arith.constant 64 : index
      %get3A_495 = tpu.vector_load %arg10[%get3A_493, %get3A_494] {strides = array<i32>} : memref<80x128xbf16, #tpu.memory_space<vmem>>, vector<32xbf16>,
      %get3A_496 = arith.index_cast %add3A_492 : i32 to index
      %get3A_497 = arith.constant 64 : index
      %get3A_498 = tpu.vector_load %arg11[%get3A_496, %get3A_497] {strides = array<i32>} : memref<80x128xbf16, #tpu.memory_space<vmem>>, vector<32xbf16>,
      %sub3A_499 = arith.subf %get3A_495, %get3A_498 : vector<32xbf16>
      %mul3A_500 = arith.mulf %sub3A_499, %sub3A_499 : vector<32xbf16>
      %unpack3A_501 = tpu.unpack_subelements %mul3A_500, 0 {pack_format = #tpu.pack_format<interleaved>} : vector<32xbf16> -> vector<16xf32>
      %unpack3A_502 = tpu.unpack_subelements %mul3A_500, 1 {pack_format = #tpu.pack_format<interleaved>} : vector<32xbf16> -> vector<16xf32>
      %add3A_503 = arith.addf %unpack3A_501, %unpack3A_502 : vector<16xf32>
      %add3A_504 = arith.addf %add3A_440, %add3A_503 : vector<16xf32>
      %add3A_505 = arith.constant 4 : i32
      %add3A_506 = arith.addi %mul3A_46, %add3A_505 : i32
      %add3A_507 = arith.constant 3 : i32
      %add3A_508 = arith.addi %add3A_506, %add3A_507 : i32
      %get3A_509 = arith.index_cast %add3A_508 : i32 to index
      %get3A_510 = arith.constant 64 : index
      %get3A_511 = tpu.vector_load %arg10[%get3A_509, %get3A_510] {strides = array<i32>} : memref<80x128xbf16, #tpu.memory_space<vmem>>, vector<32xbf16>,
      %get3A_512 = arith.index_cast %add3A_508 : i32 to index
      %get3A_513 = arith.constant 64 : index
      %get3A_514 = tpu.vector_load %arg11[%get3A_512, %get3A_513] {strides = array<i32>} : memref<80x128xbf16, #tpu.memory_space<vmem>>, vector<32xbf16>,
      %sub3A_515 = arith.subf %get3A_511, %get3A_514 : vector<32xbf16>
      %mul3A_516 = arith.mulf %sub3A_515, %sub3A_515 : vector<32xbf16>
      %unpack3A_517 = tpu.unpack_subelements %mul3A_516, 0 {pack_format = #tpu.pack_format<interleaved>} : vector<32xbf16> -> vector<16xf32>
      %unpack3A_518 = tpu.unpack_subelements %mul3A_516, 1 {pack_format = #tpu.pack_format<interleaved>} : vector<32xbf16> -> vector<16xf32>
      %add3A_519 = arith.addf %unpack3A_517, %unpack3A_518 : vector<16xf32>
      %add3A_520 = arith.addf %add3A_456, %add3A_519 : vector<16xf32>
      %add3A_521 = arith.constant 4 : i32
      %add3A_522 = arith.addi %mul3A_46, %add3A_521 : i32
      %add3A_523 = arith.constant 0 : i32
      %add3A_524 = arith.addi %add3A_522, %add3A_523 : i32
      %get3A_525 = arith.index_cast %add3A_524 : i32 to index
      %get3A_526 = arith.constant 96 : index
      %get3A_527 = tpu.vector_load %arg10[%get3A_525, %get3A_526] {strides = array<i32>} : memref<80x128xbf16, #tpu.memory_space<vmem>>, vector<32xbf16>,
      %get3A_528 = arith.index_cast %add3A_524 : i32 to index
      %get3A_529 = arith.constant 96 : index
      %get3A_530 = tpu.vector_load %arg11[%get3A_528, %get3A_529] {strides = array<i32>} : memref<80x128xbf16, #tpu.memory_space<vmem>>, vector<32xbf16>,
      %sub3A_531 = arith.subf %get3A_527, %get3A_530 : vector<32xbf16>
      %mul3A_532 = arith.mulf %sub3A_531, %sub3A_531 : vector<32xbf16>
      %unpack3A_533 = tpu.unpack_subelements %mul3A_532, 0 {pack_format = #tpu.pack_format<interleaved>} : vector<32xbf16> -> vector<16xf32>
      %unpack3A_534 = tpu.unpack_subelements %mul3A_532, 1 {pack_format = #tpu.pack_format<interleaved>} : vector<32xbf16> -> vector<16xf32>
      %add3A_535 = arith.addf %unpack3A_533, %unpack3A_534 : vector<16xf32>
      %add3A_536 = arith.addf %add3A_472, %add3A_535 : vector<16xf32>
      %add3A_537 = arith.constant 4 : i32
      %add3A_538 = arith.addi %mul3A_46, %add3A_537 : i32
      %add3A_539 = arith.constant 1 : i32
      %add3A_540 = arith.addi %add3A_538, %add3A_539 : i32
      %get3A_541 = arith.index_cast %add3A_540 : i32 to index
      %get3A_542 = arith.constant 96 : index
      %get3A_543 = tpu.vector_load %arg10[%get3A_541, %get3A_542] {strides = array<i32>} : memref<80x128xbf16, #tpu.memory_space<vmem>>, vector<32xbf16>,
      %get3A_544 = arith.index_cast %add3A_540 : i32 to index
      %get3A_545 = arith.constant 96 : index
      %get3A_546 = tpu.vector_load %arg11[%get3A_544, %get3A_545] {strides = array<i32>} : memref<80x128xbf16, #tpu.memory_space<vmem>>, vector<32xbf16>,
      %sub3A_547 = arith.subf %get3A_543, %get3A_546 : vector<32xbf16>
      %mul3A_548 = arith.mulf %sub3A_547, %sub3A_547 : vector<32xbf16>
      %unpack3A_549 = tpu.unpack_subelements %mul3A_548, 0 {pack_format = #tpu.pack_format<interleaved>} : vector<32xbf16> -> vector<16xf32>
      %unpack3A_550 = tpu.unpack_subelements %mul3A_548, 1 {pack_format = #tpu.pack_format<interleaved>} : vector<32xbf16> -> vector<16xf32>
      %add3A_551 = arith.addf %unpack3A_549, %unpack3A_550 : vector<16xf32>
      %add3A_552 = arith.addf %add3A_488, %add3A_551 : vector<16xf32>
      %add3A_553 = arith.constant 4 : i32
      %add3A_554 = arith.addi %mul3A_46, %add3A_553 : i32
      %add3A_555 = arith.constant 2 : i32
      %add3A_556 = arith.addi %add3A_554, %add3A_555 : i32
      %get3A_557 = arith.index_cast %add3A_556 : i32 to index
      %get3A_558 = arith.constant 96 : index
      %get3A_559 = tpu.vector_load %arg10[%get3A_557, %get3A_558] {strides = array<i32>} : memref<80x128xbf16, #tpu.memory_space<vmem>>, vector<32xbf16>,
      %get3A_560 = arith.index_cast %add3A_556 : i32 to index
      %get3A_561 = arith.constant 96 : index
      %get3A_562 = tpu.vector_load %arg11[%get3A_560, %get3A_561] {strides = array<i32>} : memref<80x128xbf16, #tpu.memory_space<vmem>>, vector<32xbf16>,
      %sub3A_563 = arith.subf %get3A_559, %get3A_562 : vector<32xbf16>
      %mul3A_564 = arith.mulf %sub3A_563, %sub3A_563 : vector<32xbf16>
      %unpack3A_565 = tpu.unpack_subelements %mul3A_564, 0 {pack_format = #tpu.pack_format<interleaved>} : vector<32xbf16> -> vector<16xf32>
      %unpack3A_566 = tpu.unpack_subelements %mul3A_564, 1 {pack_format = #tpu.pack_format<interleaved>} : vector<32xbf16> -> vector<16xf32>
      %add3A_567 = arith.addf %unpack3A_565, %unpack3A_566 : vector<16xf32>
      %add3A_568 = arith.addf %add3A_504, %add3A_567 : vector<16xf32>
      %add3A_569 = arith.constant 4 : i32
      %add3A_570 = arith.addi %mul3A_46, %add3A_569 : i32
      %add3A_571 = arith.constant 3 : i32
      %add3A_572 = arith.addi %add3A_570, %add3A_571 : i32
      %get3A_573 = arith.index_cast %add3A_572 : i32 to index
      %get3A_574 = arith.constant 96 : index
      %get3A_575 = tpu.vector_load %arg10[%get3A_573, %get3A_574] {strides = array<i32>} : memref<80x128xbf16, #tpu.memory_space<vmem>>, vector<32xbf16>,
      %get3A_576 = arith.index_cast %add3A_572 : i32 to index
      %get3A_577 = arith.constant 96 : index
      %get3A_578 = tpu.vector_load %arg11[%get3A_576, %get3A_577] {strides = array<i32>} : memref<80x128xbf16, #tpu.memory_space<vmem>>, vector<32xbf16>,
      %sub3A_579 = arith.subf %get3A_575, %get3A_578 : vector<32xbf16>
      %mul3A_580 = arith.mulf %sub3A_579, %sub3A_579 : vector<32xbf16>
      %unpack3A_581 = tpu.unpack_subelements %mul3A_580, 0 {pack_format = #tpu.pack_format<interleaved>} : vector<32xbf16> -> vector<16xf32>
      %unpack3A_582 = tpu.unpack_subelements %mul3A_580, 1 {pack_format = #tpu.pack_format<interleaved>} : vector<32xbf16> -> vector<16xf32>
      %add3A_583 = arith.addf %unpack3A_581, %unpack3A_582 : vector<16xf32>
      %add3A_584 = arith.addf %add3A_520, %add3A_583 : vector<16xf32>
      %add3A_585 = arith.constant 4 : i32
      %add3A_586 = vector.broadcast %add3A_585 : i32 to vector<16xi32>
      %add3A_587 = arith.addi %mul3A_71, %add3A_586 : vector<16xi32>
      tpu.vector_store_idx %arg14[%add3A_587], %add3A_536 {add = true} : memref<144xf32, #tpu.memory_space<vmem>>[vector<16xi32>], vector<16xf32>,
      %add3A_588 = arith.constant 5 : i32
      %add3A_589 = vector.broadcast %add3A_588 : i32 to vector<16xi32>
      %add3A_590 = arith.addi %mul3A_71, %add3A_589 : vector<16xi32>
      tpu.vector_store_idx %arg14[%add3A_590], %add3A_552 {add = true} : memref<144xf32, #tpu.memory_space<vmem>>[vector<16xi32>], vector<16xf32>,
      %add3A_591 = arith.constant 6 : i32
      %add3A_592 = vector.broadcast %add3A_591 : i32 to vector<16xi32>
      %add3A_593 = arith.addi %mul3A_71, %add3A_592 : vector<16xi32>
      tpu.vector_store_idx %arg14[%add3A_593], %add3A_568 {add = true} : memref<144xf32, #tpu.memory_space<vmem>>[vector<16xi32>], vector<16xf32>,
      %add3A_594 = arith.constant 7 : i32
      %add3A_595 = vector.broadcast %add3A_594 : i32 to vector<16xi32>
      %add3A_596 = arith.addi %mul3A_71, %add3A_595 : vector<16xi32>
      tpu.vector_store_idx %arg14[%add3A_596], %add3A_584 {add = true} : memref<144xf32, #tpu.memory_space<vmem>>[vector<16xi32>], vector<16xf32>,
      %add3A_597 = arith.constant 8 : i32
      %add3A_598 = arith.addi %mul3A_46, %add3A_597 : i32
      %add3A_599 = arith.constant 0 : i32
      %add3A_600 = arith.addi %add3A_598, %add3A_599 : i32
      %get3A_601 = arith.index_cast %add3A_600 : i32 to index
      %get3A_602 = arith.constant 0 : index
      %get3A_603 = tpu.vector_load %arg10[%get3A_601, %get3A_602] {strides = array<i32>} : memref<80x128xbf16, #tpu.memory_space<vmem>>, vector<32xbf16>,
      %get3A_604 = arith.index_cast %add3A_600 : i32 to index
      %get3A_605 = arith.constant 0 : index
      %get3A_606 = tpu.vector_load %arg11[%get3A_604, %get3A_605] {strides = array<i32>} : memref<80x128xbf16, #tpu.memory_space<vmem>>, vector<32xbf16>,
      %sub3A_607 = arith.subf %get3A_603, %get3A_606 : vector<32xbf16>
      %mul3A_608 = arith.mulf %sub3A_607, %sub3A_607 : vector<32xbf16>
      %unpack3A_609 = tpu.unpack_subelements %mul3A_608, 0 {pack_format = #tpu.pack_format<interleaved>} : vector<32xbf16> -> vector<16xf32>
      %unpack3A_610 = tpu.unpack_subelements %mul3A_608, 1 {pack_format = #tpu.pack_format<interleaved>} : vector<32xbf16> -> vector<16xf32>
      %add3A_611 = arith.addf %unpack3A_609, %unpack3A_610 : vector<16xf32>
      %add3A_612 = arith.constant 8 : i32
      %add3A_613 = arith.addi %mul3A_46, %add3A_612 : i32
      %add3A_614 = arith.constant 1 : i32
      %add3A_615 = arith.addi %add3A_613, %add3A_614 : i32
      %get3A_616 = arith.index_cast %add3A_615 : i32 to index
      %get3A_617 = arith.constant 0 : index
      %get3A_618 = tpu.vector_load %arg10[%get3A_616, %get3A_617] {strides = array<i32>} : memref<80x128xbf16, #tpu.memory_space<vmem>>, vector<32xbf16>,
      %get3A_619 = arith.index_cast %add3A_615 : i32 to index
      %get3A_620 = arith.constant 0 : index
      %get3A_621 = tpu.vector_load %arg11[%get3A_619, %get3A_620] {strides = array<i32>} : memref<80x128xbf16, #tpu.memory_space<vmem>>, vector<32xbf16>,
      %sub3A_622 = arith.subf %get3A_618, %get3A_621 : vector<32xbf16>
      %mul3A_623 = arith.mulf %sub3A_622, %sub3A_622 : vector<32xbf16>
      %unpack3A_624 = tpu.unpack_subelements %mul3A_623, 0 {pack_format = #tpu.pack_format<interleaved>} : vector<32xbf16> -> vector<16xf32>
      %unpack3A_625 = tpu.unpack_subelements %mul3A_623, 1 {pack_format = #tpu.pack_format<interleaved>} : vector<32xbf16> -> vector<16xf32>
      %add3A_626 = arith.addf %unpack3A_624, %unpack3A_625 : vector<16xf32>
      %add3A_627 = arith.constant 8 : i32
      %add3A_628 = arith.addi %mul3A_46, %add3A_627 : i32
      %add3A_629 = arith.constant 2 : i32
      %add3A_630 = arith.addi %add3A_628, %add3A_629 : i32
      %get3A_631 = arith.index_cast %add3A_630 : i32 to index
      %get3A_632 = arith.constant 0 : index
      %get3A_633 = tpu.vector_load %arg10[%get3A_631, %get3A_632] {strides = array<i32>} : memref<80x128xbf16, #tpu.memory_space<vmem>>, vector<32xbf16>,
      %get3A_634 = arith.index_cast %add3A_630 : i32 to index
      %get3A_635 = arith.constant 0 : index
      %get3A_636 = tpu.vector_load %arg11[%get3A_634, %get3A_635] {strides = array<i32>} : memref<80x128xbf16, #tpu.memory_space<vmem>>, vector<32xbf16>,
      %sub3A_637 = arith.subf %get3A_633, %get3A_636 : vector<32xbf16>
      %mul3A_638 = arith.mulf %sub3A_637, %sub3A_637 : vector<32xbf16>
      %unpack3A_639 = tpu.unpack_subelements %mul3A_638, 0 {pack_format = #tpu.pack_format<interleaved>} : vector<32xbf16> -> vector<16xf32>
      %unpack3A_640 = tpu.unpack_subelements %mul3A_638, 1 {pack_format = #tpu.pack_format<interleaved>} : vector<32xbf16> -> vector<16xf32>
      %add3A_641 = arith.addf %unpack3A_639, %unpack3A_640 : vector<16xf32>
      %add3A_642 = arith.constant 8 : i32
      %add3A_643 = arith.addi %mul3A_46, %add3A_642 : i32
      %add3A_644 = arith.constant 3 : i32
      %add3A_645 = arith.addi %add3A_643, %add3A_644 : i32
      %get3A_646 = arith.index_cast %add3A_645 : i32 to index
      %get3A_647 = arith.constant 0 : index
      %get3A_648 = tpu.vector_load %arg10[%get3A_646, %get3A_647] {strides = array<i32>} : memref<80x128xbf16, #tpu.memory_space<vmem>>, vector<32xbf16>,
      %get3A_649 = arith.index_cast %add3A_645 : i32 to index
      %get3A_650 = arith.constant 0 : index
      %get3A_651 = tpu.vector_load %arg11[%get3A_649, %get3A_650] {strides = array<i32>} : memref<80x128xbf16, #tpu.memory_space<vmem>>, vector<32xbf16>,
      %sub3A_652 = arith.subf %get3A_648, %get3A_651 : vector<32xbf16>
      %mul3A_653 = arith.mulf %sub3A_652, %sub3A_652 : vector<32xbf16>
      %unpack3A_654 = tpu.unpack_subelements %mul3A_653, 0 {pack_format = #tpu.pack_format<interleaved>} : vector<32xbf16> -> vector<16xf32>
      %unpack3A_655 = tpu.unpack_subelements %mul3A_653, 1 {pack_format = #tpu.pack_format<interleaved>} : vector<32xbf16> -> vector<16xf32>
      %add3A_656 = arith.addf %unpack3A_654, %unpack3A_655 : vector<16xf32>
      %add3A_657 = arith.constant 8 : i32
      %add3A_658 = arith.addi %mul3A_46, %add3A_657 : i32
      %add3A_659 = arith.constant 0 : i32
      %add3A_660 = arith.addi %add3A_658, %add3A_659 : i32
      %get3A_661 = arith.index_cast %add3A_660 : i32 to index
      %get3A_662 = arith.constant 32 : index
      %get3A_663 = tpu.vector_load %arg10[%get3A_661, %get3A_662] {strides = array<i32>} : memref<80x128xbf16, #tpu.memory_space<vmem>>, vector<32xbf16>,
      %get3A_664 = arith.index_cast %add3A_660 : i32 to index
      %get3A_665 = arith.constant 32 : index
      %get3A_666 = tpu.vector_load %arg11[%get3A_664, %get3A_665] {strides = array<i32>} : memref<80x128xbf16, #tpu.memory_space<vmem>>, vector<32xbf16>,
      %sub3A_667 = arith.subf %get3A_663, %get3A_666 : vector<32xbf16>
      %mul3A_668 = arith.mulf %sub3A_667, %sub3A_667 : vector<32xbf16>
      %unpack3A_669 = tpu.unpack_subelements %mul3A_668, 0 {pack_format = #tpu.pack_format<interleaved>} : vector<32xbf16> -> vector<16xf32>
      %unpack3A_670 = tpu.unpack_subelements %mul3A_668, 1 {pack_format = #tpu.pack_format<interleaved>} : vector<32xbf16> -> vector<16xf32>
      %add3A_671 = arith.addf %unpack3A_669, %unpack3A_670 : vector<16xf32>
      %add3A_672 = arith.addf %add3A_611, %add3A_671 : vector<16xf32>
      %add3A_673 = arith.constant 8 : i32
      %add3A_674 = arith.addi %mul3A_46, %add3A_673 : i32
      %add3A_675 = arith.constant 1 : i32
      %add3A_676 = arith.addi %add3A_674, %add3A_675 : i32
      %get3A_677 = arith.index_cast %add3A_676 : i32 to index
      %get3A_678 = arith.constant 32 : index
      %get3A_679 = tpu.vector_load %arg10[%get3A_677, %get3A_678] {strides = array<i32>} : memref<80x128xbf16, #tpu.memory_space<vmem>>, vector<32xbf16>,
      %get3A_680 = arith.index_cast %add3A_676 : i32 to index
      %get3A_681 = arith.constant 32 : index
      %get3A_682 = tpu.vector_load %arg11[%get3A_680, %get3A_681] {strides = array<i32>} : memref<80x128xbf16, #tpu.memory_space<vmem>>, vector<32xbf16>,
      %sub3A_683 = arith.subf %get3A_679, %get3A_682 : vector<32xbf16>
      %mul3A_684 = arith.mulf %sub3A_683, %sub3A_683 : vector<32xbf16>
      %unpack3A_685 = tpu.unpack_subelements %mul3A_684, 0 {pack_format = #tpu.pack_format<interleaved>} : vector<32xbf16> -> vector<16xf32>
      %unpack3A_686 = tpu.unpack_subelements %mul3A_684, 1 {pack_format = #tpu.pack_format<interleaved>} : vector<32xbf16> -> vector<16xf32>
      %add3A_687 = arith.addf %unpack3A_685, %unpack3A_686 : vector<16xf32>
      %add3A_688 = arith.addf %add3A_626, %add3A_687 : vector<16xf32>
      %add3A_689 = arith.constant 8 : i32
      %add3A_690 = arith.addi %mul3A_46, %add3A_689 : i32
      %add3A_691 = arith.constant 2 : i32
      %add3A_692 = arith.addi %add3A_690, %add3A_691 : i32
      %get3A_693 = arith.index_cast %add3A_692 : i32 to index
      %get3A_694 = arith.constant 32 : index
      %get3A_695 = tpu.vector_load %arg10[%get3A_693, %get3A_694] {strides = array<i32>} : memref<80x128xbf16, #tpu.memory_space<vmem>>, vector<32xbf16>,
      %get3A_696 = arith.index_cast %add3A_692 : i32 to index
      %get3A_697 = arith.constant 32 : index
      %get3A_698 = tpu.vector_load %arg11[%get3A_696, %get3A_697] {strides = array<i32>} : memref<80x128xbf16, #tpu.memory_space<vmem>>, vector<32xbf16>,
      %sub3A_699 = arith.subf %get3A_695, %get3A_698 : vector<32xbf16>
      %mul3A_700 = arith.mulf %sub3A_699, %sub3A_699 : vector<32xbf16>
      %unpack3A_701 = tpu.unpack_subelements %mul3A_700, 0 {pack_format = #tpu.pack_format<interleaved>} : vector<32xbf16> -> vector<16xf32>
      %unpack3A_702 = tpu.unpack_subelements %mul3A_700, 1 {pack_format = #tpu.pack_format<interleaved>} : vector<32xbf16> -> vector<16xf32>
      %add3A_703 = arith.addf %unpack3A_701, %unpack3A_702 : vector<16xf32>
      %add3A_704 = arith.addf %add3A_641, %add3A_703 : vector<16xf32>
      %add3A_705 = arith.constant 8 : i32
      %add3A_706 = arith.addi %mul3A_46, %add3A_705 : i32
      %add3A_707 = arith.constant 3 : i32
      %add3A_708 = arith.addi %add3A_706, %add3A_707 : i32
      %get3A_709 = arith.index_cast %add3A_708 : i32 to index
      %get3A_710 = arith.constant 32 : index
      %get3A_711 = tpu.vector_load %arg10[%get3A_709, %get3A_710] {strides = array<i32>} : memref<80x128xbf16, #tpu.memory_space<vmem>>, vector<32xbf16>,
      %get3A_712 = arith.index_cast %add3A_708 : i32 to index
      %get3A_713 = arith.constant 32 : index
      %get3A_714 = tpu.vector_load %arg11[%get3A_712, %get3A_713] {strides = array<i32>} : memref<80x128xbf16, #tpu.memory_space<vmem>>, vector<32xbf16>,
      %sub3A_715 = arith.subf %get3A_711, %get3A_714 : vector<32xbf16>
      %mul3A_716 = arith.mulf %sub3A_715, %sub3A_715 : vector<32xbf16>
      %unpack3A_717 = tpu.unpack_subelements %mul3A_716, 0 {pack_format = #tpu.pack_format<interleaved>} : vector<32xbf16> -> vector<16xf32>
      %unpack3A_718 = tpu.unpack_subelements %mul3A_716, 1 {pack_format = #tpu.pack_format<interleaved>} : vector<32xbf16> -> vector<16xf32>
      %add3A_719 = arith.addf %unpack3A_717, %unpack3A_718 : vector<16xf32>
      %add3A_720 = arith.addf %add3A_656, %add3A_719 : vector<16xf32>
      %add3A_721 = arith.constant 8 : i32
      %add3A_722 = arith.addi %mul3A_46, %add3A_721 : i32
      %add3A_723 = arith.constant 0 : i32
      %add3A_724 = arith.addi %add3A_722, %add3A_723 : i32
      %get3A_725 = arith.index_cast %add3A_724 : i32 to index
      %get3A_726 = arith.constant 64 : index
      %get3A_727 = tpu.vector_load %arg10[%get3A_725, %get3A_726] {strides = array<i32>} : memref<80x128xbf16, #tpu.memory_space<vmem>>, vector<32xbf16>,
      %get3A_728 = arith.index_cast %add3A_724 : i32 to index
      %get3A_729 = arith.constant 64 : index
      %get3A_730 = tpu.vector_load %arg11[%get3A_728, %get3A_729] {strides = array<i32>} : memref<80x128xbf16, #tpu.memory_space<vmem>>, vector<32xbf16>,
      %sub3A_731 = arith.subf %get3A_727, %get3A_730 : vector<32xbf16>
      %mul3A_732 = arith.mulf %sub3A_731, %sub3A_731 : vector<32xbf16>
      %unpack3A_733 = tpu.unpack_subelements %mul3A_732, 0 {pack_format = #tpu.pack_format<interleaved>} : vector<32xbf16> -> vector<16xf32>
      %unpack3A_734 = tpu.unpack_subelements %mul3A_732, 1 {pack_format = #tpu.pack_format<interleaved>} : vector<32xbf16> -> vector<16xf32>
      %add3A_735 = arith.addf %unpack3A_733, %unpack3A_734 : vector<16xf32>
      %add3A_736 = arith.addf %add3A_672, %add3A_735 : vector<16xf32>
      %add3A_737 = arith.constant 8 : i32
      %add3A_738 = arith.addi %mul3A_46, %add3A_737 : i32
      %add3A_739 = arith.constant 1 : i32
      %add3A_740 = arith.addi %add3A_738, %add3A_739 : i32
      %get3A_741 = arith.index_cast %add3A_740 : i32 to index
      %get3A_742 = arith.constant 64 : index
      %get3A_743 = tpu.vector_load %arg10[%get3A_741, %get3A_742] {strides = array<i32>} : memref<80x128xbf16, #tpu.memory_space<vmem>>, vector<32xbf16>,
      %get3A_744 = arith.index_cast %add3A_740 : i32 to index
      %get3A_745 = arith.constant 64 : index
      %get3A_746 = tpu.vector_load %arg11[%get3A_744, %get3A_745] {strides = array<i32>} : memref<80x128xbf16, #tpu.memory_space<vmem>>, vector<32xbf16>,
      %sub3A_747 = arith.subf %get3A_743, %get3A_746 : vector<32xbf16>
      %mul3A_748 = arith.mulf %sub3A_747, %sub3A_747 : vector<32xbf16>
      %unpack3A_749 = tpu.unpack_subelements %mul3A_748, 0 {pack_format = #tpu.pack_format<interleaved>} : vector<32xbf16> -> vector<16xf32>
      %unpack3A_750 = tpu.unpack_subelements %mul3A_748, 1 {pack_format = #tpu.pack_format<interleaved>} : vector<32xbf16> -> vector<16xf32>
      %add3A_751 = arith.addf %unpack3A_749, %unpack3A_750 : vector<16xf32>
      %add3A_752 = arith.addf %add3A_688, %add3A_751 : vector<16xf32>
      %add3A_753 = arith.constant 8 : i32
      %add3A_754 = arith.addi %mul3A_46, %add3A_753 : i32
      %add3A_755 = arith.constant 2 : i32
      %add3A_756 = arith.addi %add3A_754, %add3A_755 : i32
      %get3A_757 = arith.index_cast %add3A_756 : i32 to index
      %get3A_758 = arith.constant 64 : index
      %get3A_759 = tpu.vector_load %arg10[%get3A_757, %get3A_758] {strides = array<i32>} : memref<80x128xbf16, #tpu.memory_space<vmem>>, vector<32xbf16>,
      %get3A_760 = arith.index_cast %add3A_756 : i32 to index
      %get3A_761 = arith.constant 64 : index
      %get3A_762 = tpu.vector_load %arg11[%get3A_760, %get3A_761] {strides = array<i32>} : memref<80x128xbf16, #tpu.memory_space<vmem>>, vector<32xbf16>,
      %sub3A_763 = arith.subf %get3A_759, %get3A_762 : vector<32xbf16>
      %mul3A_764 = arith.mulf %sub3A_763, %sub3A_763 : vector<32xbf16>
      %unpack3A_765 = tpu.unpack_subelements %mul3A_764, 0 {pack_format = #tpu.pack_format<interleaved>} : vector<32xbf16> -> vector<16xf32>
      %unpack3A_766 = tpu.unpack_subelements %mul3A_764, 1 {pack_format = #tpu.pack_format<interleaved>} : vector<32xbf16> -> vector<16xf32>
      %add3A_767 = arith.addf %unpack3A_765, %unpack3A_766 : vector<16xf32>
      %add3A_768 = arith.addf %add3A_704, %add3A_767 : vector<16xf32>
      %add3A_769 = arith.constant 8 : i32
      %add3A_770 = arith.addi %mul3A_46, %add3A_769 : i32
      %add3A_771 = arith.constant 3 : i32
      %add3A_772 = arith.addi %add3A_770, %add3A_771 : i32
      %get3A_773 = arith.index_cast %add3A_772 : i32 to index
      %get3A_774 = arith.constant 64 : index
      %get3A_775 = tpu.vector_load %arg10[%get3A_773, %get3A_774] {strides = array<i32>} : memref<80x128xbf16, #tpu.memory_space<vmem>>, vector<32xbf16>,
      %get3A_776 = arith.index_cast %add3A_772 : i32 to index
      %get3A_777 = arith.constant 64 : index
      %get3A_778 = tpu.vector_load %arg11[%get3A_776, %get3A_777] {strides = array<i32>} : memref<80x128xbf16, #tpu.memory_space<vmem>>, vector<32xbf16>,
      %sub3A_779 = arith.subf %get3A_775, %get3A_778 : vector<32xbf16>
      %mul3A_780 = arith.mulf %sub3A_779, %sub3A_779 : vector<32xbf16>
      %unpack3A_781 = tpu.unpack_subelements %mul3A_780, 0 {pack_format = #tpu.pack_format<interleaved>} : vector<32xbf16> -> vector<16xf32>
      %unpack3A_782 = tpu.unpack_subelements %mul3A_780, 1 {pack_format = #tpu.pack_format<interleaved>} : vector<32xbf16> -> vector<16xf32>
      %add3A_783 = arith.addf %unpack3A_781, %unpack3A_782 : vector<16xf32>
      %add3A_784 = arith.addf %add3A_720, %add3A_783 : vector<16xf32>
      %add3A_785 = arith.constant 8 : i32
      %add3A_786 = arith.addi %mul3A_46, %add3A_785 : i32
      %add3A_787 = arith.constant 0 : i32
      %add3A_788 = arith.addi %add3A_786, %add3A_787 : i32
      %get3A_789 = arith.index_cast %add3A_788 : i32 to index
      %get3A_790 = arith.constant 96 : index
      %get3A_791 = tpu.vector_load %arg10[%get3A_789, %get3A_790] {strides = array<i32>} : memref<80x128xbf16, #tpu.memory_space<vmem>>, vector<32xbf16>,
      %get3A_792 = arith.index_cast %add3A_788 : i32 to index
      %get3A_793 = arith.constant 96 : index
      %get3A_794 = tpu.vector_load %arg11[%get3A_792, %get3A_793] {strides = array<i32>} : memref<80x128xbf16, #tpu.memory_space<vmem>>, vector<32xbf16>,
      %sub3A_795 = arith.subf %get3A_791, %get3A_794 : vector<32xbf16>
      %mul3A_796 = arith.mulf %sub3A_795, %sub3A_795 : vector<32xbf16>
      %unpack3A_797 = tpu.unpack_subelements %mul3A_796, 0 {pack_format = #tpu.pack_format<interleaved>} : vector<32xbf16> -> vector<16xf32>
      %unpack3A_798 = tpu.unpack_subelements %mul3A_796, 1 {pack_format = #tpu.pack_format<interleaved>} : vector<32xbf16> -> vector<16xf32>
      %add3A_799 = arith.addf %unpack3A_797, %unpack3A_798 : vector<16xf32>
      %add3A_800 = arith.addf %add3A_736, %add3A_799 : vector<16xf32>
      %add3A_801 = arith.constant 8 : i32
      %add3A_802 = arith.addi %mul3A_46, %add3A_801 : i32
      %add3A_803 = arith.constant 1 : i32
      %add3A_804 = arith.addi %add3A_802, %add3A_803 : i32
      %get3A_805 = arith.index_cast %add3A_804 : i32 to index
      %get3A_806 = arith.constant 96 : index
      %get3A_807 = tpu.vector_load %arg10[%get3A_805, %get3A_806] {strides = array<i32>} : memref<80x128xbf16, #tpu.memory_space<vmem>>, vector<32xbf16>,
      %get3A_808 = arith.index_cast %add3A_804 : i32 to index
      %get3A_809 = arith.constant 96 : index
      %get3A_810 = tpu.vector_load %arg11[%get3A_808, %get3A_809] {strides = array<i32>} : memref<80x128xbf16, #tpu.memory_space<vmem>>, vector<32xbf16>,
      %sub3A_811 = arith.subf %get3A_807, %get3A_810 : vector<32xbf16>
      %mul3A_812 = arith.mulf %sub3A_811, %sub3A_811 : vector<32xbf16>
      %unpack3A_813 = tpu.unpack_subelements %mul3A_812, 0 {pack_format = #tpu.pack_format<interleaved>} : vector<32xbf16> -> vector<16xf32>
      %unpack3A_814 = tpu.unpack_subelements %mul3A_812, 1 {pack_format = #tpu.pack_format<interleaved>} : vector<32xbf16> -> vector<16xf32>
      %add3A_815 = arith.addf %unpack3A_813, %unpack3A_814 : vector<16xf32>
      %add3A_816 = arith.addf %add3A_752, %add3A_815 : vector<16xf32>
      %add3A_817 = arith.constant 8 : i32
      %add3A_818 = arith.addi %mul3A_46, %add3A_817 : i32
      %add3A_819 = arith.constant 2 : i32
      %add3A_820 = arith.addi %add3A_818, %add3A_819 : i32
      %get3A_821 = arith.index_cast %add3A_820 : i32 to index
      %get3A_822 = arith.constant 96 : index
      %get3A_823 = tpu.vector_load %arg10[%get3A_821, %get3A_822] {strides = array<i32>} : memref<80x128xbf16, #tpu.memory_space<vmem>>, vector<32xbf16>,
      %get3A_824 = arith.index_cast %add3A_820 : i32 to index
      %get3A_825 = arith.constant 96 : index
      %get3A_826 = tpu.vector_load %arg11[%get3A_824, %get3A_825] {strides = array<i32>} : memref<80x128xbf16, #tpu.memory_space<vmem>>, vector<32xbf16>,
      %sub3A_827 = arith.subf %get3A_823, %get3A_826 : vector<32xbf16>
      %mul3A_828 = arith.mulf %sub3A_827, %sub3A_827 : vector<32xbf16>
      %unpack3A_829 = tpu.unpack_subelements %mul3A_828, 0 {pack_format = #tpu.pack_format<interleaved>} : vector<32xbf16> -> vector<16xf32>
      %unpack3A_830 = tpu.unpack_subelements %mul3A_828, 1 {pack_format = #tpu.pack_format<interleaved>} : vector<32xbf16> -> vector<16xf32>
      %add3A_831 = arith.addf %unpack3A_829, %unpack3A_830 : vector<16xf32>
      %add3A_832 = arith.addf %add3A_768, %add3A_831 : vector<16xf32>
      %add3A_833 = arith.constant 8 : i32
      %add3A_834 = arith.addi %mul3A_46, %add3A_833 : i32
      %add3A_835 = arith.constant 3 : i32
      %add3A_836 = arith.addi %add3A_834, %add3A_835 : i32
      %get3A_837 = arith.index_cast %add3A_836 : i32 to index
      %get3A_838 = arith.constant 96 : index
      %get3A_839 = tpu.vector_load %arg10[%get3A_837, %get3A_838] {strides = array<i32>} : memref<80x128xbf16, #tpu.memory_space<vmem>>, vector<32xbf16>,
      %get3A_840 = arith.index_cast %add3A_836 : i32 to index
      %get3A_841 = arith.constant 96 : index
      %get3A_842 = tpu.vector_load %arg11[%get3A_840, %get3A_841] {strides = array<i32>} : memref<80x128xbf16, #tpu.memory_space<vmem>>, vector<32xbf16>,
      %sub3A_843 = arith.subf %get3A_839, %get3A_842 : vector<32xbf16>
      %mul3A_844 = arith.mulf %sub3A_843, %sub3A_843 : vector<32xbf16>
      %unpack3A_845 = tpu.unpack_subelements %mul3A_844, 0 {pack_format = #tpu.pack_format<interleaved>} : vector<32xbf16> -> vector<16xf32>
      %unpack3A_846 = tpu.unpack_subelements %mul3A_844, 1 {pack_format = #tpu.pack_format<interleaved>} : vector<32xbf16> -> vector<16xf32>
      %add3A_847 = arith.addf %unpack3A_845, %unpack3A_846 : vector<16xf32>
      %add3A_848 = arith.addf %add3A_784, %add3A_847 : vector<16xf32>
      %add3A_849 = arith.constant 8 : i32
      %add3A_850 = vector.broadcast %add3A_849 : i32 to vector<16xi32>
      %add3A_851 = arith.addi %mul3A_71, %add3A_850 : vector<16xi32>
      tpu.vector_store_idx %arg14[%add3A_851], %add3A_800 {add = true} : memref<144xf32, #tpu.memory_space<vmem>>[vector<16xi32>], vector<16xf32>,
      %add3A_852 = arith.constant 9 : i32
      %add3A_853 = vector.broadcast %add3A_852 : i32 to vector<16xi32>
      %add3A_854 = arith.addi %mul3A_71, %add3A_853 : vector<16xi32>
      tpu.vector_store_idx %arg14[%add3A_854], %add3A_816 {add = true} : memref<144xf32, #tpu.memory_space<vmem>>[vector<16xi32>], vector<16xf32>,
      %add3A_855 = arith.constant 10 : i32
      %add3A_856 = vector.broadcast %add3A_855 : i32 to vector<16xi32>
      %add3A_857 = arith.addi %mul3A_71, %add3A_856 : vector<16xi32>
      tpu.vector_store_idx %arg14[%add3A_857], %add3A_832 {add = true} : memref<144xf32, #tpu.memory_space<vmem>>[vector<16xi32>], vector<16xf32>,
      %add3A_858 = arith.constant 11 : i32
      %add3A_859 = vector.broadcast %add3A_858 : i32 to vector<16xi32>
      %add3A_860 = arith.addi %mul3A_71, %add3A_859 : vector<16xi32>
      tpu.vector_store_idx %arg14[%add3A_860], %add3A_848 {add = true} : memref<144xf32, #tpu.memory_space<vmem>>[vector<16xi32>], vector<16xf32>,
      %add3A_861 = arith.constant 12 : i32
      %add3A_862 = arith.addi %mul3A_46, %add3A_861 : i32
      %add3A_863 = arith.constant 0 : i32
      %add3A_864 = arith.addi %add3A_862, %add3A_863 : i32
      %get3A_865 = arith.index_cast %add3A_864 : i32 to index
      %get3A_866 = arith.constant 0 : index
      %get3A_867 = tpu.vector_load %arg10[%get3A_865, %get3A_866] {strides = array<i32>} : memref<80x128xbf16, #tpu.memory_space<vmem>>, vector<32xbf16>,
      %get3A_868 = arith.index_cast %add3A_864 : i32 to index
      %get3A_869 = arith.constant 0 : index
      %get3A_870 = tpu.vector_load %arg11[%get3A_868, %get3A_869] {strides = array<i32>} : memref<80x128xbf16, #tpu.memory_space<vmem>>, vector<32xbf16>,
      %sub3A_871 = arith.subf %get3A_867, %get3A_870 : vector<32xbf16>
      %mul3A_872 = arith.mulf %sub3A_871, %sub3A_871 : vector<32xbf16>
      %unpack3A_873 = tpu.unpack_subelements %mul3A_872, 0 {pack_format = #tpu.pack_format<interleaved>} : vector<32xbf16> -> vector<16xf32>
      %unpack3A_874 = tpu.unpack_subelements %mul3A_872, 1 {pack_format = #tpu.pack_format<interleaved>} : vector<32xbf16> -> vector<16xf32>
      %add3A_875 = arith.addf %unpack3A_873, %unpack3A_874 : vector<16xf32>
      %add3A_876 = arith.constant 12 : i32
      %add3A_877 = arith.addi %mul3A_46, %add3A_876 : i32
      %add3A_878 = arith.constant 1 : i32
      %add3A_879 = arith.addi %add3A_877, %add3A_878 : i32
      %get3A_880 = arith.index_cast %add3A_879 : i32 to index
      %get3A_881 = arith.constant 0 : index
      %get3A_882 = tpu.vector_load %arg10[%get3A_880, %get3A_881] {strides = array<i32>} : memref<80x128xbf16, #tpu.memory_space<vmem>>, vector<32xbf16>,
      %get3A_883 = arith.index_cast %add3A_879 : i32 to index
      %get3A_884 = arith.constant 0 : index
      %get3A_885 = tpu.vector_load %arg11[%get3A_883, %get3A_884] {strides = array<i32>} : memref<80x128xbf16, #tpu.memory_space<vmem>>, vector<32xbf16>,
      %sub3A_886 = arith.subf %get3A_882, %get3A_885 : vector<32xbf16>
      %mul3A_887 = arith.mulf %sub3A_886, %sub3A_886 : vector<32xbf16>
      %unpack3A_888 = tpu.unpack_subelements %mul3A_887, 0 {pack_format = #tpu.pack_format<interleaved>} : vector<32xbf16> -> vector<16xf32>
      %unpack3A_889 = tpu.unpack_subelements %mul3A_887, 1 {pack_format = #tpu.pack_format<interleaved>} : vector<32xbf16> -> vector<16xf32>
      %add3A_890 = arith.addf %unpack3A_888, %unpack3A_889 : vector<16xf32>
      %add3A_891 = arith.constant 12 : i32
      %add3A_892 = arith.addi %mul3A_46, %add3A_891 : i32
      %add3A_893 = arith.constant 2 : i32
      %add3A_894 = arith.addi %add3A_892, %add3A_893 : i32
      %get3A_895 = arith.index_cast %add3A_894 : i32 to index
      %get3A_896 = arith.constant 0 : index
      %get3A_897 = tpu.vector_load %arg10[%get3A_895, %get3A_896] {strides = array<i32>} : memref<80x128xbf16, #tpu.memory_space<vmem>>, vector<32xbf16>,
      %get3A_898 = arith.index_cast %add3A_894 : i32 to index
      %get3A_899 = arith.constant 0 : index
      %get3A_900 = tpu.vector_load %arg11[%get3A_898, %get3A_899] {strides = array<i32>} : memref<80x128xbf16, #tpu.memory_space<vmem>>, vector<32xbf16>,
      %sub3A_901 = arith.subf %get3A_897, %get3A_900 : vector<32xbf16>
      %mul3A_902 = arith.mulf %sub3A_901, %sub3A_901 : vector<32xbf16>
      %unpack3A_903 = tpu.unpack_subelements %mul3A_902, 0 {pack_format = #tpu.pack_format<interleaved>} : vector<32xbf16> -> vector<16xf32>
      %unpack3A_904 = tpu.unpack_subelements %mul3A_902, 1 {pack_format = #tpu.pack_format<interleaved>} : vector<32xbf16> -> vector<16xf32>
      %add3A_905 = arith.addf %unpack3A_903, %unpack3A_904 : vector<16xf32>
      %add3A_906 = arith.constant 12 : i32
      %add3A_907 = arith.addi %mul3A_46, %add3A_906 : i32
      %add3A_908 = arith.constant 3 : i32
      %add3A_909 = arith.addi %add3A_907, %add3A_908 : i32
      %get3A_910 = arith.index_cast %add3A_909 : i32 to index
      %get3A_911 = arith.constant 0 : index
      %get3A_912 = tpu.vector_load %arg10[%get3A_910, %get3A_911] {strides = array<i32>} : memref<80x128xbf16, #tpu.memory_space<vmem>>, vector<32xbf16>,
      %get3A_913 = arith.index_cast %add3A_909 : i32 to index
      %get3A_914 = arith.constant 0 : index
      %get3A_915 = tpu.vector_load %arg11[%get3A_913, %get3A_914] {strides = array<i32>} : memref<80x128xbf16, #tpu.memory_space<vmem>>, vector<32xbf16>,
      %sub3A_916 = arith.subf %get3A_912, %get3A_915 : vector<32xbf16>
      %mul3A_917 = arith.mulf %sub3A_916, %sub3A_916 : vector<32xbf16>
      %unpack3A_918 = tpu.unpack_subelements %mul3A_917, 0 {pack_format = #tpu.pack_format<interleaved>} : vector<32xbf16> -> vector<16xf32>
      %unpack3A_919 = tpu.unpack_subelements %mul3A_917, 1 {pack_format = #tpu.pack_format<interleaved>} : vector<32xbf16> -> vector<16xf32>
      %add3A_920 = arith.addf %unpack3A_918, %unpack3A_919 : vector<16xf32>
      %add3A_921 = arith.constant 12 : i32
      %add3A_922 = arith.addi %mul3A_46, %add3A_921 : i32
      %add3A_923 = arith.constant 0 : i32
      %add3A_924 = arith.addi %add3A_922, %add3A_923 : i32
      %get3A_925 = arith.index_cast %add3A_924 : i32 to index
      %get3A_926 = arith.constant 32 : index
      %get3A_927 = tpu.vector_load %arg10[%get3A_925, %get3A_926] {strides = array<i32>} : memref<80x128xbf16, #tpu.memory_space<vmem>>, vector<32xbf16>,
      %get3A_928 = arith.index_cast %add3A_924 : i32 to index
      %get3A_929 = arith.constant 32 : index
      %get3A_930 = tpu.vector_load %arg11[%get3A_928, %get3A_929] {strides = array<i32>} : memref<80x128xbf16, #tpu.memory_space<vmem>>, vector<32xbf16>,
      %sub3A_931 = arith.subf %get3A_927, %get3A_930 : vector<32xbf16>
      %mul3A_932 = arith.mulf %sub3A_931, %sub3A_931 : vector<32xbf16>
      %unpack3A_933 = tpu.unpack_subelements %mul3A_932, 0 {pack_format = #tpu.pack_format<interleaved>} : vector<32xbf16> -> vector<16xf32>
      %unpack3A_934 = tpu.unpack_subelements %mul3A_932, 1 {pack_format = #tpu.pack_format<interleaved>} : vector<32xbf16> -> vector<16xf32>
      %add3A_935 = arith.addf %unpack3A_933, %unpack3A_934 : vector<16xf32>
      %add3A_936 = arith.addf %add3A_875, %add3A_935 : vector<16xf32>
      %add3A_937 = arith.constant 12 : i32
      %add3A_938 = arith.addi %mul3A_46, %add3A_937 : i32
      %add3A_939 = arith.constant 1 : i32
      %add3A_940 = arith.addi %add3A_938, %add3A_939 : i32
      %get3A_941 = arith.index_cast %add3A_940 : i32 to index
      %get3A_942 = arith.constant 32 : index
      %get3A_943 = tpu.vector_load %arg10[%get3A_941, %get3A_942] {strides = array<i32>} : memref<80x128xbf16, #tpu.memory_space<vmem>>, vector<32xbf16>,
      %get3A_944 = arith.index_cast %add3A_940 : i32 to index
      %get3A_945 = arith.constant 32 : index
      %get3A_946 = tpu.vector_load %arg11[%get3A_944, %get3A_945] {strides = array<i32>} : memref<80x128xbf16, #tpu.memory_space<vmem>>, vector<32xbf16>,
      %sub3A_947 = arith.subf %get3A_943, %get3A_946 : vector<32xbf16>
      %mul3A_948 = arith.mulf %sub3A_947, %sub3A_947 : vector<32xbf16>
      %unpack3A_949 = tpu.unpack_subelements %mul3A_948, 0 {pack_format = #tpu.pack_format<interleaved>} : vector<32xbf16> -> vector<16xf32>
      %unpack3A_950 = tpu.unpack_subelements %mul3A_948, 1 {pack_format = #tpu.pack_format<interleaved>} : vector<32xbf16> -> vector<16xf32>
      %add3A_951 = arith.addf %unpack3A_949, %unpack3A_950 : vector<16xf32>
      %add3A_952 = arith.addf %add3A_890, %add3A_951 : vector<16xf32>
      %add3A_953 = arith.constant 12 : i32
      %add3A_954 = arith.addi %mul3A_46, %add3A_953 : i32
      %add3A_955 = arith.constant 2 : i32
      %add3A_956 = arith.addi %add3A_954, %add3A_955 : i32
      %get3A_957 = arith.index_cast %add3A_956 : i32 to index
      %get3A_958 = arith.constant 32 : index
      %get3A_959 = tpu.vector_load %arg10[%get3A_957, %get3A_958] {strides = array<i32>} : memref<80x128xbf16, #tpu.memory_space<vmem>>, vector<32xbf16>,
      %get3A_960 = arith.index_cast %add3A_956 : i32 to index
      %get3A_961 = arith.constant 32 : index
      %get3A_962 = tpu.vector_load %arg11[%get3A_960, %get3A_961] {strides = array<i32>} : memref<80x128xbf16, #tpu.memory_space<vmem>>, vector<32xbf16>,
      %sub3A_963 = arith.subf %get3A_959, %get3A_962 : vector<32xbf16>
      %mul3A_964 = arith.mulf %sub3A_963, %sub3A_963 : vector<32xbf16>
      %unpack3A_965 = tpu.unpack_subelements %mul3A_964, 0 {pack_format = #tpu.pack_format<interleaved>} : vector<32xbf16> -> vector<16xf32>
      %unpack3A_966 = tpu.unpack_subelements %mul3A_964, 1 {pack_format = #tpu.pack_format<interleaved>} : vector<32xbf16> -> vector<16xf32>
      %add3A_967 = arith.addf %unpack3A_965, %unpack3A_966 : vector<16xf32>
      %add3A_968 = arith.addf %add3A_905, %add3A_967 : vector<16xf32>
      %add3A_969 = arith.constant 12 : i32
      %add3A_970 = arith.addi %mul3A_46, %add3A_969 : i32
      %add3A_971 = arith.constant 3 : i32
      %add3A_972 = arith.addi %add3A_970, %add3A_971 : i32
      %get3A_973 = arith.index_cast %add3A_972 : i32 to index
      %get3A_974 = arith.constant 32 : index
      %get3A_975 = tpu.vector_load %arg10[%get3A_973, %get3A_974] {strides = array<i32>} : memref<80x128xbf16, #tpu.memory_space<vmem>>, vector<32xbf16>,
      %get3A_976 = arith.index_cast %add3A_972 : i32 to index
      %get3A_977 = arith.constant 32 : index
      %get3A_978 = tpu.vector_load %arg11[%get3A_976, %get3A_977] {strides = array<i32>} : memref<80x128xbf16, #tpu.memory_space<vmem>>, vector<32xbf16>,
      %sub3A_979 = arith.subf %get3A_975, %get3A_978 : vector<32xbf16>
      %mul3A_980 = arith.mulf %sub3A_979, %sub3A_979 : vector<32xbf16>
      %unpack3A_981 = tpu.unpack_subelements %mul3A_980, 0 {pack_format = #tpu.pack_format<interleaved>} : vector<32xbf16> -> vector<16xf32>
      %unpack3A_982 = tpu.unpack_subelements %mul3A_980, 1 {pack_format = #tpu.pack_format<interleaved>} : vector<32xbf16> -> vector<16xf32>
      %add3A_983 = arith.addf %unpack3A_981, %unpack3A_982 : vector<16xf32>
      %add3A_984 = arith.addf %add3A_920, %add3A_983 : vector<16xf32>
      %add3A_985 = arith.constant 12 : i32
      %add3A_986 = arith.addi %mul3A_46, %add3A_985 : i32
      %add3A_987 = arith.constant 0 : i32
      %add3A_988 = arith.addi %add3A_986, %add3A_987 : i32
      %get3A_989 = arith.index_cast %add3A_988 : i32 to index
      %get3A_990 = arith.constant 64 : index
      %get3A_991 = tpu.vector_load %arg10[%get3A_989, %get3A_990] {strides = array<i32>} : memref<80x128xbf16, #tpu.memory_space<vmem>>, vector<32xbf16>,
      %get3A_992 = arith.index_cast %add3A_988 : i32 to index
      %get3A_993 = arith.constant 64 : index
      %get3A_994 = tpu.vector_load %arg11[%get3A_992, %get3A_993] {strides = array<i32>} : memref<80x128xbf16, #tpu.memory_space<vmem>>, vector<32xbf16>,
      %sub3A_995 = arith.subf %get3A_991, %get3A_994 : vector<32xbf16>
      %mul3A_996 = arith.mulf %sub3A_995, %sub3A_995 : vector<32xbf16>
      %unpack3A_997 = tpu.unpack_subelements %mul3A_996, 0 {pack_format = #tpu.pack_format<interleaved>} : vector<32xbf16> -> vector<16xf32>
      %unpack3A_998 = tpu.unpack_subelements %mul3A_996, 1 {pack_format = #tpu.pack_format<interleaved>} : vector<32xbf16> -> vector<16xf32>
      %add3A_999 = arith.addf %unpack3A_997, %unpack3A_998 : vector<16xf32>
      %add3A_1000 = arith.addf %add3A_936, %add3A_999 : vector<16xf32>
      %add3A_1001 = arith.constant 12 : i32
      %add3A_1002 = arith.addi %mul3A_46, %add3A_1001 : i32
      %add3A_1003 = arith.constant 1 : i32
      %add3A_1004 = arith.addi %add3A_1002, %add3A_1003 : i32
      %get3A_1005 = arith.index_cast %add3A_1004 : i32 to index
      %get3A_1006 = arith.constant 64 : index
      %get3A_1007 = tpu.vector_load %arg10[%get3A_1005, %get3A_1006] {strides = array<i32>} : memref<80x128xbf16, #tpu.memory_space<vmem>>, vector<32xbf16>,
      %get3A_1008 = arith.index_cast %add3A_1004 : i32 to index
      %get3A_1009 = arith.constant 64 : index
      %get3A_1010 = tpu.vector_load %arg11[%get3A_1008, %get3A_1009] {strides = array<i32>} : memref<80x128xbf16, #tpu.memory_space<vmem>>, vector<32xbf16>,
      %sub3A_1011 = arith.subf %get3A_1007, %get3A_1010 : vector<32xbf16>
      %mul3A_1012 = arith.mulf %sub3A_1011, %sub3A_1011 : vector<32xbf16>
      %unpack3A_1013 = tpu.unpack_subelements %mul3A_1012, 0 {pack_format = #tpu.pack_format<interleaved>} : vector<32xbf16> -> vector<16xf32>
      %unpack3A_1014 = tpu.unpack_subelements %mul3A_1012, 1 {pack_format = #tpu.pack_format<interleaved>} : vector<32xbf16> -> vector<16xf32>
      %add3A_1015 = arith.addf %unpack3A_1013, %unpack3A_1014 : vector<16xf32>
      %add3A_1016 = arith.addf %add3A_952, %add3A_1015 : vector<16xf32>
      %add3A_1017 = arith.constant 12 : i32
      %add3A_1018 = arith.addi %mul3A_46, %add3A_1017 : i32
      %add3A_1019 = arith.constant 2 : i32
      %add3A_1020 = arith.addi %add3A_1018, %add3A_1019 : i32
      %get3A_1021 = arith.index_cast %add3A_1020 : i32 to index
      %get3A_1022 = arith.constant 64 : index
      %get3A_1023 = tpu.vector_load %arg10[%get3A_1021, %get3A_1022] {strides = array<i32>} : memref<80x128xbf16, #tpu.memory_space<vmem>>, vector<32xbf16>,
      %get3A_1024 = arith.index_cast %add3A_1020 : i32 to index
      %get3A_1025 = arith.constant 64 : index
      %get3A_1026 = tpu.vector_load %arg11[%get3A_1024, %get3A_1025] {strides = array<i32>} : memref<80x128xbf16, #tpu.memory_space<vmem>>, vector<32xbf16>,
      %sub3A_1027 = arith.subf %get3A_1023, %get3A_1026 : vector<32xbf16>
      %mul3A_1028 = arith.mulf %sub3A_1027, %sub3A_1027 : vector<32xbf16>
      %unpack3A_1029 = tpu.unpack_subelements %mul3A_1028, 0 {pack_format = #tpu.pack_format<interleaved>} : vector<32xbf16> -> vector<16xf32>
      %unpack3A_1030 = tpu.unpack_subelements %mul3A_1028, 1 {pack_format = #tpu.pack_format<interleaved>} : vector<32xbf16> -> vector<16xf32>
      %add3A_1031 = arith.addf %unpack3A_1029, %unpack3A_1030 : vector<16xf32>
      %add3A_1032 = arith.addf %add3A_968, %add3A_1031 : vector<16xf32>
      %add3A_1033 = arith.constant 12 : i32
      %add3A_1034 = arith.addi %mul3A_46, %add3A_1033 : i32
      %add3A_1035 = arith.constant 3 : i32
      %add3A_1036 = arith.addi %add3A_1034, %add3A_1035 : i32
      %get3A_1037 = arith.index_cast %add3A_1036 : i32 to index
      %get3A_1038 = arith.constant 64 : index
      %get3A_1039 = tpu.vector_load %arg10[%get3A_1037, %get3A_1038] {strides = array<i32>} : memref<80x128xbf16, #tpu.memory_space<vmem>>, vector<32xbf16>,
      %get3A_1040 = arith.index_cast %add3A_1036 : i32 to index
      %get3A_1041 = arith.constant 64 : index
      %get3A_1042 = tpu.vector_load %arg11[%get3A_1040, %get3A_1041] {strides = array<i32>} : memref<80x128xbf16, #tpu.memory_space<vmem>>, vector<32xbf16>,
      %sub3A_1043 = arith.subf %get3A_1039, %get3A_1042 : vector<32xbf16>
      %mul3A_1044 = arith.mulf %sub3A_1043, %sub3A_1043 : vector<32xbf16>
      %unpack3A_1045 = tpu.unpack_subelements %mul3A_1044, 0 {pack_format = #tpu.pack_format<interleaved>} : vector<32xbf16> -> vector<16xf32>
      %unpack3A_1046 = tpu.unpack_subelements %mul3A_1044, 1 {pack_format = #tpu.pack_format<interleaved>} : vector<32xbf16> -> vector<16xf32>
      %add3A_1047 = arith.addf %unpack3A_1045, %unpack3A_1046 : vector<16xf32>
      %add3A_1048 = arith.addf %add3A_984, %add3A_1047 : vector<16xf32>
      %add3A_1049 = arith.constant 12 : i32
      %add3A_1050 = arith.addi %mul3A_46, %add3A_1049 : i32
      %add3A_1051 = arith.constant 0 : i32
      %add3A_1052 = arith.addi %add3A_1050, %add3A_1051 : i32
      %get3A_1053 = arith.index_cast %add3A_1052 : i32 to index
      %get3A_1054 = arith.constant 96 : index
      %get3A_1055 = tpu.vector_load %arg10[%get3A_1053, %get3A_1054] {strides = array<i32>} : memref<80x128xbf16, #tpu.memory_space<vmem>>, vector<32xbf16>,
      %get3A_1056 = arith.index_cast %add3A_1052 : i32 to index
      %get3A_1057 = arith.constant 96 : index
      %get3A_1058 = tpu.vector_load %arg11[%get3A_1056, %get3A_1057] {strides = array<i32>} : memref<80x128xbf16, #tpu.memory_space<vmem>>, vector<32xbf16>,
      %sub3A_1059 = arith.subf %get3A_1055, %get3A_1058 : vector<32xbf16>
      %mul3A_1060 = arith.mulf %sub3A_1059, %sub3A_1059 : vector<32xbf16>
      %unpack3A_1061 = tpu.unpack_subelements %mul3A_1060, 0 {pack_format = #tpu.pack_format<interleaved>} : vector<32xbf16> -> vector<16xf32>
      %unpack3A_1062 = tpu.unpack_subelements %mul3A_1060, 1 {pack_format = #tpu.pack_format<interleaved>} : vector<32xbf16> -> vector<16xf32>
      %add3A_1063 = arith.addf %unpack3A_1061, %unpack3A_1062 : vector<16xf32>
      %add3A_1064 = arith.addf %add3A_1000, %add3A_1063 : vector<16xf32>
      %add3A_1065 = arith.constant 12 : i32
      %add3A_1066 = arith.addi %mul3A_46, %add3A_1065 : i32
      %add3A_1067 = arith.constant 1 : i32
      %add3A_1068 = arith.addi %add3A_1066, %add3A_1067 : i32
      %get3A_1069 = arith.index_cast %add3A_1068 : i32 to index
      %get3A_1070 = arith.constant 96 : index
      %get3A_1071 = tpu.vector_load %arg10[%get3A_1069, %get3A_1070] {strides = array<i32>} : memref<80x128xbf16, #tpu.memory_space<vmem>>, vector<32xbf16>,
      %get3A_1072 = arith.index_cast %add3A_1068 : i32 to index
      %get3A_1073 = arith.constant 96 : index
      %get3A_1074 = tpu.vector_load %arg11[%get3A_1072, %get3A_1073] {strides = array<i32>} : memref<80x128xbf16, #tpu.memory_space<vmem>>, vector<32xbf16>,
      %sub3A_1075 = arith.subf %get3A_1071, %get3A_1074 : vector<32xbf16>
      %mul3A_1076 = arith.mulf %sub3A_1075, %sub3A_1075 : vector<32xbf16>
      %unpack3A_1077 = tpu.unpack_subelements %mul3A_1076, 0 {pack_format = #tpu.pack_format<interleaved>} : vector<32xbf16> -> vector<16xf32>
      %unpack3A_1078 = tpu.unpack_subelements %mul3A_1076, 1 {pack_format = #tpu.pack_format<interleaved>} : vector<32xbf16> -> vector<16xf32>
      %add3A_1079 = arith.addf %unpack3A_1077, %unpack3A_1078 : vector<16xf32>
      %add3A_1080 = arith.addf %add3A_1016, %add3A_1079 : vector<16xf32>
      %add3A_1081 = arith.constant 12 : i32
      %add3A_1082 = arith.addi %mul3A_46, %add3A_1081 : i32
      %add3A_1083 = arith.constant 2 : i32
      %add3A_1084 = arith.addi %add3A_1082, %add3A_1083 : i32
      %get3A_1085 = arith.index_cast %add3A_1084 : i32 to index
      %get3A_1086 = arith.constant 96 : index
      %get3A_1087 = tpu.vector_load %arg10[%get3A_1085, %get3A_1086] {strides = array<i32>} : memref<80x128xbf16, #tpu.memory_space<vmem>>, vector<32xbf16>,
      %get3A_1088 = arith.index_cast %add3A_1084 : i32 to index
      %get3A_1089 = arith.constant 96 : index
      %get3A_1090 = tpu.vector_load %arg11[%get3A_1088, %get3A_1089] {strides = array<i32>} : memref<80x128xbf16, #tpu.memory_space<vmem>>, vector<32xbf16>,
      %sub3A_1091 = arith.subf %get3A_1087, %get3A_1090 : vector<32xbf16>
      %mul3A_1092 = arith.mulf %sub3A_1091, %sub3A_1091 : vector<32xbf16>
      %unpack3A_1093 = tpu.unpack_subelements %mul3A_1092, 0 {pack_format = #tpu.pack_format<interleaved>} : vector<32xbf16> -> vector<16xf32>
      %unpack3A_1094 = tpu.unpack_subelements %mul3A_1092, 1 {pack_format = #tpu.pack_format<interleaved>} : vector<32xbf16> -> vector<16xf32>
      %add3A_1095 = arith.addf %unpack3A_1093, %unpack3A_1094 : vector<16xf32>
      %add3A_1096 = arith.addf %add3A_1032, %add3A_1095 : vector<16xf32>
      %add3A_1097 = arith.constant 12 : i32
      %add3A_1098 = arith.addi %mul3A_46, %add3A_1097 : i32
      %add3A_1099 = arith.constant 3 : i32
      %add3A_1100 = arith.addi %add3A_1098, %add3A_1099 : i32
      %get3A_1101 = arith.index_cast %add3A_1100 : i32 to index
      %get3A_1102 = arith.constant 96 : index
      %get3A_1103 = tpu.vector_load %arg10[%get3A_1101, %get3A_1102] {strides = array<i32>} : memref<80x128xbf16, #tpu.memory_space<vmem>>, vector<32xbf16>,
      %get3A_1104 = arith.index_cast %add3A_1100 : i32 to index
      %get3A_1105 = arith.constant 96 : index
      %get3A_1106 = tpu.vector_load %arg11[%get3A_1104, %get3A_1105] {strides = array<i32>} : memref<80x128xbf16, #tpu.memory_space<vmem>>, vector<32xbf16>,
      %sub3A_1107 = arith.subf %get3A_1103, %get3A_1106 : vector<32xbf16>
      %mul3A_1108 = arith.mulf %sub3A_1107, %sub3A_1107 : vector<32xbf16>
      %unpack3A_1109 = tpu.unpack_subelements %mul3A_1108, 0 {pack_format = #tpu.pack_format<interleaved>} : vector<32xbf16> -> vector<16xf32>
      %unpack3A_1110 = tpu.unpack_subelements %mul3A_1108, 1 {pack_format = #tpu.pack_format<interleaved>} : vector<32xbf16> -> vector<16xf32>
      %add3A_1111 = arith.addf %unpack3A_1109, %unpack3A_1110 : vector<16xf32>
      %add3A_1112 = arith.addf %add3A_1048, %add3A_1111 : vector<16xf32>
      %add3A_1113 = arith.constant 12 : i32
      %add3A_1114 = vector.broadcast %add3A_1113 : i32 to vector<16xi32>
      %add3A_1115 = arith.addi %mul3A_71, %add3A_1114 : vector<16xi32>
      tpu.vector_store_idx %arg14[%add3A_1115], %add3A_1064 {add = true} : memref<144xf32, #tpu.memory_space<vmem>>[vector<16xi32>], vector<16xf32>,
      %add3A_1116 = arith.constant 13 : i32
      %add3A_1117 = vector.broadcast %add3A_1116 : i32 to vector<16xi32>
      %add3A_1118 = arith.addi %mul3A_71, %add3A_1117 : vector<16xi32>
      tpu.vector_store_idx %arg14[%add3A_1118], %add3A_1080 {add = true} : memref<144xf32, #tpu.memory_space<vmem>>[vector<16xi32>], vector<16xf32>,
      %add3A_1119 = arith.constant 14 : i32
      %add3A_1120 = vector.broadcast %add3A_1119 : i32 to vector<16xi32>
      %add3A_1121 = arith.addi %mul3A_71, %add3A_1120 : vector<16xi32>
      tpu.vector_store_idx %arg14[%add3A_1121], %add3A_1096 {add = true} : memref<144xf32, #tpu.memory_space<vmem>>[vector<16xi32>], vector<16xf32>,
      %add3A_1122 = arith.constant 15 : i32
      %add3A_1123 = vector.broadcast %add3A_1122 : i32 to vector<16xi32>
      %add3A_1124 = arith.addi %mul3A_71, %add3A_1123 : vector<16xi32>
      tpu.vector_store_idx %arg14[%add3A_1124], %add3A_1112 {add = true} : memref<144xf32, #tpu.memory_space<vmem>>[vector<16xi32>], vector<16xf32>,
      %get3A_1125 = arith.constant 0 : index
      %get3A_1126 = tpu.vector_load %arg14[%get3A_1125] {strides = array<i32>} : memref<144xf32, #tpu.memory_space<vmem>>, vector<16xf32>,
      %get3A_1127 = arith.constant 17 : index
      %get3A_1128 = tpu.vector_load %arg14[%get3A_1127] {strides = array<i32>} : memref<144xf32, #tpu.memory_space<vmem>>, vector<16xf32>,
      %add3A_1129 = arith.addf %get3A_1126, %get3A_1128 : vector<16xf32>
      %get3A_1130 = arith.constant 34 : index
      %get3A_1131 = tpu.vector_load %arg14[%get3A_1130] {strides = array<i32>} : memref<144xf32, #tpu.memory_space<vmem>>, vector<16xf32>,
      %get3A_1132 = arith.constant 51 : index
      %get3A_1133 = tpu.vector_load %arg14[%get3A_1132] {strides = array<i32>} : memref<144xf32, #tpu.memory_space<vmem>>, vector<16xf32>,
      %add3A_1134 = arith.addf %get3A_1131, %get3A_1133 : vector<16xf32>
      %add3A_1135 = arith.addf %add3A_1129, %add3A_1134 : vector<16xf32>
      %get3A_1136 = arith.constant 68 : index
      %get3A_1137 = tpu.vector_load %arg14[%get3A_1136] {strides = array<i32>} : memref<144xf32, #tpu.memory_space<vmem>>, vector<16xf32>,
      %get3A_1138 = arith.constant 85 : index
      %get3A_1139 = tpu.vector_load %arg14[%get3A_1138] {strides = array<i32>} : memref<144xf32, #tpu.memory_space<vmem>>, vector<16xf32>,
      %add3A_1140 = arith.addf %get3A_1137, %get3A_1139 : vector<16xf32>
      %get3A_1141 = arith.constant 102 : index
      %get3A_1142 = tpu.vector_load %arg14[%get3A_1141] {strides = array<i32>} : memref<144xf32, #tpu.memory_space<vmem>>, vector<16xf32>,
      %get3A_1143 = arith.constant 119 : index
      %get3A_1144 = tpu.vector_load %arg14[%get3A_1143] {strides = array<i32>} : memref<144xf32, #tpu.memory_space<vmem>>, vector<16xf32>,
      %add3A_1145 = arith.addf %get3A_1142, %get3A_1144 : vector<16xf32>
      %add3A_1146 = arith.addf %add3A_1140, %add3A_1145 : vector<16xf32>
      %add3A_1147 = arith.addf %add3A_1135, %add3A_1146 : vector<16xf32>
      %mul3A_1148 = arith.constant 16 : i32
      %mul3A_1149 = arith.muli %scan3A_40, %mul3A_1148 : i32
      %add3A_1150 = arith.constant 9920 : i32
      %add3A_1151 = arith.addi %add3A_1150, %mul3A_1149 : i32
      %get3A_1152 = arith.index_cast %add3A_1151 : i32 to index
      %get3A_1153 = tpu.vector_load %arg7[%get3A_1152] {strides = array<i32>} : memref<10000xi32, #tpu.memory_space<vmem>>, vector<16xi32>,
      %mul3A_1154 = arith.constant 16 : i32
      %mul3A_1155 = arith.muli %scan3A_40, %mul3A_1154 : i32
      %add3A_1156 = arith.constant 9920 : i32
      %add3A_1157 = arith.addi %add3A_1156, %mul3A_1155 : i32
      %get3A_1158 = arith.index_cast %add3A_1157 : i32 to index
      %get3A_1159 = tpu.vector_load %arg8[%get3A_1158] {strides = array<i32>} : memref<10000xi32, #tpu.memory_space<vmem>>, vector<16xi32>,
      %gather3A = tpu.vector_load_idx %arg9[%get3A_1153] : memref<10000xf32, #tpu.memory_space<vmem>>[vector<16xi32>], vector<16xf32>,
      %gather3A_1160 = tpu.vector_load_idx %arg9[%get3A_1159] : memref<10000xf32, #tpu.memory_space<vmem>>[vector<16xi32>], vector<16xf32>,
      %ge3A = arith.constant 8.000000e-01 : f32
      %ge3A_1161 = vector.broadcast %ge3A : f32 to vector<16xf32>
      %ge3A_1162 = arith.cmpf oge, %gather3A, %ge3A_1161 : vector<16xf32>
      %ge3A_1163 = arith.constant 8.000000e-01 : f32
      %ge3A_1164 = vector.broadcast %ge3A_1163 : f32 to vector<16xf32>
      %ge3A_1165 = arith.cmpf oge, %gather3A_1160, %ge3A_1164 : vector<16xf32>
      %lt3A = arith.constant 6.000000e-01 : f32
      %lt3A_1166 = vector.broadcast %lt3A : f32 to vector<16xf32>
      %lt3A_1167 = arith.cmpf olt, %gather3A, %lt3A_1166 : vector<16xf32>
      %lt3A_1168 = arith.constant 6.000000e-01 : f32
      %lt3A_1169 = vector.broadcast %lt3A_1168 : f32 to vector<16xf32>
      %lt3A_1170 = arith.cmpf olt, %gather3A_1160, %lt3A_1169 : vector<16xf32>
      %and3A_1171 = arith.andi %ge3A_1162, %ge3A_1165 : vector<16xi1>
      %and3A_1172 = arith.andi %lt3A_1167, %lt3A_1170 : vector<16xi1>
      %or3A = arith.ori %and3A_1171, %and3A_1172 : vector<16xi1>
      %and3A_1173 = arith.andi %ge3A_1162, %lt3A_1170 : vector<16xi1>
      %and3A_1174 = arith.andi %ge3A_1165, %lt3A_1167 : vector<16xi1>
      %or3A_1175 = arith.ori %and3A_1173, %and3A_1174 : vector<16xi1>
      %gt3A = arith.constant 9.99999991E-38 : f32
      %gt3A_1176 = vector.broadcast %gt3A : f32 to vector<16xf32>
      %gt3A_1177 = arith.cmpf ogt, %add3A_1147, %gt3A_1176 : vector<16xf32>
      %bitcast3A = vector.bitcast %add3A_1147 : vector<16xf32> to vector<16xi32>
      %shift_right_logical3A = arith.constant 1 : i32
      %shift_right_logical3A_1178 = vector.broadcast %shift_right_logical3A : i32 to vector<16xi32>
      %shift_right_logical3A_1179 = arith.shrui %bitcast3A, %shift_right_logical3A_1178 : vector<16xi32>
      %sub3A_1180 = arith.constant 1597463007 : i32
      %sub3A_1181 = vector.broadcast %sub3A_1180 : i32 to vector<16xi32>
      %sub3A_1182 = arith.subi %sub3A_1181, %shift_right_logical3A_1179 : vector<16xi32>
      %bitcast3A_1183 = vector.bitcast %sub3A_1182 : vector<16xi32> to vector<16xf32>
      %mul3A_1184 = arith.constant 5.000000e-01 : f32
      %mul3A_1185 = vector.broadcast %mul3A_1184 : f32 to vector<16xf32>
      %mul3A_1186 = arith.mulf %mul3A_1185, %add3A_1147 : vector<16xf32>
      %mul3A_1187 = arith.mulf %mul3A_1186, %bitcast3A_1183 : vector<16xf32>
      %mul3A_1188 = arith.mulf %mul3A_1187, %bitcast3A_1183 : vector<16xf32>
      %sub3A_1189 = arith.constant 1.500000e+00 : f32
      %sub3A_1190 = vector.broadcast %sub3A_1189 : f32 to vector<16xf32>
      %sub3A_1191 = arith.subf %sub3A_1190, %mul3A_1188 : vector<16xf32>
      %mul3A_1192 = arith.mulf %bitcast3A_1183, %sub3A_1191 : vector<16xf32>
      %mul3A_1193 = arith.constant 5.000000e-01 : f32
      %mul3A_1194 = vector.broadcast %mul3A_1193 : f32 to vector<16xf32>
      %mul3A_1195 = arith.mulf %mul3A_1194, %add3A_1147 : vector<16xf32>
      %mul3A_1196 = arith.mulf %mul3A_1195, %mul3A_1192 : vector<16xf32>
      %mul3A_1197 = arith.mulf %mul3A_1196, %mul3A_1192 : vector<16xf32>
      %sub3A_1198 = arith.constant 1.500000e+00 : f32
      %sub3A_1199 = vector.broadcast %sub3A_1198 : f32 to vector<16xf32>
      %sub3A_1200 = arith.subf %sub3A_1199, %mul3A_1197 : vector<16xf32>
      %mul3A_1201 = arith.mulf %mul3A_1192, %sub3A_1200 : vector<16xf32>
      %mul3A_1202 = arith.constant 5.000000e-01 : f32
      %mul3A_1203 = vector.broadcast %mul3A_1202 : f32 to vector<16xf32>
      %mul3A_1204 = arith.mulf %mul3A_1203, %add3A_1147 : vector<16xf32>
      %mul3A_1205 = arith.mulf %mul3A_1204, %mul3A_1201 : vector<16xf32>
      %mul3A_1206 = arith.mulf %mul3A_1205, %mul3A_1201 : vector<16xf32>
      %sub3A_1207 = arith.constant 1.500000e+00 : f32
      %sub3A_1208 = vector.broadcast %sub3A_1207 : f32 to vector<16xf32>
      %sub3A_1209 = arith.subf %sub3A_1208, %mul3A_1206 : vector<16xf32>
      %mul3A_1210 = arith.mulf %mul3A_1201, %sub3A_1209 : vector<16xf32>
      %mul3A_1211 = arith.mulf %add3A_1147, %mul3A_1210 : vector<16xf32>
      %jit3A = arith.constant 0.000000e+00 : f32
      %broadcast_in_dim3A_1212 = vector.broadcast %jit3A : f32 to vector<16xf32>
      %select_n3A = arith.select %gt3A_1177, %mul3A_1211, %broadcast_in_dim3A_1212 : vector<16xi1>, vector<16xf32>
      %neg3A = arith.constant 0.000000e+00 : f32
      %neg3A_1213 = vector.broadcast %neg3A : f32 to vector<16xf32>
      %neg3A_1214 = arith.subf %neg3A_1213, %select_n3A : vector<16xf32>
      %exp3A = math.exp %neg3A_1214 : vector<16xf32>
      %sub3A_1215 = arith.constant 1.000000e+00 : f32
      %sub3A_1216 = vector.broadcast %sub3A_1215 : f32 to vector<16xf32>
      %sub3A_1217 = arith.subf %sub3A_1216, %exp3A : vector<16xf32>
      %max3A = arith.constant 1.000000e-30 : f32
      %max3A_1218 = vector.broadcast %max3A : f32 to vector<16xf32>
      %max3A_1219 = arith.maximumf %sub3A_1217, %max3A_1218 : vector<16xf32>
      %bitcast3A_1220 = vector.bitcast %max3A_1219 : vector<16xf32> to vector<16xi32>
      %shift_right_logical3A_1221 = arith.constant 23 : i32
      %shift_right_logical3A_1222 = vector.broadcast %shift_right_logical3A_1221 : i32 to vector<16xi32>
      %shift_right_logical3A_1223 = arith.shrui %bitcast3A_1220, %shift_right_logical3A_1222 : vector<16xi32>
      %sub3A_1224 = arith.constant 127 : i32
      %sub3A_1225 = vector.broadcast %sub3A_1224 : i32 to vector<16xi32>
      %sub3A_1226 = arith.subi %shift_right_logical3A_1223, %sub3A_1225 : vector<16xi32>
      %and3A_1227 = arith.constant 8388607 : i32
      %and3A_1228 = vector.broadcast %and3A_1227 : i32 to vector<16xi32>
      %and3A_1229 = arith.andi %bitcast3A_1220, %and3A_1228 : vector<16xi32>
      %or3A_1230 = arith.constant 1065353216 : i32
      %or3A_1231 = vector.broadcast %or3A_1230 : i32 to vector<16xi32>
      %or3A_1232 = arith.ori %and3A_1229, %or3A_1231 : vector<16xi32>
      %bitcast3A_1233 = vector.bitcast %or3A_1232 : vector<16xi32> to vector<16xf32>
      %sub3A_1234 = arith.constant 1.500000e+00 : f32
      %sub3A_1235 = vector.broadcast %sub3A_1234 : f32 to vector<16xf32>
      %sub3A_1236 = arith.subf %bitcast3A_1233, %sub3A_1235 : vector<16xf32>
      %broadcast_in_dim3A_1237 = arith.constant -0.00231785467 : f32
      %broadcast_in_dim3A_1238 = vector.broadcast %broadcast_in_dim3A_1237 : f32 to vector<16xf32>
      %mul3A_1239 = arith.mulf %broadcast_in_dim3A_1238, %sub3A_1236 : vector<16xf32>
      %add3A_1240 = arith.constant 0.00375262415 : f32
      %add3A_1241 = vector.broadcast %add3A_1240 : f32 to vector<16xf32>
      %add3A_1242 = arith.addf %mul3A_1239, %add3A_1241 : vector<16xf32>
      %mul3A_1243 = arith.mulf %add3A_1242, %sub3A_1236 : vector<16xf32>
      %add3A_1244 = arith.constant -0.0047028116 : f32
      %add3A_1245 = vector.broadcast %add3A_1244 : f32 to vector<16xf32>
      %add3A_1246 = arith.addf %mul3A_1243, %add3A_1245 : vector<16xf32>
      %mul3A_1247 = arith.mulf %add3A_1246, %sub3A_1236 : vector<16xf32>
      %add3A_1248 = arith.constant 0.00813297741 : f32
      %add3A_1249 = vector.broadcast %add3A_1248 : f32 to vector<16xf32>
      %add3A_1250 = arith.addf %mul3A_1247, %add3A_1249 : vector<16xf32>
      %mul3A_1251 = arith.mulf %add3A_1250, %sub3A_1236 : vector<16xf32>
      %add3A_1252 = arith.constant -0.0146552362 : f32
      %add3A_1253 = vector.broadcast %add3A_1252 : f32 to vector<16xf32>
      %add3A_1254 = arith.addf %mul3A_1251, %add3A_1253 : vector<16xf32>
      %mul3A_1255 = arith.mulf %add3A_1254, %sub3A_1236 : vector<16xf32>
      %add3A_1256 = arith.constant 0.0263631139 : f32
      %add3A_1257 = vector.broadcast %add3A_1256 : f32 to vector<16xf32>
      %add3A_1258 = arith.addf %mul3A_1255, %add3A_1257 : vector<16xf32>
      %mul3A_1259 = arith.mulf %add3A_1258, %sub3A_1236 : vector<16xf32>
      %add3A_1260 = arith.constant -0.0493813232 : f32
      %add3A_1261 = vector.broadcast %add3A_1260 : f32 to vector<16xf32>
      %add3A_1262 = arith.addf %mul3A_1259, %add3A_1261 : vector<16xf32>
      %mul3A_1263 = arith.mulf %add3A_1262, %sub3A_1236 : vector<16xf32>
      %add3A_1264 = arith.constant 0.098764263 : f32
      %add3A_1265 = vector.broadcast %add3A_1264 : f32 to vector<16xf32>
      %add3A_1266 = arith.addf %mul3A_1263, %add3A_1265 : vector<16xf32>
      %mul3A_1267 = arith.mulf %add3A_1266, %sub3A_1236 : vector<16xf32>
      %add3A_1268 = arith.constant -0.222222254 : f32
      %add3A_1269 = vector.broadcast %add3A_1268 : f32 to vector<16xf32>
      %add3A_1270 = arith.addf %mul3A_1267, %add3A_1269 : vector<16xf32>
      %mul3A_1271 = arith.mulf %add3A_1270, %sub3A_1236 : vector<16xf32>
      %add3A_1272 = arith.constant 0.666666686 : f32
      %add3A_1273 = vector.broadcast %add3A_1272 : f32 to vector<16xf32>
      %add3A_1274 = arith.addf %mul3A_1271, %add3A_1273 : vector<16xf32>
      %mul3A_1275 = arith.mulf %add3A_1274, %sub3A_1236 : vector<16xf32>
      %add3A_1276 = arith.constant 0.405465096 : f32
      %add3A_1277 = vector.broadcast %add3A_1276 : f32 to vector<16xf32>
      %add3A_1278 = arith.addf %mul3A_1275, %add3A_1277 : vector<16xf32>
      %convert_element_type3A = arith.sitofp %sub3A_1226 : vector<16xi32> to vector<16xf32>
      %mul3A_1279 = arith.constant 0.693147182 : f32
      %mul3A_1280 = vector.broadcast %mul3A_1279 : f32 to vector<16xf32>
      %mul3A_1281 = arith.mulf %convert_element_type3A, %mul3A_1280 : vector<16xf32>
      %add3A_1282 = arith.addf %mul3A_1281, %add3A_1278 : vector<16xf32>
      %gt3A_1283 = arith.constant 0.000000e+00 : f32
      %gt3A_1284 = vector.broadcast %gt3A_1283 : f32 to vector<16xf32>
      %gt3A_1285 = arith.cmpf ogt, %sub3A_1217, %gt3A_1284 : vector<16xf32>
      %neg3A_1286 = arith.constant 0.000000e+00 : f32
      %neg3A_1287 = vector.broadcast %neg3A_1286 : f32 to vector<16xf32>
      %neg3A_1288 = arith.subf %neg3A_1287, %add3A_1282 : vector<16xf32>
      %min3A = arith.constant 1.000000e+02 : f32
      %min3A_1289 = vector.broadcast %min3A : f32 to vector<16xf32>
      %min3A_1290 = arith.minimumf %neg3A_1288, %min3A_1289 : vector<16xf32>
      %jit3A_1291 = arith.constant 1.000000e+02 : f32
      %broadcast_in_dim3A_1292 = vector.broadcast %jit3A_1291 : f32 to vector<16xf32>
      %select_n3A_1293 = arith.select %gt3A_1285, %min3A_1290, %broadcast_in_dim3A_1292 : vector<16xi1>, vector<16xf32>
      %min3A_1294 = arith.constant 1.000000e+02 : f32
      %min3A_1295 = vector.broadcast %min3A_1294 : f32 to vector<16xf32>
      %min3A_1296 = arith.minimumf %select_n3A, %min3A_1295 : vector<16xf32>
      %jit3A_1297 = arith.constant 0.000000e+00 : f32
      %broadcast_in_dim3A_1298 = vector.broadcast %jit3A_1297 : f32 to vector<16xf32>
      %select_n3A_1299 = arith.select %or3A, %min3A_1296, %broadcast_in_dim3A_1298 : vector<16xi1>, vector<16xf32>
      %add3A_1300 = arith.addf %scan3A_41, %select_n3A_1299 : vector<16xf32>
      %jit3A_1301 = arith.constant 0.000000e+00 : f32
      %broadcast_in_dim3A_1302 = vector.broadcast %jit3A_1301 : f32 to vector<16xf32>
      %select_n3A_1303 = arith.select %or3A_1175, %select_n3A_1293, %broadcast_in_dim3A_1302 : vector<16xi1>, vector<16xf32>
      %add3A_1304 = arith.addf %scan3A_42, %select_n3A_1303 : vector<16xf32>
      %jit3A_1305 = arith.constant 1.000000e+00 : f32
      %jit3A_1306 = arith.constant 0.000000e+00 : f32
      %broadcast_in_dim3A_1307 = vector.broadcast %jit3A_1305 : f32 to vector<16xf32>
      %broadcast_in_dim3A_1308 = vector.broadcast %jit3A_1306 : f32 to vector<16xf32>
      %select_n3A_1309 = arith.select %or3A, %broadcast_in_dim3A_1307, %broadcast_in_dim3A_1308 : vector<16xi1>, vector<16xf32>
      %add3A_1310 = arith.addf %scan3A_43, %select_n3A_1309 : vector<16xf32>
      %jit3A_1311 = arith.constant 1.000000e+00 : f32
      %jit3A_1312 = arith.constant 0.000000e+00 : f32
      %broadcast_in_dim3A_1313 = vector.broadcast %jit3A_1311 : f32 to vector<16xf32>
      %broadcast_in_dim3A_1314 = vector.broadcast %jit3A_1312 : f32 to vector<16xf32>
      %select_n3A_1315 = arith.select %or3A_1175, %broadcast_in_dim3A_1313, %broadcast_in_dim3A_1314 : vector<16xi1>, vector<16xf32>
      %add3A_1316 = arith.addf %scan3A_44, %select_n3A_1315 : vector<16xf32>
      scf.yield %add3A_1300, %add3A_1304, %add3A_1310, %add3A_1316 : vector<16xf32>, vector<16xf32>, vector<16xf32>, vector<16xf32>
    }
    %scan3A_32 = arith.constant 5 : i32
    %swap3A = arith.constant 0 : index
    %swap3A_33 = tpu.vector_load %arg15[%swap3A] {strides = array<i32>} : memref<64xf32, #tpu.memory_space<vmem>>, vector<16xf32>,
    tpu.vector_store %arg15[%swap3A], %scan3A_31#0 {strides = array<i32>} : memref<64xf32, #tpu.memory_space<vmem>>, vector<16xf32>,
    %swap3A_34 = arith.constant 16 : index
    %swap3A_35 = tpu.vector_load %arg15[%swap3A_34] {strides = array<i32>} : memref<64xf32, #tpu.memory_space<vmem>>, vector<16xf32>,
    tpu.vector_store %arg15[%swap3A_34], %scan3A_31#1 {strides = array<i32>} : memref<64xf32, #tpu.memory_space<vmem>>, vector<16xf32>,
    %swap3A_36 = arith.constant 32 : index
    %swap3A_37 = tpu.vector_load %arg15[%swap3A_36] {strides = array<i32>} : memref<64xf32, #tpu.memory_space<vmem>>, vector<16xf32>,
    tpu.vector_store %arg15[%swap3A_36], %scan3A_31#2 {strides = array<i32>} : memref<64xf32, #tpu.memory_space<vmem>>, vector<16xf32>,
    %swap3A_38 = arith.constant 48 : index
    %swap3A_39 = tpu.vector_load %arg15[%swap3A_38] {strides = array<i32>} : memref<64xf32, #tpu.memory_space<vmem>>, vector<16xf32>,
    tpu.vector_store %arg15[%swap3A_38], %scan3A_31#3 {strides = array<i32>} : memref<64xf32, #tpu.memory_space<vmem>>, vector<16xf32>,
    "tpu.region"() ({
      %run_scoped3A = tpu.sem_alloc : memref<!tpu.dma_semaphore, #tpu.memory_space<semaphore_mem>>
      %dma_start3A_40 = arith.constant 0 : i32
      %dma_start3A_41 = tpu.memref_slice %arg6[%add3A, %dma_start3A_40] : memref<32x64xf32, #tpu.memory_space<hbm>> -> memref<1x64xf32, #tpu.memory_space<hbm>>
      %dma_start3A_42 = tpu.memref_squeeze %dma_start3A_41 : memref<1x64xf32, #tpu.memory_space<hbm>> -> memref<64xf32, #tpu.memory_space<hbm>>
      %dma_start3A_43 = arith.constant 0 : i32
      %dma_start3A_44 = tpu.memref_slice %arg6[%add3A, %dma_start3A_43] : memref<32x64xf32, #tpu.memory_space<hbm>> -> memref<1x64xf32, #tpu.memory_space<hbm>>
      %dma_start3A_45 = tpu.memref_squeeze %dma_start3A_44 : memref<1x64xf32, #tpu.memory_space<hbm>> -> memref<64xf32, #tpu.memory_space<hbm>>
      tpu.enqueue_dma source(%arg15 : memref<64xf32, #tpu.memory_space<vmem>>) target(%dma_start3A_45 : memref<64xf32, #tpu.memory_space<hbm>>) target_semaphore(%run_scoped3A : memref<!tpu.dma_semaphore, #tpu.memory_space<semaphore_mem>>)
      %dma_wait3A_46 = arith.constant 0 : i32
      %dma_wait3A_47 = tpu.memref_slice %arg6[%add3A, %dma_wait3A_46] : memref<32x64xf32, #tpu.memory_space<hbm>> -> memref<1x64xf32, #tpu.memory_space<hbm>>
      %dma_wait3A_48 = tpu.memref_squeeze %dma_wait3A_47 : memref<1x64xf32, #tpu.memory_space<hbm>> -> memref<64xf32, #tpu.memory_space<hbm>>
      %dma_wait3A_49 = arith.constant 0 : i32
      %dma_wait3A_50 = tpu.memref_slice %arg6[%add3A, %dma_wait3A_49] : memref<32x64xf32, #tpu.memory_space<hbm>> -> memref<1x64xf32, #tpu.memory_space<hbm>>
      %dma_wait3A_51 = tpu.memref_squeeze %dma_wait3A_50 : memref<1x64xf32, #tpu.memory_space<hbm>> -> memref<64xf32, #tpu.memory_space<hbm>>
      tpu.wait_dma2 semaphore(%run_scoped3A : memref<!tpu.dma_semaphore, #tpu.memory_space<semaphore_mem>>) src(%arg15 : memref<64xf32, #tpu.memory_space<vmem>>) dst(%dma_wait3A_51 : memref<64xf32, #tpu.memory_space<hbm>>)
      tpu.yield
    }) : () -> ()
    return
  }
}

</mosaic_0001>

<sc_bundles>
// kernel: kernel.3.cloned.1.call-start
scs
__scs_entry_jumppad:
0x0: {  	(pc) =	sbr.rel $0x88, $3  }
0x1: {  	(tag) =	ssettag $0x0;
	lr =	simm.s32 $0x1  }
0x2: {  	[smem:$0x3F9E] =	sst lr;
	_ =	strace $0xD0000000  }
0x3: {  	_ = 	snop  }
0x4: {  	_ = 	snop  }
0x5: {  	_ = 	snop  }
0x6: {  	_ = 	snop  }
0x7: {  	_ = 	snop  }
__scs_overlays_trampoline_lowered:
0x8: {  	[smem:$0x3FAD] =	sst s0  }
0x9: {  	[smem:$0x3FAE] =	sst s1  }
0xa: {  	[smem:$0x3FAF] =	sst s2  }
0xb: {  	[smem:$0x3FB0] =	sst s3  }
0xc: {  	[smem:$0x3FB1] =	sst s4  }
0xd: {  	[smem:$0x3FB2] =	sst s5  }
0xe: {  	[smem:$0x3FB3] =	sst s6  }
0xf: {  	[smem:$0x3FB4] =	sst s7  }
0x10: {  	[smem:$0x3FB5] =	sst s8  }
0x11: {  	[smem:$0x3FB6] =	sst s9;
	s0 =	simm.s32 @!p0 $0x0  }
0x12: {  	s1 =	sld [smem:$0x3F9C];
	s0 =	simm.s32 @p0 $0x1  }
0x13: {  	[smem:$0x3FB7] =	sst s0;
	s0 =	simm.s32 @!p1 $0x0  }
0x14: {  	s2 =	sld [smem:$0x3F9B];
	s0 =	simm.s32 @p1 $0x1  }
0x15: {  	[smem:$0x3FB8] =	sst s0;
	s0 =	simm.s32 @!p2 $0x0  }
0x16: {  	s3 =	sld [smem:$0x3FDB];
	s0 =	simm.s32 @p2 $0x1  }
0x17: {  	s4 =	simm.s32 $0x1BF5;
	[smem:$0x3FBA] =	sst s0  }
0x18: {  	s0 =	sld [smem:$0x3F9D];
	_ =	swait.ge [sflag:s4], $0x0  }
0x19: {  	s7 =	sld [smem:$0x3F9E]  }
0x1a: {  	s8 =	sadd.s32 $0xFFFFE003, lr  }
0x1b: {  	s9 =	sadd.s32 $0xFFFFFEF7, lr;
	s5 =	simm.s32 $0xFFFFFFFF;
	p2 =	slt.u32 s8, $0xFFFFF086  }
0x1c: {  	p1 =	slt.u32 s9, $0xF7A;
	s5 =	simm.s32 @!p2 $0x0  }
0x1d: {  	s5 =	simm.s32 @p1 $0x1;
	p0 =	seq.s32 s7, s2  }
0x1e: {  	s7 =	smul.u32 @!p0 $0xF7A, s2;
	p2 =	seq.s32 @!p0 s5, $0x0  }
0x1f: {  	s9 =	smul.u32 $0xF7A, s1;
	s8 =	simm.s32 @!p0 $0x1BF5;
	p2 =	por !p2, p0  }
0x20: {  	[sflag:s8] =	ssyncset.s32 @!p0 $0xFFFFF086;
	s6 =	sadd.s32 @!p0 s3, s7;
	s7 =	simm.s32 @!p0 $0x108  }
0x21: {  	s3 =	sadd.s32 s3, s9;
	s6 =	sadd.s32 @!p0 $0x88, s6;
	s7 =	simm.s32 @p2 $0x1082  }
0x22: {  	[simem:s7], [sflag:s8] =	dma.local @!p0 [hbm:s6], $0xF7A  }
0x23: {  	s9 =	sor.u32 $0xD0000000, s2;
	s6 =	simm.s32 $0x108;
	_ =	swait.ge @!p0 [sflag:s8], $0x0  }
0x24: {  	s3 =	sadd.s32 $0x88, s3;
	s6 =	simm.s32 @!p1 $0x1082;
	[sflag:s4] =	ssyncset.s32 $0xFFFFF086  }
0x25: {  	[simem:s6], [sflag:s4] =	dma.local [hbm:s3], $0xF7A  }
0x26: {  	[smem:$0x3F9E] =	sst s1;
	(tag) =	ssettag s2;
	_ =	strace s9  }
0x27: {  	s1 =	sld [smem:$0x3FAE]  }
0x28: {  	s2 =	sld [smem:$0x3FAF]  }
0x29: {  	s4 =	sld [smem:$0x3FB1]  }
0x2a: {  	p0 =	seq.s32 s5, $0x0;
	s5 =	sld [smem:$0x3FB2]  }
0x2b: {  	s6 =	sld [smem:$0x3FB3]  }
0x2c: {  	s7 =	sld [smem:$0x3FB4]  }
0x2d: {  	s3 =	simm.s32 $0x108;
	s8 =	sld [smem:$0x3FB5]  }
0x2e: {  	s3 =	simm.s32 @!p0 $0x1082;
	s9 =	sld [smem:$0x3FB6]  }
0x2f: {  	lr =	sadd.s32 s0, s3;
	s0 =	sld [smem:$0x3FAD]  }
0x30: {  	s3 =	sld [smem:$0x3FB0]  }
0x31: {  	[smem:$0x3FB9] =	sst s10  }
0x32: {  	s10 =	sld [smem:$0x3FB7];
	_ =	sdelay $0x3  }
0x33: {  	p0 =	seq.s32 s10, $0x1;
	s10 =	sld [smem:$0x3FB9];
	_ =	sdelay $0x3  }
0x34: {  	[smem:$0x3FB9] =	sst s10  }
0x35: {  	s10 =	sld [smem:$0x3FB8];
	_ =	sdelay $0x3  }
0x36: {  	p1 =	seq.s32 s10, $0x1;
	s10 =	sld [smem:$0x3FB9];
	_ =	sdelay $0x3  }
0x37: {  	[smem:$0x3FB9] =	sst s10  }
0x38: {  	s10 =	sld [smem:$0x3FBA]  }
0x39: {  	_ = 	snop;
	(pc) =	sbr.ind lr, $3  }
0x3a: {  	_ = 	snop  }
0x3b: {  	_ = 	snop  }
0x3c: {  	p2 =	seq.s32 s10, $0x1;
	s10 =	sld [smem:$0x3FB9]  }
0x3d: {  	_ =	shalt  }
0x3e: {  	_ =	shalt  }
0x3f: {  	_ =	shalt  }
0x40: {  	_ =	shalt  }
0x41: {  	_ =	shalt  }
0x42: {  	_ =	shalt  }
0x43: {  	_ =	shalt  }
0x44: {  	_ =	shalt  }
0x45: {  	_ =	shalt  }
0x46: {  	_ =	shalt  }
0x47: {  	_ =	shalt  }
0x48: {  	_ =	shalt  }
0x49: {  	_ =	shalt  }
0x4a: {  	_ =	shalt  }
0x4b: {  	_ =	shalt  }
0x4c: {  	_ =	shalt  }
0x4d: {  	_ =	shalt  }
0x4e: {  	_ =	shalt  }
0x4f: {  	_ =	shalt  }
0x50: {  	_ =	shalt  }
0x51: {  	_ =	shalt  }
0x52: {  	_ =	shalt  }
0x53: {  	_ =	shalt  }
0x54: {  	_ =	shalt  }
0x55: {  	_ =	shalt  }
0x56: {  	_ =	shalt  }
0x57: {  	_ =	shalt  }
0x58: {  	_ =	shalt  }
0x59: {  	_ =	shalt  }
0x5a: {  	_ =	shalt  }
0x5b: {  	_ =	shalt  }
0x5c: {  	_ =	shalt  }
0x5d: {  	_ =	shalt  }
0x5e: {  	_ =	shalt  }
0x5f: {  	_ =	shalt  }
0x60: {  	_ =	shalt  }
0x61: {  	_ =	shalt  }
0x62: {  	_ =	shalt  }
0x63: {  	_ =	shalt  }
0x64: {  	_ =	shalt  }
0x65: {  	_ =	shalt  }
0x66: {  	_ =	shalt  }
0x67: {  	_ =	shalt  }
0x68: {  	_ =	shalt  }
0x69: {  	_ =	shalt  }
0x6a: {  	_ =	shalt  }
0x6b: {  	_ =	shalt  }
0x6c: {  	_ =	shalt  }
0x6d: {  	_ =	shalt  }
0x6e: {  	_ =	shalt  }
0x6f: {  	_ =	shalt  }
0x70: {  	_ =	shalt  }
0x71: {  	_ =	shalt  }
0x72: {  	_ =	shalt  }
0x73: {  	_ =	shalt  }
0x74: {  	_ =	shalt  }
0x75: {  	_ =	shalt  }
0x76: {  	_ =	shalt  }
0x77: {  	_ =	shalt  }
0x78: {  	_ =	shalt  }
0x79: {  	_ =	shalt  }
0x7a: {  	_ =	shalt  }
0x7b: {  	_ =	shalt  }
0x7c: {  	_ =	shalt  }
0x7d: {  	_ =	shalt  }
0x7e: {  	_ =	shalt  }
0x7f: {  	_ =	shalt  }
0x80: {  	_ =	shalt  }
0x81: {  	_ =	shalt  }
0x82: {  	_ =	shalt  }
0x83: {  	_ =	shalt  }
0x84: {  	_ =	shalt  }
0x85: {  	_ =	shalt  }
0x86: {  	_ =	shalt  }
0x87: {  	_ =	shalt  }
.Lfunc_end0:
.L_simem_size_0:
called_computation_lowered:
.L_overlay_start_0:
0x88: {  	s2 =	sld [smem:$0x3FD9]  }
0x89: {  	s3 =	sld [smem:$0x3FFE];
	_ =	sdelay $0x1  }
0x8a: {  	s1 =	srdreg.scid  }
0x8b: {  	s0 =	sand.u32 $0x1, s1  }
0x8c: {  	s17 =	sshll.u32 s0, $0xA;
	s2 =	sadd.s32 s3, s2  }
0x8d: {  	s2 =	sadd.s32 s2, s17  }
0x8e: {  	[smem:$0x3FC5] =	sst s2  }
0x8f: {  	_ = 	snop  }
0x90: {  	s2 =	sld [smem:$0x3FC8];
	(tm) =	ssettm $0x1  }
0x91: {  	s18 =	sld [smem:$0x3FFB];
	_ =	sdelay $0x3  }
0x92: {  	_ =	strace s18  }
0x93: {  	s3 =	sld [smem:$0x3FFC];
	_ =	sdelay $0x3  }
0x94: {  	_ =	strace s3  }
0x95: {  	s3 =	sld [smem:$0x3FFD];
	_ =	sdelay $0x3  }
0x96: {  	_ =	strace s3  }
0x97: {  	_ =	strace $0x8FFFFFFF  }
0x98: {  	s19 =	sld [smem:$0x3FDB];
	_ =	sdelay $0x1  }
0x99: {  	s4 =	simm.s32 $_scs_section_size  }
0x9a: {  	s5 =	simm.s32 $_size__tile_overlayer_lowered;
	s6 =	simm.s32 $_tile_overlayer_lowered  }
0x9b: {  	s22 =	simm.s32 $0x1BFF;
	s21 =	sshll.u32 s6, $0x1;
	s3 =	sadd.s32 s4, s19  }
0x9c: {  	s7 =	simm.s32 $0x0;
	s20 =	sshll.u32 s5, $0x1;
	s5 =	sadd.s32 s21, s3  }
0x9d: {  	[timem:s7], [sflag:s22] =	dma.local [hbm:s5], s20  }
0x9e: {  	_ =	swait.ge [sflag:s22], s20  }
0x9f: {  	s4 =	ssub.s32 $0x0, s20;
	[sflag:s22] =	ssyncset.done $0x0  }
0xa0: {  	[sflag:s22] =	ssyncadd.s32 s4;
	_ =	sdelay $0x1  }
0xa1: {  	s23 =	simm.s32 $0x1B8B  }
0xa2: {  	_ =	swait.ge [sflag:s23], $0x1  }
0xa3: {  	[sflag:s23] =	ssyncset.done $0x0  }
0xa4: {  	s25 =	simm.s32 $0x1B8E;
	s24 =	sld [smem:$0x3FFE];
	[sflag:s23] =	ssyncadd.s32 $0xFFFFFFFF  }
0xa5: {  	s26 =	simm.s32 $execute0_lowered;
	[smem:$0x3FD2] =	sst s25  }
0xa6: {  	s5 =	sshll.u32 s26, $0x1;
	_ =	strace $0x80000046;
	[dreg:$0x1] =	wrdreg $0xFFFFFFFF  }
0xa7: {  	s28 =	simm.s32 $_size_execute0_lowered;
	s3 =	sadd.s32 s3, s5;
	[dreg:$0x0] =	wrdreg $0x0  }
0xa8: {  	s5 =	sshll.u32 s28, $0x1;
	[dreg:$0x2] =	wrdreg s3  }
0xa9: {  	[dreg:$0x3] =	wrdreg s5  }
0xaa: {  	[dreg:$0x4] =	wrdreg $0xC0  }
0xab: {  	_ =	task [dreg:s7], $0x5FFFF  }
0xac: {  	[dreg:$0x1] =	wrdreg $0xFFFFFFFF  }
0xad: {  	[dreg:$0x0] =	wrdreg $0x60  }
0xae: {  	[dreg:$0x2] =	wrdreg s24  }
0xaf: {  	[dreg:$0x3] =	wrdreg s2  }
0xb0: {  	[dreg:$0x4] =	wrdreg $0x9  }
0xb1: {  	_ =	task.clear_ibuf [dreg:s7], $0x5FFFF;
	_ =	strace $0x90000046  }
0xb2: {  	s29 =	simm.s32 $0x9;
	_ =	strace $0x80000048  }
0xb3: {  	_ =	swait.ge [sflag:s29], $0x1  }
0xb4: {  	[sflag:s29] =	ssyncadd.s32 $0xFFFFFFFF  }
0xb5: {  	_ =	strace $0x90000048  }
0xb6: {  	_ =	sfence  }
0xb7: {  	s30 =	sld [smem:$0x0];
	_ =	sdelay $0x2  }
0xb8: {  	s31 =	sshll.u32 s1, $0xD;
	s1 =	sshrl.u32 s1, $0x2  }
0xb9: {  	s3 =	sand.u32 $0x4000, s31;
	s1 =	sadd.s32 s1, s30  }
0xba: {  	s0 =	sor.u32 s3, s0;
	s1 =	sshll.u32 s1, $0x11  }
0xbb: {  	s0 =	sor.u32 s1, s0  }
0xbc: {  	s0 =	sadd.s32 $0x8F2B, s0  }
0xbd: {  	[sflag:s0] =	ssyncadd.remote.s32 $0x1  }
0xbe: {  	_ =	sfence.sel $0xFFFF  }
0xbf: {  	[dreg:$0x0] =	wrdreg $0xFFFFFFFF;
	(pc) =	sbr.abs _section_cstart, $3  }
0xc0: {  	[dreg:$0x1] =	wrdreg $0xFFFFFFFF  }
0xc1: {  	_ =	task.clear_ibuf [dreg:s7], $0x2FFFF;
	_ =	strace $0x9FFFFFFF  }
0xc2: {  	(tm) =	ssettm $0x7FFFFFFF  }
0xc3: {  	_ =	shalt  }
tec
execute0_lowered:
.L_overlay_start_1:
0x0: {  	(tag) =	ssettag $0x1  }
0x1: {  	s2 =	rddreg [dreg:$0x0];
	s1 =	srdreg.scid  }
0x2: {  	s0 =	stileid.u32;
	s3 =	rddreg [dreg:$0x1];
	s4 =	simm.s32 $0x0  }
0x3: {  	s9 =	simm.s32 $0x4E20;
	s10 =	simm.s32 $0x5;
	s11 =	simm.s32 $0x7530  }
0x4: {  	v0 =	vlaneseq.u32;
	s12 =	simm.s32 $0x8930;
	s13 =	simm.s32 $0x50;
	s14 =	simm.s32 $0x9D30  }
0x5: {  	s15 =	simm.s32 $0xB130;
	s16 =	simm.s32 $0x1;
	s17 =	simm.s32 $0x2;
	v0 =	vand.u32 $0x7, v0  }
0x6: {  	s18 =	simm.s32 $0xC530;
	s19 =	simm.s32 $0x3;
	s20 =	simm.s32 $0x4;
	v0 =	vmul.u32 $0x11, v0  }
0x7: {  	v1 =	vimm.f32 $0.0e+00;
	s21 =	simm.s32 $0xC5C0;
	s1 =	sand.u32 $0x1, s1;
	s5 =	sshll.u32 s0, $0x1  }
0x8: {  	s22 =	simm.s32 $0x0;
	[smem:$0x7FF] =	sst s4;
	s5 =	sor.u32 s1, s5;
	v2 =	vadd.s32 $0x1, v0;
	v3 =	vadd.s32 $0x2, v0;
	v4 =	vadd.s32 $0x3, v0  }
0x9: {  	s1 =	ssub.s32 $0x2, s1;
	s6 =	smul.u32 $0x4E2, s5;
	s5 =	sshll.u32 s5, $0x3;
	v5 =	vadd.s32 $0x4, v0;
	v6 =	vadd.s32 $0x5, v0;
	v7 =	vadd.s32 $0x6, v0  }
0xa: {  	_ =	strace $0x80000047;
	s7 =	sshrl.u32 s1, $0x1;
	s8 =	sadd.s32 s5, s2;
	v8 =	vadd.s32 $0x7, v0;
	v9 =	vadd.s32 $0x8, v0;
	v10 =	vadd.s32 $0x9, v0  }
0xb: {  	s1 =	ssub.s32 s1, s7;
	v11 =	vadd.s32 $0xA, v0;
	v12 =	vadd.s32 $0xB, v0;
	v13 =	vadd.s32 $0xC, v0;
	s6 =	sadd.s32 s6, s2;
	s7 =	sadd.s32 $0x27600, s8  }
0xc: {  	v14 =	vadd.s32 $0xD, v0;
	v15 =	vadd.s32 $0xE, v0;
	v16 =	vadd.s32 $0xF, v0;
	s8 =	smax.u32 s1, $0x1;
	s5 =	sadd.s32 $0x1D800, s6;
	s6 =	sadd.s32 $0x13A00, s6  }
.LBB2_1:
0xd: {  	[tilespmem:s9], [sflag:$0x5] =	stream.linear.gather [hbm4b:s3+s4], $0x2710, $0x38;
	[tilespmem:$0xC600] =	vst v63  }
0xe: {  	_ =	swait.ge [sflag:s10], $0x2710  }
0xf: {  	[sflag:s10] =	ssyncset.done $0x0  }
0x10: {  	[sflag:s10] =	ssyncadd.s32 $0xFFFFD8F0  }
0x11: {  	[tilespmem:s4], [sflag:$0x5] =	stream.linear.gather [hbm4b:s5+s4], $0x2710, $0x38;
	[tilespmem:$0xC600] =	vst v63  }
0x12: {  	_ =	swait.ge [sflag:s10], $0x2710  }
0x13: {  	[sflag:s10] =	ssyncset.done $0x0  }
0x14: {  	s23 =	simm.s32 $0x2710;
	[sflag:s10] =	ssyncadd.s32 $0xFFFFD8F0  }
0x15: {  	[tilespmem:s23], [sflag:$0x5] =	stream.linear.gather [hbm4b:s6+s4], $0x2710, $0x38;
	[tilespmem:$0xC600] =	vst v63  }
0x16: {  	_ =	swait.ge [sflag:s10], $0x2710  }
0x17: {  	[sflag:s10] =	ssyncset.done $0x0  }
0x18: {  	s24 =	simm.s32 $0x2760;
	[sflag:s10] =	ssyncadd.s32 $0xFFFFD8F0  }
0x19: {  	[tilespmem:s11], [sflag:$0x1] =	stream.indirect.gather [hbm4b:s2+s13], $0x40, s4, s13, $0xb8;
	[tilespmem:$0xC600] =	vst v63  }
0x1a: {  	v17 =	vimm.f32 $0.0e+00;
	s25 =	simm.s32 $0x50;
	s26 =	simm.s32 $0x0;
	s28 =	simm.s32 $0x0  }
0x1b: {  	v18 =	vimm.f32 $0.0e+00;
	v19 =	vimm.f32 $0.0e+00;
	v20 =	vimm.f32 $0.0e+00;
	[tilespmem:s12], [sflag:$0x2] =	stream.indirect.gather [hbm4b:s2+s13], $0x40, s23, s13, $0xb8;
	[tilespmem:$0xC600] =	vst v63  }
.LBB2_2:
0x1c: {  	s29 =	smul.u32 $0xA0, s28;
	_ =	sdelay $0x1  }
0x1d: {  	s1 =	sadd.s32 $0x50, s29  }
0x1e: {  	[tilespmem:s14], [sflag:$0x3] =	stream.indirect.gather [hbm4b:s2+s13], $0x40, s1, s13, $0xb8;
	[tilespmem:$0xC600] =	vst v63  }
0x1f: {  	s0 =	sadd.s32 $0x2760, s29  }
0x20: {  	[tilespmem:s15], [sflag:$0x4] =	stream.indirect.gather [hbm4b:s2+s13], $0x40, s0, s13, $0xb8;
	[tilespmem:$0xC600] =	vst v63  }
0x21: {  	_ =	swait.ge [sflag:s16], $0x1400  }
0x22: {  	[sflag:s16] =	ssyncset.done $0x0  }
0x23: {  	[sflag:s16] =	ssyncadd.s32 $0xFFFFEC00  }
0x24: {  	_ =	swait.ge [sflag:s17], $0x1400  }
0x25: {  	s30 =	simm.s32 $0x0;
	[sflag:s17] =	ssyncset.done $0x0  }
0x26: {  	s31 =	simm.s32 $0x7730;
	v21 =	vmov s26;
	v22 =	vmov s23;
	s1 =	simm.s32 $0x8B30;
	[sflag:s17] =	ssyncadd.s32 $0xFFFFEC00  }
.LBB2_3:
0x27: {  	[tilespmem:$0xC530] =	vst v1  }
0x28: {  	[tilespmem:$0xC540] =	vst v1  }
0x29: {  	[tilespmem:$0xC550] =	vst v1  }
0x2a: {  	[tilespmem:$0xC560] =	vst v1  }
0x2b: {  	[tilespmem:$0xC570] =	vst v1  }
0x2c: {  	[tilespmem:$0xC580] =	vst v1  }
0x2d: {  	[tilespmem:$0xC590] =	vst v1  }
0x2e: {  	[tilespmem:$0xC5A0] =	vst v1  }
0x2f: {  	[tilespmem:$0xC5B0] =	vst v1  }
0x30: {  	v23 =	vld [tilespmem:s31+$0xFFFFFE00]  }
0x31: {  	v24 =	vld [tilespmem:s1+$0xFFFFFE00]  }
0x32: {  	v25 =	vld [tilespmem:s31+$0xFFFFFE40]  }
0x33: {  	v26 =	vld [tilespmem:s1+$0xFFFFFE40]  }
0x34: {  	v27 =	vld [tilespmem:s31+$0xFFFFFE80]  }
0x35: {  	v28 =	vld [tilespmem:s1+$0xFFFFFE80]  }
0x36: {  	v29 =	vld [tilespmem:s31+$0xFFFFFEC0]  }
0x37: {  	v30 =	vld [tilespmem:s1+$0xFFFFFEC0]  }
0x38: {  	v51 =	vld [tilespmem:s31+$0xFFFFFE10]  }
0x39: {  	v52 =	vld [tilespmem:s1+$0xFFFFFE10]  }
0x3a: {  	v31 =	vld [tilespmem:s31+$0xFFFFFE50]  }
0x3b: {  	v32 =	vld [tilespmem:s1+$0xFFFFFE50]  }
0x3c: {  	v53 =	vld [tilespmem:s31+$0xFFFFFE90]  }
0x3d: {  	v54 =	vld [tilespmem:s1+$0xFFFFFE90]  }
0x3e: {  	v55 =	vld [tilespmem:s31+$0xFFFFFED0]  }
0x3f: {  	v56 =	vld [tilespmem:s1+$0xFFFFFED0]  }
0x40: {  	v58 =	vld [tilespmem:s31+$0xFFFFFE20]  }
0x41: {  	v60 =	vld [tilespmem:s1+$0xFFFFFE20]  }
0x42: {  	v61 =	vld [tilespmem:s31+$0xFFFFFE60];
	v23 =	vsub.bf16 v23, v24  }
0x43: {  	v62 =	vld [tilespmem:s1+$0xFFFFFE60];
	v25 =	vsub.bf16 v25, v26;
	v27 =	vsub.bf16 v27, v28  }
0x44: {  	v29 =	vsub.bf16 v29, v30;
	v24 =	vsub.bf16 v51, v52  }
0x45: {  	v31 =	vsub.bf16 v31, v32;
	v28 =	vsub.bf16 v53, v54  }
0x46: {  	v26 =	vsub.bf16 v55, v56;
	v23 =	vmul.bf16 v23, v23;
	v25 =	vmul.bf16 v25, v25  }
0x47: {  	v32 =	vsub.bf16 v58, v60;
	v27 =	vmul.bf16 v27, v27;
	v29 =	vmul.bf16 v29, v29  }
0x48: {  	v30 =	vsub.bf16 v61, v62;
	v24 =	vmul.bf16 v24, v24;
	v31 =	vmul.bf16 v31, v31  }
0x49: {  	v28 =	vmul.bf16 v28, v28;
	v26 =	vmul.bf16 v26, v26  }
0x4a: {  	v36 =	vld [tilespmem:s31+$0xFFFFFEA0];
	v32 =	vmul.bf16 v32, v32;
	v30 =	vmul.bf16 v30, v30  }
0x4b: {  	v41 =	vld [tilespmem:s1+$0xFFFFFEA0];
	v33 =	vunpack.i.u.bf16.f32 v23;
	v23 =	vunpack.i.l.bf16.f32 v23;
	v34 =	vunpack.i.u.bf16.f32 v25  }
0x4c: {  	v43 =	vld [tilespmem:s31+$0xFFFFFEE0];
	v25 =	vunpack.i.l.bf16.f32 v25;
	v57 =	vunpack.i.u.bf16.f32 v27;
	v27 =	vunpack.i.l.bf16.f32 v27  }
0x4d: {  	v46 =	vld [tilespmem:s1+$0xFFFFFEE0];
	v35 =	vunpack.i.u.bf16.f32 v29;
	v29 =	vunpack.i.l.bf16.f32 v29;
	v59 =	vunpack.i.u.bf16.f32 v24  }
0x4e: {  	v37 =	vld [tilespmem:s31+$0xFFFFFE70];
	v24 =	vunpack.i.l.bf16.f32 v24;
	v63 =	vunpack.i.u.bf16.f32 v31;
	v31 =	vunpack.i.l.bf16.f32 v31  }
0x4f: {  	v50 =	vld [tilespmem:s1+$0xFFFFFE70];
	v42 =	vunpack.i.u.bf16.f32 v28;
	v28 =	vunpack.i.l.bf16.f32 v28;
	v45 =	vunpack.i.u.bf16.f32 v26  }
0x50: {  	v52 =	vld [tilespmem:s31+$0xFFFFFEB0];
	v26 =	vunpack.i.l.bf16.f32 v26;
	v23 =	vadd.f32 v23, v33;
	v25 =	vadd.f32 v25, v34  }
0x51: {  	v55 =	vld [tilespmem:s1+$0xFFFFFEB0];
	v49 =	vunpack.i.u.bf16.f32 v32;
	v27 =	vadd.f32 v27, v57;
	v29 =	vadd.f32 v29, v35  }
0x52: {  	v32 =	vunpack.i.l.bf16.f32 v32;
	v24 =	vadd.f32 v24, v59;
	v40 =	vadd.f32 v31, v63  }
0x53: {  	v47 =	vld [tilespmem:s31+$0xFFFFFE30];
	v51 =	vunpack.i.u.bf16.f32 v30;
	v44 =	vadd.f32 v28, v42;
	v26 =	vadd.f32 v26, v45  }
0x54: {  	v48 =	vld [tilespmem:s1+$0xFFFFFE30];
	v30 =	vunpack.i.l.bf16.f32 v30;
	v28 =	vadd.f32 v32, v49;
	v31 =	vsub.bf16 v36, v41  }
0x55: {  	v34 =	vsub.bf16 v43, v46;
	v53 =	vadd.f32 v30, v51  }
0x56: {  	v32 =	vsub.bf16 v37, v50;
	v62 =	vsub.bf16 v52, v55  }
0x57: {  	v23 =	vadd.f32 v24, v23;
	v24 =	vadd.f32 v40, v25  }
0x58: {  	v57 =	vld [tilespmem:s31+$0xFFFFFEF0];
	v25 =	vadd.f32 v44, v27;
	v26 =	vadd.f32 v26, v29  }
0x59: {  	v59 =	vld [tilespmem:s1+$0xFFFFFEF0];
	v54 =	vmul.bf16 v31, v31;
	v56 =	vmul.bf16 v34, v34;
	v27 =	vsub.bf16 v47, v48  }
0x5a: {  	v63 =	vmul.bf16 v32, v32;
	v34 =	vmul.bf16 v62, v62;
	v23 =	vadd.f32 v28, v23  }
0x5b: {  	v24 =	vadd.f32 v53, v24;
	v58 =	vunpack.i.u.bf16.f32 v54;
	v30 =	vunpack.i.l.bf16.f32 v54  }
0x5c: {  	v60 =	vunpack.i.u.bf16.f32 v56;
	v28 =	vunpack.i.l.bf16.f32 v56;
	v27 =	vmul.bf16 v27, v27  }
0x5d: {  	v35 =	vunpack.i.u.bf16.f32 v63;
	v29 =	vadd.f32 v30, v58;
	v28 =	vadd.f32 v28, v60  }
0x5e: {  	v33 =	vsub.bf16 v57, v59;
	v61 =	vunpack.i.u.bf16.f32 v27;
	v27 =	vunpack.i.l.bf16.f32 v27  }
0x5f: {  	v37 =	vunpack.i.u.bf16.f32 v34;
	v27 =	vadd.f32 v27, v61;
	v25 =	vadd.f32 v29, v25  }
0x60: {  	v26 =	vadd.f32 v28, v26;
	v29 =	vunpack.i.l.bf16.f32 v63;
	v36 =	vmul.bf16 v33, v33  }
0x61: {  	v28 =	vadd.f32 v29, v35;
	v23 =	vadd.f32 v27, v23;
	v27 =	vunpack.i.l.bf16.f32 v34  }
0x62: {  	v38 =	vunpack.i.u.bf16.f32 v36;
	v30 =	vunpack.i.l.bf16.f32 v36;
	v27 =	vadd.f32 v27, v37  }
0x63: {  	v24 =	vadd.f32 v28, v24;
	v39 =	vadd.f32 v30, v38  }
0x64: {  	[tilespmem:v0+s18+$0x0] =	vst.idx.add.f32.msk $0xffff, v23;
	v25 =	vadd.f32 v27, v25  }
0x65: {  	v23 =	vadd.f32 v39, v26;
	[tilespmem:v2+s18+$0x0] =	vst.idx.add.f32.msk $0xffff, v24  }
0x66: {  	[tilespmem:v3+s18+$0x0] =	vst.idx.add.f32.msk $0xffff, v25  }
0x67: {  	[tilespmem:v4+s18+$0x0] =	vst.idx.add.f32.msk $0xffff, v23  }
0x68: {  	v23 =	vld [tilespmem:s31+$0xFFFFFF00]  }
0x69: {  	v24 =	vld [tilespmem:s1+$0xFFFFFF00]  }
0x6a: {  	v25 =	vld [tilespmem:s31+$0xFFFFFF40]  }
0x6b: {  	v40 =	vld [tilespmem:s1+$0xFFFFFF40]  }
0x6c: {  	v41 =	vld [tilespmem:s31+$0xFFFFFF80]  }
0x6d: {  	v42 =	vld [tilespmem:s1+$0xFFFFFF80]  }
0x6e: {  	v43 =	vld [tilespmem:s31+$0xFFFFFFC0]  }
0x6f: {  	v44 =	vld [tilespmem:s1+$0xFFFFFFC0]  }
0x70: {  	v45 =	vld [tilespmem:s31+$0xFFFFFF10]  }
0x71: {  	v46 =	vld [tilespmem:s1+$0xFFFFFF10]  }
0x72: {  	v47 =	vld [tilespmem:s31+$0xFFFFFF50]  }
0x73: {  	v48 =	vld [tilespmem:s1+$0xFFFFFF50]  }
0x74: {  	v50 =	vld [tilespmem:s31+$0xFFFFFF90]  }
0x75: {  	v52 =	vld [tilespmem:s1+$0xFFFFFF90]  }
0x76: {  	v53 =	vld [tilespmem:s31+$0xFFFFFFD0]  }
0x77: {  	v54 =	vld [tilespmem:s1+$0xFFFFFFD0]  }
0x78: {  	v57 =	vld [tilespmem:s31+$0xFFFFFF20]  }
0x79: {  	v59 =	vld [tilespmem:s1+$0xFFFFFF20]  }
0x7a: {  	v60 =	vld [tilespmem:s31+$0xFFFFFF60];
	v23 =	vsub.bf16 v23, v24  }
0x7b: {  	v61 =	vld [tilespmem:s1+$0xFFFFFF60];
	v25 =	vsub.bf16 v25, v40;
	v27 =	vsub.bf16 v41, v42  }
0x7c: {  	v29 =	vsub.bf16 v43, v44;
	v24 =	vsub.bf16 v45, v46  }
0x7d: {  	v31 =	vsub.bf16 v47, v48;
	v28 =	vsub.bf16 v50, v52;
	v23 =	vmul.bf16 v23, v23  }
0x7e: {  	v26 =	vsub.bf16 v53, v54;
	v25 =	vmul.bf16 v25, v25;
	v27 =	vmul.bf16 v27, v27  }
0x7f: {  	v32 =	vsub.bf16 v57, v59;
	v29 =	vmul.bf16 v29, v29;
	v24 =	vmul.bf16 v24, v24  }
0x80: {  	v30 =	vsub.bf16 v60, v61;
	v31 =	vmul.bf16 v31, v31;
	v28 =	vmul.bf16 v28, v28  }
0x81: {  	v26 =	vmul.bf16 v26, v26;
	v32 =	vmul.bf16 v32, v32  }
0x82: {  	v63 =	vld [tilespmem:s31+$0xFFFFFFA0];
	v30 =	vmul.bf16 v30, v30;
	v49 =	vunpack.i.u.bf16.f32 v23;
	v23 =	vunpack.i.l.bf16.f32 v23  }
0x83: {  	v40 =	vld [tilespmem:s1+$0xFFFFFFA0];
	v51 =	vunpack.i.u.bf16.f32 v25;
	v25 =	vunpack.i.l.bf16.f32 v25;
	v55 =	vunpack.i.u.bf16.f32 v27  }
0x84: {  	v42 =	vld [tilespmem:s31+$0xFFFFFFE0];
	v27 =	vunpack.i.l.bf16.f32 v27;
	v56 =	vunpack.i.u.bf16.f32 v29;
	v29 =	vunpack.i.l.bf16.f32 v29  }
0x85: {  	v45 =	vld [tilespmem:s1+$0xFFFFFFE0];
	v58 =	vunpack.i.u.bf16.f32 v24;
	v24 =	vunpack.i.l.bf16.f32 v24;
	v62 =	vunpack.i.u.bf16.f32 v31  }
0x86: {  	v57 =	vld [tilespmem:s31+$0xFFFFFFF0];
	v31 =	vunpack.i.l.bf16.f32 v31;
	v41 =	vunpack.i.u.bf16.f32 v28;
	v28 =	vunpack.i.l.bf16.f32 v28  }
0x87: {  	v59 =	vld [tilespmem:s1+$0xFFFFFFF0];
	v44 =	vunpack.i.u.bf16.f32 v26;
	v23 =	vadd.f32 v23, v49;
	v25 =	vadd.f32 v25, v51  }
0x88: {  	v26 =	vunpack.i.l.bf16.f32 v26;
	v27 =	vadd.f32 v27, v55;
	v29 =	vadd.f32 v29, v56  }
0x89: {  	v48 =	vunpack.i.u.bf16.f32 v32;
	v24 =	vadd.f32 v24, v58;
	v39 =	vadd.f32 v31, v62  }
0x8a: {  	v46 =	vld [tilespmem:s31+$0xFFFFFF30];
	v32 =	vunpack.i.l.bf16.f32 v32;
	v43 =	vadd.f32 v28, v41;
	v26 =	vadd.f32 v26, v44  }
0x8b: {  	v47 =	vld [tilespmem:s1+$0xFFFFFF30];
	v28 =	vadd.f32 v32, v48;
	v31 =	vsub.bf16 v63, v40;
	v51 =	vunpack.i.u.bf16.f32 v30  }
0x8c: {  	v50 =	vld [tilespmem:s1+$0xFFFFFF70];
	v30 =	vunpack.i.l.bf16.f32 v30;
	v34 =	vsub.bf16 v42, v45;
	v33 =	vsub.bf16 v57, v59  }
0x8d: {  	v52 =	vld [tilespmem:s31+$0xFFFFFFB0];
	v53 =	vadd.f32 v30, v51;
	v23 =	vadd.f32 v24, v23  }
0x8e: {  	v49 =	vld [tilespmem:s31+$0xFFFFFF70];
	v24 =	vadd.f32 v39, v25;
	v25 =	vadd.f32 v43, v27  }
0x8f: {  	v55 =	vld [tilespmem:s1+$0xFFFFFFB0];
	v26 =	vadd.f32 v26, v29;
	v54 =	vmul.bf16 v31, v31;
	v56 =	vmul.bf16 v34, v34  }
0x90: {  	v27 =	vsub.bf16 v46, v47;
	v23 =	vadd.f32 v28, v23  }
0x91: {  	v58 =	vunpack.i.u.bf16.f32 v54;
	v30 =	vunpack.i.l.bf16.f32 v54;
	v60 =	vunpack.i.u.bf16.f32 v56  }
0x92: {  	v28 =	vunpack.i.l.bf16.f32 v56;
	v27 =	vmul.bf16 v27, v27;
	v29 =	vadd.f32 v30, v58  }
0x93: {  	v36 =	vmul.bf16 v33, v33;
	v28 =	vadd.f32 v28, v60;
	v32 =	vsub.bf16 v49, v50  }
0x94: {  	v62 =	vsub.bf16 v52, v55;
	v61 =	vunpack.i.u.bf16.f32 v27;
	v27 =	vunpack.i.l.bf16.f32 v27  }
0x95: {  	v24 =	vadd.f32 v53, v24;
	v27 =	vadd.f32 v27, v61;
	v63 =	vmul.bf16 v32, v32  }
0x96: {  	v25 =	vadd.f32 v29, v25;
	v26 =	vadd.f32 v28, v26;
	v34 =	vmul.bf16 v62, v62  }
0x97: {  	v23 =	vadd.f32 v27, v23;
	v35 =	vunpack.i.u.bf16.f32 v63;
	v29 =	vunpack.i.l.bf16.f32 v63  }
0x98: {  	v37 =	vunpack.i.u.bf16.f32 v34;
	v27 =	vunpack.i.l.bf16.f32 v34;
	v28 =	vadd.f32 v29, v35  }
0x99: {  	v38 =	vunpack.i.u.bf16.f32 v36;
	v30 =	vunpack.i.l.bf16.f32 v36;
	v27 =	vadd.f32 v27, v37  }
0x9a: {  	v39 =	vadd.f32 v30, v38;
	v24 =	vadd.f32 v28, v24  }
0x9b: {  	[tilespmem:v5+s18+$0x0] =	vst.idx.add.f32.msk $0xffff, v23;
	v25 =	vadd.f32 v27, v25  }
0x9c: {  	v23 =	vadd.f32 v39, v26;
	[tilespmem:v6+s18+$0x0] =	vst.idx.add.f32.msk $0xffff, v24  }
0x9d: {  	[tilespmem:v7+s18+$0x0] =	vst.idx.add.f32.msk $0xffff, v25  }
0x9e: {  	[tilespmem:v8+s18+$0x0] =	vst.idx.add.f32.msk $0xffff, v23  }
0x9f: {  	v23 =	vld [tilespmem:s31+$0x0]  }
0xa0: {  	v24 =	vld [tilespmem:s1+$0x0]  }
0xa1: {  	v25 =	vld [tilespmem:s31+$0x40]  }
0xa2: {  	v40 =	vld [tilespmem:s1+$0x40]  }
0xa3: {  	v41 =	vld [tilespmem:s31+$0x80]  }
0xa4: {  	v42 =	vld [tilespmem:s1+$0x80]  }
0xa5: {  	v43 =	vld [tilespmem:s31+$0xC0]  }
0xa6: {  	v44 =	vld [tilespmem:s1+$0xC0]  }
0xa7: {  	v45 =	vld [tilespmem:s31+$0x10]  }
0xa8: {  	v46 =	vld [tilespmem:s1+$0x10]  }
0xa9: {  	v47 =	vld [tilespmem:s31+$0x50]  }
0xaa: {  	v48 =	vld [tilespmem:s1+$0x50]  }
0xab: {  	v50 =	vld [tilespmem:s31+$0x90]  }
0xac: {  	v52 =	vld [tilespmem:s1+$0x90]  }
0xad: {  	v53 =	vld [tilespmem:s31+$0xD0]  }
0xae: {  	v54 =	vld [tilespmem:s1+$0xD0]  }
0xaf: {  	v57 =	vld [tilespmem:s31+$0x20]  }
0xb0: {  	v59 =	vld [tilespmem:s1+$0x20]  }
0xb1: {  	v60 =	vld [tilespmem:s31+$0x60];
	v23 =	vsub.bf16 v23, v24  }
0xb2: {  	v61 =	vld [tilespmem:s1+$0x60];
	v25 =	vsub.bf16 v25, v40;
	v27 =	vsub.bf16 v41, v42  }
0xb3: {  	v29 =	vsub.bf16 v43, v44;
	v24 =	vsub.bf16 v45, v46  }
0xb4: {  	v31 =	vsub.bf16 v47, v48;
	v28 =	vsub.bf16 v50, v52;
	v23 =	vmul.bf16 v23, v23  }
0xb5: {  	v26 =	vsub.bf16 v53, v54;
	v25 =	vmul.bf16 v25, v25;
	v27 =	vmul.bf16 v27, v27  }
0xb6: {  	v32 =	vsub.bf16 v57, v59;
	v29 =	vmul.bf16 v29, v29;
	v24 =	vmul.bf16 v24, v24  }
0xb7: {  	v30 =	vsub.bf16 v60, v61;
	v31 =	vmul.bf16 v31, v31;
	v28 =	vmul.bf16 v28, v28  }
0xb8: {  	v26 =	vmul.bf16 v26, v26;
	v32 =	vmul.bf16 v32, v32  }
0xb9: {  	v63 =	vld [tilespmem:s31+$0xA0];
	v30 =	vmul.bf16 v30, v30;
	v49 =	vunpack.i.u.bf16.f32 v23;
	v23 =	vunpack.i.l.bf16.f32 v23  }
0xba: {  	v40 =	vld [tilespmem:s1+$0xA0];
	v51 =	vunpack.i.u.bf16.f32 v25;
	v25 =	vunpack.i.l.bf16.f32 v25;
	v55 =	vunpack.i.u.bf16.f32 v27  }
0xbb: {  	v42 =	vld [tilespmem:s31+$0xE0];
	v27 =	vunpack.i.l.bf16.f32 v27;
	v56 =	vunpack.i.u.bf16.f32 v29;
	v29 =	vunpack.i.l.bf16.f32 v29  }
0xbc: {  	v45 =	vld [tilespmem:s1+$0xE0];
	v58 =	vunpack.i.u.bf16.f32 v24;
	v24 =	vunpack.i.l.bf16.f32 v24;
	v62 =	vunpack.i.u.bf16.f32 v31  }
0xbd: {  	v57 =	vld [tilespmem:s31+$0xF0];
	v31 =	vunpack.i.l.bf16.f32 v31;
	v41 =	vunpack.i.u.bf16.f32 v28;
	v28 =	vunpack.i.l.bf16.f32 v28  }
0xbe: {  	v59 =	vld [tilespmem:s1+$0xF0];
	v44 =	vunpack.i.u.bf16.f32 v26;
	v23 =	vadd.f32 v23, v49;
	v25 =	vadd.f32 v25, v51  }
0xbf: {  	v26 =	vunpack.i.l.bf16.f32 v26;
	v27 =	vadd.f32 v27, v55;
	v29 =	vadd.f32 v29, v56  }
0xc0: {  	v48 =	vunpack.i.u.bf16.f32 v32;
	v24 =	vadd.f32 v24, v58;
	v39 =	vadd.f32 v31, v62  }
0xc1: {  	v46 =	vld [tilespmem:s31+$0x30];
	v32 =	vunpack.i.l.bf16.f32 v32;
	v43 =	vadd.f32 v28, v41;
	v26 =	vadd.f32 v26, v44  }
0xc2: {  	v47 =	vld [tilespmem:s1+$0x30];
	v28 =	vadd.f32 v32, v48;
	v31 =	vsub.bf16 v63, v40;
	v51 =	vunpack.i.u.bf16.f32 v30  }
0xc3: {  	v50 =	vld [tilespmem:s1+$0x70];
	v30 =	vunpack.i.l.bf16.f32 v30;
	v34 =	vsub.bf16 v42, v45;
	v35 =	vsub.bf16 v57, v59  }
0xc4: {  	v52 =	vld [tilespmem:s31+$0xB0];
	v53 =	vadd.f32 v30, v51;
	v23 =	vadd.f32 v24, v23  }
0xc5: {  	v49 =	vld [tilespmem:s31+$0x70];
	v24 =	vadd.f32 v39, v25;
	v25 =	vadd.f32 v43, v27  }
0xc6: {  	v55 =	vld [tilespmem:s1+$0xB0];
	v26 =	vadd.f32 v26, v29;
	v54 =	vmul.bf16 v31, v31;
	v56 =	vmul.bf16 v34, v34  }
0xc7: {  	v27 =	vsub.bf16 v46, v47;
	v23 =	vadd.f32 v28, v23  }
0xc8: {  	v58 =	vunpack.i.u.bf16.f32 v54;
	v30 =	vunpack.i.l.bf16.f32 v54;
	v60 =	vunpack.i.u.bf16.f32 v56  }
0xc9: {  	v28 =	vunpack.i.l.bf16.f32 v56;
	v27 =	vmul.bf16 v27, v27;
	v29 =	vadd.f32 v30, v58  }
0xca: {  	v38 =	vmul.bf16 v35, v35;
	v28 =	vadd.f32 v28, v60;
	v32 =	vsub.bf16 v49, v50  }
0xcb: {  	v62 =	vsub.bf16 v52, v55;
	v61 =	vunpack.i.u.bf16.f32 v27;
	v27 =	vunpack.i.l.bf16.f32 v27  }
0xcc: {  	v24 =	vadd.f32 v53, v24;
	v27 =	vadd.f32 v27, v61;
	v63 =	vmul.bf16 v32, v32  }
0xcd: {  	v25 =	vadd.f32 v29, v25;
	v26 =	vadd.f32 v28, v26;
	v36 =	vmul.bf16 v62, v62  }
0xce: {  	v23 =	vadd.f32 v27, v23;
	v37 =	vunpack.i.u.bf16.f32 v63;
	v29 =	vunpack.i.l.bf16.f32 v63  }
0xcf: {  	v39 =	vunpack.i.u.bf16.f32 v36;
	v27 =	vunpack.i.l.bf16.f32 v36;
	v28 =	vadd.f32 v29, v37  }
0xd0: {  	v40 =	vunpack.i.u.bf16.f32 v38;
	v30 =	vunpack.i.l.bf16.f32 v38;
	v27 =	vadd.f32 v27, v39  }
0xd1: {  	v41 =	vadd.f32 v30, v40;
	v24 =	vadd.f32 v28, v24  }
0xd2: {  	[tilespmem:v9+s18+$0x0] =	vst.idx.add.f32.msk $0xffff, v23;
	v25 =	vadd.f32 v27, v25  }
0xd3: {  	v23 =	vadd.f32 v41, v26;
	[tilespmem:v10+s18+$0x0] =	vst.idx.add.f32.msk $0xffff, v24  }
0xd4: {  	[tilespmem:v11+s18+$0x0] =	vst.idx.add.f32.msk $0xffff, v25  }
0xd5: {  	[tilespmem:v12+s18+$0x0] =	vst.idx.add.f32.msk $0xffff, v23  }
0xd6: {  	v23 =	vld [tilespmem:s31+$0x100]  }
0xd7: {  	v24 =	vld [tilespmem:s1+$0x100]  }
0xd8: {  	v25 =	vld [tilespmem:s31+$0x140]  }
0xd9: {  	v42 =	vld [tilespmem:s1+$0x140]  }
0xda: {  	v43 =	vld [tilespmem:s31+$0x180]  }
0xdb: {  	v44 =	vld [tilespmem:s1+$0x180]  }
0xdc: {  	v45 =	vld [tilespmem:s31+$0x1C0]  }
0xdd: {  	v46 =	vld [tilespmem:s1+$0x1C0]  }
0xde: {  	v47 =	vld [tilespmem:s31+$0x110]  }
0xdf: {  	v48 =	vld [tilespmem:s1+$0x110]  }
0xe0: {  	v49 =	vld [tilespmem:s31+$0x150]  }
0xe1: {  	v50 =	vld [tilespmem:s1+$0x150]  }
0xe2: {  	v52 =	vld [tilespmem:s31+$0x190]  }
0xe3: {  	v54 =	vld [tilespmem:s1+$0x190]  }
0xe4: {  	v55 =	vld [tilespmem:s31+$0x1D0]  }
0xe5: {  	v56 =	vld [tilespmem:s1+$0x1D0]  }
0xe6: {  	v59 =	vld [tilespmem:s31+$0x120]  }
0xe7: {  	v61 =	vld [tilespmem:s1+$0x120]  }
0xe8: {  	v62 =	vld [tilespmem:s31+$0x160];
	v23 =	vsub.bf16 v23, v24  }
0xe9: {  	v63 =	vld [tilespmem:s1+$0x160];
	v25 =	vsub.bf16 v25, v42;
	v27 =	vsub.bf16 v43, v44  }
0xea: {  	v29 =	vsub.bf16 v45, v46;
	v24 =	vsub.bf16 v47, v48  }
0xeb: {  	v31 =	vsub.bf16 v49, v50;
	v28 =	vsub.bf16 v52, v54  }
0xec: {  	v26 =	vsub.bf16 v55, v56;
	v23 =	vmul.bf16 v23, v23;
	v25 =	vmul.bf16 v25, v25  }
0xed: {  	v32 =	vsub.bf16 v59, v61;
	v27 =	vmul.bf16 v27, v27;
	v29 =	vmul.bf16 v29, v29  }
0xee: {  	v30 =	vsub.bf16 v62, v63;
	v24 =	vmul.bf16 v24, v24;
	v31 =	vmul.bf16 v31, v31  }
0xef: {  	v28 =	vmul.bf16 v28, v28;
	v26 =	vmul.bf16 v26, v26  }
0xf0: {  	v32 =	vmul.bf16 v32, v32;
	v30 =	vmul.bf16 v30, v30;
	v51 =	vunpack.i.u.bf16.f32 v23  }
0xf1: {  	v23 =	vunpack.i.l.bf16.f32 v23;
	v53 =	vunpack.i.u.bf16.f32 v25;
	v25 =	vunpack.i.l.bf16.f32 v25  }
0xf2: {  	v41 =	vld [tilespmem:s31+$0x1A0];
	v57 =	vunpack.i.u.bf16.f32 v27;
	v27 =	vunpack.i.l.bf16.f32 v27;
	v58 =	vunpack.i.u.bf16.f32 v29  }
0xf3: {  	v43 =	vld [tilespmem:s1+$0x1A0];
	v29 =	vunpack.i.l.bf16.f32 v29;
	v60 =	vunpack.i.u.bf16.f32 v24;
	v24 =	vunpack.i.l.bf16.f32 v24  }
0xf4: {  	v45 =	vld [tilespmem:s31+$0x1E0];
	v40 =	vunpack.i.u.bf16.f32 v31;
	v31 =	vunpack.i.l.bf16.f32 v31;
	v44 =	vunpack.i.u.bf16.f32 v28  }
0xf5: {  	v48 =	vld [tilespmem:s1+$0x1E0];
	v28 =	vunpack.i.l.bf16.f32 v28;
	v47 =	vunpack.i.u.bf16.f32 v26;
	v23 =	vadd.f32 v23, v51  }
0xf6: {  	v49 =	vld [tilespmem:s31+$0x130];
	v26 =	vunpack.i.l.bf16.f32 v26;
	v25 =	vadd.f32 v25, v53;
	v27 =	vadd.f32 v27, v57  }
0xf7: {  	v50 =	vld [tilespmem:s1+$0x130];
	v54 =	vunpack.i.u.bf16.f32 v30;
	v29 =	vadd.f32 v29, v58;
	v24 =	vadd.f32 v24, v60  }
0xf8: {  	v52 =	vld [tilespmem:s31+$0x170];
	v30 =	vunpack.i.l.bf16.f32 v30;
	v42 =	vadd.f32 v31, v40;
	v46 =	vadd.f32 v28, v44  }
0xf9: {  	v55 =	vld [tilespmem:s31+$0x1B0];
	v26 =	vadd.f32 v26, v47;
	v51 =	vunpack.i.u.bf16.f32 v32;
	v31 =	vsub.bf16 v41, v43  }
0xfa: {  	v62 =	vld [tilespmem:s1+$0x1F0];
	v32 =	vunpack.i.l.bf16.f32 v32;
	v34 =	vsub.bf16 v45, v48;
	v56 =	vadd.f32 v30, v54  }
0xfb: {  	v53 =	vld [tilespmem:s1+$0x170];
	v28 =	vadd.f32 v32, v51;
	v23 =	vadd.f32 v24, v23  }
0xfc: {  	v58 =	vld [tilespmem:s1+$0x1B0];
	v24 =	vadd.f32 v42, v25;
	v25 =	vadd.f32 v46, v27;
	v57 =	vmul.bf16 v31, v31  }
0xfd: {  	v60 =	vld [tilespmem:s31+$0x1F0];
	v26 =	vadd.f32 v26, v29;
	v59 =	vmul.bf16 v34, v34;
	v27 =	vsub.bf16 v49, v50  }
0xfe: {  	v23 =	vadd.f32 v28, v23;
	v24 =	vadd.f32 v56, v24;
	v61 =	vunpack.i.u.bf16.f32 v57  }
0xff: {  	v30 =	vunpack.i.l.bf16.f32 v57;
	v63 =	vunpack.i.u.bf16.f32 v59;
	v28 =	vunpack.i.l.bf16.f32 v59  }
0x100: {  	v27 =	vmul.bf16 v27, v27;
	v29 =	vadd.f32 v30, v61;
	v28 =	vadd.f32 v28, v63  }
0x101: {  	v37 =	vsub.bf16 v52, v53;
	v31 =	vsub.bf16 v55, v58  }
0x102: {  	v39 =	vsub.bf16 v60, v62;
	v38 =	vunpack.i.u.bf16.f32 v27;
	v27 =	vunpack.i.l.bf16.f32 v27  }
0x103: {  	v27 =	vadd.f32 v27, v38;
	v25 =	vadd.f32 v29, v25;
	v30 =	vmul.bf16 v37, v37  }
0x104: {  	v26 =	vadd.f32 v28, v26;
	v40 =	vmul.bf16 v31, v31;
	v29 =	vmul.bf16 v39, v39  }
0x105: {  	v23 =	vadd.f32 v27, v23;
	v41 =	vunpack.i.u.bf16.f32 v30;
	v30 =	vunpack.i.l.bf16.f32 v30  }
0x106: {  	v42 =	vunpack.i.u.bf16.f32 v40;
	v27 =	vunpack.i.l.bf16.f32 v40;
	v28 =	vadd.f32 v30, v41  }
0x107: {  	v43 =	vunpack.i.u.bf16.f32 v29;
	v29 =	vunpack.i.l.bf16.f32 v29;
	v27 =	vadd.f32 v27, v42  }
0x108: {  	v44 =	vadd.f32 v29, v43;
	v24 =	vadd.f32 v28, v24  }
0x109: {  	[tilespmem:v13+s18+$0x0] =	vst.idx.add.f32.msk $0xffff, v23;
	v25 =	vadd.f32 v27, v25  }
0x10a: {  	v23 =	vadd.f32 v44, v26;
	[tilespmem:v14+s18+$0x0] =	vst.idx.add.f32.msk $0xffff, v24  }
0x10b: {  	[tilespmem:v15+s18+$0x0] =	vst.idx.add.f32.msk $0xffff, v25  }
0x10c: {  	[tilespmem:v16+s18+$0x0] =	vst.idx.add.f32.msk $0xffff, v23  }
0x10d: {  	v23 =	vld [tilespmem:$0xC530]  }
0x10e: {  	v24 =	vld [tilespmem:$0xC541]  }
0x10f: {  	v25 =	vld [tilespmem:$0xC552]  }
0x110: {  	v45 =	vld [tilespmem:$0xC563]  }
0x111: {  	v46 =	vld [tilespmem:$0xC574]  }
0x112: {  	v47 =	vld [tilespmem:$0xC585]  }
0x113: {  	v48 =	vld [tilespmem:$0xC596]  }
0x114: {  	v49 =	vld [tilespmem:$0xC5A7];
	_ =	sdelay $0x3  }
0x115: {  	v23 =	vadd.f32 v24, v23;
	v50 =	vadd.f32 v45, v25  }
0x116: {  	v51 =	vadd.f32 v47, v46;
	v52 =	vadd.f32 v49, v48;
	_ =	sdelay $0x1  }
0x117: {  	v23 =	vadd.f32 v50, v23;
	v53 =	vadd.f32 v52, v51;
	_ =	sdelay $0x1  }
0x118: {  	v23 =	vadd.f32 v53, v23;
	_ =	sdelay $0x1  }
0x119: {  	v24 =	vshrl.u32 v23, $0x1;
	v54 =	vmul.f32 $5.000000000e-01, v23  }
0x11a: {  	v24 =	vsub.s32 $0x5F3759DF, v24  }
0x11b: {  	v55 =	vmul.f32 v24, v54;
	_ =	sdelay $0x1  }
0x11c: {  	v26 =	vmul.f32 v24, v55;
	_ =	sdelay $0x1  }
0x11d: {  	v26 =	vsub.f32 $1.500000000e+00, v26;
	_ =	sdelay $0x1  }
0x11e: {  	v24 =	vmul.f32 v24, v26;
	_ =	sdelay $0x1  }
0x11f: {  	v26 =	vmul.f32 v24, v54;
	_ =	sdelay $0x1  }
0x120: {  	v26 =	vmul.f32 v26, v24;
	_ =	sdelay $0x1  }
0x121: {  	v26 =	vsub.f32 $1.500000000e+00, v26;
	_ =	sdelay $0x1  }
0x122: {  	v24 =	vmul.f32 v26, v24;
	_ =	sdelay $0x1  }
0x123: {  	v25 =	vmul.f32 v24, v54;
	_ =	sdelay $0x1  }
0x124: {  	v25 =	vmul.f32 v25, v24;
	_ =	sdelay $0x1  }
0x125: {  	v25 =	vsub.f32 $1.500000000e+00, v25;
	_ =	sdelay $0x1  }
0x126: {  	v24 =	vmul.f32 v25, v24;
	_ =	sdelay $0x1  }
0x127: {  	v24 =	vmul.f32 v24, v23  }
0x128: {  	vm0 =	vgt.f32 v23, $9.999999910e-38  }
0x129: {  	v23 =	vnsel vm0, $0x0, v24  }
0x12a: {  	v24 =	vsub.f32 $0.0e+00, v23;
	_ =	sdelay $0x1  }
0x12b: {  	v24 =	vmul.f32 $1.442695020e+00, v24;
	_ =	sdelay $0x1  }
0x12c: {  	(erf) = vpow2.f32 v24;
	_ =	sdelay $0x8  }
0x12d: {  	v24 =	vpop (erf)  }
0x12e: {  	v24 =	vsub.f32 $1.000000000e+00, v24;
	_ =	sdelay $0x1  }
0x12f: {  	v56 =	vmax.f32 v24, $1.000000000e-30  }
0x130: {  	v57 =	vand.u32 $0x7FFFFF, v56  }
0x131: {  	v26 =	vor.u32 $0x3F800000, v57  }
0x132: {  	v26 =	vadd.f32 $-1.500000000e+00, v26;
	_ =	sdelay $0x1  }
0x133: {  	v58 =	vmul.f32 $-2.317854670e-03, v26;
	_ =	sdelay $0x1  }
0x134: {  	v27 =	vadd.f32 $3.752624150e-03, v58;
	_ =	sdelay $0x1  }
0x135: {  	v27 =	vmul.f32 v27, v26;
	_ =	sdelay $0x1  }
0x136: {  	v27 =	vadd.f32 $-4.702811600e-03, v27;
	_ =	sdelay $0x1  }
0x137: {  	v27 =	vmul.f32 v27, v26;
	_ =	sdelay $0x1  }
0x138: {  	v27 =	vadd.f32 $8.132977410e-03, v27;
	_ =	sdelay $0x1  }
0x139: {  	v27 =	vmul.f32 v27, v26;
	_ =	sdelay $0x1  }
0x13a: {  	v27 =	vadd.f32 $-1.465523620e-02, v27;
	_ =	sdelay $0x1  }
0x13b: {  	v27 =	vmul.f32 v27, v26;
	_ =	sdelay $0x1  }
0x13c: {  	v27 =	vadd.f32 $2.636311390e-02, v27;
	_ =	sdelay $0x1  }
0x13d: {  	v27 =	vmul.f32 v27, v26;
	_ =	sdelay $0x1  }
0x13e: {  	v27 =	vadd.f32 $-4.938132320e-02, v27;
	_ =	sdelay $0x1  }
0x13f: {  	v27 =	vmul.f32 v27, v26;
	_ =	sdelay $0x1  }
0x140: {  	s0 =	sshra.s32 s30, $0x2;
	v27 =	vadd.f32 $9.876426300e-02, v27  }
0x141: {  	v59 =	vld.idx.msk [tilespmem:v21+s0+$0x0 ss:$0x1], $0xffff  }
0x142: {  	v60 =	vld.idx.msk [tilespmem:v22+s0+$0x0 ss:$0x1], $0xffff;
	v27 =	vmul.f32 v27, v26;
	_ =	sdelay $0x1  }
0x143: {  	v27 =	vadd.f32 $-2.222222540e-01, v27;
	_ =	sdelay $0x1  }
0x144: {  	v27 =	vmul.f32 v27, v26;
	_ =	sdelay $0x1  }
0x145: {  	v25 =	vshrl.u32 v56, $0x17;
	v27 =	vadd.f32 $6.666666860e-01, v27  }
0x146: {  	v28 =	vld.idx.msk [tilespmem:v59+s9+$0x0], $0xffff;
	v25 =	vadd.s32 $0xFFFFFF81, v25  }
0x147: {  	v61 =	vld.idx.msk [tilespmem:v60+s9+$0x0], $0xffff;
	v25 =	vcvt.s32.f32 v25;
	v26 =	vmul.f32 v27, v26;
	_ =	sdelay $0x1  }
0x148: {  	v25 =	vmul.f32 $6.931471820e-01, v25;
	v26 =	vadd.f32 $4.054650960e-01, v26;
	_ =	sdelay $0x1  }
0x149: {  	vm14 =	vge.f32 v28, $8.000000110e-01;
	v25 =	vadd.f32 v26, v25  }
0x14a: {  	vm1 =	vge.f32 v61, $8.000000110e-01;
	vm2 =	vlt.f32 v28, $6.000000240e-01;
	vm3 =	vlt.f32 v61, $6.000000240e-01  }
0x14b: {  	vm4 =	vmand vm14, vm1;
	vm5 =	vmand vm2, vm3;
	v25 =	vsub.f32 $0.0e+00, v25  }
0x14c: {  	p0 =	sne.s32 s30, $0x100;
	vm1 =	vmand vm2, vm1;
	vm4 =	vmor vm4, vm5;
	vm0 =	vmand vm14, vm3  }
.Ltmp0:
0x14d: {  	v23 =	vmin.f32 v23, $1.000000000e+02;
	vm15 =	vgt.f32 v24, $0.0e+00;
	v62 =	vmin.f32 v25, $1.000000000e+02;
	(pc) =	sbr.rel @p0 .LBB2_3-.Ltmp0, $4  }
0x14e: {  	vm0 =	vmor vm0, vm1;
	v23 =	vnsel vm4, $0x0, v23;
	v24 =	vnsel vm15, $0x42C80000, v62  }
0x14f: {  	v20 =	vadd.f32 v23, v20;
	v23 =	vnsel vm0, $0x0, v24  }
0x150: {  	v63 =	vsel vm0, $0x3F800000, v1;
	v19 =	vadd.f32 v23, v19;
	v23 =	vsel vm4, $0x3F800000, v1  }
0x151: {  	s30 =	sadd.s32 $0x40, s30;
	s31 =	sadd.s32 $0x400, s31;
	s1 =	sadd.s32 $0x400, s1;
	v17 =	vadd.f32 v63, v17;
	v18 =	vadd.f32 v23, v18  }
0x152: {  	s0 =	sadd.s32 $0xA0, s29  }
0x153: {  	[tilespmem:s11], [sflag:$0x1] =	stream.indirect.gather [hbm4b:s2+s13], $0x40, s0, s13, $0xb8;
	[tilespmem:$0xC600] =	vst v63  }
0x154: {  	s31 =	sadd.s32 $0x27B0, s29  }
0x155: {  	[tilespmem:s12], [sflag:$0x2] =	stream.indirect.gather [hbm4b:s2+s13], $0x40, s31, s13, $0xb8;
	[tilespmem:$0xC600] =	vst v63  }
0x156: {  	_ =	swait.ge [sflag:s19], $0x1400  }
0x157: {  	[sflag:s19] =	ssyncset.done $0x0  }
0x158: {  	[sflag:s19] =	ssyncadd.s32 $0xFFFFEC00  }
0x159: {  	_ =	swait.ge [sflag:s20], $0x1400  }
0x15a: {  	s29 =	simm.s32 $0x0;
	[sflag:s20] =	ssyncset.done $0x0  }
0x15b: {  	s30 =	simm.s32 $0x9F30;
	s1 =	simm.s32 $0xB330;
	v21 =	vmov s25;
	v22 =	vmov s24;
	[sflag:s20] =	ssyncadd.s32 $0xFFFFEC00  }
.LBB2_5:
0x15c: {  	[tilespmem:$0xC530] =	vst v1  }
0x15d: {  	[tilespmem:$0xC540] =	vst v1  }
0x15e: {  	[tilespmem:$0xC550] =	vst v1  }
0x15f: {  	[tilespmem:$0xC560] =	vst v1  }
0x160: {  	[tilespmem:$0xC570] =	vst v1  }
0x161: {  	[tilespmem:$0xC580] =	vst v1  }
0x162: {  	[tilespmem:$0xC590] =	vst v1  }
0x163: {  	[tilespmem:$0xC5A0] =	vst v1  }
0x164: {  	[tilespmem:$0xC5B0] =	vst v1  }
0x165: {  	v23 =	vld [tilespmem:s30+$0xFFFFFE00]  }
0x166: {  	v24 =	vld [tilespmem:s1+$0xFFFFFE00]  }
0x167: {  	v25 =	vld [tilespmem:s30+$0xFFFFFE40]  }
0x168: {  	v26 =	vld [tilespmem:s1+$0xFFFFFE40]  }
0x169: {  	v27 =	vld [tilespmem:s30+$0xFFFFFE80]  }
0x16a: {  	v28 =	vld [tilespmem:s1+$0xFFFFFE80]  }
0x16b: {  	v29 =	vld [tilespmem:s30+$0xFFFFFEC0]  }
0x16c: {  	v30 =	vld [tilespmem:s1+$0xFFFFFEC0]  }
0x16d: {  	v51 =	vld [tilespmem:s30+$0xFFFFFE10]  }
0x16e: {  	v52 =	vld [tilespmem:s1+$0xFFFFFE10]  }
0x16f: {  	v31 =	vld [tilespmem:s30+$0xFFFFFE50]  }
0x170: {  	v32 =	vld [tilespmem:s1+$0xFFFFFE50]  }
0x171: {  	v53 =	vld [tilespmem:s30+$0xFFFFFE90]  }
0x172: {  	v54 =	vld [tilespmem:s1+$0xFFFFFE90]  }
0x173: {  	v55 =	vld [tilespmem:s30+$0xFFFFFED0]  }
0x174: {  	v56 =	vld [tilespmem:s1+$0xFFFFFED0]  }
0x175: {  	v58 =	vld [tilespmem:s30+$0xFFFFFE20]  }
0x176: {  	v60 =	vld [tilespmem:s1+$0xFFFFFE20]  }
0x177: {  	v61 =	vld [tilespmem:s30+$0xFFFFFE60];
	v23 =	vsub.bf16 v23, v24  }
0x178: {  	v62 =	vld [tilespmem:s1+$0xFFFFFE60];
	v25 =	vsub.bf16 v25, v26;
	v27 =	vsub.bf16 v27, v28  }
0x179: {  	v29 =	vsub.bf16 v29, v30;
	v24 =	vsub.bf16 v51, v52  }
0x17a: {  	v31 =	vsub.bf16 v31, v32;
	v28 =	vsub.bf16 v53, v54  }
0x17b: {  	v26 =	vsub.bf16 v55, v56;
	v23 =	vmul.bf16 v23, v23;
	v25 =	vmul.bf16 v25, v25  }
0x17c: {  	v32 =	vsub.bf16 v58, v60;
	v27 =	vmul.bf16 v27, v27;
	v29 =	vmul.bf16 v29, v29  }
0x17d: {  	v30 =	vsub.bf16 v61, v62;
	v24 =	vmul.bf16 v24, v24;
	v31 =	vmul.bf16 v31, v31  }
0x17e: {  	v28 =	vmul.bf16 v28, v28;
	v26 =	vmul.bf16 v26, v26  }
0x17f: {  	v36 =	vld [tilespmem:s30+$0xFFFFFEA0];
	v32 =	vmul.bf16 v32, v32;
	v30 =	vmul.bf16 v30, v30  }
0x180: {  	v41 =	vld [tilespmem:s1+$0xFFFFFEA0];
	v33 =	vunpack.i.u.bf16.f32 v23;
	v23 =	vunpack.i.l.bf16.f32 v23;
	v34 =	vunpack.i.u.bf16.f32 v25  }
0x181: {  	v43 =	vld [tilespmem:s30+$0xFFFFFEE0];
	v25 =	vunpack.i.l.bf16.f32 v25;
	v57 =	vunpack.i.u.bf16.f32 v27;
	v27 =	vunpack.i.l.bf16.f32 v27  }
0x182: {  	v46 =	vld [tilespmem:s1+$0xFFFFFEE0];
	v35 =	vunpack.i.u.bf16.f32 v29;
	v29 =	vunpack.i.l.bf16.f32 v29;
	v59 =	vunpack.i.u.bf16.f32 v24  }
0x183: {  	v37 =	vld [tilespmem:s30+$0xFFFFFE70];
	v24 =	vunpack.i.l.bf16.f32 v24;
	v63 =	vunpack.i.u.bf16.f32 v31;
	v31 =	vunpack.i.l.bf16.f32 v31  }
0x184: {  	v50 =	vld [tilespmem:s1+$0xFFFFFE70];
	v42 =	vunpack.i.u.bf16.f32 v28;
	v28 =	vunpack.i.l.bf16.f32 v28;
	v45 =	vunpack.i.u.bf16.f32 v26  }
0x185: {  	v52 =	vld [tilespmem:s30+$0xFFFFFEB0];
	v26 =	vunpack.i.l.bf16.f32 v26;
	v23 =	vadd.f32 v23, v33;
	v25 =	vadd.f32 v25, v34  }
0x186: {  	v55 =	vld [tilespmem:s1+$0xFFFFFEB0];
	v49 =	vunpack.i.u.bf16.f32 v32;
	v27 =	vadd.f32 v27, v57;
	v29 =	vadd.f32 v29, v35  }
0x187: {  	v32 =	vunpack.i.l.bf16.f32 v32;
	v24 =	vadd.f32 v24, v59;
	v40 =	vadd.f32 v31, v63  }
0x188: {  	v47 =	vld [tilespmem:s30+$0xFFFFFE30];
	v51 =	vunpack.i.u.bf16.f32 v30;
	v44 =	vadd.f32 v28, v42;
	v26 =	vadd.f32 v26, v45  }
0x189: {  	v48 =	vld [tilespmem:s1+$0xFFFFFE30];
	v30 =	vunpack.i.l.bf16.f32 v30;
	v28 =	vadd.f32 v32, v49;
	v31 =	vsub.bf16 v36, v41  }
0x18a: {  	v34 =	vsub.bf16 v43, v46;
	v53 =	vadd.f32 v30, v51  }
0x18b: {  	v32 =	vsub.bf16 v37, v50;
	v62 =	vsub.bf16 v52, v55  }
0x18c: {  	v23 =	vadd.f32 v24, v23;
	v24 =	vadd.f32 v40, v25  }
0x18d: {  	v57 =	vld [tilespmem:s30+$0xFFFFFEF0];
	v25 =	vadd.f32 v44, v27;
	v26 =	vadd.f32 v26, v29  }
0x18e: {  	v59 =	vld [tilespmem:s1+$0xFFFFFEF0];
	v54 =	vmul.bf16 v31, v31;
	v56 =	vmul.bf16 v34, v34;
	v27 =	vsub.bf16 v47, v48  }
0x18f: {  	v63 =	vmul.bf16 v32, v32;
	v34 =	vmul.bf16 v62, v62;
	v23 =	vadd.f32 v28, v23  }
0x190: {  	v24 =	vadd.f32 v53, v24;
	v58 =	vunpack.i.u.bf16.f32 v54;
	v30 =	vunpack.i.l.bf16.f32 v54  }
0x191: {  	v60 =	vunpack.i.u.bf16.f32 v56;
	v28 =	vunpack.i.l.bf16.f32 v56;
	v27 =	vmul.bf16 v27, v27  }
0x192: {  	v35 =	vunpack.i.u.bf16.f32 v63;
	v29 =	vadd.f32 v30, v58;
	v28 =	vadd.f32 v28, v60  }
0x193: {  	v33 =	vsub.bf16 v57, v59;
	v61 =	vunpack.i.u.bf16.f32 v27;
	v27 =	vunpack.i.l.bf16.f32 v27  }
0x194: {  	v37 =	vunpack.i.u.bf16.f32 v34;
	v27 =	vadd.f32 v27, v61;
	v25 =	vadd.f32 v29, v25  }
0x195: {  	v26 =	vadd.f32 v28, v26;
	v29 =	vunpack.i.l.bf16.f32 v63;
	v36 =	vmul.bf16 v33, v33  }
0x196: {  	v28 =	vadd.f32 v29, v35;
	v23 =	vadd.f32 v27, v23;
	v27 =	vunpack.i.l.bf16.f32 v34  }
0x197: {  	v38 =	vunpack.i.u.bf16.f32 v36;
	v30 =	vunpack.i.l.bf16.f32 v36;
	v27 =	vadd.f32 v27, v37  }
0x198: {  	v24 =	vadd.f32 v28, v24;
	v39 =	vadd.f32 v30, v38  }
0x199: {  	[tilespmem:v0+s18+$0x0] =	vst.idx.add.f32.msk $0xffff, v23;
	v25 =	vadd.f32 v27, v25  }
0x19a: {  	v23 =	vadd.f32 v39, v26;
	[tilespmem:v2+s18+$0x0] =	vst.idx.add.f32.msk $0xffff, v24  }
0x19b: {  	[tilespmem:v3+s18+$0x0] =	vst.idx.add.f32.msk $0xffff, v25  }
0x19c: {  	[tilespmem:v4+s18+$0x0] =	vst.idx.add.f32.msk $0xffff, v23  }
0x19d: {  	v23 =	vld [tilespmem:s30+$0xFFFFFF00]  }
0x19e: {  	v24 =	vld [tilespmem:s1+$0xFFFFFF00]  }
0x19f: {  	v25 =	vld [tilespmem:s30+$0xFFFFFF40]  }
0x1a0: {  	v40 =	vld [tilespmem:s1+$0xFFFFFF40]  }
0x1a1: {  	v41 =	vld [tilespmem:s30+$0xFFFFFF80]  }
0x1a2: {  	v42 =	vld [tilespmem:s1+$0xFFFFFF80]  }
0x1a3: {  	v43 =	vld [tilespmem:s30+$0xFFFFFFC0]  }
0x1a4: {  	v44 =	vld [tilespmem:s1+$0xFFFFFFC0]  }
0x1a5: {  	v45 =	vld [tilespmem:s30+$0xFFFFFF10]  }
0x1a6: {  	v46 =	vld [tilespmem:s1+$0xFFFFFF10]  }
0x1a7: {  	v47 =	vld [tilespmem:s30+$0xFFFFFF50]  }
0x1a8: {  	v48 =	vld [tilespmem:s1+$0xFFFFFF50]  }
0x1a9: {  	v50 =	vld [tilespmem:s30+$0xFFFFFF90]  }
0x1aa: {  	v52 =	vld [tilespmem:s1+$0xFFFFFF90]  }
0x1ab: {  	v53 =	vld [tilespmem:s30+$0xFFFFFFD0]  }
0x1ac: {  	v54 =	vld [tilespmem:s1+$0xFFFFFFD0]  }
0x1ad: {  	v57 =	vld [tilespmem:s30+$0xFFFFFF20]  }
0x1ae: {  	v59 =	vld [tilespmem:s1+$0xFFFFFF20]  }
0x1af: {  	v60 =	vld [tilespmem:s30+$0xFFFFFF60];
	v23 =	vsub.bf16 v23, v24  }
0x1b0: {  	v61 =	vld [tilespmem:s1+$0xFFFFFF60];
	v25 =	vsub.bf16 v25, v40;
	v27 =	vsub.bf16 v41, v42  }
0x1b1: {  	v29 =	vsub.bf16 v43, v44;
	v24 =	vsub.bf16 v45, v46  }
0x1b2: {  	v31 =	vsub.bf16 v47, v48;
	v28 =	vsub.bf16 v50, v52;
	v23 =	vmul.bf16 v23, v23  }
0x1b3: {  	v26 =	vsub.bf16 v53, v54;
	v25 =	vmul.bf16 v25, v25;
	v27 =	vmul.bf16 v27, v27  }
0x1b4: {  	v32 =	vsub.bf16 v57, v59;
	v29 =	vmul.bf16 v29, v29;
	v24 =	vmul.bf16 v24, v24  }
0x1b5: {  	v30 =	vsub.bf16 v60, v61;
	v31 =	vmul.bf16 v31, v31;
	v28 =	vmul.bf16 v28, v28  }
0x1b6: {  	v26 =	vmul.bf16 v26, v26;
	v32 =	vmul.bf16 v32, v32  }
0x1b7: {  	v63 =	vld [tilespmem:s30+$0xFFFFFFA0];
	v30 =	vmul.bf16 v30, v30;
	v49 =	vunpack.i.u.bf16.f32 v23;
	v23 =	vunpack.i.l.bf16.f32 v23  }
0x1b8: {  	v40 =	vld [tilespmem:s1+$0xFFFFFFA0];
	v51 =	vunpack.i.u.bf16.f32 v25;
	v25 =	vunpack.i.l.bf16.f32 v25;
	v55 =	vunpack.i.u.bf16.f32 v27  }
0x1b9: {  	v42 =	vld [tilespmem:s30+$0xFFFFFFE0];
	v27 =	vunpack.i.l.bf16.f32 v27;
	v56 =	vunpack.i.u.bf16.f32 v29;
	v29 =	vunpack.i.l.bf16.f32 v29  }
0x1ba: {  	v45 =	vld [tilespmem:s1+$0xFFFFFFE0];
	v58 =	vunpack.i.u.bf16.f32 v24;
	v24 =	vunpack.i.l.bf16.f32 v24;
	v62 =	vunpack.i.u.bf16.f32 v31  }
0x1bb: {  	v57 =	vld [tilespmem:s30+$0xFFFFFFF0];
	v31 =	vunpack.i.l.bf16.f32 v31;
	v41 =	vunpack.i.u.bf16.f32 v28;
	v28 =	vunpack.i.l.bf16.f32 v28  }
0x1bc: {  	v59 =	vld [tilespmem:s1+$0xFFFFFFF0];
	v44 =	vunpack.i.u.bf16.f32 v26;
	v23 =	vadd.f32 v23, v49;
	v25 =	vadd.f32 v25, v51  }
0x1bd: {  	v26 =	vunpack.i.l.bf16.f32 v26;
	v27 =	vadd.f32 v27, v55;
	v29 =	vadd.f32 v29, v56  }
0x1be: {  	v48 =	vunpack.i.u.bf16.f32 v32;
	v24 =	vadd.f32 v24, v58;
	v39 =	vadd.f32 v31, v62  }
0x1bf: {  	v46 =	vld [tilespmem:s30+$0xFFFFFF30];
	v32 =	vunpack.i.l.bf16.f32 v32;
	v43 =	vadd.f32 v28, v41;
	v26 =	vadd.f32 v26, v44  }
0x1c0: {  	v47 =	vld [tilespmem:s1+$0xFFFFFF30];
	v28 =	vadd.f32 v32, v48;
	v31 =	vsub.bf16 v63, v40;
	v51 =	vunpack.i.u.bf16.f32 v30  }
0x1c1: {  	v50 =	vld [tilespmem:s1+$0xFFFFFF70];
	v30 =	vunpack.i.l.bf16.f32 v30;
	v34 =	vsub.bf16 v42, v45;
	v33 =	vsub.bf16 v57, v59  }
0x1c2: {  	v52 =	vld [tilespmem:s30+$0xFFFFFFB0];
	v53 =	vadd.f32 v30, v51;
	v23 =	vadd.f32 v24, v23  }
0x1c3: {  	v49 =	vld [tilespmem:s30+$0xFFFFFF70];
	v24 =	vadd.f32 v39, v25;
	v25 =	vadd.f32 v43, v27  }
0x1c4: {  	v55 =	vld [tilespmem:s1+$0xFFFFFFB0];
	v26 =	vadd.f32 v26, v29;
	v54 =	vmul.bf16 v31, v31;
	v56 =	vmul.bf16 v34, v34  }
0x1c5: {  	v27 =	vsub.bf16 v46, v47;
	v23 =	vadd.f32 v28, v23  }
0x1c6: {  	v58 =	vunpack.i.u.bf16.f32 v54;
	v30 =	vunpack.i.l.bf16.f32 v54;
	v60 =	vunpack.i.u.bf16.f32 v56  }
0x1c7: {  	v28 =	vunpack.i.l.bf16.f32 v56;
	v27 =	vmul.bf16 v27, v27;
	v29 =	vadd.f32 v30, v58  }
0x1c8: {  	v36 =	vmul.bf16 v33, v33;
	v28 =	vadd.f32 v28, v60;
	v32 =	vsub.bf16 v49, v50  }
0x1c9: {  	v62 =	vsub.bf16 v52, v55;
	v61 =	vunpack.i.u.bf16.f32 v27;
	v27 =	vunpack.i.l.bf16.f32 v27  }
0x1ca: {  	v24 =	vadd.f32 v53, v24;
	v27 =	vadd.f32 v27, v61;
	v63 =	vmul.bf16 v32, v32  }
0x1cb: {  	v25 =	vadd.f32 v29, v25;
	v26 =	vadd.f32 v28, v26;
	v34 =	vmul.bf16 v62, v62  }
0x1cc: {  	v23 =	vadd.f32 v27, v23;
	v35 =	vunpack.i.u.bf16.f32 v63;
	v29 =	vunpack.i.l.bf16.f32 v63  }
0x1cd: {  	v37 =	vunpack.i.u.bf16.f32 v34;
	v27 =	vunpack.i.l.bf16.f32 v34;
	v28 =	vadd.f32 v29, v35  }
0x1ce: {  	v38 =	vunpack.i.u.bf16.f32 v36;
	v30 =	vunpack.i.l.bf16.f32 v36;
	v27 =	vadd.f32 v27, v37  }
0x1cf: {  	v39 =	vadd.f32 v30, v38;
	v24 =	vadd.f32 v28, v24  }
0x1d0: {  	[tilespmem:v5+s18+$0x0] =	vst.idx.add.f32.msk $0xffff, v23;
	v25 =	vadd.f32 v27, v25  }
0x1d1: {  	v23 =	vadd.f32 v39, v26;
	[tilespmem:v6+s18+$0x0] =	vst.idx.add.f32.msk $0xffff, v24  }
0x1d2: {  	[tilespmem:v7+s18+$0x0] =	vst.idx.add.f32.msk $0xffff, v25  }
0x1d3: {  	[tilespmem:v8+s18+$0x0] =	vst.idx.add.f32.msk $0xffff, v23  }
0x1d4: {  	v23 =	vld [tilespmem:s30+$0x0]  }
0x1d5: {  	v24 =	vld [tilespmem:s1+$0x0]  }
0x1d6: {  	v25 =	vld [tilespmem:s30+$0x40]  }
0x1d7: {  	v40 =	vld [tilespmem:s1+$0x40]  }
0x1d8: {  	v41 =	vld [tilespmem:s30+$0x80]  }
0x1d9: {  	v42 =	vld [tilespmem:s1+$0x80]  }
0x1da: {  	v43 =	vld [tilespmem:s30+$0xC0]  }
0x1db: {  	v44 =	vld [tilespmem:s1+$0xC0]  }
0x1dc: {  	v45 =	vld [tilespmem:s30+$0x10]  }
0x1dd: {  	v46 =	vld [tilespmem:s1+$0x10]  }
0x1de: {  	v47 =	vld [tilespmem:s30+$0x50]  }
0x1df: {  	v48 =	vld [tilespmem:s1+$0x50]  }
0x1e0: {  	v50 =	vld [tilespmem:s30+$0x90]  }
0x1e1: {  	v52 =	vld [tilespmem:s1+$0x90]  }
0x1e2: {  	v53 =	vld [tilespmem:s30+$0xD0]  }
0x1e3: {  	v54 =	vld [tilespmem:s1+$0xD0]  }
0x1e4: {  	v57 =	vld [tilespmem:s30+$0x20]  }
0x1e5: {  	v59 =	vld [tilespmem:s1+$0x20]  }
0x1e6: {  	v60 =	vld [tilespmem:s30+$0x60];
	v23 =	vsub.bf16 v23, v24  }
0x1e7: {  	v61 =	vld [tilespmem:s1+$0x60];
	v25 =	vsub.bf16 v25, v40;
	v27 =	vsub.bf16 v41, v42  }
0x1e8: {  	v29 =	vsub.bf16 v43, v44;
	v24 =	vsub.bf16 v45, v46  }
0x1e9: {  	v31 =	vsub.bf16 v47, v48;
	v28 =	vsub.bf16 v50, v52;
	v23 =	vmul.bf16 v23, v23  }
0x1ea: {  	v26 =	vsub.bf16 v53, v54;
	v25 =	vmul.bf16 v25, v25;
	v27 =	vmul.bf16 v27, v27  }
0x1eb: {  	v32 =	vsub.bf16 v57, v59;
	v29 =	vmul.bf16 v29, v29;
	v24 =	vmul.bf16 v24, v24  }
0x1ec: {  	v30 =	vsub.bf16 v60, v61;
	v31 =	vmul.bf16 v31, v31;
	v28 =	vmul.bf16 v28, v28  }
0x1ed: {  	v26 =	vmul.bf16 v26, v26;
	v32 =	vmul.bf16 v32, v32  }
0x1ee: {  	v63 =	vld [tilespmem:s30+$0xA0];
	v30 =	vmul.bf16 v30, v30;
	v49 =	vunpack.i.u.bf16.f32 v23;
	v23 =	vunpack.i.l.bf16.f32 v23  }
0x1ef: {  	v40 =	vld [tilespmem:s1+$0xA0];
	v51 =	vunpack.i.u.bf16.f32 v25;
	v25 =	vunpack.i.l.bf16.f32 v25;
	v55 =	vunpack.i.u.bf16.f32 v27  }
0x1f0: {  	v42 =	vld [tilespmem:s30+$0xE0];
	v27 =	vunpack.i.l.bf16.f32 v27;
	v56 =	vunpack.i.u.bf16.f32 v29;
	v29 =	vunpack.i.l.bf16.f32 v29  }
0x1f1: {  	v45 =	vld [tilespmem:s1+$0xE0];
	v58 =	vunpack.i.u.bf16.f32 v24;
	v24 =	vunpack.i.l.bf16.f32 v24;
	v62 =	vunpack.i.u.bf16.f32 v31  }
0x1f2: {  	v57 =	vld [tilespmem:s30+$0xF0];
	v31 =	vunpack.i.l.bf16.f32 v31;
	v41 =	vunpack.i.u.bf16.f32 v28;
	v28 =	vunpack.i.l.bf16.f32 v28  }
0x1f3: {  	v59 =	vld [tilespmem:s1+$0xF0];
	v44 =	vunpack.i.u.bf16.f32 v26;
	v23 =	vadd.f32 v23, v49;
	v25 =	vadd.f32 v25, v51  }
0x1f4: {  	v26 =	vunpack.i.l.bf16.f32 v26;
	v27 =	vadd.f32 v27, v55;
	v29 =	vadd.f32 v29, v56  }
0x1f5: {  	v48 =	vunpack.i.u.bf16.f32 v32;
	v24 =	vadd.f32 v24, v58;
	v39 =	vadd.f32 v31, v62  }
0x1f6: {  	v46 =	vld [tilespmem:s30+$0x30];
	v32 =	vunpack.i.l.bf16.f32 v32;
	v43 =	vadd.f32 v28, v41;
	v26 =	vadd.f32 v26, v44  }
0x1f7: {  	v47 =	vld [tilespmem:s1+$0x30];
	v28 =	vadd.f32 v32, v48;
	v31 =	vsub.bf16 v63, v40;
	v51 =	vunpack.i.u.bf16.f32 v30  }
0x1f8: {  	v50 =	vld [tilespmem:s1+$0x70];
	v30 =	vunpack.i.l.bf16.f32 v30;
	v34 =	vsub.bf16 v42, v45;
	v35 =	vsub.bf16 v57, v59  }
0x1f9: {  	v52 =	vld [tilespmem:s30+$0xB0];
	v53 =	vadd.f32 v30, v51;
	v23 =	vadd.f32 v24, v23  }
0x1fa: {  	v49 =	vld [tilespmem:s30+$0x70];
	v24 =	vadd.f32 v39, v25;
	v25 =	vadd.f32 v43, v27  }
0x1fb: {  	v55 =	vld [tilespmem:s1+$0xB0];
	v26 =	vadd.f32 v26, v29;
	v54 =	vmul.bf16 v31, v31;
	v56 =	vmul.bf16 v34, v34  }
0x1fc: {  	v27 =	vsub.bf16 v46, v47;
	v23 =	vadd.f32 v28, v23  }
0x1fd: {  	v58 =	vunpack.i.u.bf16.f32 v54;
	v30 =	vunpack.i.l.bf16.f32 v54;
	v60 =	vunpack.i.u.bf16.f32 v56  }
0x1fe: {  	v28 =	vunpack.i.l.bf16.f32 v56;
	v27 =	vmul.bf16 v27, v27;
	v29 =	vadd.f32 v30, v58  }
0x1ff: {  	v38 =	vmul.bf16 v35, v35;
	v28 =	vadd.f32 v28, v60;
	v32 =	vsub.bf16 v49, v50  }
0x200: {  	v62 =	vsub.bf16 v52, v55;
	v61 =	vunpack.i.u.bf16.f32 v27;
	v27 =	vunpack.i.l.bf16.f32 v27  }
0x201: {  	v24 =	vadd.f32 v53, v24;
	v27 =	vadd.f32 v27, v61;
	v63 =	vmul.bf16 v32, v32  }
0x202: {  	v25 =	vadd.f32 v29, v25;
	v26 =	vadd.f32 v28, v26;
	v36 =	vmul.bf16 v62, v62  }
0x203: {  	v23 =	vadd.f32 v27, v23;
	v37 =	vunpack.i.u.bf16.f32 v63;
	v29 =	vunpack.i.l.bf16.f32 v63  }
0x204: {  	v39 =	vunpack.i.u.bf16.f32 v36;
	v27 =	vunpack.i.l.bf16.f32 v36;
	v28 =	vadd.f32 v29, v37  }
0x205: {  	v40 =	vunpack.i.u.bf16.f32 v38;
	v30 =	vunpack.i.l.bf16.f32 v38;
	v27 =	vadd.f32 v27, v39  }
0x206: {  	v41 =	vadd.f32 v30, v40;
	v24 =	vadd.f32 v28, v24  }
0x207: {  	[tilespmem:v9+s18+$0x0] =	vst.idx.add.f32.msk $0xffff, v23;
	v25 =	vadd.f32 v27, v25  }
0x208: {  	v23 =	vadd.f32 v41, v26;
	[tilespmem:v10+s18+$0x0] =	vst.idx.add.f32.msk $0xffff, v24  }
0x209: {  	[tilespmem:v11+s18+$0x0] =	vst.idx.add.f32.msk $0xffff, v25  }
0x20a: {  	[tilespmem:v12+s18+$0x0] =	vst.idx.add.f32.msk $0xffff, v23  }
0x20b: {  	v23 =	vld [tilespmem:s30+$0x100]  }
0x20c: {  	v24 =	vld [tilespmem:s1+$0x100]  }
0x20d: {  	v25 =	vld [tilespmem:s30+$0x140]  }
0x20e: {  	v42 =	vld [tilespmem:s1+$0x140]  }
0x20f: {  	v43 =	vld [tilespmem:s30+$0x180]  }
0x210: {  	v44 =	vld [tilespmem:s1+$0x180]  }
0x211: {  	v45 =	vld [tilespmem:s30+$0x1C0]  }
0x212: {  	v46 =	vld [tilespmem:s1+$0x1C0]  }
0x213: {  	v47 =	vld [tilespmem:s30+$0x110]  }
0x214: {  	v48 =	vld [tilespmem:s1+$0x110]  }
0x215: {  	v49 =	vld [tilespmem:s30+$0x150]  }
0x216: {  	v50 =	vld [tilespmem:s1+$0x150]  }
0x217: {  	v52 =	vld [tilespmem:s30+$0x190]  }
0x218: {  	v54 =	vld [tilespmem:s1+$0x190]  }
0x219: {  	v55 =	vld [tilespmem:s30+$0x1D0]  }
0x21a: {  	v56 =	vld [tilespmem:s1+$0x1D0]  }
0x21b: {  	v59 =	vld [tilespmem:s30+$0x120]  }
0x21c: {  	v61 =	vld [tilespmem:s1+$0x120]  }
0x21d: {  	v62 =	vld [tilespmem:s30+$0x160];
	v23 =	vsub.bf16 v23, v24  }
0x21e: {  	v63 =	vld [tilespmem:s1+$0x160];
	v25 =	vsub.bf16 v25, v42;
	v27 =	vsub.bf16 v43, v44  }
0x21f: {  	v29 =	vsub.bf16 v45, v46;
	v24 =	vsub.bf16 v47, v48  }
0x220: {  	v31 =	vsub.bf16 v49, v50;
	v28 =	vsub.bf16 v52, v54  }
0x221: {  	v26 =	vsub.bf16 v55, v56;
	v23 =	vmul.bf16 v23, v23;
	v25 =	vmul.bf16 v25, v25  }
0x222: {  	v32 =	vsub.bf16 v59, v61;
	v27 =	vmul.bf16 v27, v27;
	v29 =	vmul.bf16 v29, v29  }
0x223: {  	v30 =	vsub.bf16 v62, v63;
	v24 =	vmul.bf16 v24, v24;
	v31 =	vmul.bf16 v31, v31  }
0x224: {  	v28 =	vmul.bf16 v28, v28;
	v26 =	vmul.bf16 v26, v26  }
0x225: {  	v32 =	vmul.bf16 v32, v32;
	v30 =	vmul.bf16 v30, v30;
	v51 =	vunpack.i.u.bf16.f32 v23  }
0x226: {  	v23 =	vunpack.i.l.bf16.f32 v23;
	v53 =	vunpack.i.u.bf16.f32 v25;
	v25 =	vunpack.i.l.bf16.f32 v25  }
0x227: {  	v41 =	vld [tilespmem:s30+$0x1A0];
	v57 =	vunpack.i.u.bf16.f32 v27;
	v27 =	vunpack.i.l.bf16.f32 v27;
	v58 =	vunpack.i.u.bf16.f32 v29  }
0x228: {  	v43 =	vld [tilespmem:s1+$0x1A0];
	v29 =	vunpack.i.l.bf16.f32 v29;
	v60 =	vunpack.i.u.bf16.f32 v24;
	v24 =	vunpack.i.l.bf16.f32 v24  }
0x229: {  	v45 =	vld [tilespmem:s30+$0x1E0];
	v40 =	vunpack.i.u.bf16.f32 v31;
	v31 =	vunpack.i.l.bf16.f32 v31;
	v44 =	vunpack.i.u.bf16.f32 v28  }
0x22a: {  	v48 =	vld [tilespmem:s1+$0x1E0];
	v28 =	vunpack.i.l.bf16.f32 v28;
	v47 =	vunpack.i.u.bf16.f32 v26;
	v23 =	vadd.f32 v23, v51  }
0x22b: {  	v49 =	vld [tilespmem:s30+$0x130];
	v26 =	vunpack.i.l.bf16.f32 v26;
	v25 =	vadd.f32 v25, v53;
	v27 =	vadd.f32 v27, v57  }
0x22c: {  	v50 =	vld [tilespmem:s1+$0x130];
	v54 =	vunpack.i.u.bf16.f32 v30;
	v29 =	vadd.f32 v29, v58;
	v24 =	vadd.f32 v24, v60  }
0x22d: {  	v52 =	vld [tilespmem:s30+$0x170];
	v30 =	vunpack.i.l.bf16.f32 v30;
	v42 =	vadd.f32 v31, v40;
	v46 =	vadd.f32 v28, v44  }
0x22e: {  	v55 =	vld [tilespmem:s30+$0x1B0];
	v26 =	vadd.f32 v26, v47;
	v51 =	vunpack.i.u.bf16.f32 v32;
	v31 =	vsub.bf16 v41, v43  }
0x22f: {  	v62 =	vld [tilespmem:s1+$0x1F0];
	v32 =	vunpack.i.l.bf16.f32 v32;
	v34 =	vsub.bf16 v45, v48;
	v56 =	vadd.f32 v30, v54  }
0x230: {  	v53 =	vld [tilespmem:s1+$0x170];
	v28 =	vadd.f32 v32, v51;
	v23 =	vadd.f32 v24, v23  }
0x231: {  	v58 =	vld [tilespmem:s1+$0x1B0];
	v24 =	vadd.f32 v42, v25;
	v25 =	vadd.f32 v46, v27;
	v57 =	vmul.bf16 v31, v31  }
0x232: {  	v60 =	vld [tilespmem:s30+$0x1F0];
	v26 =	vadd.f32 v26, v29;
	v59 =	vmul.bf16 v34, v34;
	v27 =	vsub.bf16 v49, v50  }
0x233: {  	v23 =	vadd.f32 v28, v23;
	v24 =	vadd.f32 v56, v24;
	v61 =	vunpack.i.u.bf16.f32 v57  }
0x234: {  	v30 =	vunpack.i.l.bf16.f32 v57;
	v63 =	vunpack.i.u.bf16.f32 v59;
	v28 =	vunpack.i.l.bf16.f32 v59  }
0x235: {  	v27 =	vmul.bf16 v27, v27;
	v29 =	vadd.f32 v30, v61;
	v28 =	vadd.f32 v28, v63  }
0x236: {  	v37 =	vsub.bf16 v52, v53;
	v31 =	vsub.bf16 v55, v58  }
0x237: {  	v39 =	vsub.bf16 v60, v62;
	v38 =	vunpack.i.u.bf16.f32 v27;
	v27 =	vunpack.i.l.bf16.f32 v27  }
0x238: {  	v27 =	vadd.f32 v27, v38;
	v25 =	vadd.f32 v29, v25;
	v30 =	vmul.bf16 v37, v37  }
0x239: {  	v26 =	vadd.f32 v28, v26;
	v40 =	vmul.bf16 v31, v31;
	v29 =	vmul.bf16 v39, v39  }
0x23a: {  	v23 =	vadd.f32 v27, v23;
	v41 =	vunpack.i.u.bf16.f32 v30;
	v30 =	vunpack.i.l.bf16.f32 v30  }
0x23b: {  	v42 =	vunpack.i.u.bf16.f32 v40;
	v27 =	vunpack.i.l.bf16.f32 v40;
	v28 =	vadd.f32 v30, v41  }
0x23c: {  	v43 =	vunpack.i.u.bf16.f32 v29;
	v29 =	vunpack.i.l.bf16.f32 v29;
	v27 =	vadd.f32 v27, v42  }
0x23d: {  	v44 =	vadd.f32 v29, v43;
	v24 =	vadd.f32 v28, v24  }
0x23e: {  	[tilespmem:v13+s18+$0x0] =	vst.idx.add.f32.msk $0xffff, v23;
	v25 =	vadd.f32 v27, v25  }
0x23f: {  	v23 =	vadd.f32 v44, v26;
	[tilespmem:v14+s18+$0x0] =	vst.idx.add.f32.msk $0xffff, v24  }
0x240: {  	[tilespmem:v15+s18+$0x0] =	vst.idx.add.f32.msk $0xffff, v25  }
0x241: {  	[tilespmem:v16+s18+$0x0] =	vst.idx.add.f32.msk $0xffff, v23  }
0x242: {  	v23 =	vld [tilespmem:$0xC530]  }
0x243: {  	v24 =	vld [tilespmem:$0xC541]  }
0x244: {  	v25 =	vld [tilespmem:$0xC552]  }
0x245: {  	v45 =	vld [tilespmem:$0xC563]  }
0x246: {  	v46 =	vld [tilespmem:$0xC574]  }
0x247: {  	v47 =	vld [tilespmem:$0xC585]  }
0x248: {  	v48 =	vld [tilespmem:$0xC596]  }
0x249: {  	v49 =	vld [tilespmem:$0xC5A7];
	_ =	sdelay $0x3  }
0x24a: {  	v23 =	vadd.f32 v24, v23;
	v50 =	vadd.f32 v45, v25  }
0x24b: {  	v51 =	vadd.f32 v47, v46;
	v52 =	vadd.f32 v49, v48;
	_ =	sdelay $0x1  }
0x24c: {  	v23 =	vadd.f32 v50, v23;
	v53 =	vadd.f32 v52, v51;
	_ =	sdelay $0x1  }
0x24d: {  	v23 =	vadd.f32 v53, v23;
	_ =	sdelay $0x1  }
0x24e: {  	v24 =	vshrl.u32 v23, $0x1;
	v54 =	vmul.f32 $5.000000000e-01, v23  }
0x24f: {  	v24 =	vsub.s32 $0x5F3759DF, v24  }
0x250: {  	v55 =	vmul.f32 v24, v54;
	_ =	sdelay $0x1  }
0x251: {  	v26 =	vmul.f32 v24, v55;
	_ =	sdelay $0x1  }
0x252: {  	v26 =	vsub.f32 $1.500000000e+00, v26;
	_ =	sdelay $0x1  }
0x253: {  	v24 =	vmul.f32 v24, v26;
	_ =	sdelay $0x1  }
0x254: {  	v26 =	vmul.f32 v24, v54;
	_ =	sdelay $0x1  }
0x255: {  	v26 =	vmul.f32 v26, v24;
	_ =	sdelay $0x1  }
0x256: {  	v26 =	vsub.f32 $1.500000000e+00, v26;
	_ =	sdelay $0x1  }
0x257: {  	v24 =	vmul.f32 v26, v24;
	_ =	sdelay $0x1  }
0x258: {  	v25 =	vmul.f32 v24, v54;
	_ =	sdelay $0x1  }
0x259: {  	v25 =	vmul.f32 v25, v24;
	_ =	sdelay $0x1  }
0x25a: {  	v25 =	vsub.f32 $1.500000000e+00, v25;
	_ =	sdelay $0x1  }
0x25b: {  	v24 =	vmul.f32 v25, v24;
	_ =	sdelay $0x1  }
0x25c: {  	v24 =	vmul.f32 v24, v23  }
0x25d: {  	vm0 =	vgt.f32 v23, $9.999999910e-38  }
0x25e: {  	v23 =	vnsel vm0, $0x0, v24  }
0x25f: {  	v24 =	vsub.f32 $0.0e+00, v23;
	_ =	sdelay $0x1  }
0x260: {  	v24 =	vmul.f32 $1.442695020e+00, v24;
	_ =	sdelay $0x1  }
0x261: {  	(erf) = vpow2.f32 v24;
	_ =	sdelay $0x8  }
0x262: {  	v24 =	vpop (erf)  }
0x263: {  	v24 =	vsub.f32 $1.000000000e+00, v24;
	_ =	sdelay $0x1  }
0x264: {  	v56 =	vmax.f32 v24, $1.000000000e-30  }
0x265: {  	v57 =	vand.u32 $0x7FFFFF, v56  }
0x266: {  	v26 =	vor.u32 $0x3F800000, v57  }
0x267: {  	v26 =	vadd.f32 $-1.500000000e+00, v26;
	_ =	sdelay $0x1  }
0x268: {  	v58 =	vmul.f32 $-2.317854670e-03, v26;
	_ =	sdelay $0x1  }
0x269: {  	v27 =	vadd.f32 $3.752624150e-03, v58;
	_ =	sdelay $0x1  }
0x26a: {  	v27 =	vmul.f32 v27, v26;
	_ =	sdelay $0x1  }
0x26b: {  	v27 =	vadd.f32 $-4.702811600e-03, v27;
	_ =	sdelay $0x1  }
0x26c: {  	v27 =	vmul.f32 v27, v26;
	_ =	sdelay $0x1  }
0x26d: {  	v27 =	vadd.f32 $8.132977410e-03, v27;
	_ =	sdelay $0x1  }
0x26e: {  	v27 =	vmul.f32 v27, v26;
	_ =	sdelay $0x1  }
0x26f: {  	v27 =	vadd.f32 $-1.465523620e-02, v27;
	_ =	sdelay $0x1  }
0x270: {  	v27 =	vmul.f32 v27, v26;
	_ =	sdelay $0x1  }
0x271: {  	v27 =	vadd.f32 $2.636311390e-02, v27;
	_ =	sdelay $0x1  }
0x272: {  	v27 =	vmul.f32 v27, v26;
	_ =	sdelay $0x1  }
0x273: {  	v27 =	vadd.f32 $-4.938132320e-02, v27;
	_ =	sdelay $0x1  }
0x274: {  	v27 =	vmul.f32 v27, v26;
	_ =	sdelay $0x1  }
0x275: {  	s0 =	sshra.s32 s29, $0x2;
	v27 =	vadd.f32 $9.876426300e-02, v27  }
0x276: {  	v59 =	vld.idx.msk [tilespmem:v21+s0+$0x0 ss:$0x1], $0xffff  }
0x277: {  	v60 =	vld.idx.msk [tilespmem:v22+s0+$0x0 ss:$0x1], $0xffff;
	v27 =	vmul.f32 v27, v26;
	_ =	sdelay $0x1  }
0x278: {  	v27 =	vadd.f32 $-2.222222540e-01, v27;
	_ =	sdelay $0x1  }
0x279: {  	v27 =	vmul.f32 v27, v26;
	_ =	sdelay $0x1  }
0x27a: {  	v25 =	vshrl.u32 v56, $0x17;
	v27 =	vadd.f32 $6.666666860e-01, v27  }
0x27b: {  	v28 =	vld.idx.msk [tilespmem:v59+s9+$0x0], $0xffff;
	v25 =	vadd.s32 $0xFFFFFF81, v25  }
0x27c: {  	v61 =	vld.idx.msk [tilespmem:v60+s9+$0x0], $0xffff;
	v25 =	vcvt.s32.f32 v25;
	v26 =	vmul.f32 v27, v26;
	_ =	sdelay $0x1  }
0x27d: {  	v25 =	vmul.f32 $6.931471820e-01, v25;
	v26 =	vadd.f32 $4.054650960e-01, v26;
	_ =	sdelay $0x1  }
0x27e: {  	vm14 =	vge.f32 v28, $8.000000110e-01;
	v25 =	vadd.f32 v26, v25  }
0x27f: {  	vm1 =	vge.f32 v61, $8.000000110e-01;
	vm2 =	vlt.f32 v28, $6.000000240e-01;
	vm3 =	vlt.f32 v61, $6.000000240e-01  }
0x280: {  	vm4 =	vmand vm14, vm1;
	vm5 =	vmand vm2, vm3;
	v25 =	vsub.f32 $0.0e+00, v25  }
0x281: {  	p0 =	sne.s32 s29, $0x100;
	vm1 =	vmand vm2, vm1;
	vm4 =	vmor vm4, vm5;
	vm0 =	vmand vm14, vm3  }
.Ltmp1:
0x282: {  	v23 =	vmin.f32 v23, $1.000000000e+02;
	vm15 =	vgt.f32 v24, $0.0e+00;
	v62 =	vmin.f32 v25, $1.000000000e+02;
	(pc) =	sbr.rel @p0 .LBB2_5-.Ltmp1, $4  }
0x283: {  	vm0 =	vmor vm0, vm1;
	v23 =	vnsel vm4, $0x0, v23;
	v24 =	vnsel vm15, $0x42C80000, v62  }
0x284: {  	v20 =	vadd.f32 v23, v20;
	v23 =	vnsel vm0, $0x0, v24  }
0x285: {  	v63 =	vsel vm0, $0x3F800000, v1;
	v19 =	vadd.f32 v23, v19;
	v23 =	vsel vm4, $0x3F800000, v1  }
0x286: {  	s29 =	sadd.s32 $0x40, s29;
	s30 =	sadd.s32 $0x400, s30;
	s1 =	sadd.s32 $0x400, s1;
	v17 =	vadd.f32 v63, v17;
	v18 =	vadd.f32 v23, v18  }
0x287: {  	s28 =	sadd.s32 $0x1, s28  }
0x288: {  	p0 =	sne.s32 s28, $0x3E  }
.Ltmp2:
0x289: {  	_ = 	snop;
	(pc) =	sbr.rel @p0 .LBB2_2-.Ltmp2, $3  }
0x28a: {  	_ =	sdelay $0x1  }
0x28b: {  	s23 =	sadd.s32 $0xA0, s23  }
0x28c: {  	s26 =	sadd.s32 $0xA0, s26;
	s24 =	sadd.s32 $0xA0, s24;
	s25 =	sadd.s32 $0xA0, s25  }
0x28d: {  	_ =	swait.ge [sflag:s16], $0x1400  }
0x28e: {  	[sflag:s16] =	ssyncset.done $0x0  }
0x28f: {  	[sflag:s16] =	ssyncadd.s32 $0xFFFFEC00  }
0x290: {  	_ =	swait.ge [sflag:s17], $0x1400  }
0x291: {  	s1 =	simm.s32 $0x0;
	[sflag:s17] =	ssyncset.done $0x0  }
0x292: {  	s23 =	simm.s32 $0x7730;
	s24 =	simm.s32 $0x8B30;
	[sflag:s17] =	ssyncadd.s32 $0xFFFFEC00  }
.LBB2_8:
0x293: {  	[tilespmem:$0xC530] =	vst v1  }
0x294: {  	[tilespmem:$0xC540] =	vst v1  }
0x295: {  	[tilespmem:$0xC550] =	vst v1  }
0x296: {  	[tilespmem:$0xC560] =	vst v1  }
0x297: {  	[tilespmem:$0xC570] =	vst v1  }
0x298: {  	[tilespmem:$0xC580] =	vst v1  }
0x299: {  	[tilespmem:$0xC590] =	vst v1  }
0x29a: {  	[tilespmem:$0xC5A0] =	vst v1  }
0x29b: {  	[tilespmem:$0xC5B0] =	vst v1  }
0x29c: {  	v21 =	vld [tilespmem:s23+$0xFFFFFE00]  }
0x29d: {  	v22 =	vld [tilespmem:s24+$0xFFFFFE00]  }
0x29e: {  	v23 =	vld [tilespmem:s23+$0xFFFFFE40]  }
0x29f: {  	v24 =	vld [tilespmem:s24+$0xFFFFFE40]  }
0x2a0: {  	v25 =	vld [tilespmem:s23+$0xFFFFFE80]  }
0x2a1: {  	v26 =	vld [tilespmem:s24+$0xFFFFFE80]  }
0x2a2: {  	v27 =	vld [tilespmem:s23+$0xFFFFFEC0]  }
0x2a3: {  	v28 =	vld [tilespmem:s24+$0xFFFFFEC0]  }
0x2a4: {  	v29 =	vld [tilespmem:s23+$0xFFFFFE50]  }
0x2a5: {  	v30 =	vld [tilespmem:s24+$0xFFFFFE50]  }
0x2a6: {  	v55 =	vld [tilespmem:s23+$0xFFFFFE90]  }
0x2a7: {  	v56 =	vld [tilespmem:s24+$0xFFFFFE90]  }
0x2a8: {  	v57 =	vld [tilespmem:s23+$0xFFFFFED0]  }
0x2a9: {  	v58 =	vld [tilespmem:s24+$0xFFFFFED0]  }
0x2aa: {  	v60 =	vld [tilespmem:s23+$0xFFFFFE20]  }
0x2ab: {  	v62 =	vld [tilespmem:s24+$0xFFFFFE20]  }
0x2ac: {  	v63 =	vld [tilespmem:s23+$0xFFFFFE60]  }
0x2ad: {  	v36 =	vld [tilespmem:s24+$0xFFFFFE60];
	v21 =	vsub.bf16 v21, v22  }
0x2ae: {  	v48 =	vld [tilespmem:s23+$0xFFFFFEB0];
	v23 =	vsub.bf16 v23, v24;
	v25 =	vsub.bf16 v25, v26  }
0x2af: {  	v51 =	vld [tilespmem:s24+$0xFFFFFEB0];
	v27 =	vsub.bf16 v27, v28;
	v29 =	vsub.bf16 v29, v30  }
0x2b0: {  	v26 =	vsub.bf16 v55, v56;
	v24 =	vsub.bf16 v57, v58;
	v21 =	vmul.bf16 v21, v21  }
0x2b1: {  	v30 =	vsub.bf16 v60, v62;
	v23 =	vmul.bf16 v23, v23;
	v25 =	vmul.bf16 v25, v25  }
0x2b2: {  	v54 =	vld [tilespmem:s24+$0xFFFFFE10];
	v28 =	vsub.bf16 v63, v36;
	v27 =	vmul.bf16 v27, v27;
	v29 =	vmul.bf16 v29, v29  }
0x2b3: {  	v22 =	vld [tilespmem:s23+$0xFFFFFE10];
	v26 =	vmul.bf16 v26, v26;
	v24 =	vmul.bf16 v24, v24  }
0x2b4: {  	v58 =	vsub.bf16 v48, v51;
	v30 =	vmul.bf16 v30, v30;
	v28 =	vmul.bf16 v28, v28  }
0x2b5: {  	v31 =	vunpack.i.u.bf16.f32 v21;
	v21 =	vunpack.i.l.bf16.f32 v21;
	v32 =	vunpack.i.u.bf16.f32 v23  }
0x2b6: {  	v40 =	vld [tilespmem:s23+$0xFFFFFEE0];
	v23 =	vunpack.i.l.bf16.f32 v23;
	v59 =	vunpack.i.u.bf16.f32 v25;
	v25 =	vunpack.i.l.bf16.f32 v25  }
0x2b7: {  	v42 =	vld [tilespmem:s24+$0xFFFFFEE0];
	v33 =	vunpack.i.u.bf16.f32 v27;
	v27 =	vunpack.i.l.bf16.f32 v27;
	v37 =	vunpack.i.u.bf16.f32 v29  }
0x2b8: {  	v53 =	vld [tilespmem:s23+$0xFFFFFEF0];
	v29 =	vunpack.i.l.bf16.f32 v29;
	v39 =	vunpack.i.u.bf16.f32 v26;
	v22 =	vsub.bf16 v22, v54  }
0x2b9: {  	v55 =	vld [tilespmem:s24+$0xFFFFFEF0];
	v26 =	vunpack.i.l.bf16.f32 v26;
	v41 =	vunpack.i.u.bf16.f32 v24;
	v24 =	vunpack.i.l.bf16.f32 v24  }
0x2ba: {  	v34 =	vld [tilespmem:s23+$0xFFFFFEA0];
	v21 =	vadd.f32 v21, v31;
	v23 =	vadd.f32 v23, v32;
	v22 =	vmul.bf16 v22, v22  }
0x2bb: {  	v38 =	vld [tilespmem:s24+$0xFFFFFEA0];
	v47 =	vunpack.i.u.bf16.f32 v28;
	v25 =	vadd.f32 v25, v59;
	v27 =	vadd.f32 v27, v33  }
0x2bc: {  	v43 =	vld [tilespmem:s23+$0xFFFFFE30];
	v24 =	vadd.f32 v24, v41;
	v61 =	vunpack.i.u.bf16.f32 v22;
	v22 =	vunpack.i.l.bf16.f32 v22  }
0x2bd: {  	v44 =	vld [tilespmem:s24+$0xFFFFFE30];
	v28 =	vunpack.i.l.bf16.f32 v28;
	v32 =	vsub.bf16 v40, v42;
	v22 =	vadd.f32 v22, v61  }
0x2be: {  	v35 =	vld [tilespmem:s23+$0xFFFFFE70];
	v45 =	vunpack.i.u.bf16.f32 v30;
	v49 =	vadd.f32 v28, v47;
	v60 =	vsub.bf16 v53, v55  }
0x2bf: {  	v46 =	vld [tilespmem:s24+$0xFFFFFE70];
	v30 =	vunpack.i.l.bf16.f32 v30;
	v21 =	vadd.f32 v22, v21;
	v22 =	vadd.f32 v29, v37  }
0x2c0: {  	v24 =	vadd.f32 v24, v27;
	v52 =	vmul.bf16 v32, v32;
	v29 =	vsub.bf16 v34, v38  }
0x2c1: {  	v63 =	vmul.bf16 v60, v60;
	v22 =	vadd.f32 v22, v23;
	v23 =	vadd.f32 v26, v39  }
0x2c2: {  	v56 =	vunpack.i.u.bf16.f32 v52;
	v61 =	vmul.bf16 v58, v58;
	v26 =	vadd.f32 v30, v45  }
0x2c3: {  	v50 =	vmul.bf16 v29, v29;
	v23 =	vadd.f32 v23, v25;
	v25 =	vsub.bf16 v43, v44  }
0x2c4: {  	v32 =	vunpack.i.u.bf16.f32 v61;
	v30 =	vsub.bf16 v35, v46;
	v21 =	vadd.f32 v26, v21  }
0x2c5: {  	v54 =	vunpack.i.u.bf16.f32 v50;
	v28 =	vunpack.i.l.bf16.f32 v50;
	v25 =	vmul.bf16 v25, v25  }
0x2c6: {  	v26 =	vunpack.i.l.bf16.f32 v52;
	v59 =	vmul.bf16 v30, v30;
	v27 =	vadd.f32 v28, v54  }
0x2c7: {  	v26 =	vadd.f32 v26, v56;
	v57 =	vunpack.i.u.bf16.f32 v25;
	v25 =	vunpack.i.l.bf16.f32 v25  }
0x2c8: {  	v22 =	vadd.f32 v49, v22;
	v62 =	vunpack.i.u.bf16.f32 v59;
	v25 =	vadd.f32 v25, v57  }
0x2c9: {  	v23 =	vadd.f32 v27, v23;
	v24 =	vadd.f32 v26, v24;
	v27 =	vunpack.i.l.bf16.f32 v59  }
0x2ca: {  	v26 =	vadd.f32 v27, v62;
	v21 =	vadd.f32 v25, v21;
	v25 =	vunpack.i.l.bf16.f32 v61  }
0x2cb: {  	v33 =	vunpack.i.u.bf16.f32 v63;
	v28 =	vunpack.i.l.bf16.f32 v63;
	v25 =	vadd.f32 v25, v32  }
0x2cc: {  	v34 =	vadd.f32 v28, v33;
	v22 =	vadd.f32 v26, v22  }
0x2cd: {  	[tilespmem:v0+s18+$0x0] =	vst.idx.add.f32.msk $0xffff, v21;
	v23 =	vadd.f32 v25, v23  }
0x2ce: {  	v21 =	vadd.f32 v34, v24;
	[tilespmem:v2+s18+$0x0] =	vst.idx.add.f32.msk $0xffff, v22  }
0x2cf: {  	[tilespmem:v3+s18+$0x0] =	vst.idx.add.f32.msk $0xffff, v23  }
0x2d0: {  	[tilespmem:v4+s18+$0x0] =	vst.idx.add.f32.msk $0xffff, v21  }
0x2d1: {  	v21 =	vld [tilespmem:s23+$0xFFFFFF00]  }
0x2d2: {  	v22 =	vld [tilespmem:s24+$0xFFFFFF00]  }
0x2d3: {  	v23 =	vld [tilespmem:s23+$0xFFFFFF40]  }
0x2d4: {  	v35 =	vld [tilespmem:s24+$0xFFFFFF40]  }
0x2d5: {  	v36 =	vld [tilespmem:s23+$0xFFFFFF80]  }
0x2d6: {  	v37 =	vld [tilespmem:s24+$0xFFFFFF80]  }
0x2d7: {  	v38 =	vld [tilespmem:s23+$0xFFFFFFC0]  }
0x2d8: {  	v39 =	vld [tilespmem:s24+$0xFFFFFFC0]  }
0x2d9: {  	v41 =	vld [tilespmem:s23+$0xFFFFFF50]  }
0x2da: {  	v42 =	vld [tilespmem:s24+$0xFFFFFF50]  }
0x2db: {  	v44 =	vld [tilespmem:s23+$0xFFFFFF90]  }
0x2dc: {  	v46 =	vld [tilespmem:s24+$0xFFFFFF90]  }
0x2dd: {  	v47 =	vld [tilespmem:s23+$0xFFFFFFD0]  }
0x2de: {  	v48 =	vld [tilespmem:s24+$0xFFFFFFD0]  }
0x2df: {  	v51 =	vld [tilespmem:s23+$0xFFFFFF20]  }
0x2e0: {  	v53 =	vld [tilespmem:s24+$0xFFFFFF20]  }
0x2e1: {  	v54 =	vld [tilespmem:s23+$0xFFFFFF60]  }
0x2e2: {  	v55 =	vld [tilespmem:s24+$0xFFFFFF60];
	v21 =	vsub.bf16 v21, v22  }
0x2e3: {  	v60 =	vld [tilespmem:s23+$0xFFFFFFE0];
	v23 =	vsub.bf16 v23, v35;
	v25 =	vsub.bf16 v36, v37  }
0x2e4: {  	v62 =	vld [tilespmem:s24+$0xFFFFFFE0];
	v27 =	vsub.bf16 v38, v39;
	v29 =	vsub.bf16 v41, v42  }
0x2e5: {  	v26 =	vsub.bf16 v44, v46;
	v24 =	vsub.bf16 v47, v48;
	v21 =	vmul.bf16 v21, v21  }
0x2e6: {  	v30 =	vsub.bf16 v51, v53;
	v23 =	vmul.bf16 v23, v23;
	v25 =	vmul.bf16 v25, v25  }
0x2e7: {  	v40 =	vld [tilespmem:s24+$0xFFFFFF10];
	v28 =	vsub.bf16 v54, v55;
	v27 =	vmul.bf16 v27, v27;
	v29 =	vmul.bf16 v29, v29  }
0x2e8: {  	v22 =	vld [tilespmem:s23+$0xFFFFFF10];
	v26 =	vmul.bf16 v26, v26;
	v24 =	vmul.bf16 v24, v24  }
0x2e9: {  	v32 =	vsub.bf16 v60, v62;
	v30 =	vmul.bf16 v30, v30;
	v28 =	vmul.bf16 v28, v28  }
0x2ea: {  	v43 =	vunpack.i.u.bf16.f32 v21;
	v21 =	vunpack.i.l.bf16.f32 v21;
	v45 =	vunpack.i.u.bf16.f32 v23  }
0x2eb: {  	v41 =	vld [tilespmem:s23+$0xFFFFFFB0];
	v23 =	vunpack.i.l.bf16.f32 v23;
	v49 =	vunpack.i.u.bf16.f32 v25;
	v25 =	vunpack.i.l.bf16.f32 v25  }
0x2ec: {  	v44 =	vld [tilespmem:s24+$0xFFFFFFB0];
	v50 =	vunpack.i.u.bf16.f32 v27;
	v27 =	vunpack.i.l.bf16.f32 v27;
	v56 =	vunpack.i.u.bf16.f32 v29  }
0x2ed: {  	v46 =	vld [tilespmem:s23+$0xFFFFFFF0];
	v29 =	vunpack.i.l.bf16.f32 v29;
	v59 =	vunpack.i.u.bf16.f32 v26;
	v22 =	vsub.bf16 v22, v40  }
0x2ee: {  	v48 =	vld [tilespmem:s24+$0xFFFFFFF0];
	v61 =	vunpack.i.u.bf16.f32 v24;
	v24 =	vunpack.i.l.bf16.f32 v24;
	v21 =	vadd.f32 v21, v43  }
0x2ef: {  	v57 =	vld [tilespmem:s23+$0xFFFFFFA0];
	v23 =	vadd.f32 v23, v45;
	v25 =	vadd.f32 v25, v49;
	v22 =	vmul.bf16 v22, v22  }
0x2f0: {  	v58 =	vld [tilespmem:s24+$0xFFFFFFA0];
	v26 =	vunpack.i.l.bf16.f32 v26;
	v27 =	vadd.f32 v27, v50;
	v24 =	vadd.f32 v24, v61  }
0x2f1: {  	v63 =	vld [tilespmem:s23+$0xFFFFFF30];
	v40 =	vunpack.i.u.bf16.f32 v28;
	v52 =	vunpack.i.u.bf16.f32 v22;
	v22 =	vunpack.i.l.bf16.f32 v22  }
0x2f2: {  	v36 =	vld [tilespmem:s24+$0xFFFFFF30];
	v28 =	vunpack.i.l.bf16.f32 v28;
	v51 =	vsub.bf16 v41, v44;
	v22 =	vadd.f32 v22, v52  }
0x2f3: {  	v38 =	vld [tilespmem:s23+$0xFFFFFF70];
	v37 =	vunpack.i.u.bf16.f32 v30;
	v53 =	vsub.bf16 v46, v48;
	v42 =	vadd.f32 v28, v40  }
0x2f4: {  	v39 =	vld [tilespmem:s24+$0xFFFFFF70];
	v45 =	vmul.bf16 v32, v32;
	v21 =	vadd.f32 v22, v21;
	v22 =	vadd.f32 v29, v56  }
0x2f5: {  	v30 =	vunpack.i.l.bf16.f32 v30;
	v24 =	vadd.f32 v24, v27;
	v29 =	vsub.bf16 v57, v58  }
0x2f6: {  	v49 =	vunpack.i.u.bf16.f32 v45;
	v22 =	vadd.f32 v22, v23;
	v23 =	vadd.f32 v26, v59  }
0x2f7: {  	v54 =	vmul.bf16 v51, v51;
	v56 =	vmul.bf16 v53, v53;
	v26 =	vadd.f32 v30, v37  }
0x2f8: {  	v43 =	vmul.bf16 v29, v29;
	v23 =	vadd.f32 v23, v25;
	v25 =	vsub.bf16 v63, v36  }
0x2f9: {  	v57 =	vunpack.i.u.bf16.f32 v54;
	v30 =	vsub.bf16 v38, v39;
	v21 =	vadd.f32 v26, v21  }
0x2fa: {  	v47 =	vunpack.i.u.bf16.f32 v43;
	v28 =	vunpack.i.l.bf16.f32 v43;
	v25 =	vmul.bf16 v25, v25  }
0x2fb: {  	v26 =	vunpack.i.l.bf16.f32 v45;
	v52 =	vmul.bf16 v30, v30;
	v27 =	vadd.f32 v28, v47  }
0x2fc: {  	v26 =	vadd.f32 v26, v49;
	v50 =	vunpack.i.u.bf16.f32 v25;
	v25 =	vunpack.i.l.bf16.f32 v25  }
0x2fd: {  	v22 =	vadd.f32 v42, v22;
	v55 =	vunpack.i.u.bf16.f32 v52;
	v25 =	vadd.f32 v25, v50  }
0x2fe: {  	v23 =	vadd.f32 v27, v23;
	v24 =	vadd.f32 v26, v24;
	v27 =	vunpack.i.l.bf16.f32 v52  }
0x2ff: {  	v26 =	vadd.f32 v27, v55;
	v21 =	vadd.f32 v25, v21;
	v25 =	vunpack.i.l.bf16.f32 v54  }
0x300: {  	v58 =	vunpack.i.u.bf16.f32 v56;
	v28 =	vunpack.i.l.bf16.f32 v56;
	v25 =	vadd.f32 v25, v57  }
0x301: {  	v59 =	vadd.f32 v28, v58;
	v22 =	vadd.f32 v26, v22  }
0x302: {  	[tilespmem:v5+s18+$0x0] =	vst.idx.add.f32.msk $0xffff, v21;
	v23 =	vadd.f32 v25, v23  }
0x303: {  	v21 =	vadd.f32 v59, v24;
	[tilespmem:v6+s18+$0x0] =	vst.idx.add.f32.msk $0xffff, v22  }
0x304: {  	[tilespmem:v7+s18+$0x0] =	vst.idx.add.f32.msk $0xffff, v23  }
0x305: {  	[tilespmem:v8+s18+$0x0] =	vst.idx.add.f32.msk $0xffff, v21  }
0x306: {  	v21 =	vld [tilespmem:s23+$0x0]  }
0x307: {  	v22 =	vld [tilespmem:s24+$0x0]  }
0x308: {  	v23 =	vld [tilespmem:s23+$0x40]  }
0x309: {  	v60 =	vld [tilespmem:s24+$0x40]  }
0x30a: {  	v61 =	vld [tilespmem:s23+$0x80]  }
0x30b: {  	v62 =	vld [tilespmem:s24+$0x80]  }
0x30c: {  	v63 =	vld [tilespmem:s23+$0xC0]  }
0x30d: {  	v36 =	vld [tilespmem:s24+$0xC0]  }
0x30e: {  	v38 =	vld [tilespmem:s23+$0x50]  }
0x30f: {  	v39 =	vld [tilespmem:s24+$0x50]  }
0x310: {  	v41 =	vld [tilespmem:s23+$0x90]  }
0x311: {  	v43 =	vld [tilespmem:s24+$0x90]  }
0x312: {  	v44 =	vld [tilespmem:s23+$0xD0]  }
0x313: {  	v45 =	vld [tilespmem:s24+$0xD0]  }
0x314: {  	v48 =	vld [tilespmem:s23+$0x20]  }
0x315: {  	v50 =	vld [tilespmem:s24+$0x20]  }
0x316: {  	v51 =	vld [tilespmem:s23+$0x60]  }
0x317: {  	v52 =	vld [tilespmem:s24+$0x60];
	v21 =	vsub.bf16 v21, v22  }
0x318: {  	v57 =	vld [tilespmem:s23+$0xE0];
	v23 =	vsub.bf16 v23, v60;
	v25 =	vsub.bf16 v61, v62  }
0x319: {  	v59 =	vld [tilespmem:s24+$0xE0];
	v27 =	vsub.bf16 v63, v36;
	v29 =	vsub.bf16 v38, v39  }
0x31a: {  	v26 =	vsub.bf16 v41, v43;
	v24 =	vsub.bf16 v44, v45;
	v21 =	vmul.bf16 v21, v21  }
0x31b: {  	v30 =	vsub.bf16 v48, v50;
	v23 =	vmul.bf16 v23, v23;
	v25 =	vmul.bf16 v25, v25  }
0x31c: {  	v37 =	vld [tilespmem:s24+$0x10];
	v28 =	vsub.bf16 v51, v52;
	v27 =	vmul.bf16 v27, v27;
	v29 =	vmul.bf16 v29, v29  }
0x31d: {  	v22 =	vld [tilespmem:s23+$0x10];
	v26 =	vmul.bf16 v26, v26;
	v24 =	vmul.bf16 v24, v24  }
0x31e: {  	v32 =	vsub.bf16 v57, v59;
	v30 =	vmul.bf16 v30, v30;
	v28 =	vmul.bf16 v28, v28  }
0x31f: {  	v40 =	vunpack.i.u.bf16.f32 v21;
	v21 =	vunpack.i.l.bf16.f32 v21;
	v42 =	vunpack.i.u.bf16.f32 v23  }
0x320: {  	v38 =	vld [tilespmem:s23+$0xB0];
	v23 =	vunpack.i.l.bf16.f32 v23;
	v46 =	vunpack.i.u.bf16.f32 v25;
	v25 =	vunpack.i.l.bf16.f32 v25  }
0x321: {  	v41 =	vld [tilespmem:s24+$0xB0];
	v47 =	vunpack.i.u.bf16.f32 v27;
	v27 =	vunpack.i.l.bf16.f32 v27;
	v53 =	vunpack.i.u.bf16.f32 v29  }
0x322: {  	v43 =	vld [tilespmem:s23+$0xF0];
	v29 =	vunpack.i.l.bf16.f32 v29;
	v56 =	vunpack.i.u.bf16.f32 v26;
	v22 =	vsub.bf16 v22, v37  }
0x323: {  	v45 =	vld [tilespmem:s24+$0xF0];
	v58 =	vunpack.i.u.bf16.f32 v24;
	v24 =	vunpack.i.l.bf16.f32 v24;
	v21 =	vadd.f32 v21, v40  }
0x324: {  	v54 =	vld [tilespmem:s23+$0xA0];
	v23 =	vadd.f32 v23, v42;
	v25 =	vadd.f32 v25, v46;
	v22 =	vmul.bf16 v22, v22  }
0x325: {  	v55 =	vld [tilespmem:s24+$0xA0];
	v26 =	vunpack.i.l.bf16.f32 v26;
	v27 =	vadd.f32 v27, v47;
	v24 =	vadd.f32 v24, v58  }
0x326: {  	v60 =	vld [tilespmem:s23+$0x30];
	v37 =	vunpack.i.u.bf16.f32 v28;
	v49 =	vunpack.i.u.bf16.f32 v22;
	v22 =	vunpack.i.l.bf16.f32 v22  }
0x327: {  	v61 =	vld [tilespmem:s24+$0x30];
	v28 =	vunpack.i.l.bf16.f32 v28;
	v48 =	vsub.bf16 v38, v41;
	v22 =	vadd.f32 v22, v49  }
0x328: {  	v63 =	vld [tilespmem:s23+$0x70];
	v62 =	vunpack.i.u.bf16.f32 v30;
	v50 =	vsub.bf16 v43, v45;
	v39 =	vadd.f32 v28, v37  }
0x329: {  	v36 =	vld [tilespmem:s24+$0x70];
	v42 =	vmul.bf16 v32, v32;
	v21 =	vadd.f32 v22, v21;
	v22 =	vadd.f32 v29, v53  }
0x32a: {  	v30 =	vunpack.i.l.bf16.f32 v30;
	v24 =	vadd.f32 v24, v27;
	v29 =	vsub.bf16 v54, v55  }
0x32b: {  	v46 =	vunpack.i.u.bf16.f32 v42;
	v22 =	vadd.f32 v22, v23;
	v23 =	vadd.f32 v26, v56  }
0x32c: {  	v51 =	vmul.bf16 v48, v48;
	v53 =	vmul.bf16 v50, v50;
	v26 =	vadd.f32 v30, v62  }
0x32d: {  	v40 =	vmul.bf16 v29, v29;
	v23 =	vadd.f32 v23, v25;
	v25 =	vsub.bf16 v60, v61  }
0x32e: {  	v54 =	vunpack.i.u.bf16.f32 v51;
	v30 =	vsub.bf16 v63, v36;
	v21 =	vadd.f32 v26, v21  }
0x32f: {  	v44 =	vunpack.i.u.bf16.f32 v40;
	v28 =	vunpack.i.l.bf16.f32 v40;
	v25 =	vmul.bf16 v25, v25  }
0x330: {  	v26 =	vunpack.i.l.bf16.f32 v42;
	v49 =	vmul.bf16 v30, v30;
	v27 =	vadd.f32 v28, v44  }
0x331: {  	v26 =	vadd.f32 v26, v46;
	v47 =	vunpack.i.u.bf16.f32 v25;
	v25 =	vunpack.i.l.bf16.f32 v25  }
0x332: {  	v22 =	vadd.f32 v39, v22;
	v52 =	vunpack.i.u.bf16.f32 v49;
	v25 =	vadd.f32 v25, v47  }
0x333: {  	v23 =	vadd.f32 v27, v23;
	v24 =	vadd.f32 v26, v24;
	v27 =	vunpack.i.l.bf16.f32 v49  }
0x334: {  	v26 =	vadd.f32 v27, v52;
	v21 =	vadd.f32 v25, v21;
	v25 =	vunpack.i.l.bf16.f32 v51  }
0x335: {  	v55 =	vunpack.i.u.bf16.f32 v53;
	v28 =	vunpack.i.l.bf16.f32 v53;
	v25 =	vadd.f32 v25, v54  }
0x336: {  	v56 =	vadd.f32 v28, v55;
	v22 =	vadd.f32 v26, v22  }
0x337: {  	[tilespmem:v9+s18+$0x0] =	vst.idx.add.f32.msk $0xffff, v21;
	v23 =	vadd.f32 v25, v23  }
0x338: {  	v21 =	vadd.f32 v56, v24;
	[tilespmem:v10+s18+$0x0] =	vst.idx.add.f32.msk $0xffff, v22  }
0x339: {  	[tilespmem:v11+s18+$0x0] =	vst.idx.add.f32.msk $0xffff, v23  }
0x33a: {  	[tilespmem:v12+s18+$0x0] =	vst.idx.add.f32.msk $0xffff, v21  }
0x33b: {  	v21 =	vld [tilespmem:s23+$0x100]  }
0x33c: {  	v22 =	vld [tilespmem:s24+$0x100]  }
0x33d: {  	v23 =	vld [tilespmem:s23+$0x140]  }
0x33e: {  	v57 =	vld [tilespmem:s24+$0x140]  }
0x33f: {  	v58 =	vld [tilespmem:s23+$0x180]  }
0x340: {  	v59 =	vld [tilespmem:s24+$0x180]  }
0x341: {  	v60 =	vld [tilespmem:s23+$0x1C0]  }
0x342: {  	v61 =	vld [tilespmem:s24+$0x1C0]  }
0x343: {  	v63 =	vld [tilespmem:s23+$0x150]  }
0x344: {  	v36 =	vld [tilespmem:s24+$0x150]  }
0x345: {  	v38 =	vld [tilespmem:s23+$0x190]  }
0x346: {  	v40 =	vld [tilespmem:s24+$0x190]  }
0x347: {  	v41 =	vld [tilespmem:s23+$0x1D0]  }
0x348: {  	v42 =	vld [tilespmem:s24+$0x1D0]  }
0x349: {  	v45 =	vld [tilespmem:s23+$0x120]  }
0x34a: {  	v47 =	vld [tilespmem:s24+$0x120]  }
0x34b: {  	v48 =	vld [tilespmem:s23+$0x160]  }
0x34c: {  	v49 =	vld [tilespmem:s24+$0x160];
	v21 =	vsub.bf16 v21, v22  }
0x34d: {  	v54 =	vld [tilespmem:s23+$0x1E0];
	v23 =	vsub.bf16 v23, v57;
	v25 =	vsub.bf16 v58, v59  }
0x34e: {  	v56 =	vld [tilespmem:s24+$0x1E0];
	v27 =	vsub.bf16 v60, v61;
	v29 =	vsub.bf16 v63, v36  }
0x34f: {  	v26 =	vsub.bf16 v38, v40;
	v24 =	vsub.bf16 v41, v42;
	v21 =	vmul.bf16 v21, v21  }
0x350: {  	v62 =	vld [tilespmem:s24+$0x110];
	v30 =	vsub.bf16 v45, v47;
	v23 =	vmul.bf16 v23, v23;
	v25 =	vmul.bf16 v25, v25  }
0x351: {  	v22 =	vld [tilespmem:s23+$0x110];
	v28 =	vsub.bf16 v48, v49;
	v27 =	vmul.bf16 v27, v27;
	v29 =	vmul.bf16 v29, v29  }
0x352: {  	v26 =	vmul.bf16 v26, v26;
	v24 =	vmul.bf16 v24, v24  }
0x353: {  	v32 =	vsub.bf16 v54, v56;
	v30 =	vmul.bf16 v30, v30;
	v28 =	vmul.bf16 v28, v28  }
0x354: {  	v51 =	vld [tilespmem:s23+$0x1A0];
	v37 =	vunpack.i.u.bf16.f32 v21;
	v21 =	vunpack.i.l.bf16.f32 v21;
	v39 =	vunpack.i.u.bf16.f32 v23  }
0x355: {  	v52 =	vld [tilespmem:s24+$0x1A0];
	v23 =	vunpack.i.l.bf16.f32 v23;
	v43 =	vunpack.i.u.bf16.f32 v25;
	v25 =	vunpack.i.l.bf16.f32 v25  }
0x356: {  	v60 =	vld [tilespmem:s23+$0x170];
	v44 =	vunpack.i.u.bf16.f32 v27;
	v27 =	vunpack.i.l.bf16.f32 v27;
	v22 =	vsub.bf16 v22, v62  }
0x357: {  	v61 =	vld [tilespmem:s24+$0x170];
	v50 =	vunpack.i.u.bf16.f32 v29;
	v29 =	vunpack.i.l.bf16.f32 v29;
	v55 =	vunpack.i.u.bf16.f32 v24  }
0x358: {  	v57 =	vld [tilespmem:s23+$0x130];
	v21 =	vadd.f32 v21, v37;
	v23 =	vadd.f32 v23, v39;
	v22 =	vmul.bf16 v22, v22  }
0x359: {  	v63 =	vld [tilespmem:s23+$0x1B0];
	v24 =	vunpack.i.l.bf16.f32 v24;
	v25 =	vadd.f32 v25, v43;
	v27 =	vadd.f32 v27, v44  }
0x35a: {  	v40 =	vld [tilespmem:s23+$0x1F0];
	v24 =	vadd.f32 v24, v55;
	v46 =	vunpack.i.u.bf16.f32 v22;
	v22 =	vunpack.i.l.bf16.f32 v22  }
0x35b: {  	v42 =	vld [tilespmem:s24+$0x1F0];
	v62 =	vunpack.i.u.bf16.f32 v28;
	v28 =	vunpack.i.l.bf16.f32 v28;
	v22 =	vadd.f32 v22, v46  }
0x35c: {  	v38 =	vld [tilespmem:s24+$0x1B0];
	v53 =	vunpack.i.u.bf16.f32 v26;
	v44 =	vsub.bf16 v60, v61;
	v36 =	vadd.f32 v28, v62  }
0x35d: {  	v58 =	vld [tilespmem:s24+$0x130];
	v26 =	vunpack.i.l.bf16.f32 v26;
	v21 =	vadd.f32 v22, v21;
	v22 =	vadd.f32 v29, v50  }
0x35e: {  	v59 =	vunpack.i.u.bf16.f32 v30;
	v24 =	vadd.f32 v24, v27;
	v29 =	vsub.bf16 v51, v52  }
0x35f: {  	v30 =	vunpack.i.l.bf16.f32 v30;
	v22 =	vadd.f32 v22, v23;
	v23 =	vadd.f32 v26, v53  }
0x360: {  	v39 =	vmul.bf16 v32, v32;
	v46 =	vsub.bf16 v40, v42;
	v26 =	vadd.f32 v30, v59  }
0x361: {  	v37 =	vmul.bf16 v29, v29;
	v29 =	vsub.bf16 v63, v38;
	v23 =	vadd.f32 v23, v25  }
0x362: {  	v43 =	vunpack.i.u.bf16.f32 v39;
	v21 =	vadd.f32 v26, v21;
	v25 =	vsub.bf16 v57, v58  }
0x363: {  	v22 =	vadd.f32 v36, v22;
	v41 =	vunpack.i.u.bf16.f32 v37;
	v28 =	vunpack.i.l.bf16.f32 v37  }
0x364: {  	v26 =	vunpack.i.l.bf16.f32 v39;
	v27 =	vadd.f32 v28, v41;
	v25 =	vmul.bf16 v25, v25  }
0x365: {  	v47 =	vmul.bf16 v29, v29;
	v26 =	vadd.f32 v26, v43;
	v28 =	vmul.bf16 v44, v44  }
0x366: {  	v23 =	vadd.f32 v27, v23;
	v45 =	vunpack.i.u.bf16.f32 v25;
	v25 =	vunpack.i.l.bf16.f32 v25  }
0x367: {  	v49 =	vunpack.i.u.bf16.f32 v47;
	v24 =	vadd.f32 v26, v24;
	v25 =	vadd.f32 v25, v45  }
0x368: {  	v48 =	vunpack.i.u.bf16.f32 v28;
	v28 =	vunpack.i.l.bf16.f32 v28;
	v27 =	vmul.bf16 v46, v46  }
0x369: {  	v26 =	vadd.f32 v28, v48;
	v21 =	vadd.f32 v25, v21;
	v25 =	vunpack.i.l.bf16.f32 v47  }
0x36a: {  	v50 =	vunpack.i.u.bf16.f32 v27;
	v27 =	vunpack.i.l.bf16.f32 v27;
	v25 =	vadd.f32 v25, v49  }
0x36b: {  	v22 =	vadd.f32 v26, v22;
	v51 =	vadd.f32 v27, v50  }
0x36c: {  	[tilespmem:v13+s18+$0x0] =	vst.idx.add.f32.msk $0xffff, v21;
	v23 =	vadd.f32 v25, v23  }
0x36d: {  	v21 =	vadd.f32 v51, v24;
	[tilespmem:v14+s18+$0x0] =	vst.idx.add.f32.msk $0xffff, v22  }
0x36e: {  	[tilespmem:v15+s18+$0x0] =	vst.idx.add.f32.msk $0xffff, v23  }
0x36f: {  	[tilespmem:v16+s18+$0x0] =	vst.idx.add.f32.msk $0xffff, v21  }
0x370: {  	v21 =	vld [tilespmem:$0xC530]  }
0x371: {  	v22 =	vld [tilespmem:$0xC541]  }
0x372: {  	v23 =	vld [tilespmem:$0xC552]  }
0x373: {  	v52 =	vld [tilespmem:$0xC563]  }
0x374: {  	v53 =	vld [tilespmem:$0xC574]  }
0x375: {  	v54 =	vld [tilespmem:$0xC585]  }
0x376: {  	v55 =	vld [tilespmem:$0xC596]  }
0x377: {  	v56 =	vld [tilespmem:$0xC5A7];
	_ =	sdelay $0x3  }
0x378: {  	v21 =	vadd.f32 v22, v21;
	v22 =	vadd.f32 v52, v23  }
0x379: {  	v23 =	vadd.f32 v54, v53;
	v57 =	vadd.f32 v56, v55;
	_ =	sdelay $0x1  }
0x37a: {  	v21 =	vadd.f32 v22, v21;
	v22 =	vadd.f32 v57, v23;
	_ =	sdelay $0x1  }
0x37b: {  	v21 =	vadd.f32 v22, v21;
	_ =	sdelay $0x1  }
0x37c: {  	v22 =	vshrl.u32 v21, $0x1;
	v23 =	vmul.f32 $5.000000000e-01, v21  }
0x37d: {  	v22 =	vsub.s32 $0x5F3759DF, v22  }
0x37e: {  	v58 =	vmul.f32 v22, v23;
	_ =	sdelay $0x1  }
0x37f: {  	v24 =	vmul.f32 v22, v58;
	_ =	sdelay $0x1  }
0x380: {  	v24 =	vsub.f32 $1.500000000e+00, v24;
	_ =	sdelay $0x1  }
0x381: {  	v22 =	vmul.f32 v22, v24;
	_ =	sdelay $0x1  }
0x382: {  	v24 =	vmul.f32 v22, v23;
	_ =	sdelay $0x1  }
0x383: {  	v24 =	vmul.f32 v24, v22;
	_ =	sdelay $0x1  }
0x384: {  	v24 =	vsub.f32 $1.500000000e+00, v24;
	_ =	sdelay $0x1  }
0x385: {  	v22 =	vmul.f32 v24, v22;
	_ =	sdelay $0x1  }
0x386: {  	v23 =	vmul.f32 v22, v23;
	_ =	sdelay $0x1  }
0x387: {  	v23 =	vmul.f32 v23, v22;
	_ =	sdelay $0x1  }
0x388: {  	v23 =	vsub.f32 $1.500000000e+00, v23;
	_ =	sdelay $0x1  }
0x389: {  	v22 =	vmul.f32 v23, v22;
	_ =	sdelay $0x1  }
0x38a: {  	v22 =	vmul.f32 v22, v21  }
0x38b: {  	vm0 =	vgt.f32 v21, $9.999999910e-38  }
0x38c: {  	v21 =	vnsel vm0, $0x0, v22  }
0x38d: {  	v22 =	vsub.f32 $0.0e+00, v21;
	_ =	sdelay $0x1  }
0x38e: {  	v22 =	vmul.f32 $1.442695020e+00, v22;
	_ =	sdelay $0x1  }
0x38f: {  	(erf) = vpow2.f32 v22;
	_ =	sdelay $0x8  }
0x390: {  	v22 =	vpop (erf)  }
0x391: {  	v22 =	vsub.f32 $1.000000000e+00, v22;
	_ =	sdelay $0x1  }
0x392: {  	v23 =	vmax.f32 v22, $1.000000000e-30  }
0x393: {  	v59 =	vand.u32 $0x7FFFFF, v23  }
0x394: {  	v24 =	vor.u32 $0x3F800000, v59  }
0x395: {  	v24 =	vadd.f32 $-1.500000000e+00, v24;
	_ =	sdelay $0x1  }
0x396: {  	v60 =	vmul.f32 $-2.317854670e-03, v24;
	_ =	sdelay $0x1  }
0x397: {  	v25 =	vadd.f32 $3.752624150e-03, v60;
	_ =	sdelay $0x1  }
0x398: {  	v25 =	vmul.f32 v25, v24;
	_ =	sdelay $0x1  }
0x399: {  	v25 =	vadd.f32 $-4.702811600e-03, v25;
	_ =	sdelay $0x1  }
0x39a: {  	v25 =	vmul.f32 v25, v24;
	_ =	sdelay $0x1  }
0x39b: {  	v25 =	vadd.f32 $8.132977410e-03, v25;
	_ =	sdelay $0x1  }
0x39c: {  	v25 =	vmul.f32 v25, v24;
	_ =	sdelay $0x1  }
0x39d: {  	v25 =	vadd.f32 $-1.465523620e-02, v25;
	_ =	sdelay $0x1  }
0x39e: {  	v25 =	vmul.f32 v25, v24;
	_ =	sdelay $0x1  }
0x39f: {  	v25 =	vadd.f32 $2.636311390e-02, v25;
	_ =	sdelay $0x1  }
0x3a0: {  	v25 =	vmul.f32 v25, v24;
	_ =	sdelay $0x1  }
0x3a1: {  	v25 =	vadd.f32 $-4.938132320e-02, v25;
	_ =	sdelay $0x1  }
0x3a2: {  	v25 =	vmul.f32 v25, v24;
	_ =	sdelay $0x1  }
0x3a3: {  	s0 =	sshra.s32 s1, $0x2;
	v25 =	vadd.f32 $9.876426300e-02, v25  }
0x3a4: {  	v61 =	vld [tilespmem:s0+$0x26C0]  }
0x3a5: {  	v62 =	vld [tilespmem:s0+$0x4DD0];
	v25 =	vmul.f32 v25, v24;
	_ =	sdelay $0x1  }
0x3a6: {  	v25 =	vadd.f32 $-2.222222540e-01, v25;
	_ =	sdelay $0x1  }
0x3a7: {  	v25 =	vmul.f32 v25, v24;
	_ =	sdelay $0x1  }
0x3a8: {  	v23 =	vshrl.u32 v23, $0x17;
	v25 =	vadd.f32 $6.666666860e-01, v25  }
0x3a9: {  	v26 =	vld.idx.msk [tilespmem:v61+s9+$0x0], $0xffff;
	v23 =	vadd.s32 $0xFFFFFF81, v23  }
0x3aa: {  	v63 =	vld.idx.msk [tilespmem:v62+s9+$0x0], $0xffff;
	v23 =	vcvt.s32.f32 v23;
	v24 =	vmul.f32 v25, v24;
	_ =	sdelay $0x1  }
0x3ab: {  	v23 =	vmul.f32 $6.931471820e-01, v23;
	v24 =	vadd.f32 $4.054650960e-01, v24;
	_ =	sdelay $0x1  }
0x3ac: {  	vm14 =	vge.f32 v26, $8.000000110e-01;
	v23 =	vadd.f32 v24, v23  }
0x3ad: {  	vm1 =	vge.f32 v63, $8.000000110e-01;
	vm2 =	vlt.f32 v26, $6.000000240e-01;
	vm3 =	vlt.f32 v63, $6.000000240e-01  }
0x3ae: {  	vm4 =	vmand vm14, vm1;
	vm5 =	vmand vm2, vm3;
	v23 =	vsub.f32 $0.0e+00, v23  }
0x3af: {  	p0 =	sne.s32 s1, $0x100;
	vm1 =	vmand vm2, vm1;
	vm4 =	vmor vm4, vm5;
	vm0 =	vmand vm14, vm3  }
.Ltmp3:
0x3b0: {  	v21 =	vmin.f32 v21, $1.000000000e+02;
	vm15 =	vgt.f32 v22, $0.0e+00;
	v22 =	vmin.f32 v23, $1.000000000e+02;
	(pc) =	sbr.rel @p0 .LBB2_8-.Ltmp3, $4  }
0x3b1: {  	vm0 =	vmor vm0, vm1;
	v21 =	vnsel vm4, $0x0, v21;
	v22 =	vnsel vm15, $0x42C80000, v22  }
0x3b2: {  	v20 =	vadd.f32 v21, v20;
	v21 =	vnsel vm0, $0x0, v22  }
0x3b3: {  	v22 =	vsel vm0, $0x3F800000, v1;
	v19 =	vadd.f32 v21, v19;
	v21 =	vsel vm4, $0x3F800000, v1  }
0x3b4: {  	s1 =	sadd.s32 $0x40, s1;
	s23 =	sadd.s32 $0x400, s23;
	s24 =	sadd.s32 $0x400, s24;
	v17 =	vadd.f32 v22, v17;
	v18 =	vadd.f32 v21, v18  }
0x3b5: {  	[tilespmem:$0xC5C0] =	vst v20  }
0x3b6: {  	[tilespmem:$0xC5D0] =	vst v19;
	s22 =	sadd.s32 $0x1, s22  }
0x3b7: {  	[tilespmem:$0xC5E0] =	vst v18;
	p0 =	sne.s32 s22, s8  }
.Ltmp4:
0x3b8: {  	[tilespmem:$0xC5F0] =	vst v17;
	(pc) =	sbr.rel @p0 .LBB2_1-.Ltmp4, $4  }
0x3b9: {  	[hbm4b:s7+s4] =	stream.linear.scatter [tilespmem:s21], [sflag:$0x5], $0x40, $0x38;
	[tilespmem:$0xC600] =	vst v63  }
0x3ba: {  	_ =	swait.ge [sflag:s10], $0x40  }
0x3bb: {  	[sflag:s10] =	ssyncset.done $0x0  }
0x3bc: {  	[sflag:s10] =	ssyncadd.s32 $0xFFFFFFC0  }
0x3bd: {  	_ =	sfence.sel $0x180000  }
0x3be: {  	[bflag:$0x0] =	sbarrier.arrive $0xFFFF  }
0x3bf: {  	_ =	strace $0x90000047  }
0x3c0: {  	s0 =	stileid.u32;
	[bflag:$0x2] =	sbarrier.arrive $0xFFFF  }
0x3c1: {  	p0 =	sne.s32 s0, $0x0;
	s0 =	rddreg [dreg:$0x2]  }
0x3c2: {  	s0 =	sadd.s32 @!p0 $0x100000, s0  }
0x3c3: {  	[sflag:s0] =	ssyncadd.tile.s32 @!p0 $0x1;
	_ =	shalt  }
.Lfunc_end2:
_tile_overlayer_lowered:
.L_overlay_start_2:
0x3c4: {  	(tag) =	ssettag $0x2  }
0x3c5: {  	s0 =	rddreg [dreg:$0x0];
	s2 =	stileid.u32  }
0x3c6: {  	s1 =	rddreg [dreg:$0x1];
	p0 =	sne.s32 s2, $0x0  }
0x3c7: {  	s3 =	rddreg [dreg:$0x2];
	[bflag:$0x3] =	sbarrier.arrive $0xFFFF;
	s2 =	simm.s32 @!p0 $0x1C05  }
0x3c8: {  	[timem:s3], [sflag:s2] =	dma.local @!p0 [hbm:s0], s1  }
0x3c9: {  	s0 =	simm.s32 @!p0 $0x5  }
0x3ca: {  	_ =	swait.ge @!p0 [sflag:s0], s1  }
0x3cb: {  	s1 =	ssub.s32 @!p0 $0x0, s1;
	[sflag:s0] =	ssyncset.done @!p0 $0x0  }
0x3cc: {  	[sflag:s0] =	ssyncadd.s32 @!p0 s1  }
0x3cd: {  	[bflag:$0x3] =	sbarrier.arrive $0xFFFF  }
0x3ce: {  	_ =	shalt  }

</sc_bundles>
